<compile_context>
chip_gen: v7x
topology: tpu7x:2x2x1
jax: 0.10.2.dev20260603
libtpu: 0.0.44.dev20260713+nightly
codegen_flags: <defaults>
</compile_context>

<pallas_src>
import functools

import jax
import jax.numpy as jnp
from jax import lax
from jax.experimental import pallas as pl
from jax.experimental.pallas import tpu as pltpu
from jax.experimental.pallas import tpu_sc as plsc

N = 10000
E = 320000
D = 128
G = 64

NT = 16
K = 128
CH = 158
ET = CH * K
EP = NT * ET
NP = NT * 640
DUMMY = N + 200



_DW = 16


def _deg_body(sidx_s, sidx_t, ones_hbm, zsrc, deg_o, deg_i, sidx_v, ones_v, acc):
    cid = lax.axis_index("c")
    sid = lax.axis_index("s")

    def run(sidx_hbm, out_hbm):
        pltpu.sync_copy(sidx_hbm.at[sid], sidx_v)
        pltpu.sync_copy(ones_hbm, ones_v)
        pltpu.sync_copy(zsrc, acc.at[pl.ds(sid * 640, 640)])
        plsc.subcore_barrier()

        def body(j, c):
            pltpu.sync_copy(ones_v, acc.at[sidx_v.at[j]], add=True)
            return c
        lax.fori_loop(0, CH, body, 0)

        plsc.subcore_barrier()
        pltpu.sync_copy(acc.at[pl.ds(sid * 640, 640)],
                        out_hbm.at[pl.ds(sid * 640, 640)])

    @pl.when(cid == 0)
    def _():
        run(sidx_s, deg_o)

    @pl.when(cid == 1)
    def _():
        run(sidx_t, deg_i)


@functools.cache
def _get_sc_degrees():
    mesh = plsc.VectorSubcoreMesh(core_axis_name="c", subcore_axis_name="s")
    return pl.kernel(
        _deg_body,
        out_type=[jax.ShapeDtypeStruct((NP, _DW), jnp.float32),
                  jax.ShapeDtypeStruct((NP, _DW), jnp.float32)],
        mesh=mesh,
        scratch_types=[
            pltpu.VMEM((CH, K), jnp.int32),
            pltpu.VMEM((K, _DW), jnp.float32),
            pltpu.VMEM_SHARED((NP, _DW), jnp.float32),
        ],
        compiler_params=pltpu.CompilerParams(use_tc_tiling_on_sc=False),
    )


DH = D // 2


def _agg_body(hs0, hs1, ht0, ht1, gidx_s, sidx_s, gidx_t, sidx_t, zsrc,
              s0_out, s1_out, t0_out, t1_out,
              gidx_v, sidx_v, rows0, rows1, acc, gsem0, gsem1):
    cid = lax.axis_index("c")
    sid = lax.axis_index("s")

    def run(feat_hbm, out_hbm):
        pltpu.sync_copy(zsrc, acc.at[pl.ds(sid * 640, 640)])
        plsc.subcore_barrier()

        pltpu.async_copy(feat_hbm.at[gidx_v.at[0]], rows0, gsem0)

        def body(j2, c):
            j = j2 * 2
            pltpu.async_copy(feat_hbm.at[gidx_v.at[j + 1]], rows1, gsem1)
            pltpu.make_async_copy(feat_hbm.at[pl.ds(0, K)], rows0, gsem0).wait()
            pltpu.sync_copy(rows0, acc.at[sidx_v.at[j]], add=True)

            @pl.when(j + 2 < CH)
            def _():
                pltpu.async_copy(feat_hbm.at[gidx_v.at[j + 2]], rows0, gsem0)

            pltpu.make_async_copy(feat_hbm.at[pl.ds(0, K)], rows1, gsem1).wait()
            pltpu.sync_copy(rows1, acc.at[sidx_v.at[j + 1]], add=True)
            return c

        lax.fori_loop(0, CH // 2, body, 0)
        plsc.subcore_barrier()
        pltpu.sync_copy(acc.at[pl.ds(sid * 640, 640)],
                        out_hbm.at[pl.ds(sid * 640, 640)])
        plsc.subcore_barrier()

    def direction(gidx_hbm, sidx_hbm, f0, f1, o0, o1):
        pltpu.sync_copy(gidx_hbm.at[sid], gidx_v)
        pltpu.sync_copy(sidx_hbm.at[sid], sidx_v)
        run(f0, o0)
        run(f1, o1)

    @pl.when(cid == 0)
    def _():
        direction(gidx_s, sidx_s, hs0, hs1, s0_out, s1_out)

    @pl.when(cid == 1)
    def _():
        direction(gidx_t, sidx_t, ht0, ht1, t0_out, t1_out)


@functools.cache
def _get_sc_agg():
    mesh = plsc.VectorSubcoreMesh(core_axis_name="c", subcore_axis_name="s")
    return pl.kernel(
        _agg_body,
        out_type=[jax.ShapeDtypeStruct((NP, DH), jnp.float32)] * 4,
        mesh=mesh,
        scratch_types=[
            pltpu.VMEM((CH, K), jnp.int32),
            pltpu.VMEM((CH, K), jnp.int32),
            pltpu.VMEM((K, DH), jnp.float32),
            pltpu.VMEM((K, DH), jnp.float32),
            pltpu.VMEM_SHARED((NP, DH), jnp.float32),
            pltpu.SemaphoreType.DMA,
            pltpu.SemaphoreType.DMA,
        ],
        compiler_params=pltpu.CompilerParams(use_tc_tiling_on_sc=False),
    )


_BR = 1000


def _prep_body(dgo_ref, dgi_ref, x_ref, io_ref, ii_ref,
               xs0_ref, xs1_ref, xt0_ref, xt1_ref):
    do = dgo_ref[...]
    di = dgi_ref[...]
    io = jnp.where(do > 0, lax.rsqrt(do), 0.0)
    ii = jnp.where(di > 0, lax.rsqrt(di), 0.0)
    io_ref[...] = io
    ii_ref[...] = ii
    x = x_ref[...]
    xs0_ref[...] = ii * x[:, :DH]
    xs1_ref[...] = ii * x[:, DH:]
    xt0_ref[...] = io * x[:, :DH]
    xt1_ref[...] = io * x[:, DH:]


_tc_prep = pl.pallas_call(
    _prep_body,
    grid=(N // _BR,),
    in_specs=[pl.BlockSpec((_BR, 1), lambda i: (i, 0)),
              pl.BlockSpec((_BR, 1), lambda i: (i, 0)),
              pl.BlockSpec((_BR, D), lambda i: (i, 0))],
    out_specs=[pl.BlockSpec((_BR, 1), lambda i: (i, 0)),
               pl.BlockSpec((_BR, 1), lambda i: (i, 0))]
              + [pl.BlockSpec((_BR, DH), lambda i: (i, 0))] * 4,
    out_shape=[jax.ShapeDtypeStruct((N, 1), jnp.float32),
               jax.ShapeDtypeStruct((N, 1), jnp.float32)]
              + [jax.ShapeDtypeStruct((N, DH), jnp.float32)] * 4,
)


def _layer_body(scale_out, s0_ref, s1_ref, t0_ref, t1_ref, io_ref, ii_ref,
                ws0_ref, ws1_ref, wd0_ref, wd1_ref, bs_ref, bd_ref, *outs):
    io = io_ref[...]
    ii = ii_ref[...]
    f32 = jnp.float32
    hs_part = (jnp.dot(io * s0_ref[...], ws0_ref[...], preferred_element_type=f32)
               + jnp.dot(io * s1_ref[...], ws1_ref[...], preferred_element_type=f32)
               + bs_ref[...])
    hd_part = (jnp.dot(ii * t0_ref[...], wd0_ref[...], preferred_element_type=f32)
               + jnp.dot(ii * t1_ref[...], wd1_ref[...], preferred_element_type=f32)
               + bd_ref[...])
    h = jnp.maximum(0.5 * hs_part + 0.5 * hd_part, 0.0)
    if scale_out:
        outs[0][...] = ii * h[:, :DH]
        outs[1][...] = ii * h[:, DH:]
        outs[2][...] = io * h[:, :DH]
        outs[3][...] = io * h[:, DH:]
    else:
        outs[0][...] = h


def _make_layer(scale_out):
    if scale_out:
        out_specs = [pl.BlockSpec((_BR, DH), lambda i: (i, 0))] * 4
        out_shape = [jax.ShapeDtypeStruct((N, DH), jnp.float32)] * 4
    else:
        out_specs = [pl.BlockSpec((_BR, D), lambda i: (i, 0))]
        out_shape = [jax.ShapeDtypeStruct((N, D), jnp.float32)]
    return pl.pallas_call(
        functools.partial(_layer_body, scale_out),
        grid=(N // _BR,),
        in_specs=[pl.BlockSpec((_BR, DH), lambda i: (i, 0))] * 4
                 + [pl.BlockSpec((_BR, 1), lambda i: (i, 0)),
                    pl.BlockSpec((_BR, 1), lambda i: (i, 0))]
                 + [pl.BlockSpec((DH, D), lambda i: (0, 0))] * 4
                 + [pl.BlockSpec((1, D), lambda i: (0, 0)),
                    pl.BlockSpec((1, D), lambda i: (0, 0))],
        out_specs=out_specs,
        out_shape=out_shape,
    )


_tc_layer_mid = _make_layer(True)
_tc_layer_last = _make_layer(False)

_PBR = 200


def _pool_body(h_ref, b_ref, wl1_ref, bl1_ref, wl2_ref, bl2_ref,
               out_ref, pooled_ref):
    pid = pl.program_id(0)
    ninf = jnp.float32(-jnp.inf)

    @pl.when(pid == 0)
    def _():
        pooled_ref[...] = jnp.full((G, D), ninf, jnp.float32)

    hb = h_ref[...]
    bb = b_ref[...]
    gids = lax.broadcasted_iota(jnp.int32, (G, 1, 1), 0)
    mask = bb[None, :, :] == gids
    v = jnp.where(mask, hb[None, :, :], ninf)
    pooled_ref[...] = jnp.maximum(pooled_ref[...], jnp.max(v, axis=1))

    @pl.when(pid == N // _PBR - 1)
    def _():
        p = pooled_ref[...]
        z = jnp.dot(p, wl1_ref[...], preferred_element_type=jnp.float32) \
            + bl1_ref[...]
        z = jnp.maximum(z, 0.0)
        out_ref[...] = jnp.dot(z, wl2_ref[...],
                               preferred_element_type=jnp.float32) + bl2_ref[...]


_tc_pool = pl.pallas_call(
    _pool_body,
    grid=(N // _PBR,),
    in_specs=[pl.BlockSpec((_PBR, D), lambda i: (i, 0)),
              pl.BlockSpec((_PBR, 1), lambda i: (i, 0)),
              pl.BlockSpec((D, D), lambda i: (0, 0)),
              pl.BlockSpec((1, D), lambda i: (0, 0)),
              pl.BlockSpec((D, D), lambda i: (0, 0)),
              pl.BlockSpec((1, D), lambda i: (0, 0))],
    out_specs=pl.BlockSpec((G, D), lambda i: (0, 0)),
    out_shape=jax.ShapeDtypeStruct((G, D), jnp.float32),
    scratch_shapes=[pltpu.VMEM((G, D), jnp.float32)],
)


def _pad_idx(a, fill):
    pad = jnp.full((EP - E,), fill, jnp.int32)
    return jnp.concatenate([a, pad]).reshape(NT, CH, K)


def kernel(x, edge_index, batch, W1s, b1s, W1d, b1d, W2s, b2s, W2d, b2d,
           W3s, b3s, W3d, b3d, Wl1, bl1, Wl2, bl2):
    row = edge_index[0]
    col = edge_index[1]
    gidx_s = _pad_idx(col, 0)
    sidx_s = _pad_idx(row, DUMMY)
    gidx_t = _pad_idx(row, 0)
    sidx_t = _pad_idx(col, DUMMY)
    zsrc = jnp.zeros((640, DH), jnp.float32)
    ones_rows = jnp.ones((K, _DW), jnp.float32)
    zsrc_d = jnp.zeros((640, _DW), jnp.float32)

    deg_o_p, deg_i_p = _get_sc_degrees()(sidx_s, sidx_t, ones_rows, zsrc_d)
    deg_o = deg_o_p[:N, :1]
    deg_i = deg_i_p[:N, :1]

    io, ii, hs0, hs1, ht0, ht1 = _tc_prep(deg_o, deg_i, x)

    weights = [(W1s, b1s, W1d, b1d), (W2s, b2s, W2d, b2d), (W3s, b3s, W3d, b3d)]
    for l, (ws, bs, wd, bd) in enumerate(weights):
        s0, s1, t0, t1 = _get_sc_agg()(
            hs0, hs1, ht0, ht1, gidx_s, sidx_s, gidx_t, sidx_t, zsrc)
        args = (s0, s1, t0, t1, io, ii, ws[:DH], ws[DH:], wd[:DH], wd[DH:],
                bs.reshape(1, D), bd.reshape(1, D))
        if l < 2:
            hs0, hs1, ht0, ht1 = _tc_layer_mid(*args)
        else:
            h = _tc_layer_last(*args)[0]

    wl1p = jnp.zeros((D, D), jnp.float32).at[:, :5].set(Wl1)
    bl1p = jnp.zeros((1, D), jnp.float32).at[:, :5].set(bl1[None, :])
    wl2p = jnp.zeros((D, D), jnp.float32).at[:5, :1].set(Wl2)
    bl2p = jnp.zeros((1, D), jnp.float32).at[:, :1].set(bl2[None, :])

    out = _tc_pool(h, batch.reshape(N, 1).astype(jnp.int32),
                   wl1p, bl1p, wl2p, bl2p)
    return out[:, :1]

# --- scband reference (transcript-rebuilt; emitter-appended) ---
"""Pipeline reference for scband-gnn-33285996544495 (READ-ONLY COPY).

The authoritative reference and input builder live on the scoring server;
editing this copy changes nothing except your own understanding.
"""

import jax, jax.numpy as jnp
import numpy as np

N = 10000
E = 320000
D = 128
H = 128
G = 64


def _lin_init(key, fan_in, fan_out):
    k1, k2 = jax.random.split(key)
    bound = 1.0 / np.sqrt(fan_in)
    W = jax.random.uniform(k1, (fan_in, fan_out), minval=-bound, maxval=bound, dtype=jnp.float32)
    b = jax.random.uniform(k2, (fan_out,), minval=-bound, maxval=bound, dtype=jnp.float32)
    return W, b


def setup_inputs(seed: int = 0):
    key = jax.random.key(seed)
    ks = jax.random.split(key, 12)
    x = jax.random.normal(ks[0], (N, D), dtype=jnp.float32)
    edge_index = jax.random.randint(ks[1], (2, E), 0, N, dtype=jnp.int32)
    batch = jnp.sort(jax.random.randint(ks[2], (N,), 0, G, dtype=jnp.int32))
    W1s, b1s = _lin_init(ks[3], D, H)
    W1d, b1d = _lin_init(ks[4], D, H)
    W2s, b2s = _lin_init(ks[5], H, H)
    W2d, b2d = _lin_init(ks[6], H, H)
    W3s, b3s = _lin_init(ks[7], H, H)
    W3d, b3d = _lin_init(ks[8], H, H)
    Wl1, bl1 = _lin_init(ks[9], H, 5)
    Wl2, bl2 = _lin_init(ks[10], 5, 1)
    return {"x": x, "edge_index": edge_index, "batch": batch,
            "W1s": W1s, "b1s": b1s, "W1d": W1d, "b1d": b1d,
            "W2s": W2s, "b2s": b2s, "W2d": W2d, "b2d": b2d,
            "W3s": W3s, "b3s": b3s, "W3d": W3d, "b3d": b3d,
            "Wl1": Wl1, "bl1": bl1, "Wl2": Wl2, "bl2": bl2}


def _edge_weights(row, col, n):
    ones = jnp.ones(row.shape[0], dtype=jnp.float32)
    deg_out = jax.ops.segment_sum(ones, row, num_segments=n)
    deg_in = jax.ops.segment_sum(ones, col, num_segments=n)
    inv_out = jnp.where(deg_out > 0, deg_out ** -0.5, 0.0)
    inv_in = jnp.where(deg_in > 0, deg_in ** -0.5, 0.0)
    return inv_out[row] * inv_in[col]


def _dir_conv(x, row, col, w, Ws, bs, Wd, bd, alpha=0.5):
    n = x.shape[0]
    # adj_norm @ x : message x[col] -> row, weighted by dir norm
    agg_s = jax.ops.segment_sum(w[:, None] * x[col], row, num_segments=n)
    # adj_t_norm @ x : message x[row] -> col (transposed adjacency, same dir-norm weights)
    agg_t = jax.ops.segment_sum(w[:, None] * x[row], col, num_segments=n)
    return alpha * (agg_s @ Ws + bs) + (1.0 - alpha) * (agg_t @ Wd + bd)


def reference(x, edge_index, batch, W1s, b1s, W1d, b1d, W2s, b2s, W2d, b2d, W3s, b3s, W3d, b3d, Wl1, bl1, Wl2, bl2):
    row, col = edge_index[0], edge_index[1]
    w = _edge_weights(row, col, x.shape[0])
    h = jax.nn.relu(_dir_conv(x, row, col, w, W1s, b1s, W1d, b1d))
    h = jax.nn.relu(_dir_conv(h, row, col, w, W2s, b2s, W2d, b2d))
    h = jax.nn.relu(_dir_conv(h, row, col, w, W3s, b3s, W3d, b3d))
    pooled = jax.ops.segment_max(h, batch, num_segments=G)
    out = jax.nn.relu(pooled @ Wl1 + bl1)
    out = out @ Wl2 + bl2
    return out

if __name__ == "__main__":
    import jax
    _d = setup_inputs()
    print(jax.jit(kernel)(*tuple(_d.values())))

</pallas_src>

<mosaic_0001>
#map = affine_map<(d0, d1) -> (0, 0)>
#map1 = affine_map<(d0, d1) -> (0, 0, 0)>
module attributes {stable_mosaic.version = 14 : i64} {
  func.func @_agg_body(%arg0: i32, %arg1: i32, %arg2: memref<10000x64xf32, #tpu.memory_space<hbm>>, %arg3: memref<10000x64xf32, #tpu.memory_space<hbm>>, %arg4: memref<10000x64xf32, #tpu.memory_space<hbm>>, %arg5: memref<10000x64xf32, #tpu.memory_space<hbm>>, %arg6: memref<16x158x128xi32, #tpu.memory_space<hbm>>, %arg7: memref<16x158x128xi32, #tpu.memory_space<hbm>>, %arg8: memref<16x158x128xi32, #tpu.memory_space<hbm>>, %arg9: memref<16x158x128xi32, #tpu.memory_space<hbm>>, %arg10: memref<640x64xf32, #tpu.memory_space<hbm>>, %arg11: memref<10240x64xf32, #tpu.memory_space<hbm>>, %arg12: memref<10240x64xf32, #tpu.memory_space<hbm>>, %arg13: memref<10240x64xf32, #tpu.memory_space<hbm>>, %arg14: memref<10240x64xf32, #tpu.memory_space<hbm>>, %arg15: memref<158x128xi32, #tpu.memory_space<vmem>>, %arg16: memref<158x128xi32, #tpu.memory_space<vmem>>, %arg17: memref<128x64xf32, #tpu.memory_space<vmem>>, %arg18: memref<128x64xf32, #tpu.memory_space<vmem>>, %arg19: memref<10240x64xf32, #tpu.memory_space<vmem_shared>>, %arg20: memref<!tpu.dma_semaphore, #tpu.memory_space<semaphore_mem>>, %arg21: memref<!tpu.dma_semaphore, #tpu.memory_space<semaphore_mem>>) attributes {dimension_semantics = [#tpu.dimension_semantics<core_parallel>, #tpu.dimension_semantics<subcore_parallel>], iteration_bounds = array<i64: 2, 16>, scalar_prefetch = 0 : i64, scratch_operands = 7 : i64, tpu.core_type = #tpu.core_type<sc_vector_subcore>, window_params = [{transform_indices = #map}, {transform_indices = #map}, {transform_indices = #map}, {transform_indices = #map}, {transform_indices = #map1}, {transform_indices = #map1}, {transform_indices = #map1}, {transform_indices = #map1}, {transform_indices = #map}, {transform_indices = #map}, {transform_indices = #map}, {transform_indices = #map}, {transform_indices = #map}]} {
    %eq3A = arith.constant 0 : i32
    %eq3A_0 = arith.cmpi eq, %arg0, %eq3A : i32
    %convert_element_type3A = arith.extui %eq3A_0 : i1 to i32
    %cond3A = arith.constant 0 : i32
    %cond3A_1 = arith.cmpi ne, %convert_element_type3A, %cond3A : i32
    scf.if %cond3A_1 {
      "tpu.region"() ({
        %run_scoped3A = tpu.sem_alloc : memref<!tpu.dma_semaphore, #tpu.memory_space<semaphore_mem>>
        %dma_start3A_47 = arith.constant 0 : i32
        %dma_start3A_48 = arith.constant 0 : i32
        %dma_start3A_49 = tpu.memref_slice %arg6[%arg1, %dma_start3A_47, %dma_start3A_48] : memref<16x158x128xi32, #tpu.memory_space<hbm>> -> memref<1x158x128xi32, #tpu.memory_space<hbm>>
        %dma_start3A_50 = tpu.memref_squeeze %dma_start3A_49 : memref<1x158x128xi32, #tpu.memory_space<hbm>> -> memref<158x128xi32, #tpu.memory_space<hbm>>
        %dma_start3A_51 = arith.constant 0 : i32
        %dma_start3A_52 = arith.constant 0 : i32
        %dma_start3A_53 = tpu.memref_slice %arg6[%arg1, %dma_start3A_51, %dma_start3A_52] : memref<16x158x128xi32, #tpu.memory_space<hbm>> -> memref<1x158x128xi32, #tpu.memory_space<hbm>>
        %dma_start3A_54 = tpu.memref_squeeze %dma_start3A_53 : memref<1x158x128xi32, #tpu.memory_space<hbm>> -> memref<158x128xi32, #tpu.memory_space<hbm>>
        tpu.enqueue_dma source(%dma_start3A_54 : memref<158x128xi32, #tpu.memory_space<hbm>>) target(%arg15 : memref<158x128xi32, #tpu.memory_space<vmem>>) target_semaphore(%run_scoped3A : memref<!tpu.dma_semaphore, #tpu.memory_space<semaphore_mem>>)
        %dma_wait3A = arith.constant 0 : i32
        %dma_wait3A_55 = arith.constant 0 : i32
        %dma_wait3A_56 = tpu.memref_slice %arg6[%arg1, %dma_wait3A, %dma_wait3A_55] : memref<16x158x128xi32, #tpu.memory_space<hbm>> -> memref<1x158x128xi32, #tpu.memory_space<hbm>>
        %dma_wait3A_57 = tpu.memref_squeeze %dma_wait3A_56 : memref<1x158x128xi32, #tpu.memory_space<hbm>> -> memref<158x128xi32, #tpu.memory_space<hbm>>
        %dma_wait3A_58 = arith.constant 0 : i32
        %dma_wait3A_59 = arith.constant 0 : i32
        %dma_wait3A_60 = tpu.memref_slice %arg6[%arg1, %dma_wait3A_58, %dma_wait3A_59] : memref<16x158x128xi32, #tpu.memory_space<hbm>> -> memref<1x158x128xi32, #tpu.memory_space<hbm>>
        %dma_wait3A_61 = tpu.memref_squeeze %dma_wait3A_60 : memref<1x158x128xi32, #tpu.memory_space<hbm>> -> memref<158x128xi32, #tpu.memory_space<hbm>>
        tpu.wait_dma2 semaphore(%run_scoped3A : memref<!tpu.dma_semaphore, #tpu.memory_space<semaphore_mem>>) src(%dma_wait3A_61 : memref<158x128xi32, #tpu.memory_space<hbm>>) dst(%arg15 : memref<158x128xi32, #tpu.memory_space<vmem>>)
        tpu.yield
      }) : () -> ()
      "tpu.region"() ({
        %run_scoped3A = tpu.sem_alloc : memref<!tpu.dma_semaphore, #tpu.memory_space<semaphore_mem>>
        %dma_start3A_47 = arith.constant 0 : i32
        %dma_start3A_48 = arith.constant 0 : i32
        %dma_start3A_49 = tpu.memref_slice %arg7[%arg1, %dma_start3A_47, %dma_start3A_48] : memref<16x158x128xi32, #tpu.memory_space<hbm>> -> memref<1x158x128xi32, #tpu.memory_space<hbm>>
        %dma_start3A_50 = tpu.memref_squeeze %dma_start3A_49 : memref<1x158x128xi32, #tpu.memory_space<hbm>> -> memref<158x128xi32, #tpu.memory_space<hbm>>
        %dma_start3A_51 = arith.constant 0 : i32
        %dma_start3A_52 = arith.constant 0 : i32
        %dma_start3A_53 = tpu.memref_slice %arg7[%arg1, %dma_start3A_51, %dma_start3A_52] : memref<16x158x128xi32, #tpu.memory_space<hbm>> -> memref<1x158x128xi32, #tpu.memory_space<hbm>>
        %dma_start3A_54 = tpu.memref_squeeze %dma_start3A_53 : memref<1x158x128xi32, #tpu.memory_space<hbm>> -> memref<158x128xi32, #tpu.memory_space<hbm>>
        tpu.enqueue_dma source(%dma_start3A_54 : memref<158x128xi32, #tpu.memory_space<hbm>>) target(%arg16 : memref<158x128xi32, #tpu.memory_space<vmem>>) target_semaphore(%run_scoped3A : memref<!tpu.dma_semaphore, #tpu.memory_space<semaphore_mem>>)
        %dma_wait3A = arith.constant 0 : i32
        %dma_wait3A_55 = arith.constant 0 : i32
        %dma_wait3A_56 = tpu.memref_slice %arg7[%arg1, %dma_wait3A, %dma_wait3A_55] : memref<16x158x128xi32, #tpu.memory_space<hbm>> -> memref<1x158x128xi32, #tpu.memory_space<hbm>>
        %dma_wait3A_57 = tpu.memref_squeeze %dma_wait3A_56 : memref<1x158x128xi32, #tpu.memory_space<hbm>> -> memref<158x128xi32, #tpu.memory_space<hbm>>
        %dma_wait3A_58 = arith.constant 0 : i32
        %dma_wait3A_59 = arith.constant 0 : i32
        %dma_wait3A_60 = tpu.memref_slice %arg7[%arg1, %dma_wait3A_58, %dma_wait3A_59] : memref<16x158x128xi32, #tpu.memory_space<hbm>> -> memref<1x158x128xi32, #tpu.memory_space<hbm>>
        %dma_wait3A_61 = tpu.memref_squeeze %dma_wait3A_60 : memref<1x158x128xi32, #tpu.memory_space<hbm>> -> memref<158x128xi32, #tpu.memory_space<hbm>>
        tpu.wait_dma2 semaphore(%run_scoped3A : memref<!tpu.dma_semaphore, #tpu.memory_space<semaphore_mem>>) src(%dma_wait3A_61 : memref<158x128xi32, #tpu.memory_space<hbm>>) dst(%arg16 : memref<158x128xi32, #tpu.memory_space<vmem>>)
        tpu.yield
      }) : () -> ()
      %mul3A = arith.constant 640 : i32
      %mul3A_7 = arith.muli %arg1, %mul3A : i32
      "tpu.region"() ({
        %run_scoped3A = tpu.sem_alloc : memref<!tpu.dma_semaphore, #tpu.memory_space<semaphore_mem>>
        %dma_start3A_47 = arith.constant 0 : i32
        %dma_start3A_48 = tpu.memref_slice %arg19[%mul3A_7, %dma_start3A_47] : memref<10240x64xf32, #tpu.memory_space<vmem_shared>> -> memref<640x64xf32, #tpu.memory_space<vmem_shared>>
        tpu.enqueue_dma source(%arg10 : memref<640x64xf32, #tpu.memory_space<hbm>>) target(%dma_start3A_48 : memref<640x64xf32, #tpu.memory_space<vmem_shared>>) target_semaphore(%run_scoped3A : memref<!tpu.dma_semaphore, #tpu.memory_space<semaphore_mem>>)
        %dma_wait3A = arith.constant 0 : i32
        %dma_wait3A_49 = tpu.memref_slice %arg19[%mul3A_7, %dma_wait3A] : memref<10240x64xf32, #tpu.memory_space<vmem_shared>> -> memref<640x64xf32, #tpu.memory_space<vmem_shared>>
        tpu.wait_dma2 semaphore(%run_scoped3A : memref<!tpu.dma_semaphore, #tpu.memory_space<semaphore_mem>>) src(%arg10 : memref<640x64xf32, #tpu.memory_space<hbm>>) dst(%dma_wait3A_49 : memref<640x64xf32, #tpu.memory_space<vmem_shared>>)
        tpu.yield
      }) : () -> ()
      %barrier3A = arith.constant 0 : index
      tpu.barrier barrier_id(%barrier3A)
      %dma_start3A = arith.constant 0 : i32
      %dma_start3A_8 = arith.constant 0 : i32
      %dma_start3A_9 = tpu.memref_slice %arg15[%dma_start3A, %dma_start3A_8] : memref<158x128xi32, #tpu.memory_space<vmem>> -> memref<1x128xi32, #tpu.memory_space<vmem>>
      %dma_start3A_10 = tpu.memref_squeeze %dma_start3A_9 : memref<1x128xi32, #tpu.memory_space<vmem>> -> memref<128xi32, #tpu.memory_space<vmem>>
      %dma_start3A_11 = arith.constant 0 : i32
      %dma_start3A_12 = arith.constant 0 : i32
      %dma_start3A_13 = tpu.memref_slice %arg2[%dma_start3A_11, %dma_start3A_12] : memref<10000x64xf32, #tpu.memory_space<hbm>> -> memref<10000x64xf32, #tpu.memory_space<hbm>>
      tpu.enqueue_indirect_dma source(%dma_start3A_13 : memref<10000x64xf32, #tpu.memory_space<hbm>>) target(%arg17 : memref<128x64xf32, #tpu.memory_space<vmem>>) offsets(%dma_start3A_10 : memref<128xi32, #tpu.memory_space<vmem>>) semaphore(%arg20 : memref<!tpu.dma_semaphore, #tpu.memory_space<semaphore_mem>>)
      %scan3A = arith.constant 0 : i32
      %scan3A_14 = arith.constant 0 : i32
      %scan3A_15 = arith.constant 79 : i32
      %scan3A_16 = arith.addi %scan3A_14, %scan3A_15 : i32
      %scan3A_17 = arith.constant 1 : i32
      scf.for %scan3A_47 = %scan3A_14 to %scan3A_16 step %scan3A_17  : i32 {
        %mul3A_48 = arith.constant 2 : i32
        %mul3A_49 = arith.muli %scan3A_47, %mul3A_48 : i32
        %add3A = arith.constant 1 : i32
        %add3A_50 = arith.addi %mul3A_49, %add3A : i32
        %dma_start3A_51 = arith.constant 0 : i32
        %dma_start3A_52 = tpu.memref_slice %arg15[%add3A_50, %dma_start3A_51] : memref<158x128xi32, #tpu.memory_space<vmem>> -> memref<1x128xi32, #tpu.memory_space<vmem>>
        %dma_start3A_53 = tpu.memref_squeeze %dma_start3A_52 : memref<1x128xi32, #tpu.memory_space<vmem>> -> memref<128xi32, #tpu.memory_space<vmem>>
        %dma_start3A_54 = arith.constant 0 : i32
        %dma_start3A_55 = arith.constant 0 : i32
        %dma_start3A_56 = tpu.memref_slice %arg2[%dma_start3A_54, %dma_start3A_55] : memref<10000x64xf32, #tpu.memory_space<hbm>> -> memref<10000x64xf32, #tpu.memory_space<hbm>>
        tpu.enqueue_indirect_dma source(%dma_start3A_56 : memref<10000x64xf32, #tpu.memory_space<hbm>>) target(%arg18 : memref<128x64xf32, #tpu.memory_space<vmem>>) offsets(%dma_start3A_53 : memref<128xi32, #tpu.memory_space<vmem>>) semaphore(%arg21 : memref<!tpu.dma_semaphore, #tpu.memory_space<semaphore_mem>>)
        %dma_wait3A = arith.constant 0 : i32
        %dma_wait3A_57 = arith.constant 0 : i32
        %dma_wait3A_58 = tpu.memref_slice %arg2[%dma_wait3A, %dma_wait3A_57] : memref<10000x64xf32, #tpu.memory_space<hbm>> -> memref<128x64xf32, #tpu.memory_space<hbm>>
        %dma_wait3A_59 = arith.constant 0 : i32
        %dma_wait3A_60 = arith.constant 0 : i32
        %dma_wait3A_61 = tpu.memref_slice %arg2[%dma_wait3A_59, %dma_wait3A_60] : memref<10000x64xf32, #tpu.memory_space<hbm>> -> memref<128x64xf32, #tpu.memory_space<hbm>>
        tpu.wait_dma2 semaphore(%arg20 : memref<!tpu.dma_semaphore, #tpu.memory_space<semaphore_mem>>) src(%dma_wait3A_61 : memref<128x64xf32, #tpu.memory_space<hbm>>) dst(%arg17 : memref<128x64xf32, #tpu.memory_space<vmem>>)
        "tpu.region"() ({
          %run_scoped3A = tpu.sem_alloc : memref<!tpu.dma_semaphore, #tpu.memory_space<semaphore_mem>>
          %dma_start3A_76 = arith.constant 0 : i32
          %dma_start3A_77 = tpu.memref_slice %arg16[%mul3A_49, %dma_start3A_76] : memref<158x128xi32, #tpu.memory_space<vmem>> -> memref<1x128xi32, #tpu.memory_space<vmem>>
          %dma_start3A_78 = tpu.memref_squeeze %dma_start3A_77 : memref<1x128xi32, #tpu.memory_space<vmem>> -> memref<128xi32, #tpu.memory_space<vmem>>
          %dma_start3A_79 = arith.constant 0 : i32
          %dma_start3A_80 = arith.constant 0 : i32
          %dma_start3A_81 = tpu.memref_slice %arg19[%dma_start3A_79, %dma_start3A_80] : memref<10240x64xf32, #tpu.memory_space<vmem_shared>> -> memref<10240x64xf32, #tpu.memory_space<vmem_shared>>
          tpu.enqueue_indirect_dma source(%arg17 : memref<128x64xf32, #tpu.memory_space<vmem>>) target(%dma_start3A_81 : memref<10240x64xf32, #tpu.memory_space<vmem_shared>>) offsets(%dma_start3A_78 : memref<128xi32, #tpu.memory_space<vmem>>) semaphore(%run_scoped3A : memref<!tpu.dma_semaphore, #tpu.memory_space<semaphore_mem>>) {add = true}
          %dma_wait3A_82 = arith.constant 0 : i32
          %dma_wait3A_83 = tpu.memref_slice %arg16[%mul3A_49, %dma_wait3A_82] : memref<158x128xi32, #tpu.memory_space<vmem>> -> memref<1x128xi32, #tpu.memory_space<vmem>>
          %dma_wait3A_84 = tpu.memref_squeeze %dma_wait3A_83 : memref<1x128xi32, #tpu.memory_space<vmem>> -> memref<128xi32, #tpu.memory_space<vmem>>
          %dma_wait3A_85 = arith.constant 0 : i32
          %dma_wait3A_86 = arith.constant 0 : i32
          %dma_wait3A_87 = tpu.memref_slice %arg19[%dma_wait3A_85, %dma_wait3A_86] : memref<10240x64xf32, #tpu.memory_space<vmem_shared>> -> memref<10240x64xf32, #tpu.memory_space<vmem_shared>>
          tpu.wait_indirect_dma semaphore(%run_scoped3A : memref<!tpu.dma_semaphore, #tpu.memory_space<semaphore_mem>>) src(%arg17 : memref<128x64xf32, #tpu.memory_space<vmem>>) dst(%dma_wait3A_87 : memref<10240x64xf32, #tpu.memory_space<vmem_shared>>)
          tpu.yield
        }) : () -> ()
        %add3A_62 = arith.constant 2 : i32
        %add3A_63 = arith.addi %mul3A_49, %add3A_62 : i32
        %lt3A = arith.constant 158 : i32
        %lt3A_64 = arith.cmpi slt, %add3A_63, %lt3A : i32
        %convert_element_type3A_65 = arith.extui %lt3A_64 : i1 to i32
        %cond3A_66 = arith.constant 0 : i32
        %cond3A_67 = arith.cmpi ne, %convert_element_type3A_65, %cond3A_66 : i32
        scf.if %cond3A_67 {
          %add3A_76 = arith.constant 2 : i32
          %add3A_77 = arith.addi %mul3A_49, %add3A_76 : i32
          %dma_start3A_78 = arith.constant 0 : i32
          %dma_start3A_79 = tpu.memref_slice %arg15[%add3A_77, %dma_start3A_78] : memref<158x128xi32, #tpu.memory_space<vmem>> -> memref<1x128xi32, #tpu.memory_space<vmem>>
          %dma_start3A_80 = tpu.memref_squeeze %dma_start3A_79 : memref<1x128xi32, #tpu.memory_space<vmem>> -> memref<128xi32, #tpu.memory_space<vmem>>
          %dma_start3A_81 = arith.constant 0 : i32
          %dma_start3A_82 = arith.constant 0 : i32
          %dma_start3A_83 = tpu.memref_slice %arg2[%dma_start3A_81, %dma_start3A_82] : memref<10000x64xf32, #tpu.memory_space<hbm>> -> memref<10000x64xf32, #tpu.memory_space<hbm>>
          tpu.enqueue_indirect_dma source(%dma_start3A_83 : memref<10000x64xf32, #tpu.memory_space<hbm>>) target(%arg17 : memref<128x64xf32, #tpu.memory_space<vmem>>) offsets(%dma_start3A_80 : memref<128xi32, #tpu.memory_space<vmem>>) semaphore(%arg20 : memref<!tpu.dma_semaphore, #tpu.memory_space<semaphore_mem>>)
        } else {
        }
        %dma_wait3A_68 = arith.constant 0 : i32
        %dma_wait3A_69 = arith.constant 0 : i32
        %dma_wait3A_70 = tpu.memref_slice %arg2[%dma_wait3A_68, %dma_wait3A_69] : memref<10000x64xf32, #tpu.memory_space<hbm>> -> memref<128x64xf32, #tpu.memory_space<hbm>>
        %dma_wait3A_71 = arith.constant 0 : i32
        %dma_wait3A_72 = arith.constant 0 : i32
        %dma_wait3A_73 = tpu.memref_slice %arg2[%dma_wait3A_71, %dma_wait3A_72] : memref<10000x64xf32, #tpu.memory_space<hbm>> -> memref<128x64xf32, #tpu.memory_space<hbm>>
        tpu.wait_dma2 semaphore(%arg21 : memref<!tpu.dma_semaphore, #tpu.memory_space<semaphore_mem>>) src(%dma_wait3A_73 : memref<128x64xf32, #tpu.memory_space<hbm>>) dst(%arg18 : memref<128x64xf32, #tpu.memory_space<vmem>>)
        %add3A_74 = arith.constant 1 : i32
        %add3A_75 = arith.addi %mul3A_49, %add3A_74 : i32
        "tpu.region"() ({
          %run_scoped3A = tpu.sem_alloc : memref<!tpu.dma_semaphore, #tpu.memory_space<semaphore_mem>>
          %dma_start3A_76 = arith.constant 0 : i32
          %dma_start3A_77 = tpu.memref_slice %arg16[%add3A_75, %dma_start3A_76] : memref<158x128xi32, #tpu.memory_space<vmem>> -> memref<1x128xi32, #tpu.memory_space<vmem>>
          %dma_start3A_78 = tpu.memref_squeeze %dma_start3A_77 : memref<1x128xi32, #tpu.memory_space<vmem>> -> memref<128xi32, #tpu.memory_space<vmem>>
          %dma_start3A_79 = arith.constant 0 : i32
          %dma_start3A_80 = arith.constant 0 : i32
          %dma_start3A_81 = tpu.memref_slice %arg19[%dma_start3A_79, %dma_start3A_80] : memref<10240x64xf32, #tpu.memory_space<vmem_shared>> -> memref<10240x64xf32, #tpu.memory_space<vmem_shared>>
          tpu.enqueue_indirect_dma source(%arg18 : memref<128x64xf32, #tpu.memory_space<vmem>>) target(%dma_start3A_81 : memref<10240x64xf32, #tpu.memory_space<vmem_shared>>) offsets(%dma_start3A_78 : memref<128xi32, #tpu.memory_space<vmem>>) semaphore(%run_scoped3A : memref<!tpu.dma_semaphore, #tpu.memory_space<semaphore_mem>>) {add = true}
          %dma_wait3A_82 = arith.constant 0 : i32
          %dma_wait3A_83 = tpu.memref_slice %arg16[%add3A_75, %dma_wait3A_82] : memref<158x128xi32, #tpu.memory_space<vmem>> -> memref<1x128xi32, #tpu.memory_space<vmem>>
          %dma_wait3A_84 = tpu.memref_squeeze %dma_wait3A_83 : memref<1x128xi32, #tpu.memory_space<vmem>> -> memref<128xi32, #tpu.memory_space<vmem>>
          %dma_wait3A_85 = arith.constant 0 : i32
          %dma_wait3A_86 = arith.constant 0 : i32
          %dma_wait3A_87 = tpu.memref_slice %arg19[%dma_wait3A_85, %dma_wait3A_86] : memref<10240x64xf32, #tpu.memory_space<vmem_shared>> -> memref<10240x64xf32, #tpu.memory_space<vmem_shared>>
          tpu.wait_indirect_dma semaphore(%run_scoped3A : memref<!tpu.dma_semaphore, #tpu.memory_space<semaphore_mem>>) src(%arg18 : memref<128x64xf32, #tpu.memory_space<vmem>>) dst(%dma_wait3A_87 : memref<10240x64xf32, #tpu.memory_space<vmem_shared>>)
          tpu.yield
        }) : () -> ()
      }
      %scan3A_18 = arith.constant 79 : i32
      %barrier3A_19 = arith.constant 0 : index
      tpu.barrier barrier_id(%barrier3A_19)
      %mul3A_20 = arith.constant 640 : i32
      %mul3A_21 = arith.muli %arg1, %mul3A_20 : i32
      %mul3A_22 = arith.constant 640 : i32
      %mul3A_23 = arith.muli %arg1, %mul3A_22 : i32
      "tpu.region"() ({
        %run_scoped3A = tpu.sem_alloc : memref<!tpu.dma_semaphore, #tpu.memory_space<semaphore_mem>>
        %dma_start3A_47 = arith.constant 0 : i32
        %dma_start3A_48 = tpu.memref_slice %arg11[%mul3A_23, %dma_start3A_47] : memref<10240x64xf32, #tpu.memory_space<hbm>> -> memref<640x64xf32, #tpu.memory_space<hbm>>
        %dma_start3A_49 = arith.constant 0 : i32
        %dma_start3A_50 = tpu.memref_slice %arg19[%mul3A_21, %dma_start3A_49] : memref<10240x64xf32, #tpu.memory_space<vmem_shared>> -> memref<640x64xf32, #tpu.memory_space<vmem_shared>>
        tpu.enqueue_dma source(%dma_start3A_50 : memref<640x64xf32, #tpu.memory_space<vmem_shared>>) target(%dma_start3A_48 : memref<640x64xf32, #tpu.memory_space<hbm>>) target_semaphore(%run_scoped3A : memref<!tpu.dma_semaphore, #tpu.memory_space<semaphore_mem>>)
        %dma_wait3A = arith.constant 0 : i32
        %dma_wait3A_51 = tpu.memref_slice %arg11[%mul3A_23, %dma_wait3A] : memref<10240x64xf32, #tpu.memory_space<hbm>> -> memref<640x64xf32, #tpu.memory_space<hbm>>
        %dma_wait3A_52 = arith.constant 0 : i32
        %dma_wait3A_53 = tpu.memref_slice %arg19[%mul3A_21, %dma_wait3A_52] : memref<10240x64xf32, #tpu.memory_space<vmem_shared>> -> memref<640x64xf32, #tpu.memory_space<vmem_shared>>
        tpu.wait_dma2 semaphore(%run_scoped3A : memref<!tpu.dma_semaphore, #tpu.memory_space<semaphore_mem>>) src(%dma_wait3A_53 : memref<640x64xf32, #tpu.memory_space<vmem_shared>>) dst(%dma_wait3A_51 : memref<640x64xf32, #tpu.memory_space<hbm>>)
        tpu.yield
      }) : () -> ()
      %barrier3A_24 = arith.constant 0 : index
      tpu.barrier barrier_id(%barrier3A_24)
      %mul3A_25 = arith.constant 640 : i32
      %mul3A_26 = arith.muli %arg1, %mul3A_25 : i32
      "tpu.region"() ({
        %run_scoped3A = tpu.sem_alloc : memref<!tpu.dma_semaphore, #tpu.memory_space<semaphore_mem>>
        %dma_start3A_47 = arith.constant 0 : i32
        %dma_start3A_48 = tpu.memref_slice %arg19[%mul3A_26, %dma_start3A_47] : memref<10240x64xf32, #tpu.memory_space<vmem_shared>> -> memref<640x64xf32, #tpu.memory_space<vmem_shared>>
        tpu.enqueue_dma source(%arg10 : memref<640x64xf32, #tpu.memory_space<hbm>>) target(%dma_start3A_48 : memref<640x64xf32, #tpu.memory_space<vmem_shared>>) target_semaphore(%run_scoped3A : memref<!tpu.dma_semaphore, #tpu.memory_space<semaphore_mem>>)
        %dma_wait3A = arith.constant 0 : i32
        %dma_wait3A_49 = tpu.memref_slice %arg19[%mul3A_26, %dma_wait3A] : memref<10240x64xf32, #tpu.memory_space<vmem_shared>> -> memref<640x64xf32, #tpu.memory_space<vmem_shared>>
        tpu.wait_dma2 semaphore(%run_scoped3A : memref<!tpu.dma_semaphore, #tpu.memory_space<semaphore_mem>>) src(%arg10 : memref<640x64xf32, #tpu.memory_space<hbm>>) dst(%dma_wait3A_49 : memref<640x64xf32, #tpu.memory_space<vmem_shared>>)
        tpu.yield
      }) : () -> ()
      %barrier3A_27 = arith.constant 0 : index
      tpu.barrier barrier_id(%barrier3A_27)
      %dma_start3A_28 = arith.constant 0 : i32
      %dma_start3A_29 = arith.constant 0 : i32
      %dma_start3A_30 = tpu.memref_slice %arg15[%dma_start3A_28, %dma_start3A_29] : memref<158x128xi32, #tpu.memory_space<vmem>> -> memref<1x128xi32, #tpu.memory_space<vmem>>
      %dma_start3A_31 = tpu.memref_squeeze %dma_start3A_30 : memref<1x128xi32, #tpu.memory_space<vmem>> -> memref<128xi32, #tpu.memory_space<vmem>>
      %dma_start3A_32 = arith.constant 0 : i32
      %dma_start3A_33 = arith.constant 0 : i32
      %dma_start3A_34 = tpu.memref_slice %arg3[%dma_start3A_32, %dma_start3A_33] : memref<10000x64xf32, #tpu.memory_space<hbm>> -> memref<10000x64xf32, #tpu.memory_space<hbm>>
      tpu.enqueue_indirect_dma source(%dma_start3A_34 : memref<10000x64xf32, #tpu.memory_space<hbm>>) target(%arg17 : memref<128x64xf32, #tpu.memory_space<vmem>>) offsets(%dma_start3A_31 : memref<128xi32, #tpu.memory_space<vmem>>) semaphore(%arg20 : memref<!tpu.dma_semaphore, #tpu.memory_space<semaphore_mem>>)
      %scan3A_35 = arith.constant 0 : i32
      %scan3A_36 = arith.constant 0 : i32
      %scan3A_37 = arith.constant 79 : i32
      %scan3A_38 = arith.addi %scan3A_36, %scan3A_37 : i32
      %scan3A_39 = arith.constant 1 : i32
      scf.for %scan3A_47 = %scan3A_36 to %scan3A_38 step %scan3A_39  : i32 {
        %mul3A_48 = arith.constant 2 : i32
        %mul3A_49 = arith.muli %scan3A_47, %mul3A_48 : i32
        %add3A = arith.constant 1 : i32
        %add3A_50 = arith.addi %mul3A_49, %add3A : i32
        %dma_start3A_51 = arith.constant 0 : i32
        %dma_start3A_52 = tpu.memref_slice %arg15[%add3A_50, %dma_start3A_51] : memref<158x128xi32, #tpu.memory_space<vmem>> -> memref<1x128xi32, #tpu.memory_space<vmem>>
        %dma_start3A_53 = tpu.memref_squeeze %dma_start3A_52 : memref<1x128xi32, #tpu.memory_space<vmem>> -> memref<128xi32, #tpu.memory_space<vmem>>
        %dma_start3A_54 = arith.constant 0 : i32
        %dma_start3A_55 = arith.constant 0 : i32
        %dma_start3A_56 = tpu.memref_slice %arg3[%dma_start3A_54, %dma_start3A_55] : memref<10000x64xf32, #tpu.memory_space<hbm>> -> memref<10000x64xf32, #tpu.memory_space<hbm>>
        tpu.enqueue_indirect_dma source(%dma_start3A_56 : memref<10000x64xf32, #tpu.memory_space<hbm>>) target(%arg18 : memref<128x64xf32, #tpu.memory_space<vmem>>) offsets(%dma_start3A_53 : memref<128xi32, #tpu.memory_space<vmem>>) semaphore(%arg21 : memref<!tpu.dma_semaphore, #tpu.memory_space<semaphore_mem>>)
        %dma_wait3A = arith.constant 0 : i32
        %dma_wait3A_57 = arith.constant 0 : i32
        %dma_wait3A_58 = tpu.memref_slice %arg3[%dma_wait3A, %dma_wait3A_57] : memref<10000x64xf32, #tpu.memory_space<hbm>> -> memref<128x64xf32, #tpu.memory_space<hbm>>
        %dma_wait3A_59 = arith.constant 0 : i32
        %dma_wait3A_60 = arith.constant 0 : i32
        %dma_wait3A_61 = tpu.memref_slice %arg3[%dma_wait3A_59, %dma_wait3A_60] : memref<10000x64xf32, #tpu.memory_space<hbm>> -> memref<128x64xf32, #tpu.memory_space<hbm>>
        tpu.wait_dma2 semaphore(%arg20 : memref<!tpu.dma_semaphore, #tpu.memory_space<semaphore_mem>>) src(%dma_wait3A_61 : memref<128x64xf32, #tpu.memory_space<hbm>>) dst(%arg17 : memref<128x64xf32, #tpu.memory_space<vmem>>)
        "tpu.region"() ({
          %run_scoped3A = tpu.sem_alloc : memref<!tpu.dma_semaphore, #tpu.memory_space<semaphore_mem>>
          %dma_start3A_76 = arith.constant 0 : i32
          %dma_start3A_77 = tpu.memref_slice %arg16[%mul3A_49, %dma_start3A_76] : memref<158x128xi32, #tpu.memory_space<vmem>> -> memref<1x128xi32, #tpu.memory_space<vmem>>
          %dma_start3A_78 = tpu.memref_squeeze %dma_start3A_77 : memref<1x128xi32, #tpu.memory_space<vmem>> -> memref<128xi32, #tpu.memory_space<vmem>>
          %dma_start3A_79 = arith.constant 0 : i32
          %dma_start3A_80 = arith.constant 0 : i32
          %dma_start3A_81 = tpu.memref_slice %arg19[%dma_start3A_79, %dma_start3A_80] : memref<10240x64xf32, #tpu.memory_space<vmem_shared>> -> memref<10240x64xf32, #tpu.memory_space<vmem_shared>>
          tpu.enqueue_indirect_dma source(%arg17 : memref<128x64xf32, #tpu.memory_space<vmem>>) target(%dma_start3A_81 : memref<10240x64xf32, #tpu.memory_space<vmem_shared>>) offsets(%dma_start3A_78 : memref<128xi32, #tpu.memory_space<vmem>>) semaphore(%run_scoped3A : memref<!tpu.dma_semaphore, #tpu.memory_space<semaphore_mem>>) {add = true}
          %dma_wait3A_82 = arith.constant 0 : i32
          %dma_wait3A_83 = tpu.memref_slice %arg16[%mul3A_49, %dma_wait3A_82] : memref<158x128xi32, #tpu.memory_space<vmem>> -> memref<1x128xi32, #tpu.memory_space<vmem>>
          %dma_wait3A_84 = tpu.memref_squeeze %dma_wait3A_83 : memref<1x128xi32, #tpu.memory_space<vmem>> -> memref<128xi32, #tpu.memory_space<vmem>>
          %dma_wait3A_85 = arith.constant 0 : i32
          %dma_wait3A_86 = arith.constant 0 : i32
          %dma_wait3A_87 = tpu.memref_slice %arg19[%dma_wait3A_85, %dma_wait3A_86] : memref<10240x64xf32, #tpu.memory_space<vmem_shared>> -> memref<10240x64xf32, #tpu.memory_space<vmem_shared>>
          tpu.wait_indirect_dma semaphore(%run_scoped3A : memref<!tpu.dma_semaphore, #tpu.memory_space<semaphore_mem>>) src(%arg17 : memref<128x64xf32, #tpu.memory_space<vmem>>) dst(%dma_wait3A_87 : memref<10240x64xf32, #tpu.memory_space<vmem_shared>>)
          tpu.yield
        }) : () -> ()
        %add3A_62 = arith.constant 2 : i32
        %add3A_63 = arith.addi %mul3A_49, %add3A_62 : i32
        %lt3A = arith.constant 158 : i32
        %lt3A_64 = arith.cmpi slt, %add3A_63, %lt3A : i32
        %convert_element_type3A_65 = arith.extui %lt3A_64 : i1 to i32
        %cond3A_66 = arith.constant 0 : i32
        %cond3A_67 = arith.cmpi ne, %convert_element_type3A_65, %cond3A_66 : i32
        scf.if %cond3A_67 {
          %add3A_76 = arith.constant 2 : i32
          %add3A_77 = arith.addi %mul3A_49, %add3A_76 : i32
          %dma_start3A_78 = arith.constant 0 : i32
          %dma_start3A_79 = tpu.memref_slice %arg15[%add3A_77, %dma_start3A_78] : memref<158x128xi32, #tpu.memory_space<vmem>> -> memref<1x128xi32, #tpu.memory_space<vmem>>
          %dma_start3A_80 = tpu.memref_squeeze %dma_start3A_79 : memref<1x128xi32, #tpu.memory_space<vmem>> -> memref<128xi32, #tpu.memory_space<vmem>>
          %dma_start3A_81 = arith.constant 0 : i32
          %dma_start3A_82 = arith.constant 0 : i32
          %dma_start3A_83 = tpu.memref_slice %arg3[%dma_start3A_81, %dma_start3A_82] : memref<10000x64xf32, #tpu.memory_space<hbm>> -> memref<10000x64xf32, #tpu.memory_space<hbm>>
          tpu.enqueue_indirect_dma source(%dma_start3A_83 : memref<10000x64xf32, #tpu.memory_space<hbm>>) target(%arg17 : memref<128x64xf32, #tpu.memory_space<vmem>>) offsets(%dma_start3A_80 : memref<128xi32, #tpu.memory_space<vmem>>) semaphore(%arg20 : memref<!tpu.dma_semaphore, #tpu.memory_space<semaphore_mem>>)
        } else {
        }
        %dma_wait3A_68 = arith.constant 0 : i32
        %dma_wait3A_69 = arith.constant 0 : i32
        %dma_wait3A_70 = tpu.memref_slice %arg3[%dma_wait3A_68, %dma_wait3A_69] : memref<10000x64xf32, #tpu.memory_space<hbm>> -> memref<128x64xf32, #tpu.memory_space<hbm>>
        %dma_wait3A_71 = arith.constant 0 : i32
        %dma_wait3A_72 = arith.constant 0 : i32
        %dma_wait3A_73 = tpu.memref_slice %arg3[%dma_wait3A_71, %dma_wait3A_72] : memref<10000x64xf32, #tpu.memory_space<hbm>> -> memref<128x64xf32, #tpu.memory_space<hbm>>
        tpu.wait_dma2 semaphore(%arg21 : memref<!tpu.dma_semaphore, #tpu.memory_space<semaphore_mem>>) src(%dma_wait3A_73 : memref<128x64xf32, #tpu.memory_space<hbm>>) dst(%arg18 : memref<128x64xf32, #tpu.memory_space<vmem>>)
        %add3A_74 = arith.constant 1 : i32
        %add3A_75 = arith.addi %mul3A_49, %add3A_74 : i32
        "tpu.region"() ({
          %run_scoped3A = tpu.sem_alloc : memref<!tpu.dma_semaphore, #tpu.memory_space<semaphore_mem>>
          %dma_start3A_76 = arith.constant 0 : i32
          %dma_start3A_77 = tpu.memref_slice %arg16[%add3A_75, %dma_start3A_76] : memref<158x128xi32, #tpu.memory_space<vmem>> -> memref<1x128xi32, #tpu.memory_space<vmem>>
          %dma_start3A_78 = tpu.memref_squeeze %dma_start3A_77 : memref<1x128xi32, #tpu.memory_space<vmem>> -> memref<128xi32, #tpu.memory_space<vmem>>
          %dma_start3A_79 = arith.constant 0 : i32
          %dma_start3A_80 = arith.constant 0 : i32
          %dma_start3A_81 = tpu.memref_slice %arg19[%dma_start3A_79, %dma_start3A_80] : memref<10240x64xf32, #tpu.memory_space<vmem_shared>> -> memref<10240x64xf32, #tpu.memory_space<vmem_shared>>
          tpu.enqueue_indirect_dma source(%arg18 : memref<128x64xf32, #tpu.memory_space<vmem>>) target(%dma_start3A_81 : memref<10240x64xf32, #tpu.memory_space<vmem_shared>>) offsets(%dma_start3A_78 : memref<128xi32, #tpu.memory_space<vmem>>) semaphore(%run_scoped3A : memref<!tpu.dma_semaphore, #tpu.memory_space<semaphore_mem>>) {add = true}
          %dma_wait3A_82 = arith.constant 0 : i32
          %dma_wait3A_83 = tpu.memref_slice %arg16[%add3A_75, %dma_wait3A_82] : memref<158x128xi32, #tpu.memory_space<vmem>> -> memref<1x128xi32, #tpu.memory_space<vmem>>
          %dma_wait3A_84 = tpu.memref_squeeze %dma_wait3A_83 : memref<1x128xi32, #tpu.memory_space<vmem>> -> memref<128xi32, #tpu.memory_space<vmem>>
          %dma_wait3A_85 = arith.constant 0 : i32
          %dma_wait3A_86 = arith.constant 0 : i32
          %dma_wait3A_87 = tpu.memref_slice %arg19[%dma_wait3A_85, %dma_wait3A_86] : memref<10240x64xf32, #tpu.memory_space<vmem_shared>> -> memref<10240x64xf32, #tpu.memory_space<vmem_shared>>
          tpu.wait_indirect_dma semaphore(%run_scoped3A : memref<!tpu.dma_semaphore, #tpu.memory_space<semaphore_mem>>) src(%arg18 : memref<128x64xf32, #tpu.memory_space<vmem>>) dst(%dma_wait3A_87 : memref<10240x64xf32, #tpu.memory_space<vmem_shared>>)
          tpu.yield
        }) : () -> ()
      }
      %scan3A_40 = arith.constant 79 : i32
      %barrier3A_41 = arith.constant 0 : index
      tpu.barrier barrier_id(%barrier3A_41)
      %mul3A_42 = arith.constant 640 : i32
      %mul3A_43 = arith.muli %arg1, %mul3A_42 : i32
      %mul3A_44 = arith.constant 640 : i32
      %mul3A_45 = arith.muli %arg1, %mul3A_44 : i32
      "tpu.region"() ({
        %run_scoped3A = tpu.sem_alloc : memref<!tpu.dma_semaphore, #tpu.memory_space<semaphore_mem>>
        %dma_start3A_47 = arith.constant 0 : i32
        %dma_start3A_48 = tpu.memref_slice %arg12[%mul3A_45, %dma_start3A_47] : memref<10240x64xf32, #tpu.memory_space<hbm>> -> memref<640x64xf32, #tpu.memory_space<hbm>>
        %dma_start3A_49 = arith.constant 0 : i32
        %dma_start3A_50 = tpu.memref_slice %arg19[%mul3A_43, %dma_start3A_49] : memref<10240x64xf32, #tpu.memory_space<vmem_shared>> -> memref<640x64xf32, #tpu.memory_space<vmem_shared>>
        tpu.enqueue_dma source(%dma_start3A_50 : memref<640x64xf32, #tpu.memory_space<vmem_shared>>) target(%dma_start3A_48 : memref<640x64xf32, #tpu.memory_space<hbm>>) target_semaphore(%run_scoped3A : memref<!tpu.dma_semaphore, #tpu.memory_space<semaphore_mem>>)
        %dma_wait3A = arith.constant 0 : i32
        %dma_wait3A_51 = tpu.memref_slice %arg12[%mul3A_45, %dma_wait3A] : memref<10240x64xf32, #tpu.memory_space<hbm>> -> memref<640x64xf32, #tpu.memory_space<hbm>>
        %dma_wait3A_52 = arith.constant 0 : i32
        %dma_wait3A_53 = tpu.memref_slice %arg19[%mul3A_43, %dma_wait3A_52] : memref<10240x64xf32, #tpu.memory_space<vmem_shared>> -> memref<640x64xf32, #tpu.memory_space<vmem_shared>>
        tpu.wait_dma2 semaphore(%run_scoped3A : memref<!tpu.dma_semaphore, #tpu.memory_space<semaphore_mem>>) src(%dma_wait3A_53 : memref<640x64xf32, #tpu.memory_space<vmem_shared>>) dst(%dma_wait3A_51 : memref<640x64xf32, #tpu.memory_space<hbm>>)
        tpu.yield
      }) : () -> ()
      %barrier3A_46 = arith.constant 0 : index
      tpu.barrier barrier_id(%barrier3A_46)
    } else {
    }
    %eq3A_2 = arith.constant 1 : i32
    %eq3A_3 = arith.cmpi eq, %arg0, %eq3A_2 : i32
    %convert_element_type3A_4 = arith.extui %eq3A_3 : i1 to i32
    %cond3A_5 = arith.constant 0 : i32
    %cond3A_6 = arith.cmpi ne, %convert_element_type3A_4, %cond3A_5 : i32
    scf.if %cond3A_6 {
      "tpu.region"() ({
        %run_scoped3A = tpu.sem_alloc : memref<!tpu.dma_semaphore, #tpu.memory_space<semaphore_mem>>
        %dma_start3A_47 = arith.constant 0 : i32
        %dma_start3A_48 = arith.constant 0 : i32
        %dma_start3A_49 = tpu.memref_slice %arg8[%arg1, %dma_start3A_47, %dma_start3A_48] : memref<16x158x128xi32, #tpu.memory_space<hbm>> -> memref<1x158x128xi32, #tpu.memory_space<hbm>>
        %dma_start3A_50 = tpu.memref_squeeze %dma_start3A_49 : memref<1x158x128xi32, #tpu.memory_space<hbm>> -> memref<158x128xi32, #tpu.memory_space<hbm>>
        %dma_start3A_51 = arith.constant 0 : i32
        %dma_start3A_52 = arith.constant 0 : i32
        %dma_start3A_53 = tpu.memref_slice %arg8[%arg1, %dma_start3A_51, %dma_start3A_52] : memref<16x158x128xi32, #tpu.memory_space<hbm>> -> memref<1x158x128xi32, #tpu.memory_space<hbm>>
        %dma_start3A_54 = tpu.memref_squeeze %dma_start3A_53 : memref<1x158x128xi32, #tpu.memory_space<hbm>> -> memref<158x128xi32, #tpu.memory_space<hbm>>
        tpu.enqueue_dma source(%dma_start3A_54 : memref<158x128xi32, #tpu.memory_space<hbm>>) target(%arg15 : memref<158x128xi32, #tpu.memory_space<vmem>>) target_semaphore(%run_scoped3A : memref<!tpu.dma_semaphore, #tpu.memory_space<semaphore_mem>>)
        %dma_wait3A = arith.constant 0 : i32
        %dma_wait3A_55 = arith.constant 0 : i32
        %dma_wait3A_56 = tpu.memref_slice %arg8[%arg1, %dma_wait3A, %dma_wait3A_55] : memref<16x158x128xi32, #tpu.memory_space<hbm>> -> memref<1x158x128xi32, #tpu.memory_space<hbm>>
        %dma_wait3A_57 = tpu.memref_squeeze %dma_wait3A_56 : memref<1x158x128xi32, #tpu.memory_space<hbm>> -> memref<158x128xi32, #tpu.memory_space<hbm>>
        %dma_wait3A_58 = arith.constant 0 : i32
        %dma_wait3A_59 = arith.constant 0 : i32
        %dma_wait3A_60 = tpu.memref_slice %arg8[%arg1, %dma_wait3A_58, %dma_wait3A_59] : memref<16x158x128xi32, #tpu.memory_space<hbm>> -> memref<1x158x128xi32, #tpu.memory_space<hbm>>
        %dma_wait3A_61 = tpu.memref_squeeze %dma_wait3A_60 : memref<1x158x128xi32, #tpu.memory_space<hbm>> -> memref<158x128xi32, #tpu.memory_space<hbm>>
        tpu.wait_dma2 semaphore(%run_scoped3A : memref<!tpu.dma_semaphore, #tpu.memory_space<semaphore_mem>>) src(%dma_wait3A_61 : memref<158x128xi32, #tpu.memory_space<hbm>>) dst(%arg15 : memref<158x128xi32, #tpu.memory_space<vmem>>)
        tpu.yield
      }) : () -> ()
      "tpu.region"() ({
        %run_scoped3A = tpu.sem_alloc : memref<!tpu.dma_semaphore, #tpu.memory_space<semaphore_mem>>
        %dma_start3A_47 = arith.constant 0 : i32
        %dma_start3A_48 = arith.constant 0 : i32
        %dma_start3A_49 = tpu.memref_slice %arg9[%arg1, %dma_start3A_47, %dma_start3A_48] : memref<16x158x128xi32, #tpu.memory_space<hbm>> -> memref<1x158x128xi32, #tpu.memory_space<hbm>>
        %dma_start3A_50 = tpu.memref_squeeze %dma_start3A_49 : memref<1x158x128xi32, #tpu.memory_space<hbm>> -> memref<158x128xi32, #tpu.memory_space<hbm>>
        %dma_start3A_51 = arith.constant 0 : i32
        %dma_start3A_52 = arith.constant 0 : i32
        %dma_start3A_53 = tpu.memref_slice %arg9[%arg1, %dma_start3A_51, %dma_start3A_52] : memref<16x158x128xi32, #tpu.memory_space<hbm>> -> memref<1x158x128xi32, #tpu.memory_space<hbm>>
        %dma_start3A_54 = tpu.memref_squeeze %dma_start3A_53 : memref<1x158x128xi32, #tpu.memory_space<hbm>> -> memref<158x128xi32, #tpu.memory_space<hbm>>
        tpu.enqueue_dma source(%dma_start3A_54 : memref<158x128xi32, #tpu.memory_space<hbm>>) target(%arg16 : memref<158x128xi32, #tpu.memory_space<vmem>>) target_semaphore(%run_scoped3A : memref<!tpu.dma_semaphore, #tpu.memory_space<semaphore_mem>>)
        %dma_wait3A = arith.constant 0 : i32
        %dma_wait3A_55 = arith.constant 0 : i32
        %dma_wait3A_56 = tpu.memref_slice %arg9[%arg1, %dma_wait3A, %dma_wait3A_55] : memref<16x158x128xi32, #tpu.memory_space<hbm>> -> memref<1x158x128xi32, #tpu.memory_space<hbm>>
        %dma_wait3A_57 = tpu.memref_squeeze %dma_wait3A_56 : memref<1x158x128xi32, #tpu.memory_space<hbm>> -> memref<158x128xi32, #tpu.memory_space<hbm>>
        %dma_wait3A_58 = arith.constant 0 : i32
        %dma_wait3A_59 = arith.constant 0 : i32
        %dma_wait3A_60 = tpu.memref_slice %arg9[%arg1, %dma_wait3A_58, %dma_wait3A_59] : memref<16x158x128xi32, #tpu.memory_space<hbm>> -> memref<1x158x128xi32, #tpu.memory_space<hbm>>
        %dma_wait3A_61 = tpu.memref_squeeze %dma_wait3A_60 : memref<1x158x128xi32, #tpu.memory_space<hbm>> -> memref<158x128xi32, #tpu.memory_space<hbm>>
        tpu.wait_dma2 semaphore(%run_scoped3A : memref<!tpu.dma_semaphore, #tpu.memory_space<semaphore_mem>>) src(%dma_wait3A_61 : memref<158x128xi32, #tpu.memory_space<hbm>>) dst(%arg16 : memref<158x128xi32, #tpu.memory_space<vmem>>)
        tpu.yield
      }) : () -> ()
      %mul3A = arith.constant 640 : i32
      %mul3A_7 = arith.muli %arg1, %mul3A : i32
      "tpu.region"() ({
        %run_scoped3A = tpu.sem_alloc : memref<!tpu.dma_semaphore, #tpu.memory_space<semaphore_mem>>
        %dma_start3A_47 = arith.constant 0 : i32
        %dma_start3A_48 = tpu.memref_slice %arg19[%mul3A_7, %dma_start3A_47] : memref<10240x64xf32, #tpu.memory_space<vmem_shared>> -> memref<640x64xf32, #tpu.memory_space<vmem_shared>>
        tpu.enqueue_dma source(%arg10 : memref<640x64xf32, #tpu.memory_space<hbm>>) target(%dma_start3A_48 : memref<640x64xf32, #tpu.memory_space<vmem_shared>>) target_semaphore(%run_scoped3A : memref<!tpu.dma_semaphore, #tpu.memory_space<semaphore_mem>>)
        %dma_wait3A = arith.constant 0 : i32
        %dma_wait3A_49 = tpu.memref_slice %arg19[%mul3A_7, %dma_wait3A] : memref<10240x64xf32, #tpu.memory_space<vmem_shared>> -> memref<640x64xf32, #tpu.memory_space<vmem_shared>>
        tpu.wait_dma2 semaphore(%run_scoped3A : memref<!tpu.dma_semaphore, #tpu.memory_space<semaphore_mem>>) src(%arg10 : memref<640x64xf32, #tpu.memory_space<hbm>>) dst(%dma_wait3A_49 : memref<640x64xf32, #tpu.memory_space<vmem_shared>>)
        tpu.yield
      }) : () -> ()
      %barrier3A = arith.constant 0 : index
      tpu.barrier barrier_id(%barrier3A)
      %dma_start3A = arith.constant 0 : i32
      %dma_start3A_8 = arith.constant 0 : i32
      %dma_start3A_9 = tpu.memref_slice %arg15[%dma_start3A, %dma_start3A_8] : memref<158x128xi32, #tpu.memory_space<vmem>> -> memref<1x128xi32, #tpu.memory_space<vmem>>
      %dma_start3A_10 = tpu.memref_squeeze %dma_start3A_9 : memref<1x128xi32, #tpu.memory_space<vmem>> -> memref<128xi32, #tpu.memory_space<vmem>>
      %dma_start3A_11 = arith.constant 0 : i32
      %dma_start3A_12 = arith.constant 0 : i32
      %dma_start3A_13 = tpu.memref_slice %arg4[%dma_start3A_11, %dma_start3A_12] : memref<10000x64xf32, #tpu.memory_space<hbm>> -> memref<10000x64xf32, #tpu.memory_space<hbm>>
      tpu.enqueue_indirect_dma source(%dma_start3A_13 : memref<10000x64xf32, #tpu.memory_space<hbm>>) target(%arg17 : memref<128x64xf32, #tpu.memory_space<vmem>>) offsets(%dma_start3A_10 : memref<128xi32, #tpu.memory_space<vmem>>) semaphore(%arg20 : memref<!tpu.dma_semaphore, #tpu.memory_space<semaphore_mem>>)
      %scan3A = arith.constant 0 : i32
      %scan3A_14 = arith.constant 0 : i32
      %scan3A_15 = arith.constant 79 : i32
      %scan3A_16 = arith.addi %scan3A_14, %scan3A_15 : i32
      %scan3A_17 = arith.constant 1 : i32
      scf.for %scan3A_47 = %scan3A_14 to %scan3A_16 step %scan3A_17  : i32 {
        %mul3A_48 = arith.constant 2 : i32
        %mul3A_49 = arith.muli %scan3A_47, %mul3A_48 : i32
        %add3A = arith.constant 1 : i32
        %add3A_50 = arith.addi %mul3A_49, %add3A : i32
        %dma_start3A_51 = arith.constant 0 : i32
        %dma_start3A_52 = tpu.memref_slice %arg15[%add3A_50, %dma_start3A_51] : memref<158x128xi32, #tpu.memory_space<vmem>> -> memref<1x128xi32, #tpu.memory_space<vmem>>
        %dma_start3A_53 = tpu.memref_squeeze %dma_start3A_52 : memref<1x128xi32, #tpu.memory_space<vmem>> -> memref<128xi32, #tpu.memory_space<vmem>>
        %dma_start3A_54 = arith.constant 0 : i32
        %dma_start3A_55 = arith.constant 0 : i32
        %dma_start3A_56 = tpu.memref_slice %arg4[%dma_start3A_54, %dma_start3A_55] : memref<10000x64xf32, #tpu.memory_space<hbm>> -> memref<10000x64xf32, #tpu.memory_space<hbm>>
        tpu.enqueue_indirect_dma source(%dma_start3A_56 : memref<10000x64xf32, #tpu.memory_space<hbm>>) target(%arg18 : memref<128x64xf32, #tpu.memory_space<vmem>>) offsets(%dma_start3A_53 : memref<128xi32, #tpu.memory_space<vmem>>) semaphore(%arg21 : memref<!tpu.dma_semaphore, #tpu.memory_space<semaphore_mem>>)
        %dma_wait3A = arith.constant 0 : i32
        %dma_wait3A_57 = arith.constant 0 : i32
        %dma_wait3A_58 = tpu.memref_slice %arg4[%dma_wait3A, %dma_wait3A_57] : memref<10000x64xf32, #tpu.memory_space<hbm>> -> memref<128x64xf32, #tpu.memory_space<hbm>>
        %dma_wait3A_59 = arith.constant 0 : i32
        %dma_wait3A_60 = arith.constant 0 : i32
        %dma_wait3A_61 = tpu.memref_slice %arg4[%dma_wait3A_59, %dma_wait3A_60] : memref<10000x64xf32, #tpu.memory_space<hbm>> -> memref<128x64xf32, #tpu.memory_space<hbm>>
        tpu.wait_dma2 semaphore(%arg20 : memref<!tpu.dma_semaphore, #tpu.memory_space<semaphore_mem>>) src(%dma_wait3A_61 : memref<128x64xf32, #tpu.memory_space<hbm>>) dst(%arg17 : memref<128x64xf32, #tpu.memory_space<vmem>>)
        "tpu.region"() ({
          %run_scoped3A = tpu.sem_alloc : memref<!tpu.dma_semaphore, #tpu.memory_space<semaphore_mem>>
          %dma_start3A_76 = arith.constant 0 : i32
          %dma_start3A_77 = tpu.memref_slice %arg16[%mul3A_49, %dma_start3A_76] : memref<158x128xi32, #tpu.memory_space<vmem>> -> memref<1x128xi32, #tpu.memory_space<vmem>>
          %dma_start3A_78 = tpu.memref_squeeze %dma_start3A_77 : memref<1x128xi32, #tpu.memory_space<vmem>> -> memref<128xi32, #tpu.memory_space<vmem>>
          %dma_start3A_79 = arith.constant 0 : i32
          %dma_start3A_80 = arith.constant 0 : i32
          %dma_start3A_81 = tpu.memref_slice %arg19[%dma_start3A_79, %dma_start3A_80] : memref<10240x64xf32, #tpu.memory_space<vmem_shared>> -> memref<10240x64xf32, #tpu.memory_space<vmem_shared>>
          tpu.enqueue_indirect_dma source(%arg17 : memref<128x64xf32, #tpu.memory_space<vmem>>) target(%dma_start3A_81 : memref<10240x64xf32, #tpu.memory_space<vmem_shared>>) offsets(%dma_start3A_78 : memref<128xi32, #tpu.memory_space<vmem>>) semaphore(%run_scoped3A : memref<!tpu.dma_semaphore, #tpu.memory_space<semaphore_mem>>) {add = true}
          %dma_wait3A_82 = arith.constant 0 : i32
          %dma_wait3A_83 = tpu.memref_slice %arg16[%mul3A_49, %dma_wait3A_82] : memref<158x128xi32, #tpu.memory_space<vmem>> -> memref<1x128xi32, #tpu.memory_space<vmem>>
          %dma_wait3A_84 = tpu.memref_squeeze %dma_wait3A_83 : memref<1x128xi32, #tpu.memory_space<vmem>> -> memref<128xi32, #tpu.memory_space<vmem>>
          %dma_wait3A_85 = arith.constant 0 : i32
          %dma_wait3A_86 = arith.constant 0 : i32
          %dma_wait3A_87 = tpu.memref_slice %arg19[%dma_wait3A_85, %dma_wait3A_86] : memref<10240x64xf32, #tpu.memory_space<vmem_shared>> -> memref<10240x64xf32, #tpu.memory_space<vmem_shared>>
          tpu.wait_indirect_dma semaphore(%run_scoped3A : memref<!tpu.dma_semaphore, #tpu.memory_space<semaphore_mem>>) src(%arg17 : memref<128x64xf32, #tpu.memory_space<vmem>>) dst(%dma_wait3A_87 : memref<10240x64xf32, #tpu.memory_space<vmem_shared>>)
          tpu.yield
        }) : () -> ()
        %add3A_62 = arith.constant 2 : i32
        %add3A_63 = arith.addi %mul3A_49, %add3A_62 : i32
        %lt3A = arith.constant 158 : i32
        %lt3A_64 = arith.cmpi slt, %add3A_63, %lt3A : i32
        %convert_element_type3A_65 = arith.extui %lt3A_64 : i1 to i32
        %cond3A_66 = arith.constant 0 : i32
        %cond3A_67 = arith.cmpi ne, %convert_element_type3A_65, %cond3A_66 : i32
        scf.if %cond3A_67 {
          %add3A_76 = arith.constant 2 : i32
          %add3A_77 = arith.addi %mul3A_49, %add3A_76 : i32
          %dma_start3A_78 = arith.constant 0 : i32
          %dma_start3A_79 = tpu.memref_slice %arg15[%add3A_77, %dma_start3A_78] : memref<158x128xi32, #tpu.memory_space<vmem>> -> memref<1x128xi32, #tpu.memory_space<vmem>>
          %dma_start3A_80 = tpu.memref_squeeze %dma_start3A_79 : memref<1x128xi32, #tpu.memory_space<vmem>> -> memref<128xi32, #tpu.memory_space<vmem>>
          %dma_start3A_81 = arith.constant 0 : i32
          %dma_start3A_82 = arith.constant 0 : i32
          %dma_start3A_83 = tpu.memref_slice %arg4[%dma_start3A_81, %dma_start3A_82] : memref<10000x64xf32, #tpu.memory_space<hbm>> -> memref<10000x64xf32, #tpu.memory_space<hbm>>
          tpu.enqueue_indirect_dma source(%dma_start3A_83 : memref<10000x64xf32, #tpu.memory_space<hbm>>) target(%arg17 : memref<128x64xf32, #tpu.memory_space<vmem>>) offsets(%dma_start3A_80 : memref<128xi32, #tpu.memory_space<vmem>>) semaphore(%arg20 : memref<!tpu.dma_semaphore, #tpu.memory_space<semaphore_mem>>)
        } else {
        }
        %dma_wait3A_68 = arith.constant 0 : i32
        %dma_wait3A_69 = arith.constant 0 : i32
        %dma_wait3A_70 = tpu.memref_slice %arg4[%dma_wait3A_68, %dma_wait3A_69] : memref<10000x64xf32, #tpu.memory_space<hbm>> -> memref<128x64xf32, #tpu.memory_space<hbm>>
        %dma_wait3A_71 = arith.constant 0 : i32
        %dma_wait3A_72 = arith.constant 0 : i32
        %dma_wait3A_73 = tpu.memref_slice %arg4[%dma_wait3A_71, %dma_wait3A_72] : memref<10000x64xf32, #tpu.memory_space<hbm>> -> memref<128x64xf32, #tpu.memory_space<hbm>>
        tpu.wait_dma2 semaphore(%arg21 : memref<!tpu.dma_semaphore, #tpu.memory_space<semaphore_mem>>) src(%dma_wait3A_73 : memref<128x64xf32, #tpu.memory_space<hbm>>) dst(%arg18 : memref<128x64xf32, #tpu.memory_space<vmem>>)
        %add3A_74 = arith.constant 1 : i32
        %add3A_75 = arith.addi %mul3A_49, %add3A_74 : i32
        "tpu.region"() ({
          %run_scoped3A = tpu.sem_alloc : memref<!tpu.dma_semaphore, #tpu.memory_space<semaphore_mem>>
          %dma_start3A_76 = arith.constant 0 : i32
          %dma_start3A_77 = tpu.memref_slice %arg16[%add3A_75, %dma_start3A_76] : memref<158x128xi32, #tpu.memory_space<vmem>> -> memref<1x128xi32, #tpu.memory_space<vmem>>
          %dma_start3A_78 = tpu.memref_squeeze %dma_start3A_77 : memref<1x128xi32, #tpu.memory_space<vmem>> -> memref<128xi32, #tpu.memory_space<vmem>>
          %dma_start3A_79 = arith.constant 0 : i32
          %dma_start3A_80 = arith.constant 0 : i32
          %dma_start3A_81 = tpu.memref_slice %arg19[%dma_start3A_79, %dma_start3A_80] : memref<10240x64xf32, #tpu.memory_space<vmem_shared>> -> memref<10240x64xf32, #tpu.memory_space<vmem_shared>>
          tpu.enqueue_indirect_dma source(%arg18 : memref<128x64xf32, #tpu.memory_space<vmem>>) target(%dma_start3A_81 : memref<10240x64xf32, #tpu.memory_space<vmem_shared>>) offsets(%dma_start3A_78 : memref<128xi32, #tpu.memory_space<vmem>>) semaphore(%run_scoped3A : memref<!tpu.dma_semaphore, #tpu.memory_space<semaphore_mem>>) {add = true}
          %dma_wait3A_82 = arith.constant 0 : i32
          %dma_wait3A_83 = tpu.memref_slice %arg16[%add3A_75, %dma_wait3A_82] : memref<158x128xi32, #tpu.memory_space<vmem>> -> memref<1x128xi32, #tpu.memory_space<vmem>>
          %dma_wait3A_84 = tpu.memref_squeeze %dma_wait3A_83 : memref<1x128xi32, #tpu.memory_space<vmem>> -> memref<128xi32, #tpu.memory_space<vmem>>
          %dma_wait3A_85 = arith.constant 0 : i32
          %dma_wait3A_86 = arith.constant 0 : i32
          %dma_wait3A_87 = tpu.memref_slice %arg19[%dma_wait3A_85, %dma_wait3A_86] : memref<10240x64xf32, #tpu.memory_space<vmem_shared>> -> memref<10240x64xf32, #tpu.memory_space<vmem_shared>>
          tpu.wait_indirect_dma semaphore(%run_scoped3A : memref<!tpu.dma_semaphore, #tpu.memory_space<semaphore_mem>>) src(%arg18 : memref<128x64xf32, #tpu.memory_space<vmem>>) dst(%dma_wait3A_87 : memref<10240x64xf32, #tpu.memory_space<vmem_shared>>)
          tpu.yield
        }) : () -> ()
      }
      %scan3A_18 = arith.constant 79 : i32
      %barrier3A_19 = arith.constant 0 : index
      tpu.barrier barrier_id(%barrier3A_19)
      %mul3A_20 = arith.constant 640 : i32
      %mul3A_21 = arith.muli %arg1, %mul3A_20 : i32
      %mul3A_22 = arith.constant 640 : i32
      %mul3A_23 = arith.muli %arg1, %mul3A_22 : i32
      "tpu.region"() ({
        %run_scoped3A = tpu.sem_alloc : memref<!tpu.dma_semaphore, #tpu.memory_space<semaphore_mem>>
        %dma_start3A_47 = arith.constant 0 : i32
        %dma_start3A_48 = tpu.memref_slice %arg13[%mul3A_23, %dma_start3A_47] : memref<10240x64xf32, #tpu.memory_space<hbm>> -> memref<640x64xf32, #tpu.memory_space<hbm>>
        %dma_start3A_49 = arith.constant 0 : i32
        %dma_start3A_50 = tpu.memref_slice %arg19[%mul3A_21, %dma_start3A_49] : memref<10240x64xf32, #tpu.memory_space<vmem_shared>> -> memref<640x64xf32, #tpu.memory_space<vmem_shared>>
        tpu.enqueue_dma source(%dma_start3A_50 : memref<640x64xf32, #tpu.memory_space<vmem_shared>>) target(%dma_start3A_48 : memref<640x64xf32, #tpu.memory_space<hbm>>) target_semaphore(%run_scoped3A : memref<!tpu.dma_semaphore, #tpu.memory_space<semaphore_mem>>)
        %dma_wait3A = arith.constant 0 : i32
        %dma_wait3A_51 = tpu.memref_slice %arg13[%mul3A_23, %dma_wait3A] : memref<10240x64xf32, #tpu.memory_space<hbm>> -> memref<640x64xf32, #tpu.memory_space<hbm>>
        %dma_wait3A_52 = arith.constant 0 : i32
        %dma_wait3A_53 = tpu.memref_slice %arg19[%mul3A_21, %dma_wait3A_52] : memref<10240x64xf32, #tpu.memory_space<vmem_shared>> -> memref<640x64xf32, #tpu.memory_space<vmem_shared>>
        tpu.wait_dma2 semaphore(%run_scoped3A : memref<!tpu.dma_semaphore, #tpu.memory_space<semaphore_mem>>) src(%dma_wait3A_53 : memref<640x64xf32, #tpu.memory_space<vmem_shared>>) dst(%dma_wait3A_51 : memref<640x64xf32, #tpu.memory_space<hbm>>)
        tpu.yield
      }) : () -> ()
      %barrier3A_24 = arith.constant 0 : index
      tpu.barrier barrier_id(%barrier3A_24)
      %mul3A_25 = arith.constant 640 : i32
      %mul3A_26 = arith.muli %arg1, %mul3A_25 : i32
      "tpu.region"() ({
        %run_scoped3A = tpu.sem_alloc : memref<!tpu.dma_semaphore, #tpu.memory_space<semaphore_mem>>
        %dma_start3A_47 = arith.constant 0 : i32
        %dma_start3A_48 = tpu.memref_slice %arg19[%mul3A_26, %dma_start3A_47] : memref<10240x64xf32, #tpu.memory_space<vmem_shared>> -> memref<640x64xf32, #tpu.memory_space<vmem_shared>>
        tpu.enqueue_dma source(%arg10 : memref<640x64xf32, #tpu.memory_space<hbm>>) target(%dma_start3A_48 : memref<640x64xf32, #tpu.memory_space<vmem_shared>>) target_semaphore(%run_scoped3A : memref<!tpu.dma_semaphore, #tpu.memory_space<semaphore_mem>>)
        %dma_wait3A = arith.constant 0 : i32
        %dma_wait3A_49 = tpu.memref_slice %arg19[%mul3A_26, %dma_wait3A] : memref<10240x64xf32, #tpu.memory_space<vmem_shared>> -> memref<640x64xf32, #tpu.memory_space<vmem_shared>>
        tpu.wait_dma2 semaphore(%run_scoped3A : memref<!tpu.dma_semaphore, #tpu.memory_space<semaphore_mem>>) src(%arg10 : memref<640x64xf32, #tpu.memory_space<hbm>>) dst(%dma_wait3A_49 : memref<640x64xf32, #tpu.memory_space<vmem_shared>>)
        tpu.yield
      }) : () -> ()
      %barrier3A_27 = arith.constant 0 : index
      tpu.barrier barrier_id(%barrier3A_27)
      %dma_start3A_28 = arith.constant 0 : i32
      %dma_start3A_29 = arith.constant 0 : i32
      %dma_start3A_30 = tpu.memref_slice %arg15[%dma_start3A_28, %dma_start3A_29] : memref<158x128xi32, #tpu.memory_space<vmem>> -> memref<1x128xi32, #tpu.memory_space<vmem>>
      %dma_start3A_31 = tpu.memref_squeeze %dma_start3A_30 : memref<1x128xi32, #tpu.memory_space<vmem>> -> memref<128xi32, #tpu.memory_space<vmem>>
      %dma_start3A_32 = arith.constant 0 : i32
      %dma_start3A_33 = arith.constant 0 : i32
      %dma_start3A_34 = tpu.memref_slice %arg5[%dma_start3A_32, %dma_start3A_33] : memref<10000x64xf32, #tpu.memory_space<hbm>> -> memref<10000x64xf32, #tpu.memory_space<hbm>>
      tpu.enqueue_indirect_dma source(%dma_start3A_34 : memref<10000x64xf32, #tpu.memory_space<hbm>>) target(%arg17 : memref<128x64xf32, #tpu.memory_space<vmem>>) offsets(%dma_start3A_31 : memref<128xi32, #tpu.memory_space<vmem>>) semaphore(%arg20 : memref<!tpu.dma_semaphore, #tpu.memory_space<semaphore_mem>>)
      %scan3A_35 = arith.constant 0 : i32
      %scan3A_36 = arith.constant 0 : i32
      %scan3A_37 = arith.constant 79 : i32
      %scan3A_38 = arith.addi %scan3A_36, %scan3A_37 : i32
      %scan3A_39 = arith.constant 1 : i32
      scf.for %scan3A_47 = %scan3A_36 to %scan3A_38 step %scan3A_39  : i32 {
        %mul3A_48 = arith.constant 2 : i32
        %mul3A_49 = arith.muli %scan3A_47, %mul3A_48 : i32
        %add3A = arith.constant 1 : i32
        %add3A_50 = arith.addi %mul3A_49, %add3A : i32
        %dma_start3A_51 = arith.constant 0 : i32
        %dma_start3A_52 = tpu.memref_slice %arg15[%add3A_50, %dma_start3A_51] : memref<158x128xi32, #tpu.memory_space<vmem>> -> memref<1x128xi32, #tpu.memory_space<vmem>>
        %dma_start3A_53 = tpu.memref_squeeze %dma_start3A_52 : memref<1x128xi32, #tpu.memory_space<vmem>> -> memref<128xi32, #tpu.memory_space<vmem>>
        %dma_start3A_54 = arith.constant 0 : i32
        %dma_start3A_55 = arith.constant 0 : i32
        %dma_start3A_56 = tpu.memref_slice %arg5[%dma_start3A_54, %dma_start3A_55] : memref<10000x64xf32, #tpu.memory_space<hbm>> -> memref<10000x64xf32, #tpu.memory_space<hbm>>
        tpu.enqueue_indirect_dma source(%dma_start3A_56 : memref<10000x64xf32, #tpu.memory_space<hbm>>) target(%arg18 : memref<128x64xf32, #tpu.memory_space<vmem>>) offsets(%dma_start3A_53 : memref<128xi32, #tpu.memory_space<vmem>>) semaphore(%arg21 : memref<!tpu.dma_semaphore, #tpu.memory_space<semaphore_mem>>)
        %dma_wait3A = arith.constant 0 : i32
        %dma_wait3A_57 = arith.constant 0 : i32
        %dma_wait3A_58 = tpu.memref_slice %arg5[%dma_wait3A, %dma_wait3A_57] : memref<10000x64xf32, #tpu.memory_space<hbm>> -> memref<128x64xf32, #tpu.memory_space<hbm>>
        %dma_wait3A_59 = arith.constant 0 : i32
        %dma_wait3A_60 = arith.constant 0 : i32
        %dma_wait3A_61 = tpu.memref_slice %arg5[%dma_wait3A_59, %dma_wait3A_60] : memref<10000x64xf32, #tpu.memory_space<hbm>> -> memref<128x64xf32, #tpu.memory_space<hbm>>
        tpu.wait_dma2 semaphore(%arg20 : memref<!tpu.dma_semaphore, #tpu.memory_space<semaphore_mem>>) src(%dma_wait3A_61 : memref<128x64xf32, #tpu.memory_space<hbm>>) dst(%arg17 : memref<128x64xf32, #tpu.memory_space<vmem>>)
        "tpu.region"() ({
          %run_scoped3A = tpu.sem_alloc : memref<!tpu.dma_semaphore, #tpu.memory_space<semaphore_mem>>
          %dma_start3A_76 = arith.constant 0 : i32
          %dma_start3A_77 = tpu.memref_slice %arg16[%mul3A_49, %dma_start3A_76] : memref<158x128xi32, #tpu.memory_space<vmem>> -> memref<1x128xi32, #tpu.memory_space<vmem>>
          %dma_start3A_78 = tpu.memref_squeeze %dma_start3A_77 : memref<1x128xi32, #tpu.memory_space<vmem>> -> memref<128xi32, #tpu.memory_space<vmem>>
          %dma_start3A_79 = arith.constant 0 : i32
          %dma_start3A_80 = arith.constant 0 : i32
          %dma_start3A_81 = tpu.memref_slice %arg19[%dma_start3A_79, %dma_start3A_80] : memref<10240x64xf32, #tpu.memory_space<vmem_shared>> -> memref<10240x64xf32, #tpu.memory_space<vmem_shared>>
          tpu.enqueue_indirect_dma source(%arg17 : memref<128x64xf32, #tpu.memory_space<vmem>>) target(%dma_start3A_81 : memref<10240x64xf32, #tpu.memory_space<vmem_shared>>) offsets(%dma_start3A_78 : memref<128xi32, #tpu.memory_space<vmem>>) semaphore(%run_scoped3A : memref<!tpu.dma_semaphore, #tpu.memory_space<semaphore_mem>>) {add = true}
          %dma_wait3A_82 = arith.constant 0 : i32
          %dma_wait3A_83 = tpu.memref_slice %arg16[%mul3A_49, %dma_wait3A_82] : memref<158x128xi32, #tpu.memory_space<vmem>> -> memref<1x128xi32, #tpu.memory_space<vmem>>
          %dma_wait3A_84 = tpu.memref_squeeze %dma_wait3A_83 : memref<1x128xi32, #tpu.memory_space<vmem>> -> memref<128xi32, #tpu.memory_space<vmem>>
          %dma_wait3A_85 = arith.constant 0 : i32
          %dma_wait3A_86 = arith.constant 0 : i32
          %dma_wait3A_87 = tpu.memref_slice %arg19[%dma_wait3A_85, %dma_wait3A_86] : memref<10240x64xf32, #tpu.memory_space<vmem_shared>> -> memref<10240x64xf32, #tpu.memory_space<vmem_shared>>
          tpu.wait_indirect_dma semaphore(%run_scoped3A : memref<!tpu.dma_semaphore, #tpu.memory_space<semaphore_mem>>) src(%arg17 : memref<128x64xf32, #tpu.memory_space<vmem>>) dst(%dma_wait3A_87 : memref<10240x64xf32, #tpu.memory_space<vmem_shared>>)
          tpu.yield
        }) : () -> ()
        %add3A_62 = arith.constant 2 : i32
        %add3A_63 = arith.addi %mul3A_49, %add3A_62 : i32
        %lt3A = arith.constant 158 : i32
        %lt3A_64 = arith.cmpi slt, %add3A_63, %lt3A : i32
        %convert_element_type3A_65 = arith.extui %lt3A_64 : i1 to i32
        %cond3A_66 = arith.constant 0 : i32
        %cond3A_67 = arith.cmpi ne, %convert_element_type3A_65, %cond3A_66 : i32
        scf.if %cond3A_67 {
          %add3A_76 = arith.constant 2 : i32
          %add3A_77 = arith.addi %mul3A_49, %add3A_76 : i32
          %dma_start3A_78 = arith.constant 0 : i32
          %dma_start3A_79 = tpu.memref_slice %arg15[%add3A_77, %dma_start3A_78] : memref<158x128xi32, #tpu.memory_space<vmem>> -> memref<1x128xi32, #tpu.memory_space<vmem>>
          %dma_start3A_80 = tpu.memref_squeeze %dma_start3A_79 : memref<1x128xi32, #tpu.memory_space<vmem>> -> memref<128xi32, #tpu.memory_space<vmem>>
          %dma_start3A_81 = arith.constant 0 : i32
          %dma_start3A_82 = arith.constant 0 : i32
          %dma_start3A_83 = tpu.memref_slice %arg5[%dma_start3A_81, %dma_start3A_82] : memref<10000x64xf32, #tpu.memory_space<hbm>> -> memref<10000x64xf32, #tpu.memory_space<hbm>>
          tpu.enqueue_indirect_dma source(%dma_start3A_83 : memref<10000x64xf32, #tpu.memory_space<hbm>>) target(%arg17 : memref<128x64xf32, #tpu.memory_space<vmem>>) offsets(%dma_start3A_80 : memref<128xi32, #tpu.memory_space<vmem>>) semaphore(%arg20 : memref<!tpu.dma_semaphore, #tpu.memory_space<semaphore_mem>>)
        } else {
        }
        %dma_wait3A_68 = arith.constant 0 : i32
        %dma_wait3A_69 = arith.constant 0 : i32
        %dma_wait3A_70 = tpu.memref_slice %arg5[%dma_wait3A_68, %dma_wait3A_69] : memref<10000x64xf32, #tpu.memory_space<hbm>> -> memref<128x64xf32, #tpu.memory_space<hbm>>
        %dma_wait3A_71 = arith.constant 0 : i32
        %dma_wait3A_72 = arith.constant 0 : i32
        %dma_wait3A_73 = tpu.memref_slice %arg5[%dma_wait3A_71, %dma_wait3A_72] : memref<10000x64xf32, #tpu.memory_space<hbm>> -> memref<128x64xf32, #tpu.memory_space<hbm>>
        tpu.wait_dma2 semaphore(%arg21 : memref<!tpu.dma_semaphore, #tpu.memory_space<semaphore_mem>>) src(%dma_wait3A_73 : memref<128x64xf32, #tpu.memory_space<hbm>>) dst(%arg18 : memref<128x64xf32, #tpu.memory_space<vmem>>)
        %add3A_74 = arith.constant 1 : i32
        %add3A_75 = arith.addi %mul3A_49, %add3A_74 : i32
        "tpu.region"() ({
          %run_scoped3A = tpu.sem_alloc : memref<!tpu.dma_semaphore, #tpu.memory_space<semaphore_mem>>
          %dma_start3A_76 = arith.constant 0 : i32
          %dma_start3A_77 = tpu.memref_slice %arg16[%add3A_75, %dma_start3A_76] : memref<158x128xi32, #tpu.memory_space<vmem>> -> memref<1x128xi32, #tpu.memory_space<vmem>>
          %dma_start3A_78 = tpu.memref_squeeze %dma_start3A_77 : memref<1x128xi32, #tpu.memory_space<vmem>> -> memref<128xi32, #tpu.memory_space<vmem>>
          %dma_start3A_79 = arith.constant 0 : i32
          %dma_start3A_80 = arith.constant 0 : i32
          %dma_start3A_81 = tpu.memref_slice %arg19[%dma_start3A_79, %dma_start3A_80] : memref<10240x64xf32, #tpu.memory_space<vmem_shared>> -> memref<10240x64xf32, #tpu.memory_space<vmem_shared>>
          tpu.enqueue_indirect_dma source(%arg18 : memref<128x64xf32, #tpu.memory_space<vmem>>) target(%dma_start3A_81 : memref<10240x64xf32, #tpu.memory_space<vmem_shared>>) offsets(%dma_start3A_78 : memref<128xi32, #tpu.memory_space<vmem>>) semaphore(%run_scoped3A : memref<!tpu.dma_semaphore, #tpu.memory_space<semaphore_mem>>) {add = true}
          %dma_wait3A_82 = arith.constant 0 : i32
          %dma_wait3A_83 = tpu.memref_slice %arg16[%add3A_75, %dma_wait3A_82] : memref<158x128xi32, #tpu.memory_space<vmem>> -> memref<1x128xi32, #tpu.memory_space<vmem>>
          %dma_wait3A_84 = tpu.memref_squeeze %dma_wait3A_83 : memref<1x128xi32, #tpu.memory_space<vmem>> -> memref<128xi32, #tpu.memory_space<vmem>>
          %dma_wait3A_85 = arith.constant 0 : i32
          %dma_wait3A_86 = arith.constant 0 : i32
          %dma_wait3A_87 = tpu.memref_slice %arg19[%dma_wait3A_85, %dma_wait3A_86] : memref<10240x64xf32, #tpu.memory_space<vmem_shared>> -> memref<10240x64xf32, #tpu.memory_space<vmem_shared>>
          tpu.wait_indirect_dma semaphore(%run_scoped3A : memref<!tpu.dma_semaphore, #tpu.memory_space<semaphore_mem>>) src(%arg18 : memref<128x64xf32, #tpu.memory_space<vmem>>) dst(%dma_wait3A_87 : memref<10240x64xf32, #tpu.memory_space<vmem_shared>>)
          tpu.yield
        }) : () -> ()
      }
      %scan3A_40 = arith.constant 79 : i32
      %barrier3A_41 = arith.constant 0 : index
      tpu.barrier barrier_id(%barrier3A_41)
      %mul3A_42 = arith.constant 640 : i32
      %mul3A_43 = arith.muli %arg1, %mul3A_42 : i32
      %mul3A_44 = arith.constant 640 : i32
      %mul3A_45 = arith.muli %arg1, %mul3A_44 : i32
      "tpu.region"() ({
        %run_scoped3A = tpu.sem_alloc : memref<!tpu.dma_semaphore, #tpu.memory_space<semaphore_mem>>
        %dma_start3A_47 = arith.constant 0 : i32
        %dma_start3A_48 = tpu.memref_slice %arg14[%mul3A_45, %dma_start3A_47] : memref<10240x64xf32, #tpu.memory_space<hbm>> -> memref<640x64xf32, #tpu.memory_space<hbm>>
        %dma_start3A_49 = arith.constant 0 : i32
        %dma_start3A_50 = tpu.memref_slice %arg19[%mul3A_43, %dma_start3A_49] : memref<10240x64xf32, #tpu.memory_space<vmem_shared>> -> memref<640x64xf32, #tpu.memory_space<vmem_shared>>
        tpu.enqueue_dma source(%dma_start3A_50 : memref<640x64xf32, #tpu.memory_space<vmem_shared>>) target(%dma_start3A_48 : memref<640x64xf32, #tpu.memory_space<hbm>>) target_semaphore(%run_scoped3A : memref<!tpu.dma_semaphore, #tpu.memory_space<semaphore_mem>>)
        %dma_wait3A = arith.constant 0 : i32
        %dma_wait3A_51 = tpu.memref_slice %arg14[%mul3A_45, %dma_wait3A] : memref<10240x64xf32, #tpu.memory_space<hbm>> -> memref<640x64xf32, #tpu.memory_space<hbm>>
        %dma_wait3A_52 = arith.constant 0 : i32
        %dma_wait3A_53 = tpu.memref_slice %arg19[%mul3A_43, %dma_wait3A_52] : memref<10240x64xf32, #tpu.memory_space<vmem_shared>> -> memref<640x64xf32, #tpu.memory_space<vmem_shared>>
        tpu.wait_dma2 semaphore(%run_scoped3A : memref<!tpu.dma_semaphore, #tpu.memory_space<semaphore_mem>>) src(%dma_wait3A_53 : memref<640x64xf32, #tpu.memory_space<vmem_shared>>) dst(%dma_wait3A_51 : memref<640x64xf32, #tpu.memory_space<hbm>>)
        tpu.yield
      }) : () -> ()
      %barrier3A_46 = arith.constant 0 : index
      tpu.barrier barrier_id(%barrier3A_46)
    } else {
    }
    return
  }
}

#map = affine_map<(d0, d1) -> (0, 0)>
#map1 = affine_map<(d0, d1) -> (0, 0, 0)>
module attributes {stable_mosaic.version = 14 : i64} {
  func.func @_agg_body(%arg0: i32, %arg1: i32, %arg2: memref<10000x64xf32, #tpu.memory_space<hbm>>, %arg3: memref<10000x64xf32, #tpu.memory_space<hbm>>, %arg4: memref<10000x64xf32, #tpu.memory_space<hbm>>, %arg5: memref<10000x64xf32, #tpu.memory_space<hbm>>, %arg6: memref<16x158x128xi32, #tpu.memory_space<hbm>>, %arg7: memref<16x158x128xi32, #tpu.memory_space<hbm>>, %arg8: memref<16x158x128xi32, #tpu.memory_space<hbm>>, %arg9: memref<16x158x128xi32, #tpu.memory_space<hbm>>, %arg10: memref<640x64xf32, #tpu.memory_space<hbm>>, %arg11: memref<10240x64xf32, #tpu.memory_space<hbm>>, %arg12: memref<10240x64xf32, #tpu.memory_space<hbm>>, %arg13: memref<10240x64xf32, #tpu.memory_space<hbm>>, %arg14: memref<10240x64xf32, #tpu.memory_space<hbm>>, %arg15: memref<158x128xi32, #tpu.memory_space<vmem>>, %arg16: memref<158x128xi32, #tpu.memory_space<vmem>>, %arg17: memref<128x64xf32, #tpu.memory_space<vmem>>, %arg18: memref<128x64xf32, #tpu.memory_space<vmem>>, %arg19: memref<10240x64xf32, #tpu.memory_space<vmem_shared>>, %arg20: memref<!tpu.dma_semaphore, #tpu.memory_space<semaphore_mem>>, %arg21: memref<!tpu.dma_semaphore, #tpu.memory_space<semaphore_mem>>) attributes {dimension_semantics = [#tpu.dimension_semantics<core_parallel>, #tpu.dimension_semantics<subcore_parallel>], iteration_bounds = array<i64: 2, 16>, scalar_prefetch = 0 : i64, scratch_operands = 7 : i64, tpu.core_type = #tpu.core_type<sc_vector_subcore>, window_params = [{transform_indices = #map}, {transform_indices = #map}, {transform_indices = #map}, {transform_indices = #map}, {transform_indices = #map1}, {transform_indices = #map1}, {transform_indices = #map1}, {transform_indices = #map1}, {transform_indices = #map}, {transform_indices = #map}, {transform_indices = #map}, {transform_indices = #map}, {transform_indices = #map}]} {
    %eq3A = arith.constant 0 : i32
    %eq3A_0 = arith.cmpi eq, %arg0, %eq3A : i32
    %convert_element_type3A = arith.extui %eq3A_0 : i1 to i32
    %cond3A = arith.constant 0 : i32
    %cond3A_1 = arith.cmpi ne, %convert_element_type3A, %cond3A : i32
    scf.if %cond3A_1 {
      "tpu.region"() ({
        %run_scoped3A = tpu.sem_alloc : memref<!tpu.dma_semaphore, #tpu.memory_space<semaphore_mem>>
        %dma_start3A_47 = arith.constant 0 : i32
        %dma_start3A_48 = arith.constant 0 : i32
        %dma_start3A_49 = tpu.memref_slice %arg6[%arg1, %dma_start3A_47, %dma_start3A_48] : memref<16x158x128xi32, #tpu.memory_space<hbm>> -> memref<1x158x128xi32, #tpu.memory_space<hbm>>
        %dma_start3A_50 = tpu.memref_squeeze %dma_start3A_49 : memref<1x158x128xi32, #tpu.memory_space<hbm>> -> memref<158x128xi32, #tpu.memory_space<hbm>>
        %dma_start3A_51 = arith.constant 0 : i32
        %dma_start3A_52 = arith.constant 0 : i32
        %dma_start3A_53 = tpu.memref_slice %arg6[%arg1, %dma_start3A_51, %dma_start3A_52] : memref<16x158x128xi32, #tpu.memory_space<hbm>> -> memref<1x158x128xi32, #tpu.memory_space<hbm>>
        %dma_start3A_54 = tpu.memref_squeeze %dma_start3A_53 : memref<1x158x128xi32, #tpu.memory_space<hbm>> -> memref<158x128xi32, #tpu.memory_space<hbm>>
        tpu.enqueue_dma source(%dma_start3A_54 : memref<158x128xi32, #tpu.memory_space<hbm>>) target(%arg15 : memref<158x128xi32, #tpu.memory_space<vmem>>) target_semaphore(%run_scoped3A : memref<!tpu.dma_semaphore, #tpu.memory_space<semaphore_mem>>)
        %dma_wait3A = arith.constant 0 : i32
        %dma_wait3A_55 = arith.constant 0 : i32
        %dma_wait3A_56 = tpu.memref_slice %arg6[%arg1, %dma_wait3A, %dma_wait3A_55] : memref<16x158x128xi32, #tpu.memory_space<hbm>> -> memref<1x158x128xi32, #tpu.memory_space<hbm>>
        %dma_wait3A_57 = tpu.memref_squeeze %dma_wait3A_56 : memref<1x158x128xi32, #tpu.memory_space<hbm>> -> memref<158x128xi32, #tpu.memory_space<hbm>>
        %dma_wait3A_58 = arith.constant 0 : i32
        %dma_wait3A_59 = arith.constant 0 : i32
        %dma_wait3A_60 = tpu.memref_slice %arg6[%arg1, %dma_wait3A_58, %dma_wait3A_59] : memref<16x158x128xi32, #tpu.memory_space<hbm>> -> memref<1x158x128xi32, #tpu.memory_space<hbm>>
        %dma_wait3A_61 = tpu.memref_squeeze %dma_wait3A_60 : memref<1x158x128xi32, #tpu.memory_space<hbm>> -> memref<158x128xi32, #tpu.memory_space<hbm>>
        tpu.wait_dma2 semaphore(%run_scoped3A : memref<!tpu.dma_semaphore, #tpu.memory_space<semaphore_mem>>) src(%dma_wait3A_61 : memref<158x128xi32, #tpu.memory_space<hbm>>) dst(%arg15 : memref<158x128xi32, #tpu.memory_space<vmem>>)
        tpu.yield
      }) : () -> ()
      "tpu.region"() ({
        %run_scoped3A = tpu.sem_alloc : memref<!tpu.dma_semaphore, #tpu.memory_space<semaphore_mem>>
        %dma_start3A_47 = arith.constant 0 : i32
        %dma_start3A_48 = arith.constant 0 : i32
        %dma_start3A_49 = tpu.memref_slice %arg7[%arg1, %dma_start3A_47, %dma_start3A_48] : memref<16x158x128xi32, #tpu.memory_space<hbm>> -> memref<1x158x128xi32, #tpu.memory_space<hbm>>
        %dma_start3A_50 = tpu.memref_squeeze %dma_start3A_49 : memref<1x158x128xi32, #tpu.memory_space<hbm>> -> memref<158x128xi32, #tpu.memory_space<hbm>>
        %dma_start3A_51 = arith.constant 0 : i32
        %dma_start3A_52 = arith.constant 0 : i32
        %dma_start3A_53 = tpu.memref_slice %arg7[%arg1, %dma_start3A_51, %dma_start3A_52] : memref<16x158x128xi32, #tpu.memory_space<hbm>> -> memref<1x158x128xi32, #tpu.memory_space<hbm>>
        %dma_start3A_54 = tpu.memref_squeeze %dma_start3A_53 : memref<1x158x128xi32, #tpu.memory_space<hbm>> -> memref<158x128xi32, #tpu.memory_space<hbm>>
        tpu.enqueue_dma source(%dma_start3A_54 : memref<158x128xi32, #tpu.memory_space<hbm>>) target(%arg16 : memref<158x128xi32, #tpu.memory_space<vmem>>) target_semaphore(%run_scoped3A : memref<!tpu.dma_semaphore, #tpu.memory_space<semaphore_mem>>)
        %dma_wait3A = arith.constant 0 : i32
        %dma_wait3A_55 = arith.constant 0 : i32
        %dma_wait3A_56 = tpu.memref_slice %arg7[%arg1, %dma_wait3A, %dma_wait3A_55] : memref<16x158x128xi32, #tpu.memory_space<hbm>> -> memref<1x158x128xi32, #tpu.memory_space<hbm>>
        %dma_wait3A_57 = tpu.memref_squeeze %dma_wait3A_56 : memref<1x158x128xi32, #tpu.memory_space<hbm>> -> memref<158x128xi32, #tpu.memory_space<hbm>>
        %dma_wait3A_58 = arith.constant 0 : i32
        %dma_wait3A_59 = arith.constant 0 : i32
        %dma_wait3A_60 = tpu.memref_slice %arg7[%arg1, %dma_wait3A_58, %dma_wait3A_59] : memref<16x158x128xi32, #tpu.memory_space<hbm>> -> memref<1x158x128xi32, #tpu.memory_space<hbm>>
        %dma_wait3A_61 = tpu.memref_squeeze %dma_wait3A_60 : memref<1x158x128xi32, #tpu.memory_space<hbm>> -> memref<158x128xi32, #tpu.memory_space<hbm>>
        tpu.wait_dma2 semaphore(%run_scoped3A : memref<!tpu.dma_semaphore, #tpu.memory_space<semaphore_mem>>) src(%dma_wait3A_61 : memref<158x128xi32, #tpu.memory_space<hbm>>) dst(%arg16 : memref<158x128xi32, #tpu.memory_space<vmem>>)
        tpu.yield
      }) : () -> ()
      %mul3A = arith.constant 640 : i32
      %mul3A_7 = arith.muli %arg1, %mul3A : i32
      "tpu.region"() ({
        %run_scoped3A = tpu.sem_alloc : memref<!tpu.dma_semaphore, #tpu.memory_space<semaphore_mem>>
        %dma_start3A_47 = arith.constant 0 : i32
        %dma_start3A_48 = tpu.memref_slice %arg19[%mul3A_7, %dma_start3A_47] : memref<10240x64xf32, #tpu.memory_space<vmem_shared>> -> memref<640x64xf32, #tpu.memory_space<vmem_shared>>
        tpu.enqueue_dma source(%arg10 : memref<640x64xf32, #tpu.memory_space<hbm>>) target(%dma_start3A_48 : memref<640x64xf32, #tpu.memory_space<vmem_shared>>) target_semaphore(%run_scoped3A : memref<!tpu.dma_semaphore, #tpu.memory_space<semaphore_mem>>)
        %dma_wait3A = arith.constant 0 : i32
        %dma_wait3A_49 = tpu.memref_slice %arg19[%mul3A_7, %dma_wait3A] : memref<10240x64xf32, #tpu.memory_space<vmem_shared>> -> memref<640x64xf32, #tpu.memory_space<vmem_shared>>
        tpu.wait_dma2 semaphore(%run_scoped3A : memref<!tpu.dma_semaphore, #tpu.memory_space<semaphore_mem>>) src(%arg10 : memref<640x64xf32, #tpu.memory_space<hbm>>) dst(%dma_wait3A_49 : memref<640x64xf32, #tpu.memory_space<vmem_shared>>)
        tpu.yield
      }) : () -> ()
      %barrier3A = arith.constant 0 : index
      tpu.barrier barrier_id(%barrier3A)
      %dma_start3A = arith.constant 0 : i32
      %dma_start3A_8 = arith.constant 0 : i32
      %dma_start3A_9 = tpu.memref_slice %arg15[%dma_start3A, %dma_start3A_8] : memref<158x128xi32, #tpu.memory_space<vmem>> -> memref<1x128xi32, #tpu.memory_space<vmem>>
      %dma_start3A_10 = tpu.memref_squeeze %dma_start3A_9 : memref<1x128xi32, #tpu.memory_space<vmem>> -> memref<128xi32, #tpu.memory_space<vmem>>
      %dma_start3A_11 = arith.constant 0 : i32
      %dma_start3A_12 = arith.constant 0 : i32
      %dma_start3A_13 = tpu.memref_slice %arg2[%dma_start3A_11, %dma_start3A_12] : memref<10000x64xf32, #tpu.memory_space<hbm>> -> memref<10000x64xf32, #tpu.memory_space<hbm>>
      tpu.enqueue_indirect_dma source(%dma_start3A_13 : memref<10000x64xf32, #tpu.memory_space<hbm>>) target(%arg17 : memref<128x64xf32, #tpu.memory_space<vmem>>) offsets(%dma_start3A_10 : memref<128xi32, #tpu.memory_space<vmem>>) semaphore(%arg20 : memref<!tpu.dma_semaphore, #tpu.memory_space<semaphore_mem>>)
      %scan3A = arith.constant 0 : i32
      %scan3A_14 = arith.constant 0 : i32
      %scan3A_15 = arith.constant 79 : i32
      %scan3A_16 = arith.addi %scan3A_14, %scan3A_15 : i32
      %scan3A_17 = arith.constant 1 : i32
      scf.for %scan3A_47 = %scan3A_14 to %scan3A_16 step %scan3A_17  : i32 {
        %mul3A_48 = arith.constant 2 : i32
        %mul3A_49 = arith.muli %scan3A_47, %mul3A_48 : i32
        %add3A = arith.constant 1 : i32
        %add3A_50 = arith.addi %mul3A_49, %add3A : i32
        %dma_start3A_51 = arith.constant 0 : i32
        %dma_start3A_52 = tpu.memref_slice %arg15[%add3A_50, %dma_start3A_51] : memref<158x128xi32, #tpu.memory_space<vmem>> -> memref<1x128xi32, #tpu.memory_space<vmem>>
        %dma_start3A_53 = tpu.memref_squeeze %dma_start3A_52 : memref<1x128xi32, #tpu.memory_space<vmem>> -> memref<128xi32, #tpu.memory_space<vmem>>
        %dma_start3A_54 = arith.constant 0 : i32
        %dma_start3A_55 = arith.constant 0 : i32
        %dma_start3A_56 = tpu.memref_slice %arg2[%dma_start3A_54, %dma_start3A_55] : memref<10000x64xf32, #tpu.memory_space<hbm>> -> memref<10000x64xf32, #tpu.memory_space<hbm>>
        tpu.enqueue_indirect_dma source(%dma_start3A_56 : memref<10000x64xf32, #tpu.memory_space<hbm>>) target(%arg18 : memref<128x64xf32, #tpu.memory_space<vmem>>) offsets(%dma_start3A_53 : memref<128xi32, #tpu.memory_space<vmem>>) semaphore(%arg21 : memref<!tpu.dma_semaphore, #tpu.memory_space<semaphore_mem>>)
        %dma_wait3A = arith.constant 0 : i32
        %dma_wait3A_57 = arith.constant 0 : i32
        %dma_wait3A_58 = tpu.memref_slice %arg2[%dma_wait3A, %dma_wait3A_57] : memref<10000x64xf32, #tpu.memory_space<hbm>> -> memref<128x64xf32, #tpu.memory_space<hbm>>
        %dma_wait3A_59 = arith.constant 0 : i32
        %dma_wait3A_60 = arith.constant 0 : i32
        %dma_wait3A_61 = tpu.memref_slice %arg2[%dma_wait3A_59, %dma_wait3A_60] : memref<10000x64xf32, #tpu.memory_space<hbm>> -> memref<128x64xf32, #tpu.memory_space<hbm>>
        tpu.wait_dma2 semaphore(%arg20 : memref<!tpu.dma_semaphore, #tpu.memory_space<semaphore_mem>>) src(%dma_wait3A_61 : memref<128x64xf32, #tpu.memory_space<hbm>>) dst(%arg17 : memref<128x64xf32, #tpu.memory_space<vmem>>)
        "tpu.region"() ({
          %run_scoped3A = tpu.sem_alloc : memref<!tpu.dma_semaphore, #tpu.memory_space<semaphore_mem>>
          %dma_start3A_76 = arith.constant 0 : i32
          %dma_start3A_77 = tpu.memref_slice %arg16[%mul3A_49, %dma_start3A_76] : memref<158x128xi32, #tpu.memory_space<vmem>> -> memref<1x128xi32, #tpu.memory_space<vmem>>
          %dma_start3A_78 = tpu.memref_squeeze %dma_start3A_77 : memref<1x128xi32, #tpu.memory_space<vmem>> -> memref<128xi32, #tpu.memory_space<vmem>>
          %dma_start3A_79 = arith.constant 0 : i32
          %dma_start3A_80 = arith.constant 0 : i32
          %dma_start3A_81 = tpu.memref_slice %arg19[%dma_start3A_79, %dma_start3A_80] : memref<10240x64xf32, #tpu.memory_space<vmem_shared>> -> memref<10240x64xf32, #tpu.memory_space<vmem_shared>>
          tpu.enqueue_indirect_dma source(%arg17 : memref<128x64xf32, #tpu.memory_space<vmem>>) target(%dma_start3A_81 : memref<10240x64xf32, #tpu.memory_space<vmem_shared>>) offsets(%dma_start3A_78 : memref<128xi32, #tpu.memory_space<vmem>>) semaphore(%run_scoped3A : memref<!tpu.dma_semaphore, #tpu.memory_space<semaphore_mem>>) {add = true}
          %dma_wait3A_82 = arith.constant 0 : i32
          %dma_wait3A_83 = tpu.memref_slice %arg16[%mul3A_49, %dma_wait3A_82] : memref<158x128xi32, #tpu.memory_space<vmem>> -> memref<1x128xi32, #tpu.memory_space<vmem>>
          %dma_wait3A_84 = tpu.memref_squeeze %dma_wait3A_83 : memref<1x128xi32, #tpu.memory_space<vmem>> -> memref<128xi32, #tpu.memory_space<vmem>>
          %dma_wait3A_85 = arith.constant 0 : i32
          %dma_wait3A_86 = arith.constant 0 : i32
          %dma_wait3A_87 = tpu.memref_slice %arg19[%dma_wait3A_85, %dma_wait3A_86] : memref<10240x64xf32, #tpu.memory_space<vmem_shared>> -> memref<10240x64xf32, #tpu.memory_space<vmem_shared>>
          tpu.wait_indirect_dma semaphore(%run_scoped3A : memref<!tpu.dma_semaphore, #tpu.memory_space<semaphore_mem>>) src(%arg17 : memref<128x64xf32, #tpu.memory_space<vmem>>) dst(%dma_wait3A_87 : memref<10240x64xf32, #tpu.memory_space<vmem_shared>>)
          tpu.yield
        }) : () -> ()
        %add3A_62 = arith.constant 2 : i32
        %add3A_63 = arith.addi %mul3A_49, %add3A_62 : i32
        %lt3A = arith.constant 158 : i32
        %lt3A_64 = arith.cmpi slt, %add3A_63, %lt3A : i32
        %convert_element_type3A_65 = arith.extui %lt3A_64 : i1 to i32
        %cond3A_66 = arith.constant 0 : i32
        %cond3A_67 = arith.cmpi ne, %convert_element_type3A_65, %cond3A_66 : i32
        scf.if %cond3A_67 {
          %add3A_76 = arith.constant 2 : i32
          %add3A_77 = arith.addi %mul3A_49, %add3A_76 : i32
          %dma_start3A_78 = arith.constant 0 : i32
          %dma_start3A_79 = tpu.memref_slice %arg15[%add3A_77, %dma_start3A_78] : memref<158x128xi32, #tpu.memory_space<vmem>> -> memref<1x128xi32, #tpu.memory_space<vmem>>
          %dma_start3A_80 = tpu.memref_squeeze %dma_start3A_79 : memref<1x128xi32, #tpu.memory_space<vmem>> -> memref<128xi32, #tpu.memory_space<vmem>>
          %dma_start3A_81 = arith.constant 0 : i32
          %dma_start3A_82 = arith.constant 0 : i32
          %dma_start3A_83 = tpu.memref_slice %arg2[%dma_start3A_81, %dma_start3A_82] : memref<10000x64xf32, #tpu.memory_space<hbm>> -> memref<10000x64xf32, #tpu.memory_space<hbm>>
          tpu.enqueue_indirect_dma source(%dma_start3A_83 : memref<10000x64xf32, #tpu.memory_space<hbm>>) target(%arg17 : memref<128x64xf32, #tpu.memory_space<vmem>>) offsets(%dma_start3A_80 : memref<128xi32, #tpu.memory_space<vmem>>) semaphore(%arg20 : memref<!tpu.dma_semaphore, #tpu.memory_space<semaphore_mem>>)
        } else {
        }
        %dma_wait3A_68 = arith.constant 0 : i32
        %dma_wait3A_69 = arith.constant 0 : i32
        %dma_wait3A_70 = tpu.memref_slice %arg2[%dma_wait3A_68, %dma_wait3A_69] : memref<10000x64xf32, #tpu.memory_space<hbm>> -> memref<128x64xf32, #tpu.memory_space<hbm>>
        %dma_wait3A_71 = arith.constant 0 : i32
        %dma_wait3A_72 = arith.constant 0 : i32
        %dma_wait3A_73 = tpu.memref_slice %arg2[%dma_wait3A_71, %dma_wait3A_72] : memref<10000x64xf32, #tpu.memory_space<hbm>> -> memref<128x64xf32, #tpu.memory_space<hbm>>
        tpu.wait_dma2 semaphore(%arg21 : memref<!tpu.dma_semaphore, #tpu.memory_space<semaphore_mem>>) src(%dma_wait3A_73 : memref<128x64xf32, #tpu.memory_space<hbm>>) dst(%arg18 : memref<128x64xf32, #tpu.memory_space<vmem>>)
        %add3A_74 = arith.constant 1 : i32
        %add3A_75 = arith.addi %mul3A_49, %add3A_74 : i32
        "tpu.region"() ({
          %run_scoped3A = tpu.sem_alloc : memref<!tpu.dma_semaphore, #tpu.memory_space<semaphore_mem>>
          %dma_start3A_76 = arith.constant 0 : i32
          %dma_start3A_77 = tpu.memref_slice %arg16[%add3A_75, %dma_start3A_76] : memref<158x128xi32, #tpu.memory_space<vmem>> -> memref<1x128xi32, #tpu.memory_space<vmem>>
          %dma_start3A_78 = tpu.memref_squeeze %dma_start3A_77 : memref<1x128xi32, #tpu.memory_space<vmem>> -> memref<128xi32, #tpu.memory_space<vmem>>
          %dma_start3A_79 = arith.constant 0 : i32
          %dma_start3A_80 = arith.constant 0 : i32
          %dma_start3A_81 = tpu.memref_slice %arg19[%dma_start3A_79, %dma_start3A_80] : memref<10240x64xf32, #tpu.memory_space<vmem_shared>> -> memref<10240x64xf32, #tpu.memory_space<vmem_shared>>
          tpu.enqueue_indirect_dma source(%arg18 : memref<128x64xf32, #tpu.memory_space<vmem>>) target(%dma_start3A_81 : memref<10240x64xf32, #tpu.memory_space<vmem_shared>>) offsets(%dma_start3A_78 : memref<128xi32, #tpu.memory_space<vmem>>) semaphore(%run_scoped3A : memref<!tpu.dma_semaphore, #tpu.memory_space<semaphore_mem>>) {add = true}
          %dma_wait3A_82 = arith.constant 0 : i32
          %dma_wait3A_83 = tpu.memref_slice %arg16[%add3A_75, %dma_wait3A_82] : memref<158x128xi32, #tpu.memory_space<vmem>> -> memref<1x128xi32, #tpu.memory_space<vmem>>
          %dma_wait3A_84 = tpu.memref_squeeze %dma_wait3A_83 : memref<1x128xi32, #tpu.memory_space<vmem>> -> memref<128xi32, #tpu.memory_space<vmem>>
          %dma_wait3A_85 = arith.constant 0 : i32
          %dma_wait3A_86 = arith.constant 0 : i32
          %dma_wait3A_87 = tpu.memref_slice %arg19[%dma_wait3A_85, %dma_wait3A_86] : memref<10240x64xf32, #tpu.memory_space<vmem_shared>> -> memref<10240x64xf32, #tpu.memory_space<vmem_shared>>
          tpu.wait_indirect_dma semaphore(%run_scoped3A : memref<!tpu.dma_semaphore, #tpu.memory_space<semaphore_mem>>) src(%arg18 : memref<128x64xf32, #tpu.memory_space<vmem>>) dst(%dma_wait3A_87 : memref<10240x64xf32, #tpu.memory_space<vmem_shared>>)
          tpu.yield
        }) : () -> ()
      }
      %scan3A_18 = arith.constant 79 : i32
      %barrier3A_19 = arith.constant 0 : index
      tpu.barrier barrier_id(%barrier3A_19)
      %mul3A_20 = arith.constant 640 : i32
      %mul3A_21 = arith.muli %arg1, %mul3A_20 : i32
      %mul3A_22 = arith.constant 640 : i32
      %mul3A_23 = arith.muli %arg1, %mul3A_22 : i32
      "tpu.region"() ({
        %run_scoped3A = tpu.sem_alloc : memref<!tpu.dma_semaphore, #tpu.memory_space<semaphore_mem>>
        %dma_start3A_47 = arith.constant 0 : i32
        %dma_start3A_48 = tpu.memref_slice %arg11[%mul3A_23, %dma_start3A_47] : memref<10240x64xf32, #tpu.memory_space<hbm>> -> memref<640x64xf32, #tpu.memory_space<hbm>>
        %dma_start3A_49 = arith.constant 0 : i32
        %dma_start3A_50 = tpu.memref_slice %arg19[%mul3A_21, %dma_start3A_49] : memref<10240x64xf32, #tpu.memory_space<vmem_shared>> -> memref<640x64xf32, #tpu.memory_space<vmem_shared>>
        tpu.enqueue_dma source(%dma_start3A_50 : memref<640x64xf32, #tpu.memory_space<vmem_shared>>) target(%dma_start3A_48 : memref<640x64xf32, #tpu.memory_space<hbm>>) target_semaphore(%run_scoped3A : memref<!tpu.dma_semaphore, #tpu.memory_space<semaphore_mem>>)
        %dma_wait3A = arith.constant 0 : i32
        %dma_wait3A_51 = tpu.memref_slice %arg11[%mul3A_23, %dma_wait3A] : memref<10240x64xf32, #tpu.memory_space<hbm>> -> memref<640x64xf32, #tpu.memory_space<hbm>>
        %dma_wait3A_52 = arith.constant 0 : i32
        %dma_wait3A_53 = tpu.memref_slice %arg19[%mul3A_21, %dma_wait3A_52] : memref<10240x64xf32, #tpu.memory_space<vmem_shared>> -> memref<640x64xf32, #tpu.memory_space<vmem_shared>>
        tpu.wait_dma2 semaphore(%run_scoped3A : memref<!tpu.dma_semaphore, #tpu.memory_space<semaphore_mem>>) src(%dma_wait3A_53 : memref<640x64xf32, #tpu.memory_space<vmem_shared>>) dst(%dma_wait3A_51 : memref<640x64xf32, #tpu.memory_space<hbm>>)
        tpu.yield
      }) : () -> ()
      %barrier3A_24 = arith.constant 0 : index
      tpu.barrier barrier_id(%barrier3A_24)
      %mul3A_25 = arith.constant 640 : i32
      %mul3A_26 = arith.muli %arg1, %mul3A_25 : i32
      "tpu.region"() ({
        %run_scoped3A = tpu.sem_alloc : memref<!tpu.dma_semaphore, #tpu.memory_space<semaphore_mem>>
        %dma_start3A_47 = arith.constant 0 : i32
        %dma_start3A_48 = tpu.memref_slice %arg19[%mul3A_26, %dma_start3A_47] : memref<10240x64xf32, #tpu.memory_space<vmem_shared>> -> memref<640x64xf32, #tpu.memory_space<vmem_shared>>
        tpu.enqueue_dma source(%arg10 : memref<640x64xf32, #tpu.memory_space<hbm>>) target(%dma_start3A_48 : memref<640x64xf32, #tpu.memory_space<vmem_shared>>) target_semaphore(%run_scoped3A : memref<!tpu.dma_semaphore, #tpu.memory_space<semaphore_mem>>)
        %dma_wait3A = arith.constant 0 : i32
        %dma_wait3A_49 = tpu.memref_slice %arg19[%mul3A_26, %dma_wait3A] : memref<10240x64xf32, #tpu.memory_space<vmem_shared>> -> memref<640x64xf32, #tpu.memory_space<vmem_shared>>
        tpu.wait_dma2 semaphore(%run_scoped3A : memref<!tpu.dma_semaphore, #tpu.memory_space<semaphore_mem>>) src(%arg10 : memref<640x64xf32, #tpu.memory_space<hbm>>) dst(%dma_wait3A_49 : memref<640x64xf32, #tpu.memory_space<vmem_shared>>)
        tpu.yield
      }) : () -> ()
      %barrier3A_27 = arith.constant 0 : index
      tpu.barrier barrier_id(%barrier3A_27)
      %dma_start3A_28 = arith.constant 0 : i32
      %dma_start3A_29 = arith.constant 0 : i32
      %dma_start3A_30 = tpu.memref_slice %arg15[%dma_start3A_28, %dma_start3A_29] : memref<158x128xi32, #tpu.memory_space<vmem>> -> memref<1x128xi32, #tpu.memory_space<vmem>>
      %dma_start3A_31 = tpu.memref_squeeze %dma_start3A_30 : memref<1x128xi32, #tpu.memory_space<vmem>> -> memref<128xi32, #tpu.memory_space<vmem>>
      %dma_start3A_32 = arith.constant 0 : i32
      %dma_start3A_33 = arith.constant 0 : i32
      %dma_start3A_34 = tpu.memref_slice %arg3[%dma_start3A_32, %dma_start3A_33] : memref<10000x64xf32, #tpu.memory_space<hbm>> -> memref<10000x64xf32, #tpu.memory_space<hbm>>
      tpu.enqueue_indirect_dma source(%dma_start3A_34 : memref<10000x64xf32, #tpu.memory_space<hbm>>) target(%arg17 : memref<128x64xf32, #tpu.memory_space<vmem>>) offsets(%dma_start3A_31 : memref<128xi32, #tpu.memory_space<vmem>>) semaphore(%arg20 : memref<!tpu.dma_semaphore, #tpu.memory_space<semaphore_mem>>)
      %scan3A_35 = arith.constant 0 : i32
      %scan3A_36 = arith.constant 0 : i32
      %scan3A_37 = arith.constant 79 : i32
      %scan3A_38 = arith.addi %scan3A_36, %scan3A_37 : i32
      %scan3A_39 = arith.constant 1 : i32
      scf.for %scan3A_47 = %scan3A_36 to %scan3A_38 step %scan3A_39  : i32 {
        %mul3A_48 = arith.constant 2 : i32
        %mul3A_49 = arith.muli %scan3A_47, %mul3A_48 : i32
        %add3A = arith.constant 1 : i32
        %add3A_50 = arith.addi %mul3A_49, %add3A : i32
        %dma_start3A_51 = arith.constant 0 : i32
        %dma_start3A_52 = tpu.memref_slice %arg15[%add3A_50, %dma_start3A_51] : memref<158x128xi32, #tpu.memory_space<vmem>> -> memref<1x128xi32, #tpu.memory_space<vmem>>
        %dma_start3A_53 = tpu.memref_squeeze %dma_start3A_52 : memref<1x128xi32, #tpu.memory_space<vmem>> -> memref<128xi32, #tpu.memory_space<vmem>>
        %dma_start3A_54 = arith.constant 0 : i32
        %dma_start3A_55 = arith.constant 0 : i32
        %dma_start3A_56 = tpu.memref_slice %arg3[%dma_start3A_54, %dma_start3A_55] : memref<10000x64xf32, #tpu.memory_space<hbm>> -> memref<10000x64xf32, #tpu.memory_space<hbm>>
        tpu.enqueue_indirect_dma source(%dma_start3A_56 : memref<10000x64xf32, #tpu.memory_space<hbm>>) target(%arg18 : memref<128x64xf32, #tpu.memory_space<vmem>>) offsets(%dma_start3A_53 : memref<128xi32, #tpu.memory_space<vmem>>) semaphore(%arg21 : memref<!tpu.dma_semaphore, #tpu.memory_space<semaphore_mem>>)
        %dma_wait3A = arith.constant 0 : i32
        %dma_wait3A_57 = arith.constant 0 : i32
        %dma_wait3A_58 = tpu.memref_slice %arg3[%dma_wait3A, %dma_wait3A_57] : memref<10000x64xf32, #tpu.memory_space<hbm>> -> memref<128x64xf32, #tpu.memory_space<hbm>>
        %dma_wait3A_59 = arith.constant 0 : i32
        %dma_wait3A_60 = arith.constant 0 : i32
        %dma_wait3A_61 = tpu.memref_slice %arg3[%dma_wait3A_59, %dma_wait3A_60] : memref<10000x64xf32, #tpu.memory_space<hbm>> -> memref<128x64xf32, #tpu.memory_space<hbm>>
        tpu.wait_dma2 semaphore(%arg20 : memref<!tpu.dma_semaphore, #tpu.memory_space<semaphore_mem>>) src(%dma_wait3A_61 : memref<128x64xf32, #tpu.memory_space<hbm>>) dst(%arg17 : memref<128x64xf32, #tpu.memory_space<vmem>>)
        "tpu.region"() ({
          %run_scoped3A = tpu.sem_alloc : memref<!tpu.dma_semaphore, #tpu.memory_space<semaphore_mem>>
          %dma_start3A_76 = arith.constant 0 : i32
          %dma_start3A_77 = tpu.memref_slice %arg16[%mul3A_49, %dma_start3A_76] : memref<158x128xi32, #tpu.memory_space<vmem>> -> memref<1x128xi32, #tpu.memory_space<vmem>>
          %dma_start3A_78 = tpu.memref_squeeze %dma_start3A_77 : memref<1x128xi32, #tpu.memory_space<vmem>> -> memref<128xi32, #tpu.memory_space<vmem>>
          %dma_start3A_79 = arith.constant 0 : i32
          %dma_start3A_80 = arith.constant 0 : i32
          %dma_start3A_81 = tpu.memref_slice %arg19[%dma_start3A_79, %dma_start3A_80] : memref<10240x64xf32, #tpu.memory_space<vmem_shared>> -> memref<10240x64xf32, #tpu.memory_space<vmem_shared>>
          tpu.enqueue_indirect_dma source(%arg17 : memref<128x64xf32, #tpu.memory_space<vmem>>) target(%dma_start3A_81 : memref<10240x64xf32, #tpu.memory_space<vmem_shared>>) offsets(%dma_start3A_78 : memref<128xi32, #tpu.memory_space<vmem>>) semaphore(%run_scoped3A : memref<!tpu.dma_semaphore, #tpu.memory_space<semaphore_mem>>) {add = true}
          %dma_wait3A_82 = arith.constant 0 : i32
          %dma_wait3A_83 = tpu.memref_slice %arg16[%mul3A_49, %dma_wait3A_82] : memref<158x128xi32, #tpu.memory_space<vmem>> -> memref<1x128xi32, #tpu.memory_space<vmem>>
          %dma_wait3A_84 = tpu.memref_squeeze %dma_wait3A_83 : memref<1x128xi32, #tpu.memory_space<vmem>> -> memref<128xi32, #tpu.memory_space<vmem>>
          %dma_wait3A_85 = arith.constant 0 : i32
          %dma_wait3A_86 = arith.constant 0 : i32
          %dma_wait3A_87 = tpu.memref_slice %arg19[%dma_wait3A_85, %dma_wait3A_86] : memref<10240x64xf32, #tpu.memory_space<vmem_shared>> -> memref<10240x64xf32, #tpu.memory_space<vmem_shared>>
          tpu.wait_indirect_dma semaphore(%run_scoped3A : memref<!tpu.dma_semaphore, #tpu.memory_space<semaphore_mem>>) src(%arg17 : memref<128x64xf32, #tpu.memory_space<vmem>>) dst(%dma_wait3A_87 : memref<10240x64xf32, #tpu.memory_space<vmem_shared>>)
          tpu.yield
        }) : () -> ()
        %add3A_62 = arith.constant 2 : i32
        %add3A_63 = arith.addi %mul3A_49, %add3A_62 : i32
        %lt3A = arith.constant 158 : i32
        %lt3A_64 = arith.cmpi slt, %add3A_63, %lt3A : i32
        %convert_element_type3A_65 = arith.extui %lt3A_64 : i1 to i32
        %cond3A_66 = arith.constant 0 : i32
        %cond3A_67 = arith.cmpi ne, %convert_element_type3A_65, %cond3A_66 : i32
        scf.if %cond3A_67 {
          %add3A_76 = arith.constant 2 : i32
          %add3A_77 = arith.addi %mul3A_49, %add3A_76 : i32
          %dma_start3A_78 = arith.constant 0 : i32
          %dma_start3A_79 = tpu.memref_slice %arg15[%add3A_77, %dma_start3A_78] : memref<158x128xi32, #tpu.memory_space<vmem>> -> memref<1x128xi32, #tpu.memory_space<vmem>>
          %dma_start3A_80 = tpu.memref_squeeze %dma_start3A_79 : memref<1x128xi32, #tpu.memory_space<vmem>> -> memref<128xi32, #tpu.memory_space<vmem>>
          %dma_start3A_81 = arith.constant 0 : i32
          %dma_start3A_82 = arith.constant 0 : i32
          %dma_start3A_83 = tpu.memref_slice %arg3[%dma_start3A_81, %dma_start3A_82] : memref<10000x64xf32, #tpu.memory_space<hbm>> -> memref<10000x64xf32, #tpu.memory_space<hbm>>
          tpu.enqueue_indirect_dma source(%dma_start3A_83 : memref<10000x64xf32, #tpu.memory_space<hbm>>) target(%arg17 : memref<128x64xf32, #tpu.memory_space<vmem>>) offsets(%dma_start3A_80 : memref<128xi32, #tpu.memory_space<vmem>>) semaphore(%arg20 : memref<!tpu.dma_semaphore, #tpu.memory_space<semaphore_mem>>)
        } else {
        }
        %dma_wait3A_68 = arith.constant 0 : i32
        %dma_wait3A_69 = arith.constant 0 : i32
        %dma_wait3A_70 = tpu.memref_slice %arg3[%dma_wait3A_68, %dma_wait3A_69] : memref<10000x64xf32, #tpu.memory_space<hbm>> -> memref<128x64xf32, #tpu.memory_space<hbm>>
        %dma_wait3A_71 = arith.constant 0 : i32
        %dma_wait3A_72 = arith.constant 0 : i32
        %dma_wait3A_73 = tpu.memref_slice %arg3[%dma_wait3A_71, %dma_wait3A_72] : memref<10000x64xf32, #tpu.memory_space<hbm>> -> memref<128x64xf32, #tpu.memory_space<hbm>>
        tpu.wait_dma2 semaphore(%arg21 : memref<!tpu.dma_semaphore, #tpu.memory_space<semaphore_mem>>) src(%dma_wait3A_73 : memref<128x64xf32, #tpu.memory_space<hbm>>) dst(%arg18 : memref<128x64xf32, #tpu.memory_space<vmem>>)
        %add3A_74 = arith.constant 1 : i32
        %add3A_75 = arith.addi %mul3A_49, %add3A_74 : i32
        "tpu.region"() ({
          %run_scoped3A = tpu.sem_alloc : memref<!tpu.dma_semaphore, #tpu.memory_space<semaphore_mem>>
          %dma_start3A_76 = arith.constant 0 : i32
          %dma_start3A_77 = tpu.memref_slice %arg16[%add3A_75, %dma_start3A_76] : memref<158x128xi32, #tpu.memory_space<vmem>> -> memref<1x128xi32, #tpu.memory_space<vmem>>
          %dma_start3A_78 = tpu.memref_squeeze %dma_start3A_77 : memref<1x128xi32, #tpu.memory_space<vmem>> -> memref<128xi32, #tpu.memory_space<vmem>>
          %dma_start3A_79 = arith.constant 0 : i32
          %dma_start3A_80 = arith.constant 0 : i32
          %dma_start3A_81 = tpu.memref_slice %arg19[%dma_start3A_79, %dma_start3A_80] : memref<10240x64xf32, #tpu.memory_space<vmem_shared>> -> memref<10240x64xf32, #tpu.memory_space<vmem_shared>>
          tpu.enqueue_indirect_dma source(%arg18 : memref<128x64xf32, #tpu.memory_space<vmem>>) target(%dma_start3A_81 : memref<10240x64xf32, #tpu.memory_space<vmem_shared>>) offsets(%dma_start3A_78 : memref<128xi32, #tpu.memory_space<vmem>>) semaphore(%run_scoped3A : memref<!tpu.dma_semaphore, #tpu.memory_space<semaphore_mem>>) {add = true}
          %dma_wait3A_82 = arith.constant 0 : i32
          %dma_wait3A_83 = tpu.memref_slice %arg16[%add3A_75, %dma_wait3A_82] : memref<158x128xi32, #tpu.memory_space<vmem>> -> memref<1x128xi32, #tpu.memory_space<vmem>>
          %dma_wait3A_84 = tpu.memref_squeeze %dma_wait3A_83 : memref<1x128xi32, #tpu.memory_space<vmem>> -> memref<128xi32, #tpu.memory_space<vmem>>
          %dma_wait3A_85 = arith.constant 0 : i32
          %dma_wait3A_86 = arith.constant 0 : i32
          %dma_wait3A_87 = tpu.memref_slice %arg19[%dma_wait3A_85, %dma_wait3A_86] : memref<10240x64xf32, #tpu.memory_space<vmem_shared>> -> memref<10240x64xf32, #tpu.memory_space<vmem_shared>>
          tpu.wait_indirect_dma semaphore(%run_scoped3A : memref<!tpu.dma_semaphore, #tpu.memory_space<semaphore_mem>>) src(%arg18 : memref<128x64xf32, #tpu.memory_space<vmem>>) dst(%dma_wait3A_87 : memref<10240x64xf32, #tpu.memory_space<vmem_shared>>)
          tpu.yield
        }) : () -> ()
      }
      %scan3A_40 = arith.constant 79 : i32
      %barrier3A_41 = arith.constant 0 : index
      tpu.barrier barrier_id(%barrier3A_41)
      %mul3A_42 = arith.constant 640 : i32
      %mul3A_43 = arith.muli %arg1, %mul3A_42 : i32
      %mul3A_44 = arith.constant 640 : i32
      %mul3A_45 = arith.muli %arg1, %mul3A_44 : i32
      "tpu.region"() ({
        %run_scoped3A = tpu.sem_alloc : memref<!tpu.dma_semaphore, #tpu.memory_space<semaphore_mem>>
        %dma_start3A_47 = arith.constant 0 : i32
        %dma_start3A_48 = tpu.memref_slice %arg12[%mul3A_45, %dma_start3A_47] : memref<10240x64xf32, #tpu.memory_space<hbm>> -> memref<640x64xf32, #tpu.memory_space<hbm>>
        %dma_start3A_49 = arith.constant 0 : i32
        %dma_start3A_50 = tpu.memref_slice %arg19[%mul3A_43, %dma_start3A_49] : memref<10240x64xf32, #tpu.memory_space<vmem_shared>> -> memref<640x64xf32, #tpu.memory_space<vmem_shared>>
        tpu.enqueue_dma source(%dma_start3A_50 : memref<640x64xf32, #tpu.memory_space<vmem_shared>>) target(%dma_start3A_48 : memref<640x64xf32, #tpu.memory_space<hbm>>) target_semaphore(%run_scoped3A : memref<!tpu.dma_semaphore, #tpu.memory_space<semaphore_mem>>)
        %dma_wait3A = arith.constant 0 : i32
        %dma_wait3A_51 = tpu.memref_slice %arg12[%mul3A_45, %dma_wait3A] : memref<10240x64xf32, #tpu.memory_space<hbm>> -> memref<640x64xf32, #tpu.memory_space<hbm>>
        %dma_wait3A_52 = arith.constant 0 : i32
        %dma_wait3A_53 = tpu.memref_slice %arg19[%mul3A_43, %dma_wait3A_52] : memref<10240x64xf32, #tpu.memory_space<vmem_shared>> -> memref<640x64xf32, #tpu.memory_space<vmem_shared>>
        tpu.wait_dma2 semaphore(%run_scoped3A : memref<!tpu.dma_semaphore, #tpu.memory_space<semaphore_mem>>) src(%dma_wait3A_53 : memref<640x64xf32, #tpu.memory_space<vmem_shared>>) dst(%dma_wait3A_51 : memref<640x64xf32, #tpu.memory_space<hbm>>)
        tpu.yield
      }) : () -> ()
      %barrier3A_46 = arith.constant 0 : index
      tpu.barrier barrier_id(%barrier3A_46)
    } else {
    }
    %eq3A_2 = arith.constant 1 : i32
    %eq3A_3 = arith.cmpi eq, %arg0, %eq3A_2 : i32
    %convert_element_type3A_4 = arith.extui %eq3A_3 : i1 to i32
    %cond3A_5 = arith.constant 0 : i32
    %cond3A_6 = arith.cmpi ne, %convert_element_type3A_4, %cond3A_5 : i32
    scf.if %cond3A_6 {
      "tpu.region"() ({
        %run_scoped3A = tpu.sem_alloc : memref<!tpu.dma_semaphore, #tpu.memory_space<semaphore_mem>>
        %dma_start3A_47 = arith.constant 0 : i32
        %dma_start3A_48 = arith.constant 0 : i32
        %dma_start3A_49 = tpu.memref_slice %arg8[%arg1, %dma_start3A_47, %dma_start3A_48] : memref<16x158x128xi32, #tpu.memory_space<hbm>> -> memref<1x158x128xi32, #tpu.memory_space<hbm>>
        %dma_start3A_50 = tpu.memref_squeeze %dma_start3A_49 : memref<1x158x128xi32, #tpu.memory_space<hbm>> -> memref<158x128xi32, #tpu.memory_space<hbm>>
        %dma_start3A_51 = arith.constant 0 : i32
        %dma_start3A_52 = arith.constant 0 : i32
        %dma_start3A_53 = tpu.memref_slice %arg8[%arg1, %dma_start3A_51, %dma_start3A_52] : memref<16x158x128xi32, #tpu.memory_space<hbm>> -> memref<1x158x128xi32, #tpu.memory_space<hbm>>
        %dma_start3A_54 = tpu.memref_squeeze %dma_start3A_53 : memref<1x158x128xi32, #tpu.memory_space<hbm>> -> memref<158x128xi32, #tpu.memory_space<hbm>>
        tpu.enqueue_dma source(%dma_start3A_54 : memref<158x128xi32, #tpu.memory_space<hbm>>) target(%arg15 : memref<158x128xi32, #tpu.memory_space<vmem>>) target_semaphore(%run_scoped3A : memref<!tpu.dma_semaphore, #tpu.memory_space<semaphore_mem>>)
        %dma_wait3A = arith.constant 0 : i32
        %dma_wait3A_55 = arith.constant 0 : i32
        %dma_wait3A_56 = tpu.memref_slice %arg8[%arg1, %dma_wait3A, %dma_wait3A_55] : memref<16x158x128xi32, #tpu.memory_space<hbm>> -> memref<1x158x128xi32, #tpu.memory_space<hbm>>
        %dma_wait3A_57 = tpu.memref_squeeze %dma_wait3A_56 : memref<1x158x128xi32, #tpu.memory_space<hbm>> -> memref<158x128xi32, #tpu.memory_space<hbm>>
        %dma_wait3A_58 = arith.constant 0 : i32
        %dma_wait3A_59 = arith.constant 0 : i32
        %dma_wait3A_60 = tpu.memref_slice %arg8[%arg1, %dma_wait3A_58, %dma_wait3A_59] : memref<16x158x128xi32, #tpu.memory_space<hbm>> -> memref<1x158x128xi32, #tpu.memory_space<hbm>>
        %dma_wait3A_61 = tpu.memref_squeeze %dma_wait3A_60 : memref<1x158x128xi32, #tpu.memory_space<hbm>> -> memref<158x128xi32, #tpu.memory_space<hbm>>
        tpu.wait_dma2 semaphore(%run_scoped3A : memref<!tpu.dma_semaphore, #tpu.memory_space<semaphore_mem>>) src(%dma_wait3A_61 : memref<158x128xi32, #tpu.memory_space<hbm>>) dst(%arg15 : memref<158x128xi32, #tpu.memory_space<vmem>>)
        tpu.yield
      }) : () -> ()
      "tpu.region"() ({
        %run_scoped3A = tpu.sem_alloc : memref<!tpu.dma_semaphore, #tpu.memory_space<semaphore_mem>>
        %dma_start3A_47 = arith.constant 0 : i32
        %dma_start3A_48 = arith.constant 0 : i32
        %dma_start3A_49 = tpu.memref_slice %arg9[%arg1, %dma_start3A_47, %dma_start3A_48] : memref<16x158x128xi32, #tpu.memory_space<hbm>> -> memref<1x158x128xi32, #tpu.memory_space<hbm>>
        %dma_start3A_50 = tpu.memref_squeeze %dma_start3A_49 : memref<1x158x128xi32, #tpu.memory_space<hbm>> -> memref<158x128xi32, #tpu.memory_space<hbm>>
        %dma_start3A_51 = arith.constant 0 : i32
        %dma_start3A_52 = arith.constant 0 : i32
        %dma_start3A_53 = tpu.memref_slice %arg9[%arg1, %dma_start3A_51, %dma_start3A_52] : memref<16x158x128xi32, #tpu.memory_space<hbm>> -> memref<1x158x128xi32, #tpu.memory_space<hbm>>
        %dma_start3A_54 = tpu.memref_squeeze %dma_start3A_53 : memref<1x158x128xi32, #tpu.memory_space<hbm>> -> memref<158x128xi32, #tpu.memory_space<hbm>>
        tpu.enqueue_dma source(%dma_start3A_54 : memref<158x128xi32, #tpu.memory_space<hbm>>) target(%arg16 : memref<158x128xi32, #tpu.memory_space<vmem>>) target_semaphore(%run_scoped3A : memref<!tpu.dma_semaphore, #tpu.memory_space<semaphore_mem>>)
        %dma_wait3A = arith.constant 0 : i32
        %dma_wait3A_55 = arith.constant 0 : i32
        %dma_wait3A_56 = tpu.memref_slice %arg9[%arg1, %dma_wait3A, %dma_wait3A_55] : memref<16x158x128xi32, #tpu.memory_space<hbm>> -> memref<1x158x128xi32, #tpu.memory_space<hbm>>
        %dma_wait3A_57 = tpu.memref_squeeze %dma_wait3A_56 : memref<1x158x128xi32, #tpu.memory_space<hbm>> -> memref<158x128xi32, #tpu.memory_space<hbm>>
        %dma_wait3A_58 = arith.constant 0 : i32
        %dma_wait3A_59 = arith.constant 0 : i32
        %dma_wait3A_60 = tpu.memref_slice %arg9[%arg1, %dma_wait3A_58, %dma_wait3A_59] : memref<16x158x128xi32, #tpu.memory_space<hbm>> -> memref<1x158x128xi32, #tpu.memory_space<hbm>>
        %dma_wait3A_61 = tpu.memref_squeeze %dma_wait3A_60 : memref<1x158x128xi32, #tpu.memory_space<hbm>> -> memref<158x128xi32, #tpu.memory_space<hbm>>
        tpu.wait_dma2 semaphore(%run_scoped3A : memref<!tpu.dma_semaphore, #tpu.memory_space<semaphore_mem>>) src(%dma_wait3A_61 : memref<158x128xi32, #tpu.memory_space<hbm>>) dst(%arg16 : memref<158x128xi32, #tpu.memory_space<vmem>>)
        tpu.yield
      }) : () -> ()
      %mul3A = arith.constant 640 : i32
      %mul3A_7 = arith.muli %arg1, %mul3A : i32
      "tpu.region"() ({
        %run_scoped3A = tpu.sem_alloc : memref<!tpu.dma_semaphore, #tpu.memory_space<semaphore_mem>>
        %dma_start3A_47 = arith.constant 0 : i32
        %dma_start3A_48 = tpu.memref_slice %arg19[%mul3A_7, %dma_start3A_47] : memref<10240x64xf32, #tpu.memory_space<vmem_shared>> -> memref<640x64xf32, #tpu.memory_space<vmem_shared>>
        tpu.enqueue_dma source(%arg10 : memref<640x64xf32, #tpu.memory_space<hbm>>) target(%dma_start3A_48 : memref<640x64xf32, #tpu.memory_space<vmem_shared>>) target_semaphore(%run_scoped3A : memref<!tpu.dma_semaphore, #tpu.memory_space<semaphore_mem>>)
        %dma_wait3A = arith.constant 0 : i32
        %dma_wait3A_49 = tpu.memref_slice %arg19[%mul3A_7, %dma_wait3A] : memref<10240x64xf32, #tpu.memory_space<vmem_shared>> -> memref<640x64xf32, #tpu.memory_space<vmem_shared>>
        tpu.wait_dma2 semaphore(%run_scoped3A : memref<!tpu.dma_semaphore, #tpu.memory_space<semaphore_mem>>) src(%arg10 : memref<640x64xf32, #tpu.memory_space<hbm>>) dst(%dma_wait3A_49 : memref<640x64xf32, #tpu.memory_space<vmem_shared>>)
        tpu.yield
      }) : () -> ()
      %barrier3A = arith.constant 0 : index
      tpu.barrier barrier_id(%barrier3A)
      %dma_start3A = arith.constant 0 : i32
      %dma_start3A_8 = arith.constant 0 : i32
      %dma_start3A_9 = tpu.memref_slice %arg15[%dma_start3A, %dma_start3A_8] : memref<158x128xi32, #tpu.memory_space<vmem>> -> memref<1x128xi32, #tpu.memory_space<vmem>>
      %dma_start3A_10 = tpu.memref_squeeze %dma_start3A_9 : memref<1x128xi32, #tpu.memory_space<vmem>> -> memref<128xi32, #tpu.memory_space<vmem>>
      %dma_start3A_11 = arith.constant 0 : i32
      %dma_start3A_12 = arith.constant 0 : i32
      %dma_start3A_13 = tpu.memref_slice %arg4[%dma_start3A_11, %dma_start3A_12] : memref<10000x64xf32, #tpu.memory_space<hbm>> -> memref<10000x64xf32, #tpu.memory_space<hbm>>
      tpu.enqueue_indirect_dma source(%dma_start3A_13 : memref<10000x64xf32, #tpu.memory_space<hbm>>) target(%arg17 : memref<128x64xf32, #tpu.memory_space<vmem>>) offsets(%dma_start3A_10 : memref<128xi32, #tpu.memory_space<vmem>>) semaphore(%arg20 : memref<!tpu.dma_semaphore, #tpu.memory_space<semaphore_mem>>)
      %scan3A = arith.constant 0 : i32
      %scan3A_14 = arith.constant 0 : i32
      %scan3A_15 = arith.constant 79 : i32
      %scan3A_16 = arith.addi %scan3A_14, %scan3A_15 : i32
      %scan3A_17 = arith.constant 1 : i32
      scf.for %scan3A_47 = %scan3A_14 to %scan3A_16 step %scan3A_17  : i32 {
        %mul3A_48 = arith.constant 2 : i32
        %mul3A_49 = arith.muli %scan3A_47, %mul3A_48 : i32
        %add3A = arith.constant 1 : i32
        %add3A_50 = arith.addi %mul3A_49, %add3A : i32
        %dma_start3A_51 = arith.constant 0 : i32
        %dma_start3A_52 = tpu.memref_slice %arg15[%add3A_50, %dma_start3A_51] : memref<158x128xi32, #tpu.memory_space<vmem>> -> memref<1x128xi32, #tpu.memory_space<vmem>>
        %dma_start3A_53 = tpu.memref_squeeze %dma_start3A_52 : memref<1x128xi32, #tpu.memory_space<vmem>> -> memref<128xi32, #tpu.memory_space<vmem>>
        %dma_start3A_54 = arith.constant 0 : i32
        %dma_start3A_55 = arith.constant 0 : i32
        %dma_start3A_56 = tpu.memref_slice %arg4[%dma_start3A_54, %dma_start3A_55] : memref<10000x64xf32, #tpu.memory_space<hbm>> -> memref<10000x64xf32, #tpu.memory_space<hbm>>
        tpu.enqueue_indirect_dma source(%dma_start3A_56 : memref<10000x64xf32, #tpu.memory_space<hbm>>) target(%arg18 : memref<128x64xf32, #tpu.memory_space<vmem>>) offsets(%dma_start3A_53 : memref<128xi32, #tpu.memory_space<vmem>>) semaphore(%arg21 : memref<!tpu.dma_semaphore, #tpu.memory_space<semaphore_mem>>)
        %dma_wait3A = arith.constant 0 : i32
        %dma_wait3A_57 = arith.constant 0 : i32
        %dma_wait3A_58 = tpu.memref_slice %arg4[%dma_wait3A, %dma_wait3A_57] : memref<10000x64xf32, #tpu.memory_space<hbm>> -> memref<128x64xf32, #tpu.memory_space<hbm>>
        %dma_wait3A_59 = arith.constant 0 : i32
        %dma_wait3A_60 = arith.constant 0 : i32
        %dma_wait3A_61 = tpu.memref_slice %arg4[%dma_wait3A_59, %dma_wait3A_60] : memref<10000x64xf32, #tpu.memory_space<hbm>> -> memref<128x64xf32, #tpu.memory_space<hbm>>
        tpu.wait_dma2 semaphore(%arg20 : memref<!tpu.dma_semaphore, #tpu.memory_space<semaphore_mem>>) src(%dma_wait3A_61 : memref<128x64xf32, #tpu.memory_space<hbm>>) dst(%arg17 : memref<128x64xf32, #tpu.memory_space<vmem>>)
        "tpu.region"() ({
          %run_scoped3A = tpu.sem_alloc : memref<!tpu.dma_semaphore, #tpu.memory_space<semaphore_mem>>
          %dma_start3A_76 = arith.constant 0 : i32
          %dma_start3A_77 = tpu.memref_slice %arg16[%mul3A_49, %dma_start3A_76] : memref<158x128xi32, #tpu.memory_space<vmem>> -> memref<1x128xi32, #tpu.memory_space<vmem>>
          %dma_start3A_78 = tpu.memref_squeeze %dma_start3A_77 : memref<1x128xi32, #tpu.memory_space<vmem>> -> memref<128xi32, #tpu.memory_space<vmem>>
          %dma_start3A_79 = arith.constant 0 : i32
          %dma_start3A_80 = arith.constant 0 : i32
          %dma_start3A_81 = tpu.memref_slice %arg19[%dma_start3A_79, %dma_start3A_80] : memref<10240x64xf32, #tpu.memory_space<vmem_shared>> -> memref<10240x64xf32, #tpu.memory_space<vmem_shared>>
          tpu.enqueue_indirect_dma source(%arg17 : memref<128x64xf32, #tpu.memory_space<vmem>>) target(%dma_start3A_81 : memref<10240x64xf32, #tpu.memory_space<vmem_shared>>) offsets(%dma_start3A_78 : memref<128xi32, #tpu.memory_space<vmem>>) semaphore(%run_scoped3A : memref<!tpu.dma_semaphore, #tpu.memory_space<semaphore_mem>>) {add = true}
          %dma_wait3A_82 = arith.constant 0 : i32
          %dma_wait3A_83 = tpu.memref_slice %arg16[%mul3A_49, %dma_wait3A_82] : memref<158x128xi32, #tpu.memory_space<vmem>> -> memref<1x128xi32, #tpu.memory_space<vmem>>
          %dma_wait3A_84 = tpu.memref_squeeze %dma_wait3A_83 : memref<1x128xi32, #tpu.memory_space<vmem>> -> memref<128xi32, #tpu.memory_space<vmem>>
          %dma_wait3A_85 = arith.constant 0 : i32
          %dma_wait3A_86 = arith.constant 0 : i32
          %dma_wait3A_87 = tpu.memref_slice %arg19[%dma_wait3A_85, %dma_wait3A_86] : memref<10240x64xf32, #tpu.memory_space<vmem_shared>> -> memref<10240x64xf32, #tpu.memory_space<vmem_shared>>
          tpu.wait_indirect_dma semaphore(%run_scoped3A : memref<!tpu.dma_semaphore, #tpu.memory_space<semaphore_mem>>) src(%arg17 : memref<128x64xf32, #tpu.memory_space<vmem>>) dst(%dma_wait3A_87 : memref<10240x64xf32, #tpu.memory_space<vmem_shared>>)
          tpu.yield
        }) : () -> ()
        %add3A_62 = arith.constant 2 : i32
        %add3A_63 = arith.addi %mul3A_49, %add3A_62 : i32
        %lt3A = arith.constant 158 : i32
        %lt3A_64 = arith.cmpi slt, %add3A_63, %lt3A : i32
        %convert_element_type3A_65 = arith.extui %lt3A_64 : i1 to i32
        %cond3A_66 = arith.constant 0 : i32
        %cond3A_67 = arith.cmpi ne, %convert_element_type3A_65, %cond3A_66 : i32
        scf.if %cond3A_67 {
          %add3A_76 = arith.constant 2 : i32
          %add3A_77 = arith.addi %mul3A_49, %add3A_76 : i32
          %dma_start3A_78 = arith.constant 0 : i32
          %dma_start3A_79 = tpu.memref_slice %arg15[%add3A_77, %dma_start3A_78] : memref<158x128xi32, #tpu.memory_space<vmem>> -> memref<1x128xi32, #tpu.memory_space<vmem>>
          %dma_start3A_80 = tpu.memref_squeeze %dma_start3A_79 : memref<1x128xi32, #tpu.memory_space<vmem>> -> memref<128xi32, #tpu.memory_space<vmem>>
          %dma_start3A_81 = arith.constant 0 : i32
          %dma_start3A_82 = arith.constant 0 : i32
          %dma_start3A_83 = tpu.memref_slice %arg4[%dma_start3A_81, %dma_start3A_82] : memref<10000x64xf32, #tpu.memory_space<hbm>> -> memref<10000x64xf32, #tpu.memory_space<hbm>>
          tpu.enqueue_indirect_dma source(%dma_start3A_83 : memref<10000x64xf32, #tpu.memory_space<hbm>>) target(%arg17 : memref<128x64xf32, #tpu.memory_space<vmem>>) offsets(%dma_start3A_80 : memref<128xi32, #tpu.memory_space<vmem>>) semaphore(%arg20 : memref<!tpu.dma_semaphore, #tpu.memory_space<semaphore_mem>>)
        } else {
        }
        %dma_wait3A_68 = arith.constant 0 : i32
        %dma_wait3A_69 = arith.constant 0 : i32
        %dma_wait3A_70 = tpu.memref_slice %arg4[%dma_wait3A_68, %dma_wait3A_69] : memref<10000x64xf32, #tpu.memory_space<hbm>> -> memref<128x64xf32, #tpu.memory_space<hbm>>
        %dma_wait3A_71 = arith.constant 0 : i32
        %dma_wait3A_72 = arith.constant 0 : i32
        %dma_wait3A_73 = tpu.memref_slice %arg4[%dma_wait3A_71, %dma_wait3A_72] : memref<10000x64xf32, #tpu.memory_space<hbm>> -> memref<128x64xf32, #tpu.memory_space<hbm>>
        tpu.wait_dma2 semaphore(%arg21 : memref<!tpu.dma_semaphore, #tpu.memory_space<semaphore_mem>>) src(%dma_wait3A_73 : memref<128x64xf32, #tpu.memory_space<hbm>>) dst(%arg18 : memref<128x64xf32, #tpu.memory_space<vmem>>)
        %add3A_74 = arith.constant 1 : i32
        %add3A_75 = arith.addi %mul3A_49, %add3A_74 : i32
        "tpu.region"() ({
          %run_scoped3A = tpu.sem_alloc : memref<!tpu.dma_semaphore, #tpu.memory_space<semaphore_mem>>
          %dma_start3A_76 = arith.constant 0 : i32
          %dma_start3A_77 = tpu.memref_slice %arg16[%add3A_75, %dma_start3A_76] : memref<158x128xi32, #tpu.memory_space<vmem>> -> memref<1x128xi32, #tpu.memory_space<vmem>>
          %dma_start3A_78 = tpu.memref_squeeze %dma_start3A_77 : memref<1x128xi32, #tpu.memory_space<vmem>> -> memref<128xi32, #tpu.memory_space<vmem>>
          %dma_start3A_79 = arith.constant 0 : i32
          %dma_start3A_80 = arith.constant 0 : i32
          %dma_start3A_81 = tpu.memref_slice %arg19[%dma_start3A_79, %dma_start3A_80] : memref<10240x64xf32, #tpu.memory_space<vmem_shared>> -> memref<10240x64xf32, #tpu.memory_space<vmem_shared>>
          tpu.enqueue_indirect_dma source(%arg18 : memref<128x64xf32, #tpu.memory_space<vmem>>) target(%dma_start3A_81 : memref<10240x64xf32, #tpu.memory_space<vmem_shared>>) offsets(%dma_start3A_78 : memref<128xi32, #tpu.memory_space<vmem>>) semaphore(%run_scoped3A : memref<!tpu.dma_semaphore, #tpu.memory_space<semaphore_mem>>) {add = true}
          %dma_wait3A_82 = arith.constant 0 : i32
          %dma_wait3A_83 = tpu.memref_slice %arg16[%add3A_75, %dma_wait3A_82] : memref<158x128xi32, #tpu.memory_space<vmem>> -> memref<1x128xi32, #tpu.memory_space<vmem>>
          %dma_wait3A_84 = tpu.memref_squeeze %dma_wait3A_83 : memref<1x128xi32, #tpu.memory_space<vmem>> -> memref<128xi32, #tpu.memory_space<vmem>>
          %dma_wait3A_85 = arith.constant 0 : i32
          %dma_wait3A_86 = arith.constant 0 : i32
          %dma_wait3A_87 = tpu.memref_slice %arg19[%dma_wait3A_85, %dma_wait3A_86] : memref<10240x64xf32, #tpu.memory_space<vmem_shared>> -> memref<10240x64xf32, #tpu.memory_space<vmem_shared>>
          tpu.wait_indirect_dma semaphore(%run_scoped3A : memref<!tpu.dma_semaphore, #tpu.memory_space<semaphore_mem>>) src(%arg18 : memref<128x64xf32, #tpu.memory_space<vmem>>) dst(%dma_wait3A_87 : memref<10240x64xf32, #tpu.memory_space<vmem_shared>>)
          tpu.yield
        }) : () -> ()
      }
      %scan3A_18 = arith.constant 79 : i32
      %barrier3A_19 = arith.constant 0 : index
      tpu.barrier barrier_id(%barrier3A_19)
      %mul3A_20 = arith.constant 640 : i32
      %mul3A_21 = arith.muli %arg1, %mul3A_20 : i32
      %mul3A_22 = arith.constant 640 : i32
      %mul3A_23 = arith.muli %arg1, %mul3A_22 : i32
      "tpu.region"() ({
        %run_scoped3A = tpu.sem_alloc : memref<!tpu.dma_semaphore, #tpu.memory_space<semaphore_mem>>
        %dma_start3A_47 = arith.constant 0 : i32
        %dma_start3A_48 = tpu.memref_slice %arg13[%mul3A_23, %dma_start3A_47] : memref<10240x64xf32, #tpu.memory_space<hbm>> -> memref<640x64xf32, #tpu.memory_space<hbm>>
        %dma_start3A_49 = arith.constant 0 : i32
        %dma_start3A_50 = tpu.memref_slice %arg19[%mul3A_21, %dma_start3A_49] : memref<10240x64xf32, #tpu.memory_space<vmem_shared>> -> memref<640x64xf32, #tpu.memory_space<vmem_shared>>
        tpu.enqueue_dma source(%dma_start3A_50 : memref<640x64xf32, #tpu.memory_space<vmem_shared>>) target(%dma_start3A_48 : memref<640x64xf32, #tpu.memory_space<hbm>>) target_semaphore(%run_scoped3A : memref<!tpu.dma_semaphore, #tpu.memory_space<semaphore_mem>>)
        %dma_wait3A = arith.constant 0 : i32
        %dma_wait3A_51 = tpu.memref_slice %arg13[%mul3A_23, %dma_wait3A] : memref<10240x64xf32, #tpu.memory_space<hbm>> -> memref<640x64xf32, #tpu.memory_space<hbm>>
        %dma_wait3A_52 = arith.constant 0 : i32
        %dma_wait3A_53 = tpu.memref_slice %arg19[%mul3A_21, %dma_wait3A_52] : memref<10240x64xf32, #tpu.memory_space<vmem_shared>> -> memref<640x64xf32, #tpu.memory_space<vmem_shared>>
        tpu.wait_dma2 semaphore(%run_scoped3A : memref<!tpu.dma_semaphore, #tpu.memory_space<semaphore_mem>>) src(%dma_wait3A_53 : memref<640x64xf32, #tpu.memory_space<vmem_shared>>) dst(%dma_wait3A_51 : memref<640x64xf32, #tpu.memory_space<hbm>>)
        tpu.yield
      }) : () -> ()
      %barrier3A_24 = arith.constant 0 : index
      tpu.barrier barrier_id(%barrier3A_24)
      %mul3A_25 = arith.constant 640 : i32
      %mul3A_26 = arith.muli %arg1, %mul3A_25 : i32
      "tpu.region"() ({
        %run_scoped3A = tpu.sem_alloc : memref<!tpu.dma_semaphore, #tpu.memory_space<semaphore_mem>>
        %dma_start3A_47 = arith.constant 0 : i32
        %dma_start3A_48 = tpu.memref_slice %arg19[%mul3A_26, %dma_start3A_47] : memref<10240x64xf32, #tpu.memory_space<vmem_shared>> -> memref<640x64xf32, #tpu.memory_space<vmem_shared>>
        tpu.enqueue_dma source(%arg10 : memref<640x64xf32, #tpu.memory_space<hbm>>) target(%dma_start3A_48 : memref<640x64xf32, #tpu.memory_space<vmem_shared>>) target_semaphore(%run_scoped3A : memref<!tpu.dma_semaphore, #tpu.memory_space<semaphore_mem>>)
        %dma_wait3A = arith.constant 0 : i32
        %dma_wait3A_49 = tpu.memref_slice %arg19[%mul3A_26, %dma_wait3A] : memref<10240x64xf32, #tpu.memory_space<vmem_shared>> -> memref<640x64xf32, #tpu.memory_space<vmem_shared>>
        tpu.wait_dma2 semaphore(%run_scoped3A : memref<!tpu.dma_semaphore, #tpu.memory_space<semaphore_mem>>) src(%arg10 : memref<640x64xf32, #tpu.memory_space<hbm>>) dst(%dma_wait3A_49 : memref<640x64xf32, #tpu.memory_space<vmem_shared>>)
        tpu.yield
      }) : () -> ()
      %barrier3A_27 = arith.constant 0 : index
      tpu.barrier barrier_id(%barrier3A_27)
      %dma_start3A_28 = arith.constant 0 : i32
      %dma_start3A_29 = arith.constant 0 : i32
      %dma_start3A_30 = tpu.memref_slice %arg15[%dma_start3A_28, %dma_start3A_29] : memref<158x128xi32, #tpu.memory_space<vmem>> -> memref<1x128xi32, #tpu.memory_space<vmem>>
      %dma_start3A_31 = tpu.memref_squeeze %dma_start3A_30 : memref<1x128xi32, #tpu.memory_space<vmem>> -> memref<128xi32, #tpu.memory_space<vmem>>
      %dma_start3A_32 = arith.constant 0 : i32
      %dma_start3A_33 = arith.constant 0 : i32
      %dma_start3A_34 = tpu.memref_slice %arg5[%dma_start3A_32, %dma_start3A_33] : memref<10000x64xf32, #tpu.memory_space<hbm>> -> memref<10000x64xf32, #tpu.memory_space<hbm>>
      tpu.enqueue_indirect_dma source(%dma_start3A_34 : memref<10000x64xf32, #tpu.memory_space<hbm>>) target(%arg17 : memref<128x64xf32, #tpu.memory_space<vmem>>) offsets(%dma_start3A_31 : memref<128xi32, #tpu.memory_space<vmem>>) semaphore(%arg20 : memref<!tpu.dma_semaphore, #tpu.memory_space<semaphore_mem>>)
      %scan3A_35 = arith.constant 0 : i32
      %scan3A_36 = arith.constant 0 : i32
      %scan3A_37 = arith.constant 79 : i32
      %scan3A_38 = arith.addi %scan3A_36, %scan3A_37 : i32
      %scan3A_39 = arith.constant 1 : i32
      scf.for %scan3A_47 = %scan3A_36 to %scan3A_38 step %scan3A_39  : i32 {
        %mul3A_48 = arith.constant 2 : i32
        %mul3A_49 = arith.muli %scan3A_47, %mul3A_48 : i32
        %add3A = arith.constant 1 : i32
        %add3A_50 = arith.addi %mul3A_49, %add3A : i32
        %dma_start3A_51 = arith.constant 0 : i32
        %dma_start3A_52 = tpu.memref_slice %arg15[%add3A_50, %dma_start3A_51] : memref<158x128xi32, #tpu.memory_space<vmem>> -> memref<1x128xi32, #tpu.memory_space<vmem>>
        %dma_start3A_53 = tpu.memref_squeeze %dma_start3A_52 : memref<1x128xi32, #tpu.memory_space<vmem>> -> memref<128xi32, #tpu.memory_space<vmem>>
        %dma_start3A_54 = arith.constant 0 : i32
        %dma_start3A_55 = arith.constant 0 : i32
        %dma_start3A_56 = tpu.memref_slice %arg5[%dma_start3A_54, %dma_start3A_55] : memref<10000x64xf32, #tpu.memory_space<hbm>> -> memref<10000x64xf32, #tpu.memory_space<hbm>>
        tpu.enqueue_indirect_dma source(%dma_start3A_56 : memref<10000x64xf32, #tpu.memory_space<hbm>>) target(%arg18 : memref<128x64xf32, #tpu.memory_space<vmem>>) offsets(%dma_start3A_53 : memref<128xi32, #tpu.memory_space<vmem>>) semaphore(%arg21 : memref<!tpu.dma_semaphore, #tpu.memory_space<semaphore_mem>>)
        %dma_wait3A = arith.constant 0 : i32
        %dma_wait3A_57 = arith.constant 0 : i32
        %dma_wait3A_58 = tpu.memref_slice %arg5[%dma_wait3A, %dma_wait3A_57] : memref<10000x64xf32, #tpu.memory_space<hbm>> -> memref<128x64xf32, #tpu.memory_space<hbm>>
        %dma_wait3A_59 = arith.constant 0 : i32
        %dma_wait3A_60 = arith.constant 0 : i32
        %dma_wait3A_61 = tpu.memref_slice %arg5[%dma_wait3A_59, %dma_wait3A_60] : memref<10000x64xf32, #tpu.memory_space<hbm>> -> memref<128x64xf32, #tpu.memory_space<hbm>>
        tpu.wait_dma2 semaphore(%arg20 : memref<!tpu.dma_semaphore, #tpu.memory_space<semaphore_mem>>) src(%dma_wait3A_61 : memref<128x64xf32, #tpu.memory_space<hbm>>) dst(%arg17 : memref<128x64xf32, #tpu.memory_space<vmem>>)
        "tpu.region"() ({
          %run_scoped3A = tpu.sem_alloc : memref<!tpu.dma_semaphore, #tpu.memory_space<semaphore_mem>>
          %dma_start3A_76 = arith.constant 0 : i32
          %dma_start3A_77 = tpu.memref_slice %arg16[%mul3A_49, %dma_start3A_76] : memref<158x128xi32, #tpu.memory_space<vmem>> -> memref<1x128xi32, #tpu.memory_space<vmem>>
          %dma_start3A_78 = tpu.memref_squeeze %dma_start3A_77 : memref<1x128xi32, #tpu.memory_space<vmem>> -> memref<128xi32, #tpu.memory_space<vmem>>
          %dma_start3A_79 = arith.constant 0 : i32
          %dma_start3A_80 = arith.constant 0 : i32
          %dma_start3A_81 = tpu.memref_slice %arg19[%dma_start3A_79, %dma_start3A_80] : memref<10240x64xf32, #tpu.memory_space<vmem_shared>> -> memref<10240x64xf32, #tpu.memory_space<vmem_shared>>
          tpu.enqueue_indirect_dma source(%arg17 : memref<128x64xf32, #tpu.memory_space<vmem>>) target(%dma_start3A_81 : memref<10240x64xf32, #tpu.memory_space<vmem_shared>>) offsets(%dma_start3A_78 : memref<128xi32, #tpu.memory_space<vmem>>) semaphore(%run_scoped3A : memref<!tpu.dma_semaphore, #tpu.memory_space<semaphore_mem>>) {add = true}
          %dma_wait3A_82 = arith.constant 0 : i32
          %dma_wait3A_83 = tpu.memref_slice %arg16[%mul3A_49, %dma_wait3A_82] : memref<158x128xi32, #tpu.memory_space<vmem>> -> memref<1x128xi32, #tpu.memory_space<vmem>>
          %dma_wait3A_84 = tpu.memref_squeeze %dma_wait3A_83 : memref<1x128xi32, #tpu.memory_space<vmem>> -> memref<128xi32, #tpu.memory_space<vmem>>
          %dma_wait3A_85 = arith.constant 0 : i32
          %dma_wait3A_86 = arith.constant 0 : i32
          %dma_wait3A_87 = tpu.memref_slice %arg19[%dma_wait3A_85, %dma_wait3A_86] : memref<10240x64xf32, #tpu.memory_space<vmem_shared>> -> memref<10240x64xf32, #tpu.memory_space<vmem_shared>>
          tpu.wait_indirect_dma semaphore(%run_scoped3A : memref<!tpu.dma_semaphore, #tpu.memory_space<semaphore_mem>>) src(%arg17 : memref<128x64xf32, #tpu.memory_space<vmem>>) dst(%dma_wait3A_87 : memref<10240x64xf32, #tpu.memory_space<vmem_shared>>)
          tpu.yield
        }) : () -> ()
        %add3A_62 = arith.constant 2 : i32
        %add3A_63 = arith.addi %mul3A_49, %add3A_62 : i32
        %lt3A = arith.constant 158 : i32
        %lt3A_64 = arith.cmpi slt, %add3A_63, %lt3A : i32
        %convert_element_type3A_65 = arith.extui %lt3A_64 : i1 to i32
        %cond3A_66 = arith.constant 0 : i32
        %cond3A_67 = arith.cmpi ne, %convert_element_type3A_65, %cond3A_66 : i32
        scf.if %cond3A_67 {
          %add3A_76 = arith.constant 2 : i32
          %add3A_77 = arith.addi %mul3A_49, %add3A_76 : i32
          %dma_start3A_78 = arith.constant 0 : i32
          %dma_start3A_79 = tpu.memref_slice %arg15[%add3A_77, %dma_start3A_78] : memref<158x128xi32, #tpu.memory_space<vmem>> -> memref<1x128xi32, #tpu.memory_space<vmem>>
          %dma_start3A_80 = tpu.memref_squeeze %dma_start3A_79 : memref<1x128xi32, #tpu.memory_space<vmem>> -> memref<128xi32, #tpu.memory_space<vmem>>
          %dma_start3A_81 = arith.constant 0 : i32
          %dma_start3A_82 = arith.constant 0 : i32
          %dma_start3A_83 = tpu.memref_slice %arg5[%dma_start3A_81, %dma_start3A_82] : memref<10000x64xf32, #tpu.memory_space<hbm>> -> memref<10000x64xf32, #tpu.memory_space<hbm>>
          tpu.enqueue_indirect_dma source(%dma_start3A_83 : memref<10000x64xf32, #tpu.memory_space<hbm>>) target(%arg17 : memref<128x64xf32, #tpu.memory_space<vmem>>) offsets(%dma_start3A_80 : memref<128xi32, #tpu.memory_space<vmem>>) semaphore(%arg20 : memref<!tpu.dma_semaphore, #tpu.memory_space<semaphore_mem>>)
        } else {
        }
        %dma_wait3A_68 = arith.constant 0 : i32
        %dma_wait3A_69 = arith.constant 0 : i32
        %dma_wait3A_70 = tpu.memref_slice %arg5[%dma_wait3A_68, %dma_wait3A_69] : memref<10000x64xf32, #tpu.memory_space<hbm>> -> memref<128x64xf32, #tpu.memory_space<hbm>>
        %dma_wait3A_71 = arith.constant 0 : i32
        %dma_wait3A_72 = arith.constant 0 : i32
        %dma_wait3A_73 = tpu.memref_slice %arg5[%dma_wait3A_71, %dma_wait3A_72] : memref<10000x64xf32, #tpu.memory_space<hbm>> -> memref<128x64xf32, #tpu.memory_space<hbm>>
        tpu.wait_dma2 semaphore(%arg21 : memref<!tpu.dma_semaphore, #tpu.memory_space<semaphore_mem>>) src(%dma_wait3A_73 : memref<128x64xf32, #tpu.memory_space<hbm>>) dst(%arg18 : memref<128x64xf32, #tpu.memory_space<vmem>>)
        %add3A_74 = arith.constant 1 : i32
        %add3A_75 = arith.addi %mul3A_49, %add3A_74 : i32
        "tpu.region"() ({
          %run_scoped3A = tpu.sem_alloc : memref<!tpu.dma_semaphore, #tpu.memory_space<semaphore_mem>>
          %dma_start3A_76 = arith.constant 0 : i32
          %dma_start3A_77 = tpu.memref_slice %arg16[%add3A_75, %dma_start3A_76] : memref<158x128xi32, #tpu.memory_space<vmem>> -> memref<1x128xi32, #tpu.memory_space<vmem>>
          %dma_start3A_78 = tpu.memref_squeeze %dma_start3A_77 : memref<1x128xi32, #tpu.memory_space<vmem>> -> memref<128xi32, #tpu.memory_space<vmem>>
          %dma_start3A_79 = arith.constant 0 : i32
          %dma_start3A_80 = arith.constant 0 : i32
          %dma_start3A_81 = tpu.memref_slice %arg19[%dma_start3A_79, %dma_start3A_80] : memref<10240x64xf32, #tpu.memory_space<vmem_shared>> -> memref<10240x64xf32, #tpu.memory_space<vmem_shared>>
          tpu.enqueue_indirect_dma source(%arg18 : memref<128x64xf32, #tpu.memory_space<vmem>>) target(%dma_start3A_81 : memref<10240x64xf32, #tpu.memory_space<vmem_shared>>) offsets(%dma_start3A_78 : memref<128xi32, #tpu.memory_space<vmem>>) semaphore(%run_scoped3A : memref<!tpu.dma_semaphore, #tpu.memory_space<semaphore_mem>>) {add = true}
          %dma_wait3A_82 = arith.constant 0 : i32
          %dma_wait3A_83 = tpu.memref_slice %arg16[%add3A_75, %dma_wait3A_82] : memref<158x128xi32, #tpu.memory_space<vmem>> -> memref<1x128xi32, #tpu.memory_space<vmem>>
          %dma_wait3A_84 = tpu.memref_squeeze %dma_wait3A_83 : memref<1x128xi32, #tpu.memory_space<vmem>> -> memref<128xi32, #tpu.memory_space<vmem>>
          %dma_wait3A_85 = arith.constant 0 : i32
          %dma_wait3A_86 = arith.constant 0 : i32
          %dma_wait3A_87 = tpu.memref_slice %arg19[%dma_wait3A_85, %dma_wait3A_86] : memref<10240x64xf32, #tpu.memory_space<vmem_shared>> -> memref<10240x64xf32, #tpu.memory_space<vmem_shared>>
          tpu.wait_indirect_dma semaphore(%run_scoped3A : memref<!tpu.dma_semaphore, #tpu.memory_space<semaphore_mem>>) src(%arg18 : memref<128x64xf32, #tpu.memory_space<vmem>>) dst(%dma_wait3A_87 : memref<10240x64xf32, #tpu.memory_space<vmem_shared>>)
          tpu.yield
        }) : () -> ()
      }
      %scan3A_40 = arith.constant 79 : i32
      %barrier3A_41 = arith.constant 0 : index
      tpu.barrier barrier_id(%barrier3A_41)
      %mul3A_42 = arith.constant 640 : i32
      %mul3A_43 = arith.muli %arg1, %mul3A_42 : i32
      %mul3A_44 = arith.constant 640 : i32
      %mul3A_45 = arith.muli %arg1, %mul3A_44 : i32
      "tpu.region"() ({
        %run_scoped3A = tpu.sem_alloc : memref<!tpu.dma_semaphore, #tpu.memory_space<semaphore_mem>>
        %dma_start3A_47 = arith.constant 0 : i32
        %dma_start3A_48 = tpu.memref_slice %arg14[%mul3A_45, %dma_start3A_47] : memref<10240x64xf32, #tpu.memory_space<hbm>> -> memref<640x64xf32, #tpu.memory_space<hbm>>
        %dma_start3A_49 = arith.constant 0 : i32
        %dma_start3A_50 = tpu.memref_slice %arg19[%mul3A_43, %dma_start3A_49] : memref<10240x64xf32, #tpu.memory_space<vmem_shared>> -> memref<640x64xf32, #tpu.memory_space<vmem_shared>>
        tpu.enqueue_dma source(%dma_start3A_50 : memref<640x64xf32, #tpu.memory_space<vmem_shared>>) target(%dma_start3A_48 : memref<640x64xf32, #tpu.memory_space<hbm>>) target_semaphore(%run_scoped3A : memref<!tpu.dma_semaphore, #tpu.memory_space<semaphore_mem>>)
        %dma_wait3A = arith.constant 0 : i32
        %dma_wait3A_51 = tpu.memref_slice %arg14[%mul3A_45, %dma_wait3A] : memref<10240x64xf32, #tpu.memory_space<hbm>> -> memref<640x64xf32, #tpu.memory_space<hbm>>
        %dma_wait3A_52 = arith.constant 0 : i32
        %dma_wait3A_53 = tpu.memref_slice %arg19[%mul3A_43, %dma_wait3A_52] : memref<10240x64xf32, #tpu.memory_space<vmem_shared>> -> memref<640x64xf32, #tpu.memory_space<vmem_shared>>
        tpu.wait_dma2 semaphore(%run_scoped3A : memref<!tpu.dma_semaphore, #tpu.memory_space<semaphore_mem>>) src(%dma_wait3A_53 : memref<640x64xf32, #tpu.memory_space<vmem_shared>>) dst(%dma_wait3A_51 : memref<640x64xf32, #tpu.memory_space<hbm>>)
        tpu.yield
      }) : () -> ()
      %barrier3A_46 = arith.constant 0 : index
      tpu.barrier barrier_id(%barrier3A_46)
    } else {
    }
    return
  }
}

#map = affine_map<(d0, d1) -> (0, 0, 0)>
#map1 = affine_map<(d0, d1) -> (0, 0)>
module attributes {stable_mosaic.version = 14 : i64} {
  func.func @_deg_body(%arg0: i32, %arg1: i32, %arg2: memref<16x158x128xi32, #tpu.memory_space<hbm>>, %arg3: memref<16x158x128xi32, #tpu.memory_space<hbm>>, %arg4: memref<128x16xf32, #tpu.memory_space<hbm>>, %arg5: memref<640x16xf32, #tpu.memory_space<hbm>>, %arg6: memref<10240x16xf32, #tpu.memory_space<hbm>>, %arg7: memref<10240x16xf32, #tpu.memory_space<hbm>>, %arg8: memref<158x128xi32, #tpu.memory_space<vmem>>, %arg9: memref<128x16xf32, #tpu.memory_space<vmem>>, %arg10: memref<10240x16xf32, #tpu.memory_space<vmem_shared>>) attributes {dimension_semantics = [#tpu.dimension_semantics<core_parallel>, #tpu.dimension_semantics<subcore_parallel>], iteration_bounds = array<i64: 2, 16>, scalar_prefetch = 0 : i64, scratch_operands = 3 : i64, tpu.core_type = #tpu.core_type<sc_vector_subcore>, window_params = [{transform_indices = #map}, {transform_indices = #map}, {transform_indices = #map1}, {transform_indices = #map1}, {transform_indices = #map1}, {transform_indices = #map1}]} {
    %eq3A = arith.constant 0 : i32
    %eq3A_0 = arith.cmpi eq, %arg0, %eq3A : i32
    %convert_element_type3A = arith.extui %eq3A_0 : i1 to i32
    %cond3A = arith.constant 0 : i32
    %cond3A_1 = arith.cmpi ne, %convert_element_type3A, %cond3A : i32
    scf.if %cond3A_1 {
      "tpu.region"() ({
        %run_scoped3A = tpu.sem_alloc : memref<!tpu.dma_semaphore, #tpu.memory_space<semaphore_mem>>
        %dma_start3A = arith.constant 0 : i32
        %dma_start3A_18 = arith.constant 0 : i32
        %dma_start3A_19 = tpu.memref_slice %arg2[%arg1, %dma_start3A, %dma_start3A_18] : memref<16x158x128xi32, #tpu.memory_space<hbm>> -> memref<1x158x128xi32, #tpu.memory_space<hbm>>
        %dma_start3A_20 = tpu.memref_squeeze %dma_start3A_19 : memref<1x158x128xi32, #tpu.memory_space<hbm>> -> memref<158x128xi32, #tpu.memory_space<hbm>>
        %dma_start3A_21 = arith.constant 0 : i32
        %dma_start3A_22 = arith.constant 0 : i32
        %dma_start3A_23 = tpu.memref_slice %arg2[%arg1, %dma_start3A_21, %dma_start3A_22] : memref<16x158x128xi32, #tpu.memory_space<hbm>> -> memref<1x158x128xi32, #tpu.memory_space<hbm>>
        %dma_start3A_24 = tpu.memref_squeeze %dma_start3A_23 : memref<1x158x128xi32, #tpu.memory_space<hbm>> -> memref<158x128xi32, #tpu.memory_space<hbm>>
        tpu.enqueue_dma source(%dma_start3A_24 : memref<158x128xi32, #tpu.memory_space<hbm>>) target(%arg8 : memref<158x128xi32, #tpu.memory_space<vmem>>) target_semaphore(%run_scoped3A : memref<!tpu.dma_semaphore, #tpu.memory_space<semaphore_mem>>)
        %dma_wait3A = arith.constant 0 : i32
        %dma_wait3A_25 = arith.constant 0 : i32
        %dma_wait3A_26 = tpu.memref_slice %arg2[%arg1, %dma_wait3A, %dma_wait3A_25] : memref<16x158x128xi32, #tpu.memory_space<hbm>> -> memref<1x158x128xi32, #tpu.memory_space<hbm>>
        %dma_wait3A_27 = tpu.memref_squeeze %dma_wait3A_26 : memref<1x158x128xi32, #tpu.memory_space<hbm>> -> memref<158x128xi32, #tpu.memory_space<hbm>>
        %dma_wait3A_28 = arith.constant 0 : i32
        %dma_wait3A_29 = arith.constant 0 : i32
        %dma_wait3A_30 = tpu.memref_slice %arg2[%arg1, %dma_wait3A_28, %dma_wait3A_29] : memref<16x158x128xi32, #tpu.memory_space<hbm>> -> memref<1x158x128xi32, #tpu.memory_space<hbm>>
        %dma_wait3A_31 = tpu.memref_squeeze %dma_wait3A_30 : memref<1x158x128xi32, #tpu.memory_space<hbm>> -> memref<158x128xi32, #tpu.memory_space<hbm>>
        tpu.wait_dma2 semaphore(%run_scoped3A : memref<!tpu.dma_semaphore, #tpu.memory_space<semaphore_mem>>) src(%dma_wait3A_31 : memref<158x128xi32, #tpu.memory_space<hbm>>) dst(%arg8 : memref<158x128xi32, #tpu.memory_space<vmem>>)
        tpu.yield
      }) : () -> ()
      "tpu.region"() ({
        %run_scoped3A = tpu.sem_alloc : memref<!tpu.dma_semaphore, #tpu.memory_space<semaphore_mem>>
        tpu.enqueue_dma source(%arg4 : memref<128x16xf32, #tpu.memory_space<hbm>>) target(%arg9 : memref<128x16xf32, #tpu.memory_space<vmem>>) target_semaphore(%run_scoped3A : memref<!tpu.dma_semaphore, #tpu.memory_space<semaphore_mem>>)
        tpu.wait_dma2 semaphore(%run_scoped3A : memref<!tpu.dma_semaphore, #tpu.memory_space<semaphore_mem>>) src(%arg4 : memref<128x16xf32, #tpu.memory_space<hbm>>) dst(%arg9 : memref<128x16xf32, #tpu.memory_space<vmem>>)
        tpu.yield
      }) : () -> ()
      %mul3A = arith.constant 640 : i32
      %mul3A_7 = arith.muli %arg1, %mul3A : i32
      "tpu.region"() ({
        %run_scoped3A = tpu.sem_alloc : memref<!tpu.dma_semaphore, #tpu.memory_space<semaphore_mem>>
        %dma_start3A = arith.constant 0 : i32
        %dma_start3A_18 = tpu.memref_slice %arg10[%mul3A_7, %dma_start3A] : memref<10240x16xf32, #tpu.memory_space<vmem_shared>> -> memref<640x16xf32, #tpu.memory_space<vmem_shared>>
        tpu.enqueue_dma source(%arg5 : memref<640x16xf32, #tpu.memory_space<hbm>>) target(%dma_start3A_18 : memref<640x16xf32, #tpu.memory_space<vmem_shared>>) target_semaphore(%run_scoped3A : memref<!tpu.dma_semaphore, #tpu.memory_space<semaphore_mem>>)
        %dma_wait3A = arith.constant 0 : i32
        %dma_wait3A_19 = tpu.memref_slice %arg10[%mul3A_7, %dma_wait3A] : memref<10240x16xf32, #tpu.memory_space<vmem_shared>> -> memref<640x16xf32, #tpu.memory_space<vmem_shared>>
        tpu.wait_dma2 semaphore(%run_scoped3A : memref<!tpu.dma_semaphore, #tpu.memory_space<semaphore_mem>>) src(%arg5 : memref<640x16xf32, #tpu.memory_space<hbm>>) dst(%dma_wait3A_19 : memref<640x16xf32, #tpu.memory_space<vmem_shared>>)
        tpu.yield
      }) : () -> ()
      %barrier3A = arith.constant 0 : index
      tpu.barrier barrier_id(%barrier3A)
      %scan3A = arith.constant 0 : i32
      %scan3A_8 = arith.constant 0 : i32
      %scan3A_9 = arith.constant 158 : i32
      %scan3A_10 = arith.addi %scan3A_8, %scan3A_9 : i32
      %scan3A_11 = arith.constant 1 : i32
      scf.for %scan3A_18 = %scan3A_8 to %scan3A_10 step %scan3A_11  : i32 {
        "tpu.region"() ({
          %run_scoped3A = tpu.sem_alloc : memref<!tpu.dma_semaphore, #tpu.memory_space<semaphore_mem>>
          %dma_start3A = arith.constant 0 : i32
          %dma_start3A_19 = tpu.memref_slice %arg8[%scan3A_18, %dma_start3A] : memref<158x128xi32, #tpu.memory_space<vmem>> -> memref<1x128xi32, #tpu.memory_space<vmem>>
          %dma_start3A_20 = tpu.memref_squeeze %dma_start3A_19 : memref<1x128xi32, #tpu.memory_space<vmem>> -> memref<128xi32, #tpu.memory_space<vmem>>
          %dma_start3A_21 = arith.constant 0 : i32
          %dma_start3A_22 = arith.constant 0 : i32
          %dma_start3A_23 = tpu.memref_slice %arg10[%dma_start3A_21, %dma_start3A_22] : memref<10240x16xf32, #tpu.memory_space<vmem_shared>> -> memref<10240x16xf32, #tpu.memory_space<vmem_shared>>
          tpu.enqueue_indirect_dma source(%arg9 : memref<128x16xf32, #tpu.memory_space<vmem>>) target(%dma_start3A_23 : memref<10240x16xf32, #tpu.memory_space<vmem_shared>>) offsets(%dma_start3A_20 : memref<128xi32, #tpu.memory_space<vmem>>) semaphore(%run_scoped3A : memref<!tpu.dma_semaphore, #tpu.memory_space<semaphore_mem>>) {add = true}
          %dma_wait3A = arith.constant 0 : i32
          %dma_wait3A_24 = tpu.memref_slice %arg8[%scan3A_18, %dma_wait3A] : memref<158x128xi32, #tpu.memory_space<vmem>> -> memref<1x128xi32, #tpu.memory_space<vmem>>
          %dma_wait3A_25 = tpu.memref_squeeze %dma_wait3A_24 : memref<1x128xi32, #tpu.memory_space<vmem>> -> memref<128xi32, #tpu.memory_space<vmem>>
          %dma_wait3A_26 = arith.constant 0 : i32
          %dma_wait3A_27 = arith.constant 0 : i32
          %dma_wait3A_28 = tpu.memref_slice %arg10[%dma_wait3A_26, %dma_wait3A_27] : memref<10240x16xf32, #tpu.memory_space<vmem_shared>> -> memref<10240x16xf32, #tpu.memory_space<vmem_shared>>
          tpu.wait_indirect_dma semaphore(%run_scoped3A : memref<!tpu.dma_semaphore, #tpu.memory_space<semaphore_mem>>) src(%arg9 : memref<128x16xf32, #tpu.memory_space<vmem>>) dst(%dma_wait3A_28 : memref<10240x16xf32, #tpu.memory_space<vmem_shared>>)
          tpu.yield
        }) : () -> ()
      }
      %scan3A_12 = arith.constant 158 : i32
      %barrier3A_13 = arith.constant 0 : index
      tpu.barrier barrier_id(%barrier3A_13)
      %mul3A_14 = arith.constant 640 : i32
      %mul3A_15 = arith.muli %arg1, %mul3A_14 : i32
      %mul3A_16 = arith.constant 640 : i32
      %mul3A_17 = arith.muli %arg1, %mul3A_16 : i32
      "tpu.region"() ({
        %run_scoped3A = tpu.sem_alloc : memref<!tpu.dma_semaphore, #tpu.memory_space<semaphore_mem>>
        %dma_start3A = arith.constant 0 : i32
        %dma_start3A_18 = tpu.memref_slice %arg6[%mul3A_17, %dma_start3A] : memref<10240x16xf32, #tpu.memory_space<hbm>> -> memref<640x16xf32, #tpu.memory_space<hbm>>
        %dma_start3A_19 = arith.constant 0 : i32
        %dma_start3A_20 = tpu.memref_slice %arg10[%mul3A_15, %dma_start3A_19] : memref<10240x16xf32, #tpu.memory_space<vmem_shared>> -> memref<640x16xf32, #tpu.memory_space<vmem_shared>>
        tpu.enqueue_dma source(%dma_start3A_20 : memref<640x16xf32, #tpu.memory_space<vmem_shared>>) target(%dma_start3A_18 : memref<640x16xf32, #tpu.memory_space<hbm>>) target_semaphore(%run_scoped3A : memref<!tpu.dma_semaphore, #tpu.memory_space<semaphore_mem>>)
        %dma_wait3A = arith.constant 0 : i32
        %dma_wait3A_21 = tpu.memref_slice %arg6[%mul3A_17, %dma_wait3A] : memref<10240x16xf32, #tpu.memory_space<hbm>> -> memref<640x16xf32, #tpu.memory_space<hbm>>
        %dma_wait3A_22 = arith.constant 0 : i32
        %dma_wait3A_23 = tpu.memref_slice %arg10[%mul3A_15, %dma_wait3A_22] : memref<10240x16xf32, #tpu.memory_space<vmem_shared>> -> memref<640x16xf32, #tpu.memory_space<vmem_shared>>
        tpu.wait_dma2 semaphore(%run_scoped3A : memref<!tpu.dma_semaphore, #tpu.memory_space<semaphore_mem>>) src(%dma_wait3A_23 : memref<640x16xf32, #tpu.memory_space<vmem_shared>>) dst(%dma_wait3A_21 : memref<640x16xf32, #tpu.memory_space<hbm>>)
        tpu.yield
      }) : () -> ()
    } else {
    }
    %eq3A_2 = arith.constant 1 : i32
    %eq3A_3 = arith.cmpi eq, %arg0, %eq3A_2 : i32
    %convert_element_type3A_4 = arith.extui %eq3A_3 : i1 to i32
    %cond3A_5 = arith.constant 0 : i32
    %cond3A_6 = arith.cmpi ne, %convert_element_type3A_4, %cond3A_5 : i32
    scf.if %cond3A_6 {
      "tpu.region"() ({
        %run_scoped3A = tpu.sem_alloc : memref<!tpu.dma_semaphore, #tpu.memory_space<semaphore_mem>>
        %dma_start3A = arith.constant 0 : i32
        %dma_start3A_18 = arith.constant 0 : i32
        %dma_start3A_19 = tpu.memref_slice %arg3[%arg1, %dma_start3A, %dma_start3A_18] : memref<16x158x128xi32, #tpu.memory_space<hbm>> -> memref<1x158x128xi32, #tpu.memory_space<hbm>>
        %dma_start3A_20 = tpu.memref_squeeze %dma_start3A_19 : memref<1x158x128xi32, #tpu.memory_space<hbm>> -> memref<158x128xi32, #tpu.memory_space<hbm>>
        %dma_start3A_21 = arith.constant 0 : i32
        %dma_start3A_22 = arith.constant 0 : i32
        %dma_start3A_23 = tpu.memref_slice %arg3[%arg1, %dma_start3A_21, %dma_start3A_22] : memref<16x158x128xi32, #tpu.memory_space<hbm>> -> memref<1x158x128xi32, #tpu.memory_space<hbm>>
        %dma_start3A_24 = tpu.memref_squeeze %dma_start3A_23 : memref<1x158x128xi32, #tpu.memory_space<hbm>> -> memref<158x128xi32, #tpu.memory_space<hbm>>
        tpu.enqueue_dma source(%dma_start3A_24 : memref<158x128xi32, #tpu.memory_space<hbm>>) target(%arg8 : memref<158x128xi32, #tpu.memory_space<vmem>>) target_semaphore(%run_scoped3A : memref<!tpu.dma_semaphore, #tpu.memory_space<semaphore_mem>>)
        %dma_wait3A = arith.constant 0 : i32
        %dma_wait3A_25 = arith.constant 0 : i32
        %dma_wait3A_26 = tpu.memref_slice %arg3[%arg1, %dma_wait3A, %dma_wait3A_25] : memref<16x158x128xi32, #tpu.memory_space<hbm>> -> memref<1x158x128xi32, #tpu.memory_space<hbm>>
        %dma_wait3A_27 = tpu.memref_squeeze %dma_wait3A_26 : memref<1x158x128xi32, #tpu.memory_space<hbm>> -> memref<158x128xi32, #tpu.memory_space<hbm>>
        %dma_wait3A_28 = arith.constant 0 : i32
        %dma_wait3A_29 = arith.constant 0 : i32
        %dma_wait3A_30 = tpu.memref_slice %arg3[%arg1, %dma_wait3A_28, %dma_wait3A_29] : memref<16x158x128xi32, #tpu.memory_space<hbm>> -> memref<1x158x128xi32, #tpu.memory_space<hbm>>
        %dma_wait3A_31 = tpu.memref_squeeze %dma_wait3A_30 : memref<1x158x128xi32, #tpu.memory_space<hbm>> -> memref<158x128xi32, #tpu.memory_space<hbm>>
        tpu.wait_dma2 semaphore(%run_scoped3A : memref<!tpu.dma_semaphore, #tpu.memory_space<semaphore_mem>>) src(%dma_wait3A_31 : memref<158x128xi32, #tpu.memory_space<hbm>>) dst(%arg8 : memref<158x128xi32, #tpu.memory_space<vmem>>)
        tpu.yield
      }) : () -> ()
      "tpu.region"() ({
        %run_scoped3A = tpu.sem_alloc : memref<!tpu.dma_semaphore, #tpu.memory_space<semaphore_mem>>
        tpu.enqueue_dma source(%arg4 : memref<128x16xf32, #tpu.memory_space<hbm>>) target(%arg9 : memref<128x16xf32, #tpu.memory_space<vmem>>) target_semaphore(%run_scoped3A : memref<!tpu.dma_semaphore, #tpu.memory_space<semaphore_mem>>)
        tpu.wait_dma2 semaphore(%run_scoped3A : memref<!tpu.dma_semaphore, #tpu.memory_space<semaphore_mem>>) src(%arg4 : memref<128x16xf32, #tpu.memory_space<hbm>>) dst(%arg9 : memref<128x16xf32, #tpu.memory_space<vmem>>)
        tpu.yield
      }) : () -> ()
      %mul3A = arith.constant 640 : i32
      %mul3A_7 = arith.muli %arg1, %mul3A : i32
      "tpu.region"() ({
        %run_scoped3A = tpu.sem_alloc : memref<!tpu.dma_semaphore, #tpu.memory_space<semaphore_mem>>
        %dma_start3A = arith.constant 0 : i32
        %dma_start3A_18 = tpu.memref_slice %arg10[%mul3A_7, %dma_start3A] : memref<10240x16xf32, #tpu.memory_space<vmem_shared>> -> memref<640x16xf32, #tpu.memory_space<vmem_shared>>
        tpu.enqueue_dma source(%arg5 : memref<640x16xf32, #tpu.memory_space<hbm>>) target(%dma_start3A_18 : memref<640x16xf32, #tpu.memory_space<vmem_shared>>) target_semaphore(%run_scoped3A : memref<!tpu.dma_semaphore, #tpu.memory_space<semaphore_mem>>)
        %dma_wait3A = arith.constant 0 : i32
        %dma_wait3A_19 = tpu.memref_slice %arg10[%mul3A_7, %dma_wait3A] : memref<10240x16xf32, #tpu.memory_space<vmem_shared>> -> memref<640x16xf32, #tpu.memory_space<vmem_shared>>
        tpu.wait_dma2 semaphore(%run_scoped3A : memref<!tpu.dma_semaphore, #tpu.memory_space<semaphore_mem>>) src(%arg5 : memref<640x16xf32, #tpu.memory_space<hbm>>) dst(%dma_wait3A_19 : memref<640x16xf32, #tpu.memory_space<vmem_shared>>)
        tpu.yield
      }) : () -> ()
      %barrier3A = arith.constant 0 : index
      tpu.barrier barrier_id(%barrier3A)
      %scan3A = arith.constant 0 : i32
      %scan3A_8 = arith.constant 0 : i32
      %scan3A_9 = arith.constant 158 : i32
      %scan3A_10 = arith.addi %scan3A_8, %scan3A_9 : i32
      %scan3A_11 = arith.constant 1 : i32
      scf.for %scan3A_18 = %scan3A_8 to %scan3A_10 step %scan3A_11  : i32 {
        "tpu.region"() ({
          %run_scoped3A = tpu.sem_alloc : memref<!tpu.dma_semaphore, #tpu.memory_space<semaphore_mem>>
          %dma_start3A = arith.constant 0 : i32
          %dma_start3A_19 = tpu.memref_slice %arg8[%scan3A_18, %dma_start3A] : memref<158x128xi32, #tpu.memory_space<vmem>> -> memref<1x128xi32, #tpu.memory_space<vmem>>
          %dma_start3A_20 = tpu.memref_squeeze %dma_start3A_19 : memref<1x128xi32, #tpu.memory_space<vmem>> -> memref<128xi32, #tpu.memory_space<vmem>>
          %dma_start3A_21 = arith.constant 0 : i32
          %dma_start3A_22 = arith.constant 0 : i32
          %dma_start3A_23 = tpu.memref_slice %arg10[%dma_start3A_21, %dma_start3A_22] : memref<10240x16xf32, #tpu.memory_space<vmem_shared>> -> memref<10240x16xf32, #tpu.memory_space<vmem_shared>>
          tpu.enqueue_indirect_dma source(%arg9 : memref<128x16xf32, #tpu.memory_space<vmem>>) target(%dma_start3A_23 : memref<10240x16xf32, #tpu.memory_space<vmem_shared>>) offsets(%dma_start3A_20 : memref<128xi32, #tpu.memory_space<vmem>>) semaphore(%run_scoped3A : memref<!tpu.dma_semaphore, #tpu.memory_space<semaphore_mem>>) {add = true}
          %dma_wait3A = arith.constant 0 : i32
          %dma_wait3A_24 = tpu.memref_slice %arg8[%scan3A_18, %dma_wait3A] : memref<158x128xi32, #tpu.memory_space<vmem>> -> memref<1x128xi32, #tpu.memory_space<vmem>>
          %dma_wait3A_25 = tpu.memref_squeeze %dma_wait3A_24 : memref<1x128xi32, #tpu.memory_space<vmem>> -> memref<128xi32, #tpu.memory_space<vmem>>
          %dma_wait3A_26 = arith.constant 0 : i32
          %dma_wait3A_27 = arith.constant 0 : i32
          %dma_wait3A_28 = tpu.memref_slice %arg10[%dma_wait3A_26, %dma_wait3A_27] : memref<10240x16xf32, #tpu.memory_space<vmem_shared>> -> memref<10240x16xf32, #tpu.memory_space<vmem_shared>>
          tpu.wait_indirect_dma semaphore(%run_scoped3A : memref<!tpu.dma_semaphore, #tpu.memory_space<semaphore_mem>>) src(%arg9 : memref<128x16xf32, #tpu.memory_space<vmem>>) dst(%dma_wait3A_28 : memref<10240x16xf32, #tpu.memory_space<vmem_shared>>)
          tpu.yield
        }) : () -> ()
      }
      %scan3A_12 = arith.constant 158 : i32
      %barrier3A_13 = arith.constant 0 : index
      tpu.barrier barrier_id(%barrier3A_13)
      %mul3A_14 = arith.constant 640 : i32
      %mul3A_15 = arith.muli %arg1, %mul3A_14 : i32
      %mul3A_16 = arith.constant 640 : i32
      %mul3A_17 = arith.muli %arg1, %mul3A_16 : i32
      "tpu.region"() ({
        %run_scoped3A = tpu.sem_alloc : memref<!tpu.dma_semaphore, #tpu.memory_space<semaphore_mem>>
        %dma_start3A = arith.constant 0 : i32
        %dma_start3A_18 = tpu.memref_slice %arg7[%mul3A_17, %dma_start3A] : memref<10240x16xf32, #tpu.memory_space<hbm>> -> memref<640x16xf32, #tpu.memory_space<hbm>>
        %dma_start3A_19 = arith.constant 0 : i32
        %dma_start3A_20 = tpu.memref_slice %arg10[%mul3A_15, %dma_start3A_19] : memref<10240x16xf32, #tpu.memory_space<vmem_shared>> -> memref<640x16xf32, #tpu.memory_space<vmem_shared>>
        tpu.enqueue_dma source(%dma_start3A_20 : memref<640x16xf32, #tpu.memory_space<vmem_shared>>) target(%dma_start3A_18 : memref<640x16xf32, #tpu.memory_space<hbm>>) target_semaphore(%run_scoped3A : memref<!tpu.dma_semaphore, #tpu.memory_space<semaphore_mem>>)
        %dma_wait3A = arith.constant 0 : i32
        %dma_wait3A_21 = tpu.memref_slice %arg7[%mul3A_17, %dma_wait3A] : memref<10240x16xf32, #tpu.memory_space<hbm>> -> memref<640x16xf32, #tpu.memory_space<hbm>>
        %dma_wait3A_22 = arith.constant 0 : i32
        %dma_wait3A_23 = tpu.memref_slice %arg10[%mul3A_15, %dma_wait3A_22] : memref<10240x16xf32, #tpu.memory_space<vmem_shared>> -> memref<640x16xf32, #tpu.memory_space<vmem_shared>>
        tpu.wait_dma2 semaphore(%run_scoped3A : memref<!tpu.dma_semaphore, #tpu.memory_space<semaphore_mem>>) src(%dma_wait3A_23 : memref<640x16xf32, #tpu.memory_space<vmem_shared>>) dst(%dma_wait3A_21 : memref<640x16xf32, #tpu.memory_space<hbm>>)
        tpu.yield
      }) : () -> ()
    } else {
    }
    return
  }
}

#map = affine_map<(d0, d1) -> (0, 0)>
#map1 = affine_map<(d0, d1) -> (0, 0, 0)>
module attributes {stable_mosaic.version = 14 : i64} {
  func.func @_agg_body(%arg0: i32, %arg1: i32, %arg2: memref<10000x64xf32, #tpu.memory_space<hbm>>, %arg3: memref<10000x64xf32, #tpu.memory_space<hbm>>, %arg4: memref<10000x64xf32, #tpu.memory_space<hbm>>, %arg5: memref<10000x64xf32, #tpu.memory_space<hbm>>, %arg6: memref<16x158x128xi32, #tpu.memory_space<hbm>>, %arg7: memref<16x158x128xi32, #tpu.memory_space<hbm>>, %arg8: memref<16x158x128xi32, #tpu.memory_space<hbm>>, %arg9: memref<16x158x128xi32, #tpu.memory_space<hbm>>, %arg10: memref<640x64xf32, #tpu.memory_space<hbm>>, %arg11: memref<10240x64xf32, #tpu.memory_space<hbm>>, %arg12: memref<10240x64xf32, #tpu.memory_space<hbm>>, %arg13: memref<10240x64xf32, #tpu.memory_space<hbm>>, %arg14: memref<10240x64xf32, #tpu.memory_space<hbm>>, %arg15: memref<158x128xi32, #tpu.memory_space<vmem>>, %arg16: memref<158x128xi32, #tpu.memory_space<vmem>>, %arg17: memref<128x64xf32, #tpu.memory_space<vmem>>, %arg18: memref<128x64xf32, #tpu.memory_space<vmem>>, %arg19: memref<10240x64xf32, #tpu.memory_space<vmem_shared>>, %arg20: memref<!tpu.dma_semaphore, #tpu.memory_space<semaphore_mem>>, %arg21: memref<!tpu.dma_semaphore, #tpu.memory_space<semaphore_mem>>) attributes {dimension_semantics = [#tpu.dimension_semantics<core_parallel>, #tpu.dimension_semantics<subcore_parallel>], iteration_bounds = array<i64: 2, 16>, scalar_prefetch = 0 : i64, scratch_operands = 7 : i64, tpu.core_type = #tpu.core_type<sc_vector_subcore>, window_params = [{transform_indices = #map}, {transform_indices = #map}, {transform_indices = #map}, {transform_indices = #map}, {transform_indices = #map1}, {transform_indices = #map1}, {transform_indices = #map1}, {transform_indices = #map1}, {transform_indices = #map}, {transform_indices = #map}, {transform_indices = #map}, {transform_indices = #map}, {transform_indices = #map}]} {
    %eq3A = arith.constant 0 : i32
    %eq3A_0 = arith.cmpi eq, %arg0, %eq3A : i32
    %convert_element_type3A = arith.extui %eq3A_0 : i1 to i32
    %cond3A = arith.constant 0 : i32
    %cond3A_1 = arith.cmpi ne, %convert_element_type3A, %cond3A : i32
    scf.if %cond3A_1 {
      "tpu.region"() ({
        %run_scoped3A = tpu.sem_alloc : memref<!tpu.dma_semaphore, #tpu.memory_space<semaphore_mem>>
        %dma_start3A_47 = arith.constant 0 : i32
        %dma_start3A_48 = arith.constant 0 : i32
        %dma_start3A_49 = tpu.memref_slice %arg6[%arg1, %dma_start3A_47, %dma_start3A_48] : memref<16x158x128xi32, #tpu.memory_space<hbm>> -> memref<1x158x128xi32, #tpu.memory_space<hbm>>
        %dma_start3A_50 = tpu.memref_squeeze %dma_start3A_49 : memref<1x158x128xi32, #tpu.memory_space<hbm>> -> memref<158x128xi32, #tpu.memory_space<hbm>>
        %dma_start3A_51 = arith.constant 0 : i32
        %dma_start3A_52 = arith.constant 0 : i32
        %dma_start3A_53 = tpu.memref_slice %arg6[%arg1, %dma_start3A_51, %dma_start3A_52] : memref<16x158x128xi32, #tpu.memory_space<hbm>> -> memref<1x158x128xi32, #tpu.memory_space<hbm>>
        %dma_start3A_54 = tpu.memref_squeeze %dma_start3A_53 : memref<1x158x128xi32, #tpu.memory_space<hbm>> -> memref<158x128xi32, #tpu.memory_space<hbm>>
        tpu.enqueue_dma source(%dma_start3A_54 : memref<158x128xi32, #tpu.memory_space<hbm>>) target(%arg15 : memref<158x128xi32, #tpu.memory_space<vmem>>) target_semaphore(%run_scoped3A : memref<!tpu.dma_semaphore, #tpu.memory_space<semaphore_mem>>)
        %dma_wait3A = arith.constant 0 : i32
        %dma_wait3A_55 = arith.constant 0 : i32
        %dma_wait3A_56 = tpu.memref_slice %arg6[%arg1, %dma_wait3A, %dma_wait3A_55] : memref<16x158x128xi32, #tpu.memory_space<hbm>> -> memref<1x158x128xi32, #tpu.memory_space<hbm>>
        %dma_wait3A_57 = tpu.memref_squeeze %dma_wait3A_56 : memref<1x158x128xi32, #tpu.memory_space<hbm>> -> memref<158x128xi32, #tpu.memory_space<hbm>>
        %dma_wait3A_58 = arith.constant 0 : i32
        %dma_wait3A_59 = arith.constant 0 : i32
        %dma_wait3A_60 = tpu.memref_slice %arg6[%arg1, %dma_wait3A_58, %dma_wait3A_59] : memref<16x158x128xi32, #tpu.memory_space<hbm>> -> memref<1x158x128xi32, #tpu.memory_space<hbm>>
        %dma_wait3A_61 = tpu.memref_squeeze %dma_wait3A_60 : memref<1x158x128xi32, #tpu.memory_space<hbm>> -> memref<158x128xi32, #tpu.memory_space<hbm>>
        tpu.wait_dma2 semaphore(%run_scoped3A : memref<!tpu.dma_semaphore, #tpu.memory_space<semaphore_mem>>) src(%dma_wait3A_61 : memref<158x128xi32, #tpu.memory_space<hbm>>) dst(%arg15 : memref<158x128xi32, #tpu.memory_space<vmem>>)
        tpu.yield
      }) : () -> ()
      "tpu.region"() ({
        %run_scoped3A = tpu.sem_alloc : memref<!tpu.dma_semaphore, #tpu.memory_space<semaphore_mem>>
        %dma_start3A_47 = arith.constant 0 : i32
        %dma_start3A_48 = arith.constant 0 : i32
        %dma_start3A_49 = tpu.memref_slice %arg7[%arg1, %dma_start3A_47, %dma_start3A_48] : memref<16x158x128xi32, #tpu.memory_space<hbm>> -> memref<1x158x128xi32, #tpu.memory_space<hbm>>
        %dma_start3A_50 = tpu.memref_squeeze %dma_start3A_49 : memref<1x158x128xi32, #tpu.memory_space<hbm>> -> memref<158x128xi32, #tpu.memory_space<hbm>>
        %dma_start3A_51 = arith.constant 0 : i32
        %dma_start3A_52 = arith.constant 0 : i32
        %dma_start3A_53 = tpu.memref_slice %arg7[%arg1, %dma_start3A_51, %dma_start3A_52] : memref<16x158x128xi32, #tpu.memory_space<hbm>> -> memref<1x158x128xi32, #tpu.memory_space<hbm>>
        %dma_start3A_54 = tpu.memref_squeeze %dma_start3A_53 : memref<1x158x128xi32, #tpu.memory_space<hbm>> -> memref<158x128xi32, #tpu.memory_space<hbm>>
        tpu.enqueue_dma source(%dma_start3A_54 : memref<158x128xi32, #tpu.memory_space<hbm>>) target(%arg16 : memref<158x128xi32, #tpu.memory_space<vmem>>) target_semaphore(%run_scoped3A : memref<!tpu.dma_semaphore, #tpu.memory_space<semaphore_mem>>)
        %dma_wait3A = arith.constant 0 : i32
        %dma_wait3A_55 = arith.constant 0 : i32
        %dma_wait3A_56 = tpu.memref_slice %arg7[%arg1, %dma_wait3A, %dma_wait3A_55] : memref<16x158x128xi32, #tpu.memory_space<hbm>> -> memref<1x158x128xi32, #tpu.memory_space<hbm>>
        %dma_wait3A_57 = tpu.memref_squeeze %dma_wait3A_56 : memref<1x158x128xi32, #tpu.memory_space<hbm>> -> memref<158x128xi32, #tpu.memory_space<hbm>>
        %dma_wait3A_58 = arith.constant 0 : i32
        %dma_wait3A_59 = arith.constant 0 : i32
        %dma_wait3A_60 = tpu.memref_slice %arg7[%arg1, %dma_wait3A_58, %dma_wait3A_59] : memref<16x158x128xi32, #tpu.memory_space<hbm>> -> memref<1x158x128xi32, #tpu.memory_space<hbm>>
        %dma_wait3A_61 = tpu.memref_squeeze %dma_wait3A_60 : memref<1x158x128xi32, #tpu.memory_space<hbm>> -> memref<158x128xi32, #tpu.memory_space<hbm>>
        tpu.wait_dma2 semaphore(%run_scoped3A : memref<!tpu.dma_semaphore, #tpu.memory_space<semaphore_mem>>) src(%dma_wait3A_61 : memref<158x128xi32, #tpu.memory_space<hbm>>) dst(%arg16 : memref<158x128xi32, #tpu.memory_space<vmem>>)
        tpu.yield
      }) : () -> ()
      %mul3A = arith.constant 640 : i32
      %mul3A_7 = arith.muli %arg1, %mul3A : i32
      "tpu.region"() ({
        %run_scoped3A = tpu.sem_alloc : memref<!tpu.dma_semaphore, #tpu.memory_space<semaphore_mem>>
        %dma_start3A_47 = arith.constant 0 : i32
        %dma_start3A_48 = tpu.memref_slice %arg19[%mul3A_7, %dma_start3A_47] : memref<10240x64xf32, #tpu.memory_space<vmem_shared>> -> memref<640x64xf32, #tpu.memory_space<vmem_shared>>
        tpu.enqueue_dma source(%arg10 : memref<640x64xf32, #tpu.memory_space<hbm>>) target(%dma_start3A_48 : memref<640x64xf32, #tpu.memory_space<vmem_shared>>) target_semaphore(%run_scoped3A : memref<!tpu.dma_semaphore, #tpu.memory_space<semaphore_mem>>)
        %dma_wait3A = arith.constant 0 : i32
        %dma_wait3A_49 = tpu.memref_slice %arg19[%mul3A_7, %dma_wait3A] : memref<10240x64xf32, #tpu.memory_space<vmem_shared>> -> memref<640x64xf32, #tpu.memory_space<vmem_shared>>
        tpu.wait_dma2 semaphore(%run_scoped3A : memref<!tpu.dma_semaphore, #tpu.memory_space<semaphore_mem>>) src(%arg10 : memref<640x64xf32, #tpu.memory_space<hbm>>) dst(%dma_wait3A_49 : memref<640x64xf32, #tpu.memory_space<vmem_shared>>)
        tpu.yield
      }) : () -> ()
      %barrier3A = arith.constant 0 : index
      tpu.barrier barrier_id(%barrier3A)
      %dma_start3A = arith.constant 0 : i32
      %dma_start3A_8 = arith.constant 0 : i32
      %dma_start3A_9 = tpu.memref_slice %arg15[%dma_start3A, %dma_start3A_8] : memref<158x128xi32, #tpu.memory_space<vmem>> -> memref<1x128xi32, #tpu.memory_space<vmem>>
      %dma_start3A_10 = tpu.memref_squeeze %dma_start3A_9 : memref<1x128xi32, #tpu.memory_space<vmem>> -> memref<128xi32, #tpu.memory_space<vmem>>
      %dma_start3A_11 = arith.constant 0 : i32
      %dma_start3A_12 = arith.constant 0 : i32
      %dma_start3A_13 = tpu.memref_slice %arg2[%dma_start3A_11, %dma_start3A_12] : memref<10000x64xf32, #tpu.memory_space<hbm>> -> memref<10000x64xf32, #tpu.memory_space<hbm>>
      tpu.enqueue_indirect_dma source(%dma_start3A_13 : memref<10000x64xf32, #tpu.memory_space<hbm>>) target(%arg17 : memref<128x64xf32, #tpu.memory_space<vmem>>) offsets(%dma_start3A_10 : memref<128xi32, #tpu.memory_space<vmem>>) semaphore(%arg20 : memref<!tpu.dma_semaphore, #tpu.memory_space<semaphore_mem>>)
      %scan3A = arith.constant 0 : i32
      %scan3A_14 = arith.constant 0 : i32
      %scan3A_15 = arith.constant 79 : i32
      %scan3A_16 = arith.addi %scan3A_14, %scan3A_15 : i32
      %scan3A_17 = arith.constant 1 : i32
      scf.for %scan3A_47 = %scan3A_14 to %scan3A_16 step %scan3A_17  : i32 {
        %mul3A_48 = arith.constant 2 : i32
        %mul3A_49 = arith.muli %scan3A_47, %mul3A_48 : i32
        %add3A = arith.constant 1 : i32
        %add3A_50 = arith.addi %mul3A_49, %add3A : i32
        %dma_start3A_51 = arith.constant 0 : i32
        %dma_start3A_52 = tpu.memref_slice %arg15[%add3A_50, %dma_start3A_51] : memref<158x128xi32, #tpu.memory_space<vmem>> -> memref<1x128xi32, #tpu.memory_space<vmem>>
        %dma_start3A_53 = tpu.memref_squeeze %dma_start3A_52 : memref<1x128xi32, #tpu.memory_space<vmem>> -> memref<128xi32, #tpu.memory_space<vmem>>
        %dma_start3A_54 = arith.constant 0 : i32
        %dma_start3A_55 = arith.constant 0 : i32
        %dma_start3A_56 = tpu.memref_slice %arg2[%dma_start3A_54, %dma_start3A_55] : memref<10000x64xf32, #tpu.memory_space<hbm>> -> memref<10000x64xf32, #tpu.memory_space<hbm>>
        tpu.enqueue_indirect_dma source(%dma_start3A_56 : memref<10000x64xf32, #tpu.memory_space<hbm>>) target(%arg18 : memref<128x64xf32, #tpu.memory_space<vmem>>) offsets(%dma_start3A_53 : memref<128xi32, #tpu.memory_space<vmem>>) semaphore(%arg21 : memref<!tpu.dma_semaphore, #tpu.memory_space<semaphore_mem>>)
        %dma_wait3A = arith.constant 0 : i32
        %dma_wait3A_57 = arith.constant 0 : i32
        %dma_wait3A_58 = tpu.memref_slice %arg2[%dma_wait3A, %dma_wait3A_57] : memref<10000x64xf32, #tpu.memory_space<hbm>> -> memref<128x64xf32, #tpu.memory_space<hbm>>
        %dma_wait3A_59 = arith.constant 0 : i32
        %dma_wait3A_60 = arith.constant 0 : i32
        %dma_wait3A_61 = tpu.memref_slice %arg2[%dma_wait3A_59, %dma_wait3A_60] : memref<10000x64xf32, #tpu.memory_space<hbm>> -> memref<128x64xf32, #tpu.memory_space<hbm>>
        tpu.wait_dma2 semaphore(%arg20 : memref<!tpu.dma_semaphore, #tpu.memory_space<semaphore_mem>>) src(%dma_wait3A_61 : memref<128x64xf32, #tpu.memory_space<hbm>>) dst(%arg17 : memref<128x64xf32, #tpu.memory_space<vmem>>)
        "tpu.region"() ({
          %run_scoped3A = tpu.sem_alloc : memref<!tpu.dma_semaphore, #tpu.memory_space<semaphore_mem>>
          %dma_start3A_76 = arith.constant 0 : i32
          %dma_start3A_77 = tpu.memref_slice %arg16[%mul3A_49, %dma_start3A_76] : memref<158x128xi32, #tpu.memory_space<vmem>> -> memref<1x128xi32, #tpu.memory_space<vmem>>
          %dma_start3A_78 = tpu.memref_squeeze %dma_start3A_77 : memref<1x128xi32, #tpu.memory_space<vmem>> -> memref<128xi32, #tpu.memory_space<vmem>>
          %dma_start3A_79 = arith.constant 0 : i32
          %dma_start3A_80 = arith.constant 0 : i32
          %dma_start3A_81 = tpu.memref_slice %arg19[%dma_start3A_79, %dma_start3A_80] : memref<10240x64xf32, #tpu.memory_space<vmem_shared>> -> memref<10240x64xf32, #tpu.memory_space<vmem_shared>>
          tpu.enqueue_indirect_dma source(%arg17 : memref<128x64xf32, #tpu.memory_space<vmem>>) target(%dma_start3A_81 : memref<10240x64xf32, #tpu.memory_space<vmem_shared>>) offsets(%dma_start3A_78 : memref<128xi32, #tpu.memory_space<vmem>>) semaphore(%run_scoped3A : memref<!tpu.dma_semaphore, #tpu.memory_space<semaphore_mem>>) {add = true}
          %dma_wait3A_82 = arith.constant 0 : i32
          %dma_wait3A_83 = tpu.memref_slice %arg16[%mul3A_49, %dma_wait3A_82] : memref<158x128xi32, #tpu.memory_space<vmem>> -> memref<1x128xi32, #tpu.memory_space<vmem>>
          %dma_wait3A_84 = tpu.memref_squeeze %dma_wait3A_83 : memref<1x128xi32, #tpu.memory_space<vmem>> -> memref<128xi32, #tpu.memory_space<vmem>>
          %dma_wait3A_85 = arith.constant 0 : i32
          %dma_wait3A_86 = arith.constant 0 : i32
          %dma_wait3A_87 = tpu.memref_slice %arg19[%dma_wait3A_85, %dma_wait3A_86] : memref<10240x64xf32, #tpu.memory_space<vmem_shared>> -> memref<10240x64xf32, #tpu.memory_space<vmem_shared>>
          tpu.wait_indirect_dma semaphore(%run_scoped3A : memref<!tpu.dma_semaphore, #tpu.memory_space<semaphore_mem>>) src(%arg17 : memref<128x64xf32, #tpu.memory_space<vmem>>) dst(%dma_wait3A_87 : memref<10240x64xf32, #tpu.memory_space<vmem_shared>>)
          tpu.yield
        }) : () -> ()
        %add3A_62 = arith.constant 2 : i32
        %add3A_63 = arith.addi %mul3A_49, %add3A_62 : i32
        %lt3A = arith.constant 158 : i32
        %lt3A_64 = arith.cmpi slt, %add3A_63, %lt3A : i32
        %convert_element_type3A_65 = arith.extui %lt3A_64 : i1 to i32
        %cond3A_66 = arith.constant 0 : i32
        %cond3A_67 = arith.cmpi ne, %convert_element_type3A_65, %cond3A_66 : i32
        scf.if %cond3A_67 {
          %add3A_76 = arith.constant 2 : i32
          %add3A_77 = arith.addi %mul3A_49, %add3A_76 : i32
          %dma_start3A_78 = arith.constant 0 : i32
          %dma_start3A_79 = tpu.memref_slice %arg15[%add3A_77, %dma_start3A_78] : memref<158x128xi32, #tpu.memory_space<vmem>> -> memref<1x128xi32, #tpu.memory_space<vmem>>
          %dma_start3A_80 = tpu.memref_squeeze %dma_start3A_79 : memref<1x128xi32, #tpu.memory_space<vmem>> -> memref<128xi32, #tpu.memory_space<vmem>>
          %dma_start3A_81 = arith.constant 0 : i32
          %dma_start3A_82 = arith.constant 0 : i32
          %dma_start3A_83 = tpu.memref_slice %arg2[%dma_start3A_81, %dma_start3A_82] : memref<10000x64xf32, #tpu.memory_space<hbm>> -> memref<10000x64xf32, #tpu.memory_space<hbm>>
          tpu.enqueue_indirect_dma source(%dma_start3A_83 : memref<10000x64xf32, #tpu.memory_space<hbm>>) target(%arg17 : memref<128x64xf32, #tpu.memory_space<vmem>>) offsets(%dma_start3A_80 : memref<128xi32, #tpu.memory_space<vmem>>) semaphore(%arg20 : memref<!tpu.dma_semaphore, #tpu.memory_space<semaphore_mem>>)
        } else {
        }
        %dma_wait3A_68 = arith.constant 0 : i32
        %dma_wait3A_69 = arith.constant 0 : i32
        %dma_wait3A_70 = tpu.memref_slice %arg2[%dma_wait3A_68, %dma_wait3A_69] : memref<10000x64xf32, #tpu.memory_space<hbm>> -> memref<128x64xf32, #tpu.memory_space<hbm>>
        %dma_wait3A_71 = arith.constant 0 : i32
        %dma_wait3A_72 = arith.constant 0 : i32
        %dma_wait3A_73 = tpu.memref_slice %arg2[%dma_wait3A_71, %dma_wait3A_72] : memref<10000x64xf32, #tpu.memory_space<hbm>> -> memref<128x64xf32, #tpu.memory_space<hbm>>
        tpu.wait_dma2 semaphore(%arg21 : memref<!tpu.dma_semaphore, #tpu.memory_space<semaphore_mem>>) src(%dma_wait3A_73 : memref<128x64xf32, #tpu.memory_space<hbm>>) dst(%arg18 : memref<128x64xf32, #tpu.memory_space<vmem>>)
        %add3A_74 = arith.constant 1 : i32
        %add3A_75 = arith.addi %mul3A_49, %add3A_74 : i32
        "tpu.region"() ({
          %run_scoped3A = tpu.sem_alloc : memref<!tpu.dma_semaphore, #tpu.memory_space<semaphore_mem>>
          %dma_start3A_76 = arith.constant 0 : i32
          %dma_start3A_77 = tpu.memref_slice %arg16[%add3A_75, %dma_start3A_76] : memref<158x128xi32, #tpu.memory_space<vmem>> -> memref<1x128xi32, #tpu.memory_space<vmem>>
          %dma_start3A_78 = tpu.memref_squeeze %dma_start3A_77 : memref<1x128xi32, #tpu.memory_space<vmem>> -> memref<128xi32, #tpu.memory_space<vmem>>
          %dma_start3A_79 = arith.constant 0 : i32
          %dma_start3A_80 = arith.constant 0 : i32
          %dma_start3A_81 = tpu.memref_slice %arg19[%dma_start3A_79, %dma_start3A_80] : memref<10240x64xf32, #tpu.memory_space<vmem_shared>> -> memref<10240x64xf32, #tpu.memory_space<vmem_shared>>
          tpu.enqueue_indirect_dma source(%arg18 : memref<128x64xf32, #tpu.memory_space<vmem>>) target(%dma_start3A_81 : memref<10240x64xf32, #tpu.memory_space<vmem_shared>>) offsets(%dma_start3A_78 : memref<128xi32, #tpu.memory_space<vmem>>) semaphore(%run_scoped3A : memref<!tpu.dma_semaphore, #tpu.memory_space<semaphore_mem>>) {add = true}
          %dma_wait3A_82 = arith.constant 0 : i32
          %dma_wait3A_83 = tpu.memref_slice %arg16[%add3A_75, %dma_wait3A_82] : memref<158x128xi32, #tpu.memory_space<vmem>> -> memref<1x128xi32, #tpu.memory_space<vmem>>
          %dma_wait3A_84 = tpu.memref_squeeze %dma_wait3A_83 : memref<1x128xi32, #tpu.memory_space<vmem>> -> memref<128xi32, #tpu.memory_space<vmem>>
          %dma_wait3A_85 = arith.constant 0 : i32
          %dma_wait3A_86 = arith.constant 0 : i32
          %dma_wait3A_87 = tpu.memref_slice %arg19[%dma_wait3A_85, %dma_wait3A_86] : memref<10240x64xf32, #tpu.memory_space<vmem_shared>> -> memref<10240x64xf32, #tpu.memory_space<vmem_shared>>
          tpu.wait_indirect_dma semaphore(%run_scoped3A : memref<!tpu.dma_semaphore, #tpu.memory_space<semaphore_mem>>) src(%arg18 : memref<128x64xf32, #tpu.memory_space<vmem>>) dst(%dma_wait3A_87 : memref<10240x64xf32, #tpu.memory_space<vmem_shared>>)
          tpu.yield
        }) : () -> ()
      }
      %scan3A_18 = arith.constant 79 : i32
      %barrier3A_19 = arith.constant 0 : index
      tpu.barrier barrier_id(%barrier3A_19)
      %mul3A_20 = arith.constant 640 : i32
      %mul3A_21 = arith.muli %arg1, %mul3A_20 : i32
      %mul3A_22 = arith.constant 640 : i32
      %mul3A_23 = arith.muli %arg1, %mul3A_22 : i32
      "tpu.region"() ({
        %run_scoped3A = tpu.sem_alloc : memref<!tpu.dma_semaphore, #tpu.memory_space<semaphore_mem>>
        %dma_start3A_47 = arith.constant 0 : i32
        %dma_start3A_48 = tpu.memref_slice %arg11[%mul3A_23, %dma_start3A_47] : memref<10240x64xf32, #tpu.memory_space<hbm>> -> memref<640x64xf32, #tpu.memory_space<hbm>>
        %dma_start3A_49 = arith.constant 0 : i32
        %dma_start3A_50 = tpu.memref_slice %arg19[%mul3A_21, %dma_start3A_49] : memref<10240x64xf32, #tpu.memory_space<vmem_shared>> -> memref<640x64xf32, #tpu.memory_space<vmem_shared>>
        tpu.enqueue_dma source(%dma_start3A_50 : memref<640x64xf32, #tpu.memory_space<vmem_shared>>) target(%dma_start3A_48 : memref<640x64xf32, #tpu.memory_space<hbm>>) target_semaphore(%run_scoped3A : memref<!tpu.dma_semaphore, #tpu.memory_space<semaphore_mem>>)
        %dma_wait3A = arith.constant 0 : i32
        %dma_wait3A_51 = tpu.memref_slice %arg11[%mul3A_23, %dma_wait3A] : memref<10240x64xf32, #tpu.memory_space<hbm>> -> memref<640x64xf32, #tpu.memory_space<hbm>>
        %dma_wait3A_52 = arith.constant 0 : i32
        %dma_wait3A_53 = tpu.memref_slice %arg19[%mul3A_21, %dma_wait3A_52] : memref<10240x64xf32, #tpu.memory_space<vmem_shared>> -> memref<640x64xf32, #tpu.memory_space<vmem_shared>>
        tpu.wait_dma2 semaphore(%run_scoped3A : memref<!tpu.dma_semaphore, #tpu.memory_space<semaphore_mem>>) src(%dma_wait3A_53 : memref<640x64xf32, #tpu.memory_space<vmem_shared>>) dst(%dma_wait3A_51 : memref<640x64xf32, #tpu.memory_space<hbm>>)
        tpu.yield
      }) : () -> ()
      %barrier3A_24 = arith.constant 0 : index
      tpu.barrier barrier_id(%barrier3A_24)
      %mul3A_25 = arith.constant 640 : i32
      %mul3A_26 = arith.muli %arg1, %mul3A_25 : i32
      "tpu.region"() ({
        %run_scoped3A = tpu.sem_alloc : memref<!tpu.dma_semaphore, #tpu.memory_space<semaphore_mem>>
        %dma_start3A_47 = arith.constant 0 : i32
        %dma_start3A_48 = tpu.memref_slice %arg19[%mul3A_26, %dma_start3A_47] : memref<10240x64xf32, #tpu.memory_space<vmem_shared>> -> memref<640x64xf32, #tpu.memory_space<vmem_shared>>
        tpu.enqueue_dma source(%arg10 : memref<640x64xf32, #tpu.memory_space<hbm>>) target(%dma_start3A_48 : memref<640x64xf32, #tpu.memory_space<vmem_shared>>) target_semaphore(%run_scoped3A : memref<!tpu.dma_semaphore, #tpu.memory_space<semaphore_mem>>)
        %dma_wait3A = arith.constant 0 : i32
        %dma_wait3A_49 = tpu.memref_slice %arg19[%mul3A_26, %dma_wait3A] : memref<10240x64xf32, #tpu.memory_space<vmem_shared>> -> memref<640x64xf32, #tpu.memory_space<vmem_shared>>
        tpu.wait_dma2 semaphore(%run_scoped3A : memref<!tpu.dma_semaphore, #tpu.memory_space<semaphore_mem>>) src(%arg10 : memref<640x64xf32, #tpu.memory_space<hbm>>) dst(%dma_wait3A_49 : memref<640x64xf32, #tpu.memory_space<vmem_shared>>)
        tpu.yield
      }) : () -> ()
      %barrier3A_27 = arith.constant 0 : index
      tpu.barrier barrier_id(%barrier3A_27)
      %dma_start3A_28 = arith.constant 0 : i32
      %dma_start3A_29 = arith.constant 0 : i32
      %dma_start3A_30 = tpu.memref_slice %arg15[%dma_start3A_28, %dma_start3A_29] : memref<158x128xi32, #tpu.memory_space<vmem>> -> memref<1x128xi32, #tpu.memory_space<vmem>>
      %dma_start3A_31 = tpu.memref_squeeze %dma_start3A_30 : memref<1x128xi32, #tpu.memory_space<vmem>> -> memref<128xi32, #tpu.memory_space<vmem>>
      %dma_start3A_32 = arith.constant 0 : i32
      %dma_start3A_33 = arith.constant 0 : i32
      %dma_start3A_34 = tpu.memref_slice %arg3[%dma_start3A_32, %dma_start3A_33] : memref<10000x64xf32, #tpu.memory_space<hbm>> -> memref<10000x64xf32, #tpu.memory_space<hbm>>
      tpu.enqueue_indirect_dma source(%dma_start3A_34 : memref<10000x64xf32, #tpu.memory_space<hbm>>) target(%arg17 : memref<128x64xf32, #tpu.memory_space<vmem>>) offsets(%dma_start3A_31 : memref<128xi32, #tpu.memory_space<vmem>>) semaphore(%arg20 : memref<!tpu.dma_semaphore, #tpu.memory_space<semaphore_mem>>)
      %scan3A_35 = arith.constant 0 : i32
      %scan3A_36 = arith.constant 0 : i32
      %scan3A_37 = arith.constant 79 : i32
      %scan3A_38 = arith.addi %scan3A_36, %scan3A_37 : i32
      %scan3A_39 = arith.constant 1 : i32
      scf.for %scan3A_47 = %scan3A_36 to %scan3A_38 step %scan3A_39  : i32 {
        %mul3A_48 = arith.constant 2 : i32
        %mul3A_49 = arith.muli %scan3A_47, %mul3A_48 : i32
        %add3A = arith.constant 1 : i32
        %add3A_50 = arith.addi %mul3A_49, %add3A : i32
        %dma_start3A_51 = arith.constant 0 : i32
        %dma_start3A_52 = tpu.memref_slice %arg15[%add3A_50, %dma_start3A_51] : memref<158x128xi32, #tpu.memory_space<vmem>> -> memref<1x128xi32, #tpu.memory_space<vmem>>
        %dma_start3A_53 = tpu.memref_squeeze %dma_start3A_52 : memref<1x128xi32, #tpu.memory_space<vmem>> -> memref<128xi32, #tpu.memory_space<vmem>>
        %dma_start3A_54 = arith.constant 0 : i32
        %dma_start3A_55 = arith.constant 0 : i32
        %dma_start3A_56 = tpu.memref_slice %arg3[%dma_start3A_54, %dma_start3A_55] : memref<10000x64xf32, #tpu.memory_space<hbm>> -> memref<10000x64xf32, #tpu.memory_space<hbm>>
        tpu.enqueue_indirect_dma source(%dma_start3A_56 : memref<10000x64xf32, #tpu.memory_space<hbm>>) target(%arg18 : memref<128x64xf32, #tpu.memory_space<vmem>>) offsets(%dma_start3A_53 : memref<128xi32, #tpu.memory_space<vmem>>) semaphore(%arg21 : memref<!tpu.dma_semaphore, #tpu.memory_space<semaphore_mem>>)
        %dma_wait3A = arith.constant 0 : i32
        %dma_wait3A_57 = arith.constant 0 : i32
        %dma_wait3A_58 = tpu.memref_slice %arg3[%dma_wait3A, %dma_wait3A_57] : memref<10000x64xf32, #tpu.memory_space<hbm>> -> memref<128x64xf32, #tpu.memory_space<hbm>>
        %dma_wait3A_59 = arith.constant 0 : i32
        %dma_wait3A_60 = arith.constant 0 : i32
        %dma_wait3A_61 = tpu.memref_slice %arg3[%dma_wait3A_59, %dma_wait3A_60] : memref<10000x64xf32, #tpu.memory_space<hbm>> -> memref<128x64xf32, #tpu.memory_space<hbm>>
        tpu.wait_dma2 semaphore(%arg20 : memref<!tpu.dma_semaphore, #tpu.memory_space<semaphore_mem>>) src(%dma_wait3A_61 : memref<128x64xf32, #tpu.memory_space<hbm>>) dst(%arg17 : memref<128x64xf32, #tpu.memory_space<vmem>>)
        "tpu.region"() ({
          %run_scoped3A = tpu.sem_alloc : memref<!tpu.dma_semaphore, #tpu.memory_space<semaphore_mem>>
          %dma_start3A_76 = arith.constant 0 : i32
          %dma_start3A_77 = tpu.memref_slice %arg16[%mul3A_49, %dma_start3A_76] : memref<158x128xi32, #tpu.memory_space<vmem>> -> memref<1x128xi32, #tpu.memory_space<vmem>>
          %dma_start3A_78 = tpu.memref_squeeze %dma_start3A_77 : memref<1x128xi32, #tpu.memory_space<vmem>> -> memref<128xi32, #tpu.memory_space<vmem>>
          %dma_start3A_79 = arith.constant 0 : i32
          %dma_start3A_80 = arith.constant 0 : i32
          %dma_start3A_81 = tpu.memref_slice %arg19[%dma_start3A_79, %dma_start3A_80] : memref<10240x64xf32, #tpu.memory_space<vmem_shared>> -> memref<10240x64xf32, #tpu.memory_space<vmem_shared>>
          tpu.enqueue_indirect_dma source(%arg17 : memref<128x64xf32, #tpu.memory_space<vmem>>) target(%dma_start3A_81 : memref<10240x64xf32, #tpu.memory_space<vmem_shared>>) offsets(%dma_start3A_78 : memref<128xi32, #tpu.memory_space<vmem>>) semaphore(%run_scoped3A : memref<!tpu.dma_semaphore, #tpu.memory_space<semaphore_mem>>) {add = true}
          %dma_wait3A_82 = arith.constant 0 : i32
          %dma_wait3A_83 = tpu.memref_slice %arg16[%mul3A_49, %dma_wait3A_82] : memref<158x128xi32, #tpu.memory_space<vmem>> -> memref<1x128xi32, #tpu.memory_space<vmem>>
          %dma_wait3A_84 = tpu.memref_squeeze %dma_wait3A_83 : memref<1x128xi32, #tpu.memory_space<vmem>> -> memref<128xi32, #tpu.memory_space<vmem>>
          %dma_wait3A_85 = arith.constant 0 : i32
          %dma_wait3A_86 = arith.constant 0 : i32
          %dma_wait3A_87 = tpu.memref_slice %arg19[%dma_wait3A_85, %dma_wait3A_86] : memref<10240x64xf32, #tpu.memory_space<vmem_shared>> -> memref<10240x64xf32, #tpu.memory_space<vmem_shared>>
          tpu.wait_indirect_dma semaphore(%run_scoped3A : memref<!tpu.dma_semaphore, #tpu.memory_space<semaphore_mem>>) src(%arg17 : memref<128x64xf32, #tpu.memory_space<vmem>>) dst(%dma_wait3A_87 : memref<10240x64xf32, #tpu.memory_space<vmem_shared>>)
          tpu.yield
        }) : () -> ()
        %add3A_62 = arith.constant 2 : i32
        %add3A_63 = arith.addi %mul3A_49, %add3A_62 : i32
        %lt3A = arith.constant 158 : i32
        %lt3A_64 = arith.cmpi slt, %add3A_63, %lt3A : i32
        %convert_element_type3A_65 = arith.extui %lt3A_64 : i1 to i32
        %cond3A_66 = arith.constant 0 : i32
        %cond3A_67 = arith.cmpi ne, %convert_element_type3A_65, %cond3A_66 : i32
        scf.if %cond3A_67 {
          %add3A_76 = arith.constant 2 : i32
          %add3A_77 = arith.addi %mul3A_49, %add3A_76 : i32
          %dma_start3A_78 = arith.constant 0 : i32
          %dma_start3A_79 = tpu.memref_slice %arg15[%add3A_77, %dma_start3A_78] : memref<158x128xi32, #tpu.memory_space<vmem>> -> memref<1x128xi32, #tpu.memory_space<vmem>>
          %dma_start3A_80 = tpu.memref_squeeze %dma_start3A_79 : memref<1x128xi32, #tpu.memory_space<vmem>> -> memref<128xi32, #tpu.memory_space<vmem>>
          %dma_start3A_81 = arith.constant 0 : i32
          %dma_start3A_82 = arith.constant 0 : i32
          %dma_start3A_83 = tpu.memref_slice %arg3[%dma_start3A_81, %dma_start3A_82] : memref<10000x64xf32, #tpu.memory_space<hbm>> -> memref<10000x64xf32, #tpu.memory_space<hbm>>
          tpu.enqueue_indirect_dma source(%dma_start3A_83 : memref<10000x64xf32, #tpu.memory_space<hbm>>) target(%arg17 : memref<128x64xf32, #tpu.memory_space<vmem>>) offsets(%dma_start3A_80 : memref<128xi32, #tpu.memory_space<vmem>>) semaphore(%arg20 : memref<!tpu.dma_semaphore, #tpu.memory_space<semaphore_mem>>)
        } else {
        }
        %dma_wait3A_68 = arith.constant 0 : i32
        %dma_wait3A_69 = arith.constant 0 : i32
        %dma_wait3A_70 = tpu.memref_slice %arg3[%dma_wait3A_68, %dma_wait3A_69] : memref<10000x64xf32, #tpu.memory_space<hbm>> -> memref<128x64xf32, #tpu.memory_space<hbm>>
        %dma_wait3A_71 = arith.constant 0 : i32
        %dma_wait3A_72 = arith.constant 0 : i32
        %dma_wait3A_73 = tpu.memref_slice %arg3[%dma_wait3A_71, %dma_wait3A_72] : memref<10000x64xf32, #tpu.memory_space<hbm>> -> memref<128x64xf32, #tpu.memory_space<hbm>>
        tpu.wait_dma2 semaphore(%arg21 : memref<!tpu.dma_semaphore, #tpu.memory_space<semaphore_mem>>) src(%dma_wait3A_73 : memref<128x64xf32, #tpu.memory_space<hbm>>) dst(%arg18 : memref<128x64xf32, #tpu.memory_space<vmem>>)
        %add3A_74 = arith.constant 1 : i32
        %add3A_75 = arith.addi %mul3A_49, %add3A_74 : i32
        "tpu.region"() ({
          %run_scoped3A = tpu.sem_alloc : memref<!tpu.dma_semaphore, #tpu.memory_space<semaphore_mem>>
          %dma_start3A_76 = arith.constant 0 : i32
          %dma_start3A_77 = tpu.memref_slice %arg16[%add3A_75, %dma_start3A_76] : memref<158x128xi32, #tpu.memory_space<vmem>> -> memref<1x128xi32, #tpu.memory_space<vmem>>
          %dma_start3A_78 = tpu.memref_squeeze %dma_start3A_77 : memref<1x128xi32, #tpu.memory_space<vmem>> -> memref<128xi32, #tpu.memory_space<vmem>>
          %dma_start3A_79 = arith.constant 0 : i32
          %dma_start3A_80 = arith.constant 0 : i32
          %dma_start3A_81 = tpu.memref_slice %arg19[%dma_start3A_79, %dma_start3A_80] : memref<10240x64xf32, #tpu.memory_space<vmem_shared>> -> memref<10240x64xf32, #tpu.memory_space<vmem_shared>>
          tpu.enqueue_indirect_dma source(%arg18 : memref<128x64xf32, #tpu.memory_space<vmem>>) target(%dma_start3A_81 : memref<10240x64xf32, #tpu.memory_space<vmem_shared>>) offsets(%dma_start3A_78 : memref<128xi32, #tpu.memory_space<vmem>>) semaphore(%run_scoped3A : memref<!tpu.dma_semaphore, #tpu.memory_space<semaphore_mem>>) {add = true}
          %dma_wait3A_82 = arith.constant 0 : i32
          %dma_wait3A_83 = tpu.memref_slice %arg16[%add3A_75, %dma_wait3A_82] : memref<158x128xi32, #tpu.memory_space<vmem>> -> memref<1x128xi32, #tpu.memory_space<vmem>>
          %dma_wait3A_84 = tpu.memref_squeeze %dma_wait3A_83 : memref<1x128xi32, #tpu.memory_space<vmem>> -> memref<128xi32, #tpu.memory_space<vmem>>
          %dma_wait3A_85 = arith.constant 0 : i32
          %dma_wait3A_86 = arith.constant 0 : i32
          %dma_wait3A_87 = tpu.memref_slice %arg19[%dma_wait3A_85, %dma_wait3A_86] : memref<10240x64xf32, #tpu.memory_space<vmem_shared>> -> memref<10240x64xf32, #tpu.memory_space<vmem_shared>>
          tpu.wait_indirect_dma semaphore(%run_scoped3A : memref<!tpu.dma_semaphore, #tpu.memory_space<semaphore_mem>>) src(%arg18 : memref<128x64xf32, #tpu.memory_space<vmem>>) dst(%dma_wait3A_87 : memref<10240x64xf32, #tpu.memory_space<vmem_shared>>)
          tpu.yield
        }) : () -> ()
      }
      %scan3A_40 = arith.constant 79 : i32
      %barrier3A_41 = arith.constant 0 : index
      tpu.barrier barrier_id(%barrier3A_41)
      %mul3A_42 = arith.constant 640 : i32
      %mul3A_43 = arith.muli %arg1, %mul3A_42 : i32
      %mul3A_44 = arith.constant 640 : i32
      %mul3A_45 = arith.muli %arg1, %mul3A_44 : i32
      "tpu.region"() ({
        %run_scoped3A = tpu.sem_alloc : memref<!tpu.dma_semaphore, #tpu.memory_space<semaphore_mem>>
        %dma_start3A_47 = arith.constant 0 : i32
        %dma_start3A_48 = tpu.memref_slice %arg12[%mul3A_45, %dma_start3A_47] : memref<10240x64xf32, #tpu.memory_space<hbm>> -> memref<640x64xf32, #tpu.memory_space<hbm>>
        %dma_start3A_49 = arith.constant 0 : i32
        %dma_start3A_50 = tpu.memref_slice %arg19[%mul3A_43, %dma_start3A_49] : memref<10240x64xf32, #tpu.memory_space<vmem_shared>> -> memref<640x64xf32, #tpu.memory_space<vmem_shared>>
        tpu.enqueue_dma source(%dma_start3A_50 : memref<640x64xf32, #tpu.memory_space<vmem_shared>>) target(%dma_start3A_48 : memref<640x64xf32, #tpu.memory_space<hbm>>) target_semaphore(%run_scoped3A : memref<!tpu.dma_semaphore, #tpu.memory_space<semaphore_mem>>)
        %dma_wait3A = arith.constant 0 : i32
        %dma_wait3A_51 = tpu.memref_slice %arg12[%mul3A_45, %dma_wait3A] : memref<10240x64xf32, #tpu.memory_space<hbm>> -> memref<640x64xf32, #tpu.memory_space<hbm>>
        %dma_wait3A_52 = arith.constant 0 : i32
        %dma_wait3A_53 = tpu.memref_slice %arg19[%mul3A_43, %dma_wait3A_52] : memref<10240x64xf32, #tpu.memory_space<vmem_shared>> -> memref<640x64xf32, #tpu.memory_space<vmem_shared>>
        tpu.wait_dma2 semaphore(%run_scoped3A : memref<!tpu.dma_semaphore, #tpu.memory_space<semaphore_mem>>) src(%dma_wait3A_53 : memref<640x64xf32, #tpu.memory_space<vmem_shared>>) dst(%dma_wait3A_51 : memref<640x64xf32, #tpu.memory_space<hbm>>)
        tpu.yield
      }) : () -> ()
      %barrier3A_46 = arith.constant 0 : index
      tpu.barrier barrier_id(%barrier3A_46)
    } else {
    }
    %eq3A_2 = arith.constant 1 : i32
    %eq3A_3 = arith.cmpi eq, %arg0, %eq3A_2 : i32
    %convert_element_type3A_4 = arith.extui %eq3A_3 : i1 to i32
    %cond3A_5 = arith.constant 0 : i32
    %cond3A_6 = arith.cmpi ne, %convert_element_type3A_4, %cond3A_5 : i32
    scf.if %cond3A_6 {
      "tpu.region"() ({
        %run_scoped3A = tpu.sem_alloc : memref<!tpu.dma_semaphore, #tpu.memory_space<semaphore_mem>>
        %dma_start3A_47 = arith.constant 0 : i32
        %dma_start3A_48 = arith.constant 0 : i32
        %dma_start3A_49 = tpu.memref_slice %arg8[%arg1, %dma_start3A_47, %dma_start3A_48] : memref<16x158x128xi32, #tpu.memory_space<hbm>> -> memref<1x158x128xi32, #tpu.memory_space<hbm>>
        %dma_start3A_50 = tpu.memref_squeeze %dma_start3A_49 : memref<1x158x128xi32, #tpu.memory_space<hbm>> -> memref<158x128xi32, #tpu.memory_space<hbm>>
        %dma_start3A_51 = arith.constant 0 : i32
        %dma_start3A_52 = arith.constant 0 : i32
        %dma_start3A_53 = tpu.memref_slice %arg8[%arg1, %dma_start3A_51, %dma_start3A_52] : memref<16x158x128xi32, #tpu.memory_space<hbm>> -> memref<1x158x128xi32, #tpu.memory_space<hbm>>
        %dma_start3A_54 = tpu.memref_squeeze %dma_start3A_53 : memref<1x158x128xi32, #tpu.memory_space<hbm>> -> memref<158x128xi32, #tpu.memory_space<hbm>>
        tpu.enqueue_dma source(%dma_start3A_54 : memref<158x128xi32, #tpu.memory_space<hbm>>) target(%arg15 : memref<158x128xi32, #tpu.memory_space<vmem>>) target_semaphore(%run_scoped3A : memref<!tpu.dma_semaphore, #tpu.memory_space<semaphore_mem>>)
        %dma_wait3A = arith.constant 0 : i32
        %dma_wait3A_55 = arith.constant 0 : i32
        %dma_wait3A_56 = tpu.memref_slice %arg8[%arg1, %dma_wait3A, %dma_wait3A_55] : memref<16x158x128xi32, #tpu.memory_space<hbm>> -> memref<1x158x128xi32, #tpu.memory_space<hbm>>
        %dma_wait3A_57 = tpu.memref_squeeze %dma_wait3A_56 : memref<1x158x128xi32, #tpu.memory_space<hbm>> -> memref<158x128xi32, #tpu.memory_space<hbm>>
        %dma_wait3A_58 = arith.constant 0 : i32
        %dma_wait3A_59 = arith.constant 0 : i32
        %dma_wait3A_60 = tpu.memref_slice %arg8[%arg1, %dma_wait3A_58, %dma_wait3A_59] : memref<16x158x128xi32, #tpu.memory_space<hbm>> -> memref<1x158x128xi32, #tpu.memory_space<hbm>>
        %dma_wait3A_61 = tpu.memref_squeeze %dma_wait3A_60 : memref<1x158x128xi32, #tpu.memory_space<hbm>> -> memref<158x128xi32, #tpu.memory_space<hbm>>
        tpu.wait_dma2 semaphore(%run_scoped3A : memref<!tpu.dma_semaphore, #tpu.memory_space<semaphore_mem>>) src(%dma_wait3A_61 : memref<158x128xi32, #tpu.memory_space<hbm>>) dst(%arg15 : memref<158x128xi32, #tpu.memory_space<vmem>>)
        tpu.yield
      }) : () -> ()
      "tpu.region"() ({
        %run_scoped3A = tpu.sem_alloc : memref<!tpu.dma_semaphore, #tpu.memory_space<semaphore_mem>>
        %dma_start3A_47 = arith.constant 0 : i32
        %dma_start3A_48 = arith.constant 0 : i32
        %dma_start3A_49 = tpu.memref_slice %arg9[%arg1, %dma_start3A_47, %dma_start3A_48] : memref<16x158x128xi32, #tpu.memory_space<hbm>> -> memref<1x158x128xi32, #tpu.memory_space<hbm>>
        %dma_start3A_50 = tpu.memref_squeeze %dma_start3A_49 : memref<1x158x128xi32, #tpu.memory_space<hbm>> -> memref<158x128xi32, #tpu.memory_space<hbm>>
        %dma_start3A_51 = arith.constant 0 : i32
        %dma_start3A_52 = arith.constant 0 : i32
        %dma_start3A_53 = tpu.memref_slice %arg9[%arg1, %dma_start3A_51, %dma_start3A_52] : memref<16x158x128xi32, #tpu.memory_space<hbm>> -> memref<1x158x128xi32, #tpu.memory_space<hbm>>
        %dma_start3A_54 = tpu.memref_squeeze %dma_start3A_53 : memref<1x158x128xi32, #tpu.memory_space<hbm>> -> memref<158x128xi32, #tpu.memory_space<hbm>>
        tpu.enqueue_dma source(%dma_start3A_54 : memref<158x128xi32, #tpu.memory_space<hbm>>) target(%arg16 : memref<158x128xi32, #tpu.memory_space<vmem>>) target_semaphore(%run_scoped3A : memref<!tpu.dma_semaphore, #tpu.memory_space<semaphore_mem>>)
        %dma_wait3A = arith.constant 0 : i32
        %dma_wait3A_55 = arith.constant 0 : i32
        %dma_wait3A_56 = tpu.memref_slice %arg9[%arg1, %dma_wait3A, %dma_wait3A_55] : memref<16x158x128xi32, #tpu.memory_space<hbm>> -> memref<1x158x128xi32, #tpu.memory_space<hbm>>
        %dma_wait3A_57 = tpu.memref_squeeze %dma_wait3A_56 : memref<1x158x128xi32, #tpu.memory_space<hbm>> -> memref<158x128xi32, #tpu.memory_space<hbm>>
        %dma_wait3A_58 = arith.constant 0 : i32
        %dma_wait3A_59 = arith.constant 0 : i32
        %dma_wait3A_60 = tpu.memref_slice %arg9[%arg1, %dma_wait3A_58, %dma_wait3A_59] : memref<16x158x128xi32, #tpu.memory_space<hbm>> -> memref<1x158x128xi32, #tpu.memory_space<hbm>>
        %dma_wait3A_61 = tpu.memref_squeeze %dma_wait3A_60 : memref<1x158x128xi32, #tpu.memory_space<hbm>> -> memref<158x128xi32, #tpu.memory_space<hbm>>
        tpu.wait_dma2 semaphore(%run_scoped3A : memref<!tpu.dma_semaphore, #tpu.memory_space<semaphore_mem>>) src(%dma_wait3A_61 : memref<158x128xi32, #tpu.memory_space<hbm>>) dst(%arg16 : memref<158x128xi32, #tpu.memory_space<vmem>>)
        tpu.yield
      }) : () -> ()
      %mul3A = arith.constant 640 : i32
      %mul3A_7 = arith.muli %arg1, %mul3A : i32
      "tpu.region"() ({
        %run_scoped3A = tpu.sem_alloc : memref<!tpu.dma_semaphore, #tpu.memory_space<semaphore_mem>>
        %dma_start3A_47 = arith.constant 0 : i32
        %dma_start3A_48 = tpu.memref_slice %arg19[%mul3A_7, %dma_start3A_47] : memref<10240x64xf32, #tpu.memory_space<vmem_shared>> -> memref<640x64xf32, #tpu.memory_space<vmem_shared>>
        tpu.enqueue_dma source(%arg10 : memref<640x64xf32, #tpu.memory_space<hbm>>) target(%dma_start3A_48 : memref<640x64xf32, #tpu.memory_space<vmem_shared>>) target_semaphore(%run_scoped3A : memref<!tpu.dma_semaphore, #tpu.memory_space<semaphore_mem>>)
        %dma_wait3A = arith.constant 0 : i32
        %dma_wait3A_49 = tpu.memref_slice %arg19[%mul3A_7, %dma_wait3A] : memref<10240x64xf32, #tpu.memory_space<vmem_shared>> -> memref<640x64xf32, #tpu.memory_space<vmem_shared>>
        tpu.wait_dma2 semaphore(%run_scoped3A : memref<!tpu.dma_semaphore, #tpu.memory_space<semaphore_mem>>) src(%arg10 : memref<640x64xf32, #tpu.memory_space<hbm>>) dst(%dma_wait3A_49 : memref<640x64xf32, #tpu.memory_space<vmem_shared>>)
        tpu.yield
      }) : () -> ()
      %barrier3A = arith.constant 0 : index
      tpu.barrier barrier_id(%barrier3A)
      %dma_start3A = arith.constant 0 : i32
      %dma_start3A_8 = arith.constant 0 : i32
      %dma_start3A_9 = tpu.memref_slice %arg15[%dma_start3A, %dma_start3A_8] : memref<158x128xi32, #tpu.memory_space<vmem>> -> memref<1x128xi32, #tpu.memory_space<vmem>>
      %dma_start3A_10 = tpu.memref_squeeze %dma_start3A_9 : memref<1x128xi32, #tpu.memory_space<vmem>> -> memref<128xi32, #tpu.memory_space<vmem>>
      %dma_start3A_11 = arith.constant 0 : i32
      %dma_start3A_12 = arith.constant 0 : i32
      %dma_start3A_13 = tpu.memref_slice %arg4[%dma_start3A_11, %dma_start3A_12] : memref<10000x64xf32, #tpu.memory_space<hbm>> -> memref<10000x64xf32, #tpu.memory_space<hbm>>
      tpu.enqueue_indirect_dma source(%dma_start3A_13 : memref<10000x64xf32, #tpu.memory_space<hbm>>) target(%arg17 : memref<128x64xf32, #tpu.memory_space<vmem>>) offsets(%dma_start3A_10 : memref<128xi32, #tpu.memory_space<vmem>>) semaphore(%arg20 : memref<!tpu.dma_semaphore, #tpu.memory_space<semaphore_mem>>)
      %scan3A = arith.constant 0 : i32
      %scan3A_14 = arith.constant 0 : i32
      %scan3A_15 = arith.constant 79 : i32
      %scan3A_16 = arith.addi %scan3A_14, %scan3A_15 : i32
      %scan3A_17 = arith.constant 1 : i32
      scf.for %scan3A_47 = %scan3A_14 to %scan3A_16 step %scan3A_17  : i32 {
        %mul3A_48 = arith.constant 2 : i32
        %mul3A_49 = arith.muli %scan3A_47, %mul3A_48 : i32
        %add3A = arith.constant 1 : i32
        %add3A_50 = arith.addi %mul3A_49, %add3A : i32
        %dma_start3A_51 = arith.constant 0 : i32
        %dma_start3A_52 = tpu.memref_slice %arg15[%add3A_50, %dma_start3A_51] : memref<158x128xi32, #tpu.memory_space<vmem>> -> memref<1x128xi32, #tpu.memory_space<vmem>>
        %dma_start3A_53 = tpu.memref_squeeze %dma_start3A_52 : memref<1x128xi32, #tpu.memory_space<vmem>> -> memref<128xi32, #tpu.memory_space<vmem>>
        %dma_start3A_54 = arith.constant 0 : i32
        %dma_start3A_55 = arith.constant 0 : i32
        %dma_start3A_56 = tpu.memref_slice %arg4[%dma_start3A_54, %dma_start3A_55] : memref<10000x64xf32, #tpu.memory_space<hbm>> -> memref<10000x64xf32, #tpu.memory_space<hbm>>
        tpu.enqueue_indirect_dma source(%dma_start3A_56 : memref<10000x64xf32, #tpu.memory_space<hbm>>) target(%arg18 : memref<128x64xf32, #tpu.memory_space<vmem>>) offsets(%dma_start3A_53 : memref<128xi32, #tpu.memory_space<vmem>>) semaphore(%arg21 : memref<!tpu.dma_semaphore, #tpu.memory_space<semaphore_mem>>)
        %dma_wait3A = arith.constant 0 : i32
        %dma_wait3A_57 = arith.constant 0 : i32
        %dma_wait3A_58 = tpu.memref_slice %arg4[%dma_wait3A, %dma_wait3A_57] : memref<10000x64xf32, #tpu.memory_space<hbm>> -> memref<128x64xf32, #tpu.memory_space<hbm>>
        %dma_wait3A_59 = arith.constant 0 : i32
        %dma_wait3A_60 = arith.constant 0 : i32
        %dma_wait3A_61 = tpu.memref_slice %arg4[%dma_wait3A_59, %dma_wait3A_60] : memref<10000x64xf32, #tpu.memory_space<hbm>> -> memref<128x64xf32, #tpu.memory_space<hbm>>
        tpu.wait_dma2 semaphore(%arg20 : memref<!tpu.dma_semaphore, #tpu.memory_space<semaphore_mem>>) src(%dma_wait3A_61 : memref<128x64xf32, #tpu.memory_space<hbm>>) dst(%arg17 : memref<128x64xf32, #tpu.memory_space<vmem>>)
        "tpu.region"() ({
          %run_scoped3A = tpu.sem_alloc : memref<!tpu.dma_semaphore, #tpu.memory_space<semaphore_mem>>
          %dma_start3A_76 = arith.constant 0 : i32
          %dma_start3A_77 = tpu.memref_slice %arg16[%mul3A_49, %dma_start3A_76] : memref<158x128xi32, #tpu.memory_space<vmem>> -> memref<1x128xi32, #tpu.memory_space<vmem>>
          %dma_start3A_78 = tpu.memref_squeeze %dma_start3A_77 : memref<1x128xi32, #tpu.memory_space<vmem>> -> memref<128xi32, #tpu.memory_space<vmem>>
          %dma_start3A_79 = arith.constant 0 : i32
          %dma_start3A_80 = arith.constant 0 : i32
          %dma_start3A_81 = tpu.memref_slice %arg19[%dma_start3A_79, %dma_start3A_80] : memref<10240x64xf32, #tpu.memory_space<vmem_shared>> -> memref<10240x64xf32, #tpu.memory_space<vmem_shared>>
          tpu.enqueue_indirect_dma source(%arg17 : memref<128x64xf32, #tpu.memory_space<vmem>>) target(%dma_start3A_81 : memref<10240x64xf32, #tpu.memory_space<vmem_shared>>) offsets(%dma_start3A_78 : memref<128xi32, #tpu.memory_space<vmem>>) semaphore(%run_scoped3A : memref<!tpu.dma_semaphore, #tpu.memory_space<semaphore_mem>>) {add = true}
          %dma_wait3A_82 = arith.constant 0 : i32
          %dma_wait3A_83 = tpu.memref_slice %arg16[%mul3A_49, %dma_wait3A_82] : memref<158x128xi32, #tpu.memory_space<vmem>> -> memref<1x128xi32, #tpu.memory_space<vmem>>
          %dma_wait3A_84 = tpu.memref_squeeze %dma_wait3A_83 : memref<1x128xi32, #tpu.memory_space<vmem>> -> memref<128xi32, #tpu.memory_space<vmem>>
          %dma_wait3A_85 = arith.constant 0 : i32
          %dma_wait3A_86 = arith.constant 0 : i32
          %dma_wait3A_87 = tpu.memref_slice %arg19[%dma_wait3A_85, %dma_wait3A_86] : memref<10240x64xf32, #tpu.memory_space<vmem_shared>> -> memref<10240x64xf32, #tpu.memory_space<vmem_shared>>
          tpu.wait_indirect_dma semaphore(%run_scoped3A : memref<!tpu.dma_semaphore, #tpu.memory_space<semaphore_mem>>) src(%arg17 : memref<128x64xf32, #tpu.memory_space<vmem>>) dst(%dma_wait3A_87 : memref<10240x64xf32, #tpu.memory_space<vmem_shared>>)
          tpu.yield
        }) : () -> ()
        %add3A_62 = arith.constant 2 : i32
        %add3A_63 = arith.addi %mul3A_49, %add3A_62 : i32
        %lt3A = arith.constant 158 : i32
        %lt3A_64 = arith.cmpi slt, %add3A_63, %lt3A : i32
        %convert_element_type3A_65 = arith.extui %lt3A_64 : i1 to i32
        %cond3A_66 = arith.constant 0 : i32
        %cond3A_67 = arith.cmpi ne, %convert_element_type3A_65, %cond3A_66 : i32
        scf.if %cond3A_67 {
          %add3A_76 = arith.constant 2 : i32
          %add3A_77 = arith.addi %mul3A_49, %add3A_76 : i32
          %dma_start3A_78 = arith.constant 0 : i32
          %dma_start3A_79 = tpu.memref_slice %arg15[%add3A_77, %dma_start3A_78] : memref<158x128xi32, #tpu.memory_space<vmem>> -> memref<1x128xi32, #tpu.memory_space<vmem>>
          %dma_start3A_80 = tpu.memref_squeeze %dma_start3A_79 : memref<1x128xi32, #tpu.memory_space<vmem>> -> memref<128xi32, #tpu.memory_space<vmem>>
          %dma_start3A_81 = arith.constant 0 : i32
          %dma_start3A_82 = arith.constant 0 : i32
          %dma_start3A_83 = tpu.memref_slice %arg4[%dma_start3A_81, %dma_start3A_82] : memref<10000x64xf32, #tpu.memory_space<hbm>> -> memref<10000x64xf32, #tpu.memory_space<hbm>>
          tpu.enqueue_indirect_dma source(%dma_start3A_83 : memref<10000x64xf32, #tpu.memory_space<hbm>>) target(%arg17 : memref<128x64xf32, #tpu.memory_space<vmem>>) offsets(%dma_start3A_80 : memref<128xi32, #tpu.memory_space<vmem>>) semaphore(%arg20 : memref<!tpu.dma_semaphore, #tpu.memory_space<semaphore_mem>>)
        } else {
        }
        %dma_wait3A_68 = arith.constant 0 : i32
        %dma_wait3A_69 = arith.constant 0 : i32
        %dma_wait3A_70 = tpu.memref_slice %arg4[%dma_wait3A_68, %dma_wait3A_69] : memref<10000x64xf32, #tpu.memory_space<hbm>> -> memref<128x64xf32, #tpu.memory_space<hbm>>
        %dma_wait3A_71 = arith.constant 0 : i32
        %dma_wait3A_72 = arith.constant 0 : i32
        %dma_wait3A_73 = tpu.memref_slice %arg4[%dma_wait3A_71, %dma_wait3A_72] : memref<10000x64xf32, #tpu.memory_space<hbm>> -> memref<128x64xf32, #tpu.memory_space<hbm>>
        tpu.wait_dma2 semaphore(%arg21 : memref<!tpu.dma_semaphore, #tpu.memory_space<semaphore_mem>>) src(%dma_wait3A_73 : memref<128x64xf32, #tpu.memory_space<hbm>>) dst(%arg18 : memref<128x64xf32, #tpu.memory_space<vmem>>)
        %add3A_74 = arith.constant 1 : i32
        %add3A_75 = arith.addi %mul3A_49, %add3A_74 : i32
        "tpu.region"() ({
          %run_scoped3A = tpu.sem_alloc : memref<!tpu.dma_semaphore, #tpu.memory_space<semaphore_mem>>
          %dma_start3A_76 = arith.constant 0 : i32
          %dma_start3A_77 = tpu.memref_slice %arg16[%add3A_75, %dma_start3A_76] : memref<158x128xi32, #tpu.memory_space<vmem>> -> memref<1x128xi32, #tpu.memory_space<vmem>>
          %dma_start3A_78 = tpu.memref_squeeze %dma_start3A_77 : memref<1x128xi32, #tpu.memory_space<vmem>> -> memref<128xi32, #tpu.memory_space<vmem>>
          %dma_start3A_79 = arith.constant 0 : i32
          %dma_start3A_80 = arith.constant 0 : i32
          %dma_start3A_81 = tpu.memref_slice %arg19[%dma_start3A_79, %dma_start3A_80] : memref<10240x64xf32, #tpu.memory_space<vmem_shared>> -> memref<10240x64xf32, #tpu.memory_space<vmem_shared>>
          tpu.enqueue_indirect_dma source(%arg18 : memref<128x64xf32, #tpu.memory_space<vmem>>) target(%dma_start3A_81 : memref<10240x64xf32, #tpu.memory_space<vmem_shared>>) offsets(%dma_start3A_78 : memref<128xi32, #tpu.memory_space<vmem>>) semaphore(%run_scoped3A : memref<!tpu.dma_semaphore, #tpu.memory_space<semaphore_mem>>) {add = true}
          %dma_wait3A_82 = arith.constant 0 : i32
          %dma_wait3A_83 = tpu.memref_slice %arg16[%add3A_75, %dma_wait3A_82] : memref<158x128xi32, #tpu.memory_space<vmem>> -> memref<1x128xi32, #tpu.memory_space<vmem>>
          %dma_wait3A_84 = tpu.memref_squeeze %dma_wait3A_83 : memref<1x128xi32, #tpu.memory_space<vmem>> -> memref<128xi32, #tpu.memory_space<vmem>>
          %dma_wait3A_85 = arith.constant 0 : i32
          %dma_wait3A_86 = arith.constant 0 : i32
          %dma_wait3A_87 = tpu.memref_slice %arg19[%dma_wait3A_85, %dma_wait3A_86] : memref<10240x64xf32, #tpu.memory_space<vmem_shared>> -> memref<10240x64xf32, #tpu.memory_space<vmem_shared>>
          tpu.wait_indirect_dma semaphore(%run_scoped3A : memref<!tpu.dma_semaphore, #tpu.memory_space<semaphore_mem>>) src(%arg18 : memref<128x64xf32, #tpu.memory_space<vmem>>) dst(%dma_wait3A_87 : memref<10240x64xf32, #tpu.memory_space<vmem_shared>>)
          tpu.yield
        }) : () -> ()
      }
      %scan3A_18 = arith.constant 79 : i32
      %barrier3A_19 = arith.constant 0 : index
      tpu.barrier barrier_id(%barrier3A_19)
      %mul3A_20 = arith.constant 640 : i32
      %mul3A_21 = arith.muli %arg1, %mul3A_20 : i32
      %mul3A_22 = arith.constant 640 : i32
      %mul3A_23 = arith.muli %arg1, %mul3A_22 : i32
      "tpu.region"() ({
        %run_scoped3A = tpu.sem_alloc : memref<!tpu.dma_semaphore, #tpu.memory_space<semaphore_mem>>
        %dma_start3A_47 = arith.constant 0 : i32
        %dma_start3A_48 = tpu.memref_slice %arg13[%mul3A_23, %dma_start3A_47] : memref<10240x64xf32, #tpu.memory_space<hbm>> -> memref<640x64xf32, #tpu.memory_space<hbm>>
        %dma_start3A_49 = arith.constant 0 : i32
        %dma_start3A_50 = tpu.memref_slice %arg19[%mul3A_21, %dma_start3A_49] : memref<10240x64xf32, #tpu.memory_space<vmem_shared>> -> memref<640x64xf32, #tpu.memory_space<vmem_shared>>
        tpu.enqueue_dma source(%dma_start3A_50 : memref<640x64xf32, #tpu.memory_space<vmem_shared>>) target(%dma_start3A_48 : memref<640x64xf32, #tpu.memory_space<hbm>>) target_semaphore(%run_scoped3A : memref<!tpu.dma_semaphore, #tpu.memory_space<semaphore_mem>>)
        %dma_wait3A = arith.constant 0 : i32
        %dma_wait3A_51 = tpu.memref_slice %arg13[%mul3A_23, %dma_wait3A] : memref<10240x64xf32, #tpu.memory_space<hbm>> -> memref<640x64xf32, #tpu.memory_space<hbm>>
        %dma_wait3A_52 = arith.constant 0 : i32
        %dma_wait3A_53 = tpu.memref_slice %arg19[%mul3A_21, %dma_wait3A_52] : memref<10240x64xf32, #tpu.memory_space<vmem_shared>> -> memref<640x64xf32, #tpu.memory_space<vmem_shared>>
        tpu.wait_dma2 semaphore(%run_scoped3A : memref<!tpu.dma_semaphore, #tpu.memory_space<semaphore_mem>>) src(%dma_wait3A_53 : memref<640x64xf32, #tpu.memory_space<vmem_shared>>) dst(%dma_wait3A_51 : memref<640x64xf32, #tpu.memory_space<hbm>>)
        tpu.yield
      }) : () -> ()
      %barrier3A_24 = arith.constant 0 : index
      tpu.barrier barrier_id(%barrier3A_24)
      %mul3A_25 = arith.constant 640 : i32
      %mul3A_26 = arith.muli %arg1, %mul3A_25 : i32
      "tpu.region"() ({
        %run_scoped3A = tpu.sem_alloc : memref<!tpu.dma_semaphore, #tpu.memory_space<semaphore_mem>>
        %dma_start3A_47 = arith.constant 0 : i32
        %dma_start3A_48 = tpu.memref_slice %arg19[%mul3A_26, %dma_start3A_47] : memref<10240x64xf32, #tpu.memory_space<vmem_shared>> -> memref<640x64xf32, #tpu.memory_space<vmem_shared>>
        tpu.enqueue_dma source(%arg10 : memref<640x64xf32, #tpu.memory_space<hbm>>) target(%dma_start3A_48 : memref<640x64xf32, #tpu.memory_space<vmem_shared>>) target_semaphore(%run_scoped3A : memref<!tpu.dma_semaphore, #tpu.memory_space<semaphore_mem>>)
        %dma_wait3A = arith.constant 0 : i32
        %dma_wait3A_49 = tpu.memref_slice %arg19[%mul3A_26, %dma_wait3A] : memref<10240x64xf32, #tpu.memory_space<vmem_shared>> -> memref<640x64xf32, #tpu.memory_space<vmem_shared>>
        tpu.wait_dma2 semaphore(%run_scoped3A : memref<!tpu.dma_semaphore, #tpu.memory_space<semaphore_mem>>) src(%arg10 : memref<640x64xf32, #tpu.memory_space<hbm>>) dst(%dma_wait3A_49 : memref<640x64xf32, #tpu.memory_space<vmem_shared>>)
        tpu.yield
      }) : () -> ()
      %barrier3A_27 = arith.constant 0 : index
      tpu.barrier barrier_id(%barrier3A_27)
      %dma_start3A_28 = arith.constant 0 : i32
      %dma_start3A_29 = arith.constant 0 : i32
      %dma_start3A_30 = tpu.memref_slice %arg15[%dma_start3A_28, %dma_start3A_29] : memref<158x128xi32, #tpu.memory_space<vmem>> -> memref<1x128xi32, #tpu.memory_space<vmem>>
      %dma_start3A_31 = tpu.memref_squeeze %dma_start3A_30 : memref<1x128xi32, #tpu.memory_space<vmem>> -> memref<128xi32, #tpu.memory_space<vmem>>
      %dma_start3A_32 = arith.constant 0 : i32
      %dma_start3A_33 = arith.constant 0 : i32
      %dma_start3A_34 = tpu.memref_slice %arg5[%dma_start3A_32, %dma_start3A_33] : memref<10000x64xf32, #tpu.memory_space<hbm>> -> memref<10000x64xf32, #tpu.memory_space<hbm>>
      tpu.enqueue_indirect_dma source(%dma_start3A_34 : memref<10000x64xf32, #tpu.memory_space<hbm>>) target(%arg17 : memref<128x64xf32, #tpu.memory_space<vmem>>) offsets(%dma_start3A_31 : memref<128xi32, #tpu.memory_space<vmem>>) semaphore(%arg20 : memref<!tpu.dma_semaphore, #tpu.memory_space<semaphore_mem>>)
      %scan3A_35 = arith.constant 0 : i32
      %scan3A_36 = arith.constant 0 : i32
      %scan3A_37 = arith.constant 79 : i32
      %scan3A_38 = arith.addi %scan3A_36, %scan3A_37 : i32
      %scan3A_39 = arith.constant 1 : i32
      scf.for %scan3A_47 = %scan3A_36 to %scan3A_38 step %scan3A_39  : i32 {
        %mul3A_48 = arith.constant 2 : i32
        %mul3A_49 = arith.muli %scan3A_47, %mul3A_48 : i32
        %add3A = arith.constant 1 : i32
        %add3A_50 = arith.addi %mul3A_49, %add3A : i32
        %dma_start3A_51 = arith.constant 0 : i32
        %dma_start3A_52 = tpu.memref_slice %arg15[%add3A_50, %dma_start3A_51] : memref<158x128xi32, #tpu.memory_space<vmem>> -> memref<1x128xi32, #tpu.memory_space<vmem>>
        %dma_start3A_53 = tpu.memref_squeeze %dma_start3A_52 : memref<1x128xi32, #tpu.memory_space<vmem>> -> memref<128xi32, #tpu.memory_space<vmem>>
        %dma_start3A_54 = arith.constant 0 : i32
        %dma_start3A_55 = arith.constant 0 : i32
        %dma_start3A_56 = tpu.memref_slice %arg5[%dma_start3A_54, %dma_start3A_55] : memref<10000x64xf32, #tpu.memory_space<hbm>> -> memref<10000x64xf32, #tpu.memory_space<hbm>>
        tpu.enqueue_indirect_dma source(%dma_start3A_56 : memref<10000x64xf32, #tpu.memory_space<hbm>>) target(%arg18 : memref<128x64xf32, #tpu.memory_space<vmem>>) offsets(%dma_start3A_53 : memref<128xi32, #tpu.memory_space<vmem>>) semaphore(%arg21 : memref<!tpu.dma_semaphore, #tpu.memory_space<semaphore_mem>>)
        %dma_wait3A = arith.constant 0 : i32
        %dma_wait3A_57 = arith.constant 0 : i32
        %dma_wait3A_58 = tpu.memref_slice %arg5[%dma_wait3A, %dma_wait3A_57] : memref<10000x64xf32, #tpu.memory_space<hbm>> -> memref<128x64xf32, #tpu.memory_space<hbm>>
        %dma_wait3A_59 = arith.constant 0 : i32
        %dma_wait3A_60 = arith.constant 0 : i32
        %dma_wait3A_61 = tpu.memref_slice %arg5[%dma_wait3A_59, %dma_wait3A_60] : memref<10000x64xf32, #tpu.memory_space<hbm>> -> memref<128x64xf32, #tpu.memory_space<hbm>>
        tpu.wait_dma2 semaphore(%arg20 : memref<!tpu.dma_semaphore, #tpu.memory_space<semaphore_mem>>) src(%dma_wait3A_61 : memref<128x64xf32, #tpu.memory_space<hbm>>) dst(%arg17 : memref<128x64xf32, #tpu.memory_space<vmem>>)
        "tpu.region"() ({
          %run_scoped3A = tpu.sem_alloc : memref<!tpu.dma_semaphore, #tpu.memory_space<semaphore_mem>>
          %dma_start3A_76 = arith.constant 0 : i32
          %dma_start3A_77 = tpu.memref_slice %arg16[%mul3A_49, %dma_start3A_76] : memref<158x128xi32, #tpu.memory_space<vmem>> -> memref<1x128xi32, #tpu.memory_space<vmem>>
          %dma_start3A_78 = tpu.memref_squeeze %dma_start3A_77 : memref<1x128xi32, #tpu.memory_space<vmem>> -> memref<128xi32, #tpu.memory_space<vmem>>
          %dma_start3A_79 = arith.constant 0 : i32
          %dma_start3A_80 = arith.constant 0 : i32
          %dma_start3A_81 = tpu.memref_slice %arg19[%dma_start3A_79, %dma_start3A_80] : memref<10240x64xf32, #tpu.memory_space<vmem_shared>> -> memref<10240x64xf32, #tpu.memory_space<vmem_shared>>
          tpu.enqueue_indirect_dma source(%arg17 : memref<128x64xf32, #tpu.memory_space<vmem>>) target(%dma_start3A_81 : memref<10240x64xf32, #tpu.memory_space<vmem_shared>>) offsets(%dma_start3A_78 : memref<128xi32, #tpu.memory_space<vmem>>) semaphore(%run_scoped3A : memref<!tpu.dma_semaphore, #tpu.memory_space<semaphore_mem>>) {add = true}
          %dma_wait3A_82 = arith.constant 0 : i32
          %dma_wait3A_83 = tpu.memref_slice %arg16[%mul3A_49, %dma_wait3A_82] : memref<158x128xi32, #tpu.memory_space<vmem>> -> memref<1x128xi32, #tpu.memory_space<vmem>>
          %dma_wait3A_84 = tpu.memref_squeeze %dma_wait3A_83 : memref<1x128xi32, #tpu.memory_space<vmem>> -> memref<128xi32, #tpu.memory_space<vmem>>
          %dma_wait3A_85 = arith.constant 0 : i32
          %dma_wait3A_86 = arith.constant 0 : i32
          %dma_wait3A_87 = tpu.memref_slice %arg19[%dma_wait3A_85, %dma_wait3A_86] : memref<10240x64xf32, #tpu.memory_space<vmem_shared>> -> memref<10240x64xf32, #tpu.memory_space<vmem_shared>>
          tpu.wait_indirect_dma semaphore(%run_scoped3A : memref<!tpu.dma_semaphore, #tpu.memory_space<semaphore_mem>>) src(%arg17 : memref<128x64xf32, #tpu.memory_space<vmem>>) dst(%dma_wait3A_87 : memref<10240x64xf32, #tpu.memory_space<vmem_shared>>)
          tpu.yield
        }) : () -> ()
        %add3A_62 = arith.constant 2 : i32
        %add3A_63 = arith.addi %mul3A_49, %add3A_62 : i32
        %lt3A = arith.constant 158 : i32
        %lt3A_64 = arith.cmpi slt, %add3A_63, %lt3A : i32
        %convert_element_type3A_65 = arith.extui %lt3A_64 : i1 to i32
        %cond3A_66 = arith.constant 0 : i32
        %cond3A_67 = arith.cmpi ne, %convert_element_type3A_65, %cond3A_66 : i32
        scf.if %cond3A_67 {
          %add3A_76 = arith.constant 2 : i32
          %add3A_77 = arith.addi %mul3A_49, %add3A_76 : i32
          %dma_start3A_78 = arith.constant 0 : i32
          %dma_start3A_79 = tpu.memref_slice %arg15[%add3A_77, %dma_start3A_78] : memref<158x128xi32, #tpu.memory_space<vmem>> -> memref<1x128xi32, #tpu.memory_space<vmem>>
          %dma_start3A_80 = tpu.memref_squeeze %dma_start3A_79 : memref<1x128xi32, #tpu.memory_space<vmem>> -> memref<128xi32, #tpu.memory_space<vmem>>
          %dma_start3A_81 = arith.constant 0 : i32
          %dma_start3A_82 = arith.constant 0 : i32
          %dma_start3A_83 = tpu.memref_slice %arg5[%dma_start3A_81, %dma_start3A_82] : memref<10000x64xf32, #tpu.memory_space<hbm>> -> memref<10000x64xf32, #tpu.memory_space<hbm>>
          tpu.enqueue_indirect_dma source(%dma_start3A_83 : memref<10000x64xf32, #tpu.memory_space<hbm>>) target(%arg17 : memref<128x64xf32, #tpu.memory_space<vmem>>) offsets(%dma_start3A_80 : memref<128xi32, #tpu.memory_space<vmem>>) semaphore(%arg20 : memref<!tpu.dma_semaphore, #tpu.memory_space<semaphore_mem>>)
        } else {
        }
        %dma_wait3A_68 = arith.constant 0 : i32
        %dma_wait3A_69 = arith.constant 0 : i32
        %dma_wait3A_70 = tpu.memref_slice %arg5[%dma_wait3A_68, %dma_wait3A_69] : memref<10000x64xf32, #tpu.memory_space<hbm>> -> memref<128x64xf32, #tpu.memory_space<hbm>>
        %dma_wait3A_71 = arith.constant 0 : i32
        %dma_wait3A_72 = arith.constant 0 : i32
        %dma_wait3A_73 = tpu.memref_slice %arg5[%dma_wait3A_71, %dma_wait3A_72] : memref<10000x64xf32, #tpu.memory_space<hbm>> -> memref<128x64xf32, #tpu.memory_space<hbm>>
        tpu.wait_dma2 semaphore(%arg21 : memref<!tpu.dma_semaphore, #tpu.memory_space<semaphore_mem>>) src(%dma_wait3A_73 : memref<128x64xf32, #tpu.memory_space<hbm>>) dst(%arg18 : memref<128x64xf32, #tpu.memory_space<vmem>>)
        %add3A_74 = arith.constant 1 : i32
        %add3A_75 = arith.addi %mul3A_49, %add3A_74 : i32
        "tpu.region"() ({
          %run_scoped3A = tpu.sem_alloc : memref<!tpu.dma_semaphore, #tpu.memory_space<semaphore_mem>>
          %dma_start3A_76 = arith.constant 0 : i32
          %dma_start3A_77 = tpu.memref_slice %arg16[%add3A_75, %dma_start3A_76] : memref<158x128xi32, #tpu.memory_space<vmem>> -> memref<1x128xi32, #tpu.memory_space<vmem>>
          %dma_start3A_78 = tpu.memref_squeeze %dma_start3A_77 : memref<1x128xi32, #tpu.memory_space<vmem>> -> memref<128xi32, #tpu.memory_space<vmem>>
          %dma_start3A_79 = arith.constant 0 : i32
          %dma_start3A_80 = arith.constant 0 : i32
          %dma_start3A_81 = tpu.memref_slice %arg19[%dma_start3A_79, %dma_start3A_80] : memref<10240x64xf32, #tpu.memory_space<vmem_shared>> -> memref<10240x64xf32, #tpu.memory_space<vmem_shared>>
          tpu.enqueue_indirect_dma source(%arg18 : memref<128x64xf32, #tpu.memory_space<vmem>>) target(%dma_start3A_81 : memref<10240x64xf32, #tpu.memory_space<vmem_shared>>) offsets(%dma_start3A_78 : memref<128xi32, #tpu.memory_space<vmem>>) semaphore(%run_scoped3A : memref<!tpu.dma_semaphore, #tpu.memory_space<semaphore_mem>>) {add = true}
          %dma_wait3A_82 = arith.constant 0 : i32
          %dma_wait3A_83 = tpu.memref_slice %arg16[%add3A_75, %dma_wait3A_82] : memref<158x128xi32, #tpu.memory_space<vmem>> -> memref<1x128xi32, #tpu.memory_space<vmem>>
          %dma_wait3A_84 = tpu.memref_squeeze %dma_wait3A_83 : memref<1x128xi32, #tpu.memory_space<vmem>> -> memref<128xi32, #tpu.memory_space<vmem>>
          %dma_wait3A_85 = arith.constant 0 : i32
          %dma_wait3A_86 = arith.constant 0 : i32
          %dma_wait3A_87 = tpu.memref_slice %arg19[%dma_wait3A_85, %dma_wait3A_86] : memref<10240x64xf32, #tpu.memory_space<vmem_shared>> -> memref<10240x64xf32, #tpu.memory_space<vmem_shared>>
          tpu.wait_indirect_dma semaphore(%run_scoped3A : memref<!tpu.dma_semaphore, #tpu.memory_space<semaphore_mem>>) src(%arg18 : memref<128x64xf32, #tpu.memory_space<vmem>>) dst(%dma_wait3A_87 : memref<10240x64xf32, #tpu.memory_space<vmem_shared>>)
          tpu.yield
        }) : () -> ()
      }
      %scan3A_40 = arith.constant 79 : i32
      %barrier3A_41 = arith.constant 0 : index
      tpu.barrier barrier_id(%barrier3A_41)
      %mul3A_42 = arith.constant 640 : i32
      %mul3A_43 = arith.muli %arg1, %mul3A_42 : i32
      %mul3A_44 = arith.constant 640 : i32
      %mul3A_45 = arith.muli %arg1, %mul3A_44 : i32
      "tpu.region"() ({
        %run_scoped3A = tpu.sem_alloc : memref<!tpu.dma_semaphore, #tpu.memory_space<semaphore_mem>>
        %dma_start3A_47 = arith.constant 0 : i32
        %dma_start3A_48 = tpu.memref_slice %arg14[%mul3A_45, %dma_start3A_47] : memref<10240x64xf32, #tpu.memory_space<hbm>> -> memref<640x64xf32, #tpu.memory_space<hbm>>
        %dma_start3A_49 = arith.constant 0 : i32
        %dma_start3A_50 = tpu.memref_slice %arg19[%mul3A_43, %dma_start3A_49] : memref<10240x64xf32, #tpu.memory_space<vmem_shared>> -> memref<640x64xf32, #tpu.memory_space<vmem_shared>>
        tpu.enqueue_dma source(%dma_start3A_50 : memref<640x64xf32, #tpu.memory_space<vmem_shared>>) target(%dma_start3A_48 : memref<640x64xf32, #tpu.memory_space<hbm>>) target_semaphore(%run_scoped3A : memref<!tpu.dma_semaphore, #tpu.memory_space<semaphore_mem>>)
        %dma_wait3A = arith.constant 0 : i32
        %dma_wait3A_51 = tpu.memref_slice %arg14[%mul3A_45, %dma_wait3A] : memref<10240x64xf32, #tpu.memory_space<hbm>> -> memref<640x64xf32, #tpu.memory_space<hbm>>
        %dma_wait3A_52 = arith.constant 0 : i32
        %dma_wait3A_53 = tpu.memref_slice %arg19[%mul3A_43, %dma_wait3A_52] : memref<10240x64xf32, #tpu.memory_space<vmem_shared>> -> memref<640x64xf32, #tpu.memory_space<vmem_shared>>
        tpu.wait_dma2 semaphore(%run_scoped3A : memref<!tpu.dma_semaphore, #tpu.memory_space<semaphore_mem>>) src(%dma_wait3A_53 : memref<640x64xf32, #tpu.memory_space<vmem_shared>>) dst(%dma_wait3A_51 : memref<640x64xf32, #tpu.memory_space<hbm>>)
        tpu.yield
      }) : () -> ()
      %barrier3A_46 = arith.constant 0 : index
      tpu.barrier barrier_id(%barrier3A_46)
    } else {
    }
    return
  }
}

module attributes {stable_mosaic.version = 14 : i64} {
  func.func @_prep_body(%arg0: i32, %arg1: memref<1000x1xf32, #tpu.memory_space<vmem>>, %arg2: memref<1000x1xf32, #tpu.memory_space<vmem>>, %arg3: memref<1000x128xf32, #tpu.memory_space<vmem>>, %arg4: memref<1000x1xf32, #tpu.memory_space<vmem>>, %arg5: memref<1000x1xf32, #tpu.memory_space<vmem>>, %arg6: memref<1000x64xf32, #tpu.memory_space<vmem>>, %arg7: memref<1000x64xf32, #tpu.memory_space<vmem>>, %arg8: memref<1000x64xf32, #tpu.memory_space<vmem>>, %arg9: memref<1000x64xf32, #tpu.memory_space<vmem>>) attributes {dimension_semantics = [#tpu.dimension_semantics<arbitrary>], iteration_bounds = array<i64: 10>, scalar_prefetch = 0 : i64, scratch_operands = 0 : i64, tpu.core_type = #tpu.core_type<tc>, window_params = [{transform_indices = @transform_0, window_bounds = array<i64: 1000, 1>}, {transform_indices = @transform_1, window_bounds = array<i64: 1000, 1>}, {transform_indices = @transform_2, window_bounds = array<i64: 1000, 128>}, {transform_indices = @transform_3, window_bounds = array<i64: 1000, 1>}, {transform_indices = @transform_4, window_bounds = array<i64: 1000, 1>}, {transform_indices = @transform_5, window_bounds = array<i64: 1000, 64>}, {transform_indices = @transform_6, window_bounds = array<i64: 1000, 64>}, {transform_indices = @transform_7, window_bounds = array<i64: 1000, 64>}, {transform_indices = @transform_8, window_bounds = array<i64: 1000, 64>}]} {
    %get3A = arith.constant 0 : index
    %get3A_0 = arith.constant 0 : index
    %get3A_1 = vector.load %arg1[%get3A, %get3A_0] : memref<1000x1xf32, #tpu.memory_space<vmem>>, vector<1000x1xf32>
    %get3A_2 = arith.constant 0 : index
    %get3A_3 = arith.constant 0 : index
    %get3A_4 = vector.load %arg2[%get3A_2, %get3A_3] : memref<1000x1xf32, #tpu.memory_space<vmem>>, vector<1000x1xf32>
    %gt3A = arith.constant 0.000000e+00 : f32
    %gt3A_5 = vector.broadcast %gt3A : f32 to vector<1000x1xf32>
    %gt3A_6 = arith.cmpf ogt, %get3A_1, %gt3A_5 : vector<1000x1xf32>
    %rsqrt3A = math.rsqrt %get3A_1 : vector<1000x1xf32>
    %jit3A = arith.constant 0.000000e+00 : f32
    %broadcast_in_dim3A = vector.broadcast %jit3A : f32 to vector<1000x1xf32>
    %select_n3A = arith.select %gt3A_6, %rsqrt3A, %broadcast_in_dim3A : vector<1000x1xi1>, vector<1000x1xf32>
    %gt3A_7 = arith.constant 0.000000e+00 : f32
    %gt3A_8 = vector.broadcast %gt3A_7 : f32 to vector<1000x1xf32>
    %gt3A_9 = arith.cmpf ogt, %get3A_4, %gt3A_8 : vector<1000x1xf32>
    %rsqrt3A_10 = math.rsqrt %get3A_4 : vector<1000x1xf32>
    %jit3A_11 = arith.constant 0.000000e+00 : f32
    %broadcast_in_dim3A_12 = vector.broadcast %jit3A_11 : f32 to vector<1000x1xf32>
    %select_n3A_13 = arith.select %gt3A_9, %rsqrt3A_10, %broadcast_in_dim3A_12 : vector<1000x1xi1>, vector<1000x1xf32>
    %swap3A = arith.constant 0 : index
    %swap3A_14 = arith.constant 0 : index
    %swap3A_15 = vector.load %arg4[%swap3A, %swap3A_14] : memref<1000x1xf32, #tpu.memory_space<vmem>>, vector<1000x1xf32>
    tpu.vector_store %arg4[%swap3A, %swap3A_14], %select_n3A {strides = array<i32>} : memref<1000x1xf32, #tpu.memory_space<vmem>>, vector<1000x1xf32>,
    %swap3A_16 = arith.constant 0 : index
    %swap3A_17 = arith.constant 0 : index
    %swap3A_18 = vector.load %arg5[%swap3A_16, %swap3A_17] : memref<1000x1xf32, #tpu.memory_space<vmem>>, vector<1000x1xf32>
    tpu.vector_store %arg5[%swap3A_16, %swap3A_17], %select_n3A_13 {strides = array<i32>} : memref<1000x1xf32, #tpu.memory_space<vmem>>, vector<1000x1xf32>,
    %get3A_19 = arith.constant 0 : index
    %get3A_20 = arith.constant 0 : index
    %get3A_21 = vector.load %arg3[%get3A_19, %get3A_20] : memref<1000x128xf32, #tpu.memory_space<vmem>>, vector<1000x128xf32>
    %slice3A = vector.extract_strided_slice %get3A_21 {offsets = [0, 0], sizes = [1000, 64], strides = [1, 1]} : vector<1000x128xf32> to vector<1000x64xf32>
    %mul3A = vector.broadcast %select_n3A_13 : vector<1000x1xf32> to vector<1000x64xf32>
    %mul3A_22 = arith.mulf %mul3A, %slice3A : vector<1000x64xf32>
    %swap3A_23 = arith.constant 0 : index
    %swap3A_24 = arith.constant 0 : index
    %swap3A_25 = vector.load %arg6[%swap3A_23, %swap3A_24] : memref<1000x64xf32, #tpu.memory_space<vmem>>, vector<1000x64xf32>
    tpu.vector_store %arg6[%swap3A_23, %swap3A_24], %mul3A_22 {strides = array<i32>} : memref<1000x64xf32, #tpu.memory_space<vmem>>, vector<1000x64xf32>,
    %slice3A_26 = vector.extract_strided_slice %get3A_21 {offsets = [0, 64], sizes = [1000, 64], strides = [1, 1]} : vector<1000x128xf32> to vector<1000x64xf32>
    %mul3A_27 = vector.broadcast %select_n3A_13 : vector<1000x1xf32> to vector<1000x64xf32>
    %mul3A_28 = arith.mulf %mul3A_27, %slice3A_26 : vector<1000x64xf32>
    %swap3A_29 = arith.constant 0 : index
    %swap3A_30 = arith.constant 0 : index
    %swap3A_31 = vector.load %arg7[%swap3A_29, %swap3A_30] : memref<1000x64xf32, #tpu.memory_space<vmem>>, vector<1000x64xf32>
    tpu.vector_store %arg7[%swap3A_29, %swap3A_30], %mul3A_28 {strides = array<i32>} : memref<1000x64xf32, #tpu.memory_space<vmem>>, vector<1000x64xf32>,
    %slice3A_32 = vector.extract_strided_slice %get3A_21 {offsets = [0, 0], sizes = [1000, 64], strides = [1, 1]} : vector<1000x128xf32> to vector<1000x64xf32>
    %mul3A_33 = vector.broadcast %select_n3A : vector<1000x1xf32> to vector<1000x64xf32>
    %mul3A_34 = arith.mulf %mul3A_33, %slice3A_32 : vector<1000x64xf32>
    %swap3A_35 = arith.constant 0 : index
    %swap3A_36 = arith.constant 0 : index
    %swap3A_37 = vector.load %arg8[%swap3A_35, %swap3A_36] : memref<1000x64xf32, #tpu.memory_space<vmem>>, vector<1000x64xf32>
    tpu.vector_store %arg8[%swap3A_35, %swap3A_36], %mul3A_34 {strides = array<i32>} : memref<1000x64xf32, #tpu.memory_space<vmem>>, vector<1000x64xf32>,
    %slice3A_38 = vector.extract_strided_slice %get3A_21 {offsets = [0, 64], sizes = [1000, 64], strides = [1, 1]} : vector<1000x128xf32> to vector<1000x64xf32>
    %mul3A_39 = vector.broadcast %select_n3A : vector<1000x1xf32> to vector<1000x64xf32>
    %mul3A_40 = arith.mulf %mul3A_39, %slice3A_38 : vector<1000x64xf32>
    %swap3A_41 = arith.constant 0 : index
    %swap3A_42 = arith.constant 0 : index
    %swap3A_43 = vector.load %arg9[%swap3A_41, %swap3A_42] : memref<1000x64xf32, #tpu.memory_space<vmem>>, vector<1000x64xf32>
    tpu.vector_store %arg9[%swap3A_41, %swap3A_42], %mul3A_40 {strides = array<i32>} : memref<1000x64xf32, #tpu.memory_space<vmem>>, vector<1000x64xf32>,
    return
  }
  func.func @transform_0(%arg0: i32) -> (i32, i32) {
    %c0_i32 = arith.constant 0 : i32
    %c0_i32_0 = arith.constant 0 : i32
    return %arg0, %c0_i32 : i32, i32
  }
  func.func @transform_1(%arg0: i32) -> (i32, i32) {
    %c0_i32 = arith.constant 0 : i32
    %c0_i32_0 = arith.constant 0 : i32
    return %arg0, %c0_i32 : i32, i32
  }
  func.func @transform_2(%arg0: i32) -> (i32, i32) {
    %c0_i32 = arith.constant 0 : i32
    %c0_i32_0 = arith.constant 0 : i32
    return %arg0, %c0_i32 : i32, i32
  }
  func.func @transform_3(%arg0: i32) -> (i32, i32) {
    %c0_i32 = arith.constant 0 : i32
    %c0_i32_0 = arith.constant 0 : i32
    return %arg0, %c0_i32 : i32, i32
  }
  func.func @transform_4(%arg0: i32) -> (i32, i32) {
    %c0_i32 = arith.constant 0 : i32
    %c0_i32_0 = arith.constant 0 : i32
    return %arg0, %c0_i32 : i32, i32
  }
  func.func @transform_5(%arg0: i32) -> (i32, i32) {
    %c0_i32 = arith.constant 0 : i32
    %c0_i32_0 = arith.constant 0 : i32
    return %arg0, %c0_i32 : i32, i32
  }
  func.func @transform_6(%arg0: i32) -> (i32, i32) {
    %c0_i32 = arith.constant 0 : i32
    %c0_i32_0 = arith.constant 0 : i32
    return %arg0, %c0_i32 : i32, i32
  }
  func.func @transform_7(%arg0: i32) -> (i32, i32) {
    %c0_i32 = arith.constant 0 : i32
    %c0_i32_0 = arith.constant 0 : i32
    return %arg0, %c0_i32 : i32, i32
  }
  func.func @transform_8(%arg0: i32) -> (i32, i32) {
    %c0_i32 = arith.constant 0 : i32
    %c0_i32_0 = arith.constant 0 : i32
    return %arg0, %c0_i32 : i32, i32
  }
}

module attributes {stable_mosaic.version = 14 : i64} {
  func.func @_layer_body(%arg0: i32, %arg1: memref<1000x64xf32, #tpu.memory_space<vmem>>, %arg2: memref<1000x64xf32, #tpu.memory_space<vmem>>, %arg3: memref<1000x64xf32, #tpu.memory_space<vmem>>, %arg4: memref<1000x64xf32, #tpu.memory_space<vmem>>, %arg5: memref<1000x1xf32, #tpu.memory_space<vmem>>, %arg6: memref<1000x1xf32, #tpu.memory_space<vmem>>, %arg7: memref<64x128xf32, #tpu.memory_space<vmem>>, %arg8: memref<64x128xf32, #tpu.memory_space<vmem>>, %arg9: memref<64x128xf32, #tpu.memory_space<vmem>>, %arg10: memref<64x128xf32, #tpu.memory_space<vmem>>, %arg11: memref<1x128xf32, #tpu.memory_space<vmem>>, %arg12: memref<1x128xf32, #tpu.memory_space<vmem>>, %arg13: memref<1000x64xf32, #tpu.memory_space<vmem>>, %arg14: memref<1000x64xf32, #tpu.memory_space<vmem>>, %arg15: memref<1000x64xf32, #tpu.memory_space<vmem>>, %arg16: memref<1000x64xf32, #tpu.memory_space<vmem>>) attributes {dimension_semantics = [#tpu.dimension_semantics<arbitrary>], iteration_bounds = array<i64: 10>, scalar_prefetch = 0 : i64, scratch_operands = 0 : i64, tpu.core_type = #tpu.core_type<tc>, window_params = [{transform_indices = @transform_0, window_bounds = array<i64: 1000, 64>}, {transform_indices = @transform_1, window_bounds = array<i64: 1000, 64>}, {transform_indices = @transform_2, window_bounds = array<i64: 1000, 64>}, {transform_indices = @transform_3, window_bounds = array<i64: 1000, 64>}, {transform_indices = @transform_4, window_bounds = array<i64: 1000, 1>}, {transform_indices = @transform_5, window_bounds = array<i64: 1000, 1>}, {pipeline_mode = #tpu.pipeline_mode<synchronous>, transform_indices = @transform_6, window_bounds = array<i64: 64, 128>}, {pipeline_mode = #tpu.pipeline_mode<synchronous>, transform_indices = @transform_7, window_bounds = array<i64: 64, 128>}, {pipeline_mode = #tpu.pipeline_mode<synchronous>, transform_indices = @transform_8, window_bounds = array<i64: 64, 128>}, {pipeline_mode = #tpu.pipeline_mode<synchronous>, transform_indices = @transform_9, window_bounds = array<i64: 64, 128>}, {pipeline_mode = #tpu.pipeline_mode<synchronous>, transform_indices = @transform_10, window_bounds = array<i64: 1, 128>}, {pipeline_mode = #tpu.pipeline_mode<synchronous>, transform_indices = @transform_11, window_bounds = array<i64: 1, 128>}, {transform_indices = @transform_12, window_bounds = array<i64: 1000, 64>}, {transform_indices = @transform_13, window_bounds = array<i64: 1000, 64>}, {transform_indices = @transform_14, window_bounds = array<i64: 1000, 64>}, {transform_indices = @transform_15, window_bounds = array<i64: 1000, 64>}]} {
    %get3A = arith.constant 0 : index
    %get3A_0 = arith.constant 0 : index
    %get3A_1 = vector.load %arg5[%get3A, %get3A_0] : memref<1000x1xf32, #tpu.memory_space<vmem>>, vector<1000x1xf32>
    %get3A_2 = arith.constant 0 : index
    %get3A_3 = arith.constant 0 : index
    %get3A_4 = vector.load %arg6[%get3A_2, %get3A_3] : memref<1000x1xf32, #tpu.memory_space<vmem>>, vector<1000x1xf32>
    %get3A_5 = arith.constant 0 : index
    %get3A_6 = arith.constant 0 : index
    %get3A_7 = vector.load %arg1[%get3A_5, %get3A_6] : memref<1000x64xf32, #tpu.memory_space<vmem>>, vector<1000x64xf32>
    %mul3A = vector.broadcast %get3A_1 : vector<1000x1xf32> to vector<1000x64xf32>
    %mul3A_8 = arith.mulf %mul3A, %get3A_7 : vector<1000x64xf32>
    %get3A_9 = arith.constant 0 : index
    %get3A_10 = arith.constant 0 : index
    %get3A_11 = vector.load %arg7[%get3A_9, %get3A_10] : memref<64x128xf32, #tpu.memory_space<vmem>>, vector<64x128xf32>
    %dot_general3A = arith.constant dense<0.000000e+00> : vector<1000x128xf32>
    %dot_general3A_12 = tpu.matmul %mul3A_8, %get3A_11, %dot_general3A {dimension_numbers = #tpu.dot_dimension_numbers<[1], [0], [0], [1], [0, 0, 1, 1], [], []>, transpose_lhs_hint = false} : vector<1000x64xf32>, vector<64x128xf32>, vector<1000x128xf32> -> vector<1000x128xf32>
    %get3A_13 = arith.constant 0 : index
    %get3A_14 = arith.constant 0 : index
    %get3A_15 = vector.load %arg2[%get3A_13, %get3A_14] : memref<1000x64xf32, #tpu.memory_space<vmem>>, vector<1000x64xf32>
    %mul3A_16 = vector.broadcast %get3A_1 : vector<1000x1xf32> to vector<1000x64xf32>
    %mul3A_17 = arith.mulf %mul3A_16, %get3A_15 : vector<1000x64xf32>
    %get3A_18 = arith.constant 0 : index
    %get3A_19 = arith.constant 0 : index
    %get3A_20 = vector.load %arg8[%get3A_18, %get3A_19] : memref<64x128xf32, #tpu.memory_space<vmem>>, vector<64x128xf32>
    %dot_general3A_21 = arith.constant dense<0.000000e+00> : vector<1000x128xf32>
    %dot_general3A_22 = tpu.matmul %mul3A_17, %get3A_20, %dot_general3A_21 {dimension_numbers = #tpu.dot_dimension_numbers<[1], [0], [0], [1], [0, 0, 1, 1], [], []>, transpose_lhs_hint = false} : vector<1000x64xf32>, vector<64x128xf32>, vector<1000x128xf32> -> vector<1000x128xf32>
    %add3A = arith.addf %dot_general3A_12, %dot_general3A_22 : vector<1000x128xf32>
    %get3A_23 = arith.constant 0 : index
    %get3A_24 = arith.constant 0 : index
    %get3A_25 = vector.load %arg11[%get3A_23, %get3A_24] : memref<1x128xf32, #tpu.memory_space<vmem>>, vector<1x128xf32>
    %add3A_26 = vector.broadcast %get3A_25 : vector<1x128xf32> to vector<1000x128xf32>
    %add3A_27 = arith.addf %add3A, %add3A_26 : vector<1000x128xf32>
    %get3A_28 = arith.constant 0 : index
    %get3A_29 = arith.constant 0 : index
    %get3A_30 = vector.load %arg3[%get3A_28, %get3A_29] : memref<1000x64xf32, #tpu.memory_space<vmem>>, vector<1000x64xf32>
    %mul3A_31 = vector.broadcast %get3A_4 : vector<1000x1xf32> to vector<1000x64xf32>
    %mul3A_32 = arith.mulf %mul3A_31, %get3A_30 : vector<1000x64xf32>
    %get3A_33 = arith.constant 0 : index
    %get3A_34 = arith.constant 0 : index
    %get3A_35 = vector.load %arg9[%get3A_33, %get3A_34] : memref<64x128xf32, #tpu.memory_space<vmem>>, vector<64x128xf32>
    %dot_general3A_36 = arith.constant dense<0.000000e+00> : vector<1000x128xf32>
    %dot_general3A_37 = tpu.matmul %mul3A_32, %get3A_35, %dot_general3A_36 {dimension_numbers = #tpu.dot_dimension_numbers<[1], [0], [0], [1], [0, 0, 1, 1], [], []>, transpose_lhs_hint = false} : vector<1000x64xf32>, vector<64x128xf32>, vector<1000x128xf32> -> vector<1000x128xf32>
    %get3A_38 = arith.constant 0 : index
    %get3A_39 = arith.constant 0 : index
    %get3A_40 = vector.load %arg4[%get3A_38, %get3A_39] : memref<1000x64xf32, #tpu.memory_space<vmem>>, vector<1000x64xf32>
    %mul3A_41 = vector.broadcast %get3A_4 : vector<1000x1xf32> to vector<1000x64xf32>
    %mul3A_42 = arith.mulf %mul3A_41, %get3A_40 : vector<1000x64xf32>
    %get3A_43 = arith.constant 0 : index
    %get3A_44 = arith.constant 0 : index
    %get3A_45 = vector.load %arg10[%get3A_43, %get3A_44] : memref<64x128xf32, #tpu.memory_space<vmem>>, vector<64x128xf32>
    %dot_general3A_46 = arith.constant dense<0.000000e+00> : vector<1000x128xf32>
    %dot_general3A_47 = tpu.matmul %mul3A_42, %get3A_45, %dot_general3A_46 {dimension_numbers = #tpu.dot_dimension_numbers<[1], [0], [0], [1], [0, 0, 1, 1], [], []>, transpose_lhs_hint = false} : vector<1000x64xf32>, vector<64x128xf32>, vector<1000x128xf32> -> vector<1000x128xf32>
    %add3A_48 = arith.addf %dot_general3A_37, %dot_general3A_47 : vector<1000x128xf32>
    %get3A_49 = arith.constant 0 : index
    %get3A_50 = arith.constant 0 : index
    %get3A_51 = vector.load %arg12[%get3A_49, %get3A_50] : memref<1x128xf32, #tpu.memory_space<vmem>>, vector<1x128xf32>
    %add3A_52 = vector.broadcast %get3A_51 : vector<1x128xf32> to vector<1000x128xf32>
    %add3A_53 = arith.addf %add3A_48, %add3A_52 : vector<1000x128xf32>
    %mul3A_54 = arith.constant 5.000000e-01 : f32
    %mul3A_55 = vector.broadcast %mul3A_54 : f32 to vector<1000x128xf32>
    %mul3A_56 = arith.mulf %mul3A_55, %add3A_27 : vector<1000x128xf32>
    %mul3A_57 = arith.constant 5.000000e-01 : f32
    %mul3A_58 = vector.broadcast %mul3A_57 : f32 to vector<1000x128xf32>
    %mul3A_59 = arith.mulf %mul3A_58, %add3A_53 : vector<1000x128xf32>
    %add3A_60 = arith.addf %mul3A_56, %mul3A_59 : vector<1000x128xf32>
    %max3A = arith.constant 0.000000e+00 : f32
    %max3A_61 = vector.broadcast %max3A : f32 to vector<1000x128xf32>
    %max3A_62 = arith.maximumf %add3A_60, %max3A_61 : vector<1000x128xf32>
    %slice3A = vector.extract_strided_slice %max3A_62 {offsets = [0, 0], sizes = [1000, 64], strides = [1, 1]} : vector<1000x128xf32> to vector<1000x64xf32>
    %mul3A_63 = vector.broadcast %get3A_4 : vector<1000x1xf32> to vector<1000x64xf32>
    %mul3A_64 = arith.mulf %mul3A_63, %slice3A : vector<1000x64xf32>
    %swap3A = arith.constant 0 : index
    %swap3A_65 = arith.constant 0 : index
    %swap3A_66 = vector.load %arg13[%swap3A, %swap3A_65] : memref<1000x64xf32, #tpu.memory_space<vmem>>, vector<1000x64xf32>
    tpu.vector_store %arg13[%swap3A, %swap3A_65], %mul3A_64 {strides = array<i32>} : memref<1000x64xf32, #tpu.memory_space<vmem>>, vector<1000x64xf32>,
    %slice3A_67 = vector.extract_strided_slice %max3A_62 {offsets = [0, 64], sizes = [1000, 64], strides = [1, 1]} : vector<1000x128xf32> to vector<1000x64xf32>
    %mul3A_68 = vector.broadcast %get3A_4 : vector<1000x1xf32> to vector<1000x64xf32>
    %mul3A_69 = arith.mulf %mul3A_68, %slice3A_67 : vector<1000x64xf32>
    %swap3A_70 = arith.constant 0 : index
    %swap3A_71 = arith.constant 0 : index
    %swap3A_72 = vector.load %arg14[%swap3A_70, %swap3A_71] : memref<1000x64xf32, #tpu.memory_space<vmem>>, vector<1000x64xf32>
    tpu.vector_store %arg14[%swap3A_70, %swap3A_71], %mul3A_69 {strides = array<i32>} : memref<1000x64xf32, #tpu.memory_space<vmem>>, vector<1000x64xf32>,
    %slice3A_73 = vector.extract_strided_slice %max3A_62 {offsets = [0, 0], sizes = [1000, 64], strides = [1, 1]} : vector<1000x128xf32> to vector<1000x64xf32>
    %mul3A_74 = vector.broadcast %get3A_1 : vector<1000x1xf32> to vector<1000x64xf32>
    %mul3A_75 = arith.mulf %mul3A_74, %slice3A_73 : vector<1000x64xf32>
    %swap3A_76 = arith.constant 0 : index
    %swap3A_77 = arith.constant 0 : index
    %swap3A_78 = vector.load %arg15[%swap3A_76, %swap3A_77] : memref<1000x64xf32, #tpu.memory_space<vmem>>, vector<1000x64xf32>
    tpu.vector_store %arg15[%swap3A_76, %swap3A_77], %mul3A_75 {strides = array<i32>} : memref<1000x64xf32, #tpu.memory_space<vmem>>, vector<1000x64xf32>,
    %slice3A_79 = vector.extract_strided_slice %max3A_62 {offsets = [0, 64], sizes = [1000, 64], strides = [1, 1]} : vector<1000x128xf32> to vector<1000x64xf32>
    %mul3A_80 = vector.broadcast %get3A_1 : vector<1000x1xf32> to vector<1000x64xf32>
    %mul3A_81 = arith.mulf %mul3A_80, %slice3A_79 : vector<1000x64xf32>
    %swap3A_82 = arith.constant 0 : index
    %swap3A_83 = arith.constant 0 : index
    %swap3A_84 = vector.load %arg16[%swap3A_82, %swap3A_83] : memref<1000x64xf32, #tpu.memory_space<vmem>>, vector<1000x64xf32>
    tpu.vector_store %arg16[%swap3A_82, %swap3A_83], %mul3A_81 {strides = array<i32>} : memref<1000x64xf32, #tpu.memory_space<vmem>>, vector<1000x64xf32>,
    return
  }
  func.func @transform_0(%arg0: i32) -> (i32, i32) {
    %c0_i32 = arith.constant 0 : i32
    %c0_i32_0 = arith.constant 0 : i32
    return %arg0, %c0_i32 : i32, i32
  }
  func.func @transform_1(%arg0: i32) -> (i32, i32) {
    %c0_i32 = arith.constant 0 : i32
    %c0_i32_0 = arith.constant 0 : i32
    return %arg0, %c0_i32 : i32, i32
  }
  func.func @transform_2(%arg0: i32) -> (i32, i32) {
    %c0_i32 = arith.constant 0 : i32
    %c0_i32_0 = arith.constant 0 : i32
    return %arg0, %c0_i32 : i32, i32
  }
  func.func @transform_3(%arg0: i32) -> (i32, i32) {
    %c0_i32 = arith.constant 0 : i32
    %c0_i32_0 = arith.constant 0 : i32
    return %arg0, %c0_i32 : i32, i32
  }
  func.func @transform_4(%arg0: i32) -> (i32, i32) {
    %c0_i32 = arith.constant 0 : i32
    %c0_i32_0 = arith.constant 0 : i32
    return %arg0, %c0_i32 : i32, i32
  }
  func.func @transform_5(%arg0: i32) -> (i32, i32) {
    %c0_i32 = arith.constant 0 : i32
    %c0_i32_0 = arith.constant 0 : i32
    return %arg0, %c0_i32 : i32, i32
  }
  func.func @transform_6(%arg0: i32) -> (i32, i32) {
    %c0_i32 = arith.constant 0 : i32
    %c0_i32_0 = arith.constant 0 : i32
    %c0_i32_1 = arith.constant 0 : i32
    return %c0_i32, %c0_i32_0 : i32, i32
  }
  func.func @transform_7(%arg0: i32) -> (i32, i32) {
    %c0_i32 = arith.constant 0 : i32
    %c0_i32_0 = arith.constant 0 : i32
    %c0_i32_1 = arith.constant 0 : i32
    return %c0_i32, %c0_i32_0 : i32, i32
  }
  func.func @transform_8(%arg0: i32) -> (i32, i32) {
    %c0_i32 = arith.constant 0 : i32
    %c0_i32_0 = arith.constant 0 : i32
    %c0_i32_1 = arith.constant 0 : i32
    return %c0_i32, %c0_i32_0 : i32, i32
  }
  func.func @transform_9(%arg0: i32) -> (i32, i32) {
    %c0_i32 = arith.constant 0 : i32
    %c0_i32_0 = arith.constant 0 : i32
    %c0_i32_1 = arith.constant 0 : i32
    return %c0_i32, %c0_i32_0 : i32, i32
  }
  func.func @transform_10(%arg0: i32) -> (i32, i32) {
    %c0_i32 = arith.constant 0 : i32
    %c0_i32_0 = arith.constant 0 : i32
    %c0_i32_1 = arith.constant 0 : i32
    return %c0_i32, %c0_i32_0 : i32, i32
  }
  func.func @transform_11(%arg0: i32) -> (i32, i32) {
    %c0_i32 = arith.constant 0 : i32
    %c0_i32_0 = arith.constant 0 : i32
    %c0_i32_1 = arith.constant 0 : i32
    return %c0_i32, %c0_i32_0 : i32, i32
  }
  func.func @transform_12(%arg0: i32) -> (i32, i32) {
    %c0_i32 = arith.constant 0 : i32
    %c0_i32_0 = arith.constant 0 : i32
    return %arg0, %c0_i32 : i32, i32
  }
  func.func @transform_13(%arg0: i32) -> (i32, i32) {
    %c0_i32 = arith.constant 0 : i32
    %c0_i32_0 = arith.constant 0 : i32
    return %arg0, %c0_i32 : i32, i32
  }
  func.func @transform_14(%arg0: i32) -> (i32, i32) {
    %c0_i32 = arith.constant 0 : i32
    %c0_i32_0 = arith.constant 0 : i32
    return %arg0, %c0_i32 : i32, i32
  }
  func.func @transform_15(%arg0: i32) -> (i32, i32) {
    %c0_i32 = arith.constant 0 : i32
    %c0_i32_0 = arith.constant 0 : i32
    return %arg0, %c0_i32 : i32, i32
  }
}

module attributes {stable_mosaic.version = 14 : i64} {
  func.func @_layer_body(%arg0: i32, %arg1: memref<1000x64xf32, #tpu.memory_space<vmem>>, %arg2: memref<1000x64xf32, #tpu.memory_space<vmem>>, %arg3: memref<1000x64xf32, #tpu.memory_space<vmem>>, %arg4: memref<1000x64xf32, #tpu.memory_space<vmem>>, %arg5: memref<1000x1xf32, #tpu.memory_space<vmem>>, %arg6: memref<1000x1xf32, #tpu.memory_space<vmem>>, %arg7: memref<64x128xf32, #tpu.memory_space<vmem>>, %arg8: memref<64x128xf32, #tpu.memory_space<vmem>>, %arg9: memref<64x128xf32, #tpu.memory_space<vmem>>, %arg10: memref<64x128xf32, #tpu.memory_space<vmem>>, %arg11: memref<1x128xf32, #tpu.memory_space<vmem>>, %arg12: memref<1x128xf32, #tpu.memory_space<vmem>>, %arg13: memref<1000x128xf32, #tpu.memory_space<vmem>>) attributes {dimension_semantics = [#tpu.dimension_semantics<arbitrary>], iteration_bounds = array<i64: 10>, scalar_prefetch = 0 : i64, scratch_operands = 0 : i64, tpu.core_type = #tpu.core_type<tc>, window_params = [{transform_indices = @transform_0, window_bounds = array<i64: 1000, 64>}, {transform_indices = @transform_1, window_bounds = array<i64: 1000, 64>}, {transform_indices = @transform_2, window_bounds = array<i64: 1000, 64>}, {transform_indices = @transform_3, window_bounds = array<i64: 1000, 64>}, {transform_indices = @transform_4, window_bounds = array<i64: 1000, 1>}, {transform_indices = @transform_5, window_bounds = array<i64: 1000, 1>}, {pipeline_mode = #tpu.pipeline_mode<synchronous>, transform_indices = @transform_6, window_bounds = array<i64: 64, 128>}, {pipeline_mode = #tpu.pipeline_mode<synchronous>, transform_indices = @transform_7, window_bounds = array<i64: 64, 128>}, {pipeline_mode = #tpu.pipeline_mode<synchronous>, transform_indices = @transform_8, window_bounds = array<i64: 64, 128>}, {pipeline_mode = #tpu.pipeline_mode<synchronous>, transform_indices = @transform_9, window_bounds = array<i64: 64, 128>}, {pipeline_mode = #tpu.pipeline_mode<synchronous>, transform_indices = @transform_10, window_bounds = array<i64: 1, 128>}, {pipeline_mode = #tpu.pipeline_mode<synchronous>, transform_indices = @transform_11, window_bounds = array<i64: 1, 128>}, {transform_indices = @transform_12, window_bounds = array<i64: 1000, 128>}]} {
    %get3A = arith.constant 0 : index
    %get3A_0 = arith.constant 0 : index
    %get3A_1 = vector.load %arg5[%get3A, %get3A_0] : memref<1000x1xf32, #tpu.memory_space<vmem>>, vector<1000x1xf32>
    %get3A_2 = arith.constant 0 : index
    %get3A_3 = arith.constant 0 : index
    %get3A_4 = vector.load %arg6[%get3A_2, %get3A_3] : memref<1000x1xf32, #tpu.memory_space<vmem>>, vector<1000x1xf32>
    %get3A_5 = arith.constant 0 : index
    %get3A_6 = arith.constant 0 : index
    %get3A_7 = vector.load %arg1[%get3A_5, %get3A_6] : memref<1000x64xf32, #tpu.memory_space<vmem>>, vector<1000x64xf32>
    %mul3A = vector.broadcast %get3A_1 : vector<1000x1xf32> to vector<1000x64xf32>
    %mul3A_8 = arith.mulf %mul3A, %get3A_7 : vector<1000x64xf32>
    %get3A_9 = arith.constant 0 : index
    %get3A_10 = arith.constant 0 : index
    %get3A_11 = vector.load %arg7[%get3A_9, %get3A_10] : memref<64x128xf32, #tpu.memory_space<vmem>>, vector<64x128xf32>
    %dot_general3A = arith.constant dense<0.000000e+00> : vector<1000x128xf32>
    %dot_general3A_12 = tpu.matmul %mul3A_8, %get3A_11, %dot_general3A {dimension_numbers = #tpu.dot_dimension_numbers<[1], [0], [0], [1], [0, 0, 1, 1], [], []>, transpose_lhs_hint = false} : vector<1000x64xf32>, vector<64x128xf32>, vector<1000x128xf32> -> vector<1000x128xf32>
    %get3A_13 = arith.constant 0 : index
    %get3A_14 = arith.constant 0 : index
    %get3A_15 = vector.load %arg2[%get3A_13, %get3A_14] : memref<1000x64xf32, #tpu.memory_space<vmem>>, vector<1000x64xf32>
    %mul3A_16 = vector.broadcast %get3A_1 : vector<1000x1xf32> to vector<1000x64xf32>
    %mul3A_17 = arith.mulf %mul3A_16, %get3A_15 : vector<1000x64xf32>
    %get3A_18 = arith.constant 0 : index
    %get3A_19 = arith.constant 0 : index
    %get3A_20 = vector.load %arg8[%get3A_18, %get3A_19] : memref<64x128xf32, #tpu.memory_space<vmem>>, vector<64x128xf32>
    %dot_general3A_21 = arith.constant dense<0.000000e+00> : vector<1000x128xf32>
    %dot_general3A_22 = tpu.matmul %mul3A_17, %get3A_20, %dot_general3A_21 {dimension_numbers = #tpu.dot_dimension_numbers<[1], [0], [0], [1], [0, 0, 1, 1], [], []>, transpose_lhs_hint = false} : vector<1000x64xf32>, vector<64x128xf32>, vector<1000x128xf32> -> vector<1000x128xf32>
    %add3A = arith.addf %dot_general3A_12, %dot_general3A_22 : vector<1000x128xf32>
    %get3A_23 = arith.constant 0 : index
    %get3A_24 = arith.constant 0 : index
    %get3A_25 = vector.load %arg11[%get3A_23, %get3A_24] : memref<1x128xf32, #tpu.memory_space<vmem>>, vector<1x128xf32>
    %add3A_26 = vector.broadcast %get3A_25 : vector<1x128xf32> to vector<1000x128xf32>
    %add3A_27 = arith.addf %add3A, %add3A_26 : vector<1000x128xf32>
    %get3A_28 = arith.constant 0 : index
    %get3A_29 = arith.constant 0 : index
    %get3A_30 = vector.load %arg3[%get3A_28, %get3A_29] : memref<1000x64xf32, #tpu.memory_space<vmem>>, vector<1000x64xf32>
    %mul3A_31 = vector.broadcast %get3A_4 : vector<1000x1xf32> to vector<1000x64xf32>
    %mul3A_32 = arith.mulf %mul3A_31, %get3A_30 : vector<1000x64xf32>
    %get3A_33 = arith.constant 0 : index
    %get3A_34 = arith.constant 0 : index
    %get3A_35 = vector.load %arg9[%get3A_33, %get3A_34] : memref<64x128xf32, #tpu.memory_space<vmem>>, vector<64x128xf32>
    %dot_general3A_36 = arith.constant dense<0.000000e+00> : vector<1000x128xf32>
    %dot_general3A_37 = tpu.matmul %mul3A_32, %get3A_35, %dot_general3A_36 {dimension_numbers = #tpu.dot_dimension_numbers<[1], [0], [0], [1], [0, 0, 1, 1], [], []>, transpose_lhs_hint = false} : vector<1000x64xf32>, vector<64x128xf32>, vector<1000x128xf32> -> vector<1000x128xf32>
    %get3A_38 = arith.constant 0 : index
    %get3A_39 = arith.constant 0 : index
    %get3A_40 = vector.load %arg4[%get3A_38, %get3A_39] : memref<1000x64xf32, #tpu.memory_space<vmem>>, vector<1000x64xf32>
    %mul3A_41 = vector.broadcast %get3A_4 : vector<1000x1xf32> to vector<1000x64xf32>
    %mul3A_42 = arith.mulf %mul3A_41, %get3A_40 : vector<1000x64xf32>
    %get3A_43 = arith.constant 0 : index
    %get3A_44 = arith.constant 0 : index
    %get3A_45 = vector.load %arg10[%get3A_43, %get3A_44] : memref<64x128xf32, #tpu.memory_space<vmem>>, vector<64x128xf32>
    %dot_general3A_46 = arith.constant dense<0.000000e+00> : vector<1000x128xf32>
    %dot_general3A_47 = tpu.matmul %mul3A_42, %get3A_45, %dot_general3A_46 {dimension_numbers = #tpu.dot_dimension_numbers<[1], [0], [0], [1], [0, 0, 1, 1], [], []>, transpose_lhs_hint = false} : vector<1000x64xf32>, vector<64x128xf32>, vector<1000x128xf32> -> vector<1000x128xf32>
    %add3A_48 = arith.addf %dot_general3A_37, %dot_general3A_47 : vector<1000x128xf32>
    %get3A_49 = arith.constant 0 : index
    %get3A_50 = arith.constant 0 : index
    %get3A_51 = vector.load %arg12[%get3A_49, %get3A_50] : memref<1x128xf32, #tpu.memory_space<vmem>>, vector<1x128xf32>
    %add3A_52 = vector.broadcast %get3A_51 : vector<1x128xf32> to vector<1000x128xf32>
    %add3A_53 = arith.addf %add3A_48, %add3A_52 : vector<1000x128xf32>
    %mul3A_54 = arith.constant 5.000000e-01 : f32
    %mul3A_55 = vector.broadcast %mul3A_54 : f32 to vector<1000x128xf32>
    %mul3A_56 = arith.mulf %mul3A_55, %add3A_27 : vector<1000x128xf32>
    %mul3A_57 = arith.constant 5.000000e-01 : f32
    %mul3A_58 = vector.broadcast %mul3A_57 : f32 to vector<1000x128xf32>
    %mul3A_59 = arith.mulf %mul3A_58, %add3A_53 : vector<1000x128xf32>
    %add3A_60 = arith.addf %mul3A_56, %mul3A_59 : vector<1000x128xf32>
    %max3A = arith.constant 0.000000e+00 : f32
    %max3A_61 = vector.broadcast %max3A : f32 to vector<1000x128xf32>
    %max3A_62 = arith.maximumf %add3A_60, %max3A_61 : vector<1000x128xf32>
    %swap3A = arith.constant 0 : index
    %swap3A_63 = arith.constant 0 : index
    %swap3A_64 = vector.load %arg13[%swap3A, %swap3A_63] : memref<1000x128xf32, #tpu.memory_space<vmem>>, vector<1000x128xf32>
    tpu.vector_store %arg13[%swap3A, %swap3A_63], %max3A_62 {strides = array<i32>} : memref<1000x128xf32, #tpu.memory_space<vmem>>, vector<1000x128xf32>,
    return
  }
  func.func @transform_0(%arg0: i32) -> (i32, i32) {
    %c0_i32 = arith.constant 0 : i32
    %c0_i32_0 = arith.constant 0 : i32
    return %arg0, %c0_i32 : i32, i32
  }
  func.func @transform_1(%arg0: i32) -> (i32, i32) {
    %c0_i32 = arith.constant 0 : i32
    %c0_i32_0 = arith.constant 0 : i32
    return %arg0, %c0_i32 : i32, i32
  }
  func.func @transform_2(%arg0: i32) -> (i32, i32) {
    %c0_i32 = arith.constant 0 : i32
    %c0_i32_0 = arith.constant 0 : i32
    return %arg0, %c0_i32 : i32, i32
  }
  func.func @transform_3(%arg0: i32) -> (i32, i32) {
    %c0_i32 = arith.constant 0 : i32
    %c0_i32_0 = arith.constant 0 : i32
    return %arg0, %c0_i32 : i32, i32
  }
  func.func @transform_4(%arg0: i32) -> (i32, i32) {
    %c0_i32 = arith.constant 0 : i32
    %c0_i32_0 = arith.constant 0 : i32
    return %arg0, %c0_i32 : i32, i32
  }
  func.func @transform_5(%arg0: i32) -> (i32, i32) {
    %c0_i32 = arith.constant 0 : i32
    %c0_i32_0 = arith.constant 0 : i32
    return %arg0, %c0_i32 : i32, i32
  }
  func.func @transform_6(%arg0: i32) -> (i32, i32) {
    %c0_i32 = arith.constant 0 : i32
    %c0_i32_0 = arith.constant 0 : i32
    %c0_i32_1 = arith.constant 0 : i32
    return %c0_i32, %c0_i32_0 : i32, i32
  }
  func.func @transform_7(%arg0: i32) -> (i32, i32) {
    %c0_i32 = arith.constant 0 : i32
    %c0_i32_0 = arith.constant 0 : i32
    %c0_i32_1 = arith.constant 0 : i32
    return %c0_i32, %c0_i32_0 : i32, i32
  }
  func.func @transform_8(%arg0: i32) -> (i32, i32) {
    %c0_i32 = arith.constant 0 : i32
    %c0_i32_0 = arith.constant 0 : i32
    %c0_i32_1 = arith.constant 0 : i32
    return %c0_i32, %c0_i32_0 : i32, i32
  }
  func.func @transform_9(%arg0: i32) -> (i32, i32) {
    %c0_i32 = arith.constant 0 : i32
    %c0_i32_0 = arith.constant 0 : i32
    %c0_i32_1 = arith.constant 0 : i32
    return %c0_i32, %c0_i32_0 : i32, i32
  }
  func.func @transform_10(%arg0: i32) -> (i32, i32) {
    %c0_i32 = arith.constant 0 : i32
    %c0_i32_0 = arith.constant 0 : i32
    %c0_i32_1 = arith.constant 0 : i32
    return %c0_i32, %c0_i32_0 : i32, i32
  }
  func.func @transform_11(%arg0: i32) -> (i32, i32) {
    %c0_i32 = arith.constant 0 : i32
    %c0_i32_0 = arith.constant 0 : i32
    %c0_i32_1 = arith.constant 0 : i32
    return %c0_i32, %c0_i32_0 : i32, i32
  }
  func.func @transform_12(%arg0: i32) -> (i32, i32) {
    %c0_i32 = arith.constant 0 : i32
    %c0_i32_0 = arith.constant 0 : i32
    return %arg0, %c0_i32 : i32, i32
  }
}

module attributes {stable_mosaic.version = 14 : i64} {
  func.func @_pool_body(%arg0: i32, %arg1: memref<200x128xf32, #tpu.memory_space<vmem>>, %arg2: memref<200x1xi32, #tpu.memory_space<vmem>>, %arg3: memref<128x128xf32, #tpu.memory_space<vmem>>, %arg4: memref<1x128xf32, #tpu.memory_space<vmem>>, %arg5: memref<128x128xf32, #tpu.memory_space<vmem>>, %arg6: memref<1x128xf32, #tpu.memory_space<vmem>>, %arg7: memref<64x128xf32, #tpu.memory_space<vmem>>, %arg8: memref<64x128xf32, #tpu.memory_space<vmem>>) attributes {dimension_semantics = [#tpu.dimension_semantics<arbitrary>], iteration_bounds = array<i64: 50>, scalar_prefetch = 0 : i64, scratch_operands = 1 : i64, tpu.core_type = #tpu.core_type<tc>, window_params = [{transform_indices = @transform_0, window_bounds = array<i64: 200, 128>}, {transform_indices = @transform_1, window_bounds = array<i64: 200, 1>}, {pipeline_mode = #tpu.pipeline_mode<synchronous>, transform_indices = @transform_2, window_bounds = array<i64: 128, 128>}, {pipeline_mode = #tpu.pipeline_mode<synchronous>, transform_indices = @transform_3, window_bounds = array<i64: 1, 128>}, {pipeline_mode = #tpu.pipeline_mode<synchronous>, transform_indices = @transform_4, window_bounds = array<i64: 128, 128>}, {pipeline_mode = #tpu.pipeline_mode<synchronous>, transform_indices = @transform_5, window_bounds = array<i64: 1, 128>}, {pipeline_mode = #tpu.pipeline_mode<synchronous>, transform_indices = @transform_6, window_bounds = array<i64: 64, 128>}]} {
    %eq3A = arith.constant 0 : i32
    %eq3A_0 = arith.cmpi eq, %arg0, %eq3A : i32
    %convert_element_type3A = arith.extui %eq3A_0 : i1 to i32
    %cond3A = arith.constant 0xFF800000 : f32
    %cond3A_1 = arith.constant 0 : i32
    %cond3A_2 = arith.cmpi ne, %convert_element_type3A, %cond3A_1 : i32
    scf.if %cond3A_2 {
      %broadcast_in_dim3A_28 = vector.broadcast %cond3A : f32 to vector<64x128xf32>
      %swap3A_29 = arith.constant 0 : index
      %swap3A_30 = arith.constant 0 : index
      %swap3A_31 = vector.load %arg8[%swap3A_29, %swap3A_30] : memref<64x128xf32, #tpu.memory_space<vmem>>, vector<64x128xf32>
      tpu.vector_store %arg8[%swap3A_29, %swap3A_30], %broadcast_in_dim3A_28 {strides = array<i32>} : memref<64x128xf32, #tpu.memory_space<vmem>>, vector<64x128xf32>,
    } else {
    }
    %get3A = arith.constant 0 : index
    %get3A_3 = arith.constant 0 : index
    %get3A_4 = vector.load %arg1[%get3A, %get3A_3] : memref<200x128xf32, #tpu.memory_space<vmem>>, vector<200x128xf32>
    %get3A_5 = arith.constant 0 : index
    %get3A_6 = arith.constant 0 : index
    %get3A_7 = vector.load %arg2[%get3A_5, %get3A_6] : memref<200x1xi32, #tpu.memory_space<vmem>>, vector<200x1xi32>
    %iota3A = tpu.iota {dimensions = array<i32: 0>} : vector<64x1x1xi32>
    %broadcast_in_dim3A = vector.shape_cast %get3A_7 : vector<200x1xi32> to vector<1x200x1xi32>
    %eq3A_8 = vector.broadcast %broadcast_in_dim3A : vector<1x200x1xi32> to vector<64x200x1xi32>
    %eq3A_9 = vector.broadcast %iota3A : vector<64x1x1xi32> to vector<64x200x1xi32>
    %eq3A_10 = arith.cmpi eq, %eq3A_8, %eq3A_9 : vector<64x200x1xi32>
    %broadcast_in_dim3A_11 = vector.shape_cast %get3A_4 : vector<200x128xf32> to vector<1x200x128xf32>
    %jit3A = arith.constant 0xFF800000 : f32
    %broadcast_in_dim3A_12 = vector.shape_cast %eq3A_10 : vector<64x200x1xi1> to vector<64x200x1xi1>
    %broadcast_in_dim3A_13 = vector.broadcast %broadcast_in_dim3A_12 : vector<64x200x1xi1> to vector<64x200x128xi1>
    %broadcast_in_dim3A_14 = vector.shape_cast %broadcast_in_dim3A_11 : vector<1x200x128xf32> to vector<1x200x128xf32>
    %broadcast_in_dim3A_15 = vector.broadcast %broadcast_in_dim3A_14 : vector<1x200x128xf32> to vector<64x200x128xf32>
    %broadcast_in_dim3A_16 = vector.broadcast %jit3A : f32 to vector<64x200x128xf32>
    %select_n3A = arith.select %broadcast_in_dim3A_13, %broadcast_in_dim3A_15, %broadcast_in_dim3A_16 : vector<64x200x128xi1>, vector<64x200x128xf32>
    %get3A_17 = arith.constant 0 : index
    %get3A_18 = arith.constant 0 : index
    %get3A_19 = vector.load %arg8[%get3A_17, %get3A_18] : memref<64x128xf32, #tpu.memory_space<vmem>>, vector<64x128xf32>
    %reduce_max3A = arith.constant dense<0xFF800000> : vector<64x128xf32>
    %reduce_max3A_20 = vector.multi_reduction <maximumf>, %select_n3A, %reduce_max3A [1] : vector<64x200x128xf32> to vector<64x128xf32>
    %max3A = arith.maximumf %get3A_19, %reduce_max3A_20 : vector<64x128xf32>
    %swap3A = arith.constant 0 : index
    %swap3A_21 = arith.constant 0 : index
    %swap3A_22 = vector.load %arg8[%swap3A, %swap3A_21] : memref<64x128xf32, #tpu.memory_space<vmem>>, vector<64x128xf32>
    tpu.vector_store %arg8[%swap3A, %swap3A_21], %max3A {strides = array<i32>} : memref<64x128xf32, #tpu.memory_space<vmem>>, vector<64x128xf32>,
    %eq3A_23 = arith.constant 49 : i32
    %eq3A_24 = arith.cmpi eq, %arg0, %eq3A_23 : i32
    %convert_element_type3A_25 = arith.extui %eq3A_24 : i1 to i32
    %cond3A_26 = arith.constant 0 : i32
    %cond3A_27 = arith.cmpi ne, %convert_element_type3A_25, %cond3A_26 : i32
    scf.if %cond3A_27 {
      %get3A_28 = arith.constant 0 : index
      %get3A_29 = arith.constant 0 : index
      %get3A_30 = vector.load %arg8[%get3A_28, %get3A_29] : memref<64x128xf32, #tpu.memory_space<vmem>>, vector<64x128xf32>
      %get3A_31 = arith.constant 0 : index
      %get3A_32 = arith.constant 0 : index
      %get3A_33 = vector.load %arg3[%get3A_31, %get3A_32] : memref<128x128xf32, #tpu.memory_space<vmem>>, vector<128x128xf32>
      %dot_general3A = arith.constant dense<0.000000e+00> : vector<64x128xf32>
      %dot_general3A_34 = tpu.matmul %get3A_30, %get3A_33, %dot_general3A {dimension_numbers = #tpu.dot_dimension_numbers<[1], [0], [0], [1], [0, 0, 1, 1], [], []>, transpose_lhs_hint = false} : vector<64x128xf32>, vector<128x128xf32>, vector<64x128xf32> -> vector<64x128xf32>
      %get3A_35 = arith.constant 0 : index
      %get3A_36 = arith.constant 0 : index
      %get3A_37 = vector.load %arg4[%get3A_35, %get3A_36] : memref<1x128xf32, #tpu.memory_space<vmem>>, vector<1x128xf32>
      %add3A = vector.broadcast %get3A_37 : vector<1x128xf32> to vector<64x128xf32>
      %add3A_38 = arith.addf %dot_general3A_34, %add3A : vector<64x128xf32>
      %max3A_39 = arith.constant 0.000000e+00 : f32
      %max3A_40 = vector.broadcast %max3A_39 : f32 to vector<64x128xf32>
      %max3A_41 = arith.maximumf %add3A_38, %max3A_40 : vector<64x128xf32>
      %get3A_42 = arith.constant 0 : index
      %get3A_43 = arith.constant 0 : index
      %get3A_44 = vector.load %arg5[%get3A_42, %get3A_43] : memref<128x128xf32, #tpu.memory_space<vmem>>, vector<128x128xf32>
      %dot_general3A_45 = arith.constant dense<0.000000e+00> : vector<64x128xf32>
      %dot_general3A_46 = tpu.matmul %max3A_41, %get3A_44, %dot_general3A_45 {dimension_numbers = #tpu.dot_dimension_numbers<[1], [0], [0], [1], [0, 0, 1, 1], [], []>, transpose_lhs_hint = false} : vector<64x128xf32>, vector<128x128xf32>, vector<64x128xf32> -> vector<64x128xf32>
      %get3A_47 = arith.constant 0 : index
      %get3A_48 = arith.constant 0 : index
      %get3A_49 = vector.load %arg6[%get3A_47, %get3A_48] : memref<1x128xf32, #tpu.memory_space<vmem>>, vector<1x128xf32>
      %add3A_50 = vector.broadcast %get3A_49 : vector<1x128xf32> to vector<64x128xf32>
      %add3A_51 = arith.addf %dot_general3A_46, %add3A_50 : vector<64x128xf32>
      %swap3A_52 = arith.constant 0 : index
      %swap3A_53 = arith.constant 0 : index
      %swap3A_54 = vector.load %arg7[%swap3A_52, %swap3A_53] : memref<64x128xf32, #tpu.memory_space<vmem>>, vector<64x128xf32>
      tpu.vector_store %arg7[%swap3A_52, %swap3A_53], %add3A_51 {strides = array<i32>} : memref<64x128xf32, #tpu.memory_space<vmem>>, vector<64x128xf32>,
    } else {
    }
    return
  }
  func.func @transform_0(%arg0: i32) -> (i32, i32) {
    %c0_i32 = arith.constant 0 : i32
    %c0_i32_0 = arith.constant 0 : i32
    return %arg0, %c0_i32 : i32, i32
  }
  func.func @transform_1(%arg0: i32) -> (i32, i32) {
    %c0_i32 = arith.constant 0 : i32
    %c0_i32_0 = arith.constant 0 : i32
    return %arg0, %c0_i32 : i32, i32
  }
  func.func @transform_2(%arg0: i32) -> (i32, i32) {
    %c0_i32 = arith.constant 0 : i32
    %c0_i32_0 = arith.constant 0 : i32
    %c0_i32_1 = arith.constant 0 : i32
    return %c0_i32, %c0_i32_0 : i32, i32
  }
  func.func @transform_3(%arg0: i32) -> (i32, i32) {
    %c0_i32 = arith.constant 0 : i32
    %c0_i32_0 = arith.constant 0 : i32
    %c0_i32_1 = arith.constant 0 : i32
    return %c0_i32, %c0_i32_0 : i32, i32
  }
  func.func @transform_4(%arg0: i32) -> (i32, i32) {
    %c0_i32 = arith.constant 0 : i32
    %c0_i32_0 = arith.constant 0 : i32
    %c0_i32_1 = arith.constant 0 : i32
    return %c0_i32, %c0_i32_0 : i32, i32
  }
  func.func @transform_5(%arg0: i32) -> (i32, i32) {
    %c0_i32 = arith.constant 0 : i32
    %c0_i32_0 = arith.constant 0 : i32
    %c0_i32_1 = arith.constant 0 : i32
    return %c0_i32, %c0_i32_0 : i32, i32
  }
  func.func @transform_6(%arg0: i32) -> (i32, i32) {
    %c0_i32 = arith.constant 0 : i32
    %c0_i32_0 = arith.constant 0 : i32
    %c0_i32_1 = arith.constant 0 : i32
    return %c0_i32, %c0_i32_0 : i32, i32
  }
}

</mosaic_0001>

<sc_bundles>
// kernel: kernel.11.cloned.1.call-start
scs
__scs_entry_jumppad:
0x0: {  	(pc) =	sbr.rel $0x88, $3  }
0x1: {  	(tag) =	ssettag $0x0;
	lr =	simm.s32 $0x1  }
0x2: {  	[smem:$0x3F8E] =	sst lr;
	_ =	strace $0xD0000000  }
0x3: {  	_ = 	snop  }
0x4: {  	_ = 	snop  }
0x5: {  	_ = 	snop  }
0x6: {  	_ = 	snop  }
0x7: {  	_ = 	snop  }
__scs_overlays_trampoline_lowered:
0x8: {  	[smem:$0x3F9D] =	sst s0  }
0x9: {  	[smem:$0x3F9E] =	sst s1  }
0xa: {  	[smem:$0x3F9F] =	sst s2  }
0xb: {  	[smem:$0x3FA0] =	sst s3  }
0xc: {  	[smem:$0x3FA1] =	sst s4  }
0xd: {  	[smem:$0x3FA2] =	sst s5  }
0xe: {  	[smem:$0x3FA3] =	sst s6  }
0xf: {  	[smem:$0x3FA4] =	sst s7  }
0x10: {  	[smem:$0x3FA5] =	sst s8  }
0x11: {  	[smem:$0x3FA6] =	sst s9;
	s0 =	simm.s32 @!p0 $0x0  }
0x12: {  	s1 =	sld [smem:$0x3F8C];
	s0 =	simm.s32 @p0 $0x1  }
0x13: {  	[smem:$0x3FA7] =	sst s0;
	s0 =	simm.s32 @!p1 $0x0  }
0x14: {  	s2 =	sld [smem:$0x3F8B];
	s0 =	simm.s32 @p1 $0x1  }
0x15: {  	[smem:$0x3FA8] =	sst s0;
	s0 =	simm.s32 @!p2 $0x0  }
0x16: {  	s3 =	sld [smem:$0x3FDB];
	s0 =	simm.s32 @p2 $0x1  }
0x17: {  	s4 =	simm.s32 $0x1BF5;
	[smem:$0x3FAA] =	sst s0  }
0x18: {  	s0 =	sld [smem:$0x3F8D];
	_ =	swait.ge [sflag:s4], $0x0  }
0x19: {  	s7 =	sld [smem:$0x3F8E]  }
0x1a: {  	s8 =	sadd.s32 $0xFFFFE003, lr  }
0x1b: {  	s9 =	sadd.s32 $0xFFFFFEF7, lr;
	s5 =	simm.s32 $0xFFFFFFFF;
	p2 =	slt.u32 s8, $0xFFFFF086  }
0x1c: {  	p1 =	slt.u32 s9, $0xF7A;
	s5 =	simm.s32 @!p2 $0x0  }
0x1d: {  	s5 =	simm.s32 @p1 $0x1;
	p0 =	seq.s32 s7, s2  }
0x1e: {  	s7 =	smul.u32 @!p0 $0xF7A, s2;
	p2 =	seq.s32 @!p0 s5, $0x0  }
0x1f: {  	s9 =	smul.u32 $0xF7A, s1;
	s8 =	simm.s32 @!p0 $0x1BF5;
	p2 =	por !p2, p0  }
0x20: {  	[sflag:s8] =	ssyncset.s32 @!p0 $0xFFFFF086;
	s6 =	sadd.s32 @!p0 s3, s7;
	s7 =	simm.s32 @!p0 $0x108  }
0x21: {  	s3 =	sadd.s32 s3, s9;
	s6 =	sadd.s32 @!p0 $0x88, s6;
	s7 =	simm.s32 @p2 $0x1082  }
0x22: {  	[simem:s7], [sflag:s8] =	dma.local @!p0 [hbm:s6], $0xF7A  }
0x23: {  	s9 =	sor.u32 $0xD0000000, s2;
	s6 =	simm.s32 $0x108;
	_ =	swait.ge @!p0 [sflag:s8], $0x0  }
0x24: {  	s3 =	sadd.s32 $0x88, s3;
	s6 =	simm.s32 @!p1 $0x1082;
	[sflag:s4] =	ssyncset.s32 $0xFFFFF086  }
0x25: {  	[simem:s6], [sflag:s4] =	dma.local [hbm:s3], $0xF7A  }
0x26: {  	[smem:$0x3F8E] =	sst s1;
	(tag) =	ssettag s2;
	_ =	strace s9  }
0x27: {  	s1 =	sld [smem:$0x3F9E]  }
0x28: {  	s2 =	sld [smem:$0x3F9F]  }
0x29: {  	s4 =	sld [smem:$0x3FA1]  }
0x2a: {  	p0 =	seq.s32 s5, $0x0;
	s5 =	sld [smem:$0x3FA2]  }
0x2b: {  	s6 =	sld [smem:$0x3FA3]  }
0x2c: {  	s7 =	sld [smem:$0x3FA4]  }
0x2d: {  	s3 =	simm.s32 $0x108;
	s8 =	sld [smem:$0x3FA5]  }
0x2e: {  	s3 =	simm.s32 @!p0 $0x1082;
	s9 =	sld [smem:$0x3FA6]  }
0x2f: {  	lr =	sadd.s32 s0, s3;
	s0 =	sld [smem:$0x3F9D]  }
0x30: {  	s3 =	sld [smem:$0x3FA0]  }
0x31: {  	[smem:$0x3FA9] =	sst s10  }
0x32: {  	s10 =	sld [smem:$0x3FA7];
	_ =	sdelay $0x3  }
0x33: {  	p0 =	seq.s32 s10, $0x1;
	s10 =	sld [smem:$0x3FA9];
	_ =	sdelay $0x3  }
0x34: {  	[smem:$0x3FA9] =	sst s10  }
0x35: {  	s10 =	sld [smem:$0x3FA8];
	_ =	sdelay $0x3  }
0x36: {  	p1 =	seq.s32 s10, $0x1;
	s10 =	sld [smem:$0x3FA9];
	_ =	sdelay $0x3  }
0x37: {  	[smem:$0x3FA9] =	sst s10  }
0x38: {  	s10 =	sld [smem:$0x3FAA]  }
0x39: {  	_ = 	snop;
	(pc) =	sbr.ind lr, $3  }
0x3a: {  	_ = 	snop  }
0x3b: {  	_ = 	snop  }
0x3c: {  	p2 =	seq.s32 s10, $0x1;
	s10 =	sld [smem:$0x3FA9]  }
0x3d: {  	_ =	shalt  }
0x3e: {  	_ =	shalt  }
0x3f: {  	_ =	shalt  }
0x40: {  	_ =	shalt  }
0x41: {  	_ =	shalt  }
0x42: {  	_ =	shalt  }
0x43: {  	_ =	shalt  }
0x44: {  	_ =	shalt  }
0x45: {  	_ =	shalt  }
0x46: {  	_ =	shalt  }
0x47: {  	_ =	shalt  }
0x48: {  	_ =	shalt  }
0x49: {  	_ =	shalt  }
0x4a: {  	_ =	shalt  }
0x4b: {  	_ =	shalt  }
0x4c: {  	_ =	shalt  }
0x4d: {  	_ =	shalt  }
0x4e: {  	_ =	shalt  }
0x4f: {  	_ =	shalt  }
0x50: {  	_ =	shalt  }
0x51: {  	_ =	shalt  }
0x52: {  	_ =	shalt  }
0x53: {  	_ =	shalt  }
0x54: {  	_ =	shalt  }
0x55: {  	_ =	shalt  }
0x56: {  	_ =	shalt  }
0x57: {  	_ =	shalt  }
0x58: {  	_ =	shalt  }
0x59: {  	_ =	shalt  }
0x5a: {  	_ =	shalt  }
0x5b: {  	_ =	shalt  }
0x5c: {  	_ =	shalt  }
0x5d: {  	_ =	shalt  }
0x5e: {  	_ =	shalt  }
0x5f: {  	_ =	shalt  }
0x60: {  	_ =	shalt  }
0x61: {  	_ =	shalt  }
0x62: {  	_ =	shalt  }
0x63: {  	_ =	shalt  }
0x64: {  	_ =	shalt  }
0x65: {  	_ =	shalt  }
0x66: {  	_ =	shalt  }
0x67: {  	_ =	shalt  }
0x68: {  	_ =	shalt  }
0x69: {  	_ =	shalt  }
0x6a: {  	_ =	shalt  }
0x6b: {  	_ =	shalt  }
0x6c: {  	_ =	shalt  }
0x6d: {  	_ =	shalt  }
0x6e: {  	_ =	shalt  }
0x6f: {  	_ =	shalt  }
0x70: {  	_ =	shalt  }
0x71: {  	_ =	shalt  }
0x72: {  	_ =	shalt  }
0x73: {  	_ =	shalt  }
0x74: {  	_ =	shalt  }
0x75: {  	_ =	shalt  }
0x76: {  	_ =	shalt  }
0x77: {  	_ =	shalt  }
0x78: {  	_ =	shalt  }
0x79: {  	_ =	shalt  }
0x7a: {  	_ =	shalt  }
0x7b: {  	_ =	shalt  }
0x7c: {  	_ =	shalt  }
0x7d: {  	_ =	shalt  }
0x7e: {  	_ =	shalt  }
0x7f: {  	_ =	shalt  }
0x80: {  	_ =	shalt  }
0x81: {  	_ =	shalt  }
0x82: {  	_ =	shalt  }
0x83: {  	_ =	shalt  }
0x84: {  	_ =	shalt  }
0x85: {  	_ =	shalt  }
0x86: {  	_ =	shalt  }
0x87: {  	_ =	shalt  }
.Lfunc_end0:
.L_simem_size_0:
called_computation_lowered:
.L_overlay_start_0:
0x88: {  	s2 =	sld [smem:$0x3FD9]  }
0x89: {  	s3 =	sld [smem:$0x3FFE];
	_ =	sdelay $0x1  }
0x8a: {  	s1 =	srdreg.scid  }
0x8b: {  	s0 =	sand.u32 $0x1, s1  }
0x8c: {  	s16 =	sshll.u32 s0, $0xA;
	s2 =	sadd.s32 s3, s2  }
0x8d: {  	s2 =	sadd.s32 s2, s16  }
0x8e: {  	[smem:$0x3FB5] =	sst s2  }
0x8f: {  	_ = 	snop  }
0x90: {  	(tm) =	ssettm $0x1  }
0x91: {  	s17 =	sld [smem:$0x3FFB];
	_ =	sdelay $0x3  }
0x92: {  	_ =	strace s17  }
0x93: {  	s2 =	sld [smem:$0x3FFC];
	_ =	sdelay $0x3  }
0x94: {  	_ =	strace s2  }
0x95: {  	s2 =	sld [smem:$0x3FFD];
	_ =	sdelay $0x3  }
0x96: {  	_ =	strace s2  }
0x97: {  	_ =	strace $0x8FFFFFFF  }
0x98: {  	s18 =	sld [smem:$0x3FDB];
	_ =	sdelay $0x1  }
0x99: {  	s19 =	simm.s32 $_scs_section_size  }
0x9a: {  	s4 =	simm.s32 $_size__tile_overlayer_lowered;
	s5 =	simm.s32 $_tile_overlayer_lowered  }
0x9b: {  	s22 =	simm.s32 $0x1BFF;
	s21 =	sshll.u32 s5, $0x1;
	s2 =	sadd.s32 s19, s18  }
0x9c: {  	s6 =	simm.s32 $0x0;
	s20 =	sshll.u32 s4, $0x1;
	s4 =	sadd.s32 s21, s2  }
0x9d: {  	[timem:s6], [sflag:s22] =	dma.local [hbm:s4], s20  }
0x9e: {  	_ =	swait.ge [sflag:s22], s20  }
0x9f: {  	s3 =	ssub.s32 $0x0, s20;
	[sflag:s22] =	ssyncset.done $0x0  }
0xa0: {  	[sflag:s22] =	ssyncadd.s32 s3;
	_ =	sdelay $0x1  }
0xa1: {  	s23 =	simm.s32 $0x1B8B  }
0xa2: {  	_ =	swait.ge [sflag:s23], $0x1  }
0xa3: {  	[sflag:s23] =	ssyncset.done $0x0  }
0xa4: {  	s25 =	simm.s32 $0x1B8E;
	s24 =	sld [smem:$0x3FFE];
	[sflag:s23] =	ssyncadd.s32 $0xFFFFFFFF  }
0xa5: {  	s26 =	simm.s32 $execute0_lowered;
	[smem:$0x3FD2] =	sst s25  }
0xa6: {  	s4 =	sshll.u32 s26, $0x1;
	_ =	strace $0x80000046;
	[dreg:$0x1] =	wrdreg $0xFFFFFFFF  }
0xa7: {  	s28 =	simm.s32 $_size_execute0_lowered;
	s2 =	sadd.s32 s2, s4;
	[dreg:$0x0] =	wrdreg $0x0  }
0xa8: {  	s4 =	sshll.u32 s28, $0x1;
	[dreg:$0x2] =	wrdreg s2  }
0xa9: {  	[dreg:$0x3] =	wrdreg s4  }
0xaa: {  	[dreg:$0x4] =	wrdreg $0xC0  }
0xab: {  	_ =	task [dreg:s6], $0x5FFFF  }
0xac: {  	[dreg:$0x1] =	wrdreg $0xFFFFFFFF  }
0xad: {  	[dreg:$0x0] =	wrdreg $0x60  }
0xae: {  	[dreg:$0x2] =	wrdreg s24  }
0xaf: {  	[dreg:$0x3] =	wrdreg $0x57000  }
0xb0: {  	[dreg:$0x4] =	wrdreg $0x9  }
0xb1: {  	_ =	task.clear_ibuf [dreg:s6], $0x5FFFF;
	_ =	strace $0x90000046  }
0xb2: {  	s29 =	simm.s32 $0x9;
	_ =	strace $0x80000048  }
0xb3: {  	_ =	swait.ge [sflag:s29], $0x1  }
0xb4: {  	[sflag:s29] =	ssyncadd.s32 $0xFFFFFFFF  }
0xb5: {  	_ =	strace $0x90000048  }
0xb6: {  	_ =	sfence  }
0xb7: {  	s30 =	sld [smem:$0x0];
	_ =	sdelay $0x2  }
0xb8: {  	s31 =	sshll.u32 s1, $0xD;
	s1 =	sshrl.u32 s1, $0x2  }
0xb9: {  	s3 =	sand.u32 $0x4000, s31;
	s1 =	sadd.s32 s1, s30  }
0xba: {  	s0 =	sor.u32 s3, s0;
	s1 =	sshll.u32 s1, $0x11  }
0xbb: {  	s0 =	sor.u32 s1, s0  }
0xbc: {  	s0 =	sadd.s32 $0x8F2B, s0  }
0xbd: {  	[sflag:s0] =	ssyncadd.remote.s32 $0x1  }
0xbe: {  	_ =	sfence.sel $0xFFFF  }
0xbf: {  	[dreg:$0x0] =	wrdreg $0xFFFFFFFF;
	(pc) =	sbr.abs _section_cstart, $3  }
0xc0: {  	[dreg:$0x1] =	wrdreg $0xFFFFFFFF  }
0xc1: {  	_ =	task.clear_ibuf [dreg:s6], $0x2FFFF;
	_ =	strace $0x9FFFFFFF  }
0xc2: {  	(tm) =	ssettm $0x7FFFFFFF  }
0xc3: {  	_ =	shalt  }
tec
execute0_lowered:
.L_overlay_start_1:
0x0: {  	(tag) =	ssettag $0x1  }
0x1: {  	s7 =	rddreg [dreg:$0x0]  }
0x2: {  	s2 =	rddreg [dreg:$0x1]  }
0x3: {  	s0 =	rddreg [dreg:$0x2];
	s3 =	simm.s32 $0x0;
	s1 =	stileid.u32  }
0x4: {  	s5 =	srdreg.scid;
	s13 =	simm.s32 $0x4F00;
	s16 =	simm.s32 $0x80  }
0x5: {  	[smem:$0x7FF] =	sst s3;
	s4 =	smul.u32 $0x9E0, s1;
	s8 =	sand.u32 $0x1, s5  }
0x6: {  	s5 =	sadd.s32 $0x2DC00, s7;
	s12 =	smul.u32 $0x2800, s1;
	s6 =	sadd.s32 $0x2E400, s7  }
0x7: {  	s14 =	sshll.u32 s1, $0x6;
	_ =	strace $0x80000047;
	s9 =	ssub.s32 $0x2, s8  }
.Ltmp0:
0x8: {  	p0 =	seq.s32 s8, $0x1;
	s14 =	sor.u32 $0x1C01, s14;
	(pc) =	sbr.rel .LBB2_1-.Ltmp0, $4  }
0x9: {  	s10 =	sadd.s32 s4, s7;
	s4 =	sadd.s32 $0x2E200, s7;
	s11 =	sshrl.u32 s9, $0x1  }
0xa: {  	s7 =	sadd.s32 $0x33400, s7;
	s15 =	sadd.s32 s12, s2;
	s11 =	ssub.s32 s9, s11  }
0xb: {  	s8 =	sadd.s32 $0x10200, s10;
	s9 =	sshrl.u32 s12, $0x3;
	s10 =	sadd.s32 $0x1A000, s10  }
0xc: {  	s12 =	simm.s32 $0x1;
	s15 =	sshrl.u32 s15, $0x3;
	s11 =	smax.u32 s11, $0x1  }
.LBB2_7:
0xd: {  	[sflag:s12] =	ssyncadd.s32 $0xFFFFF800;
	s17 =	smov.u32 s7  }
.LBB2_8:
0xe: {  	s3 =	sadd.s32 $0x1, s3  }
0xf: {  	p1 =	sne.s32 s3, s11  }
.Ltmp1:
0x10: {  	s17 =	sadd.s32 s17, s9;
	[bflag:$0x0] =	sbarrier.arrive $0xFFFF;
	(pc) =	sbr.rel @!p1 .LBB2_9-.Ltmp1, $4  }
0x11: {  	[hbm:s17], [sflag:s14] =	dma.local [spmem:s15], $0x500  }
0x12: {  	_ =	swait.ge [sflag:s12], $0x500  }
0x13: {  	[sflag:s12] =	ssyncset.done $0x0  }
0x14: {  	[sflag:s12] =	ssyncadd.s32 $0xFFFFFB00  }
.LBB2_1:
.Ltmp2:
0x15: {  	(pc) =	sbr.rel @!p0 .LBB2_2-.Ltmp2, $2  }
0x16: {  	_ =	sdelay $0x2  }
0x17: {  	s17 =	simm.s32 $0x0  }
0x18: {  	[tilespmem:s17], [sflag:$0x1] =	stream.linear.gather [hbm4b:s10+s17], $0x4F00, $0x38;
	[tilespmem:$0x7F00] =	vst v63  }
0x19: {  	_ =	swait.ge [sflag:s12], $0x4F00  }
0x1a: {  	[sflag:s12] =	ssyncset.done $0x0  }
0x1b: {  	[sflag:s12] =	ssyncadd.s32 $0xFFFFB100  }
0x1c: {  	[tilespmem:s13], [sflag:$0x1] =	stream.linear.gather [hbm4b:s4+s17], $0x800, $0x38;
	[tilespmem:$0x7F00] =	vst v63  }
0x1d: {  	_ =	swait.ge [sflag:s12], $0x800  }
0x1e: {  	[sflag:s12] =	ssyncset.done $0x0  }
0x1f: {  	[sflag:s12] =	ssyncadd.s32 $0xFFFFF800  }
0x20: {  	[spmem:s15], [sflag:s14] =	dma.local [hbm:s5], $0x500  }
0x21: {  	_ =	swait.ge [sflag:s12], $0x500  }
0x22: {  	[sflag:s12] =	ssyncset.done $0x0  }
0x23: {  	[sflag:s12] =	ssyncadd.s32 $0xFFFFFB00  }
0x24: {  	s31 =	simm.s32 $0x0;
	[bflag:$0x0] =	sbarrier.arrive $0xFFFF  }
0x25: {  	[spmem:s2] =	stream.indirect.scatter.add.f32 [tilespmem:s13], [sflag:$0x1], $0x10, s31, s16, $0xb8;
	[tilespmem:$0x7F00] =	vst v63  }
0x26: {  	_ =	swait.ge [sflag:s12], $0x800  }
0x27: {  	s17 =	simm.s32 $0x200;
	[sflag:s12] =	ssyncset.done $0x0  }
.LBB2_6:
0x28: {  	s18 =	sshra.s32 s17, $0x2;
	[sflag:s12] =	ssyncadd.s32 $0xFFFFF800;
	p1 =	sne.s32 s17, $0x13A00  }
0x29: {  	[spmem:s2] =	stream.indirect.scatter.add.f32 [tilespmem:s13], [sflag:$0x1], $0x10, s18, s16, $0xb8;
	[tilespmem:$0x7F00] =	vst v63  }
.Ltmp3:
0x2a: {  	_ = 	snop;
	(pc) =	sbr.rel @p1 .LBB2_6-.Ltmp3, $4  }
0x2b: {  	_ = 	snop  }
0x2c: {  	s17 =	sadd.s32 $0x200, s17  }
0x2d: {  	_ =	swait.ge [sflag:s12], $0x800  }
0x2e: {  	[sflag:s12] =	ssyncset.done $0x0  }
.Ltmp4:
0x2f: {  	_ = 	snop;
	(pc) =	sbr.rel .LBB2_7-.Ltmp4, $1  }
0x30: {  	_ =	sdelay $0x3  }
.LBB2_2:
0x31: {  	[tilespmem:s17], [sflag:$0x1] =	stream.linear.gather [hbm4b:s8+s17], $0x4F00, $0x38;
	[tilespmem:$0x7F00] =	vst v63  }
0x32: {  	_ =	swait.ge [sflag:s12], $0x4F00  }
0x33: {  	[sflag:s12] =	ssyncset.done $0x0  }
0x34: {  	[sflag:s12] =	ssyncadd.s32 $0xFFFFB100  }
0x35: {  	[tilespmem:s13], [sflag:$0x1] =	stream.linear.gather [hbm4b:s4+s17], $0x800, $0x38;
	[tilespmem:$0x7F00] =	vst v63  }
0x36: {  	_ =	swait.ge [sflag:s12], $0x800  }
0x37: {  	[sflag:s12] =	ssyncset.done $0x0  }
0x38: {  	[sflag:s12] =	ssyncadd.s32 $0xFFFFF800  }
0x39: {  	[spmem:s15], [sflag:s14] =	dma.local [hbm:s5], $0x500  }
0x3a: {  	_ =	swait.ge [sflag:s12], $0x500  }
0x3b: {  	[sflag:s12] =	ssyncset.done $0x0  }
0x3c: {  	[sflag:s12] =	ssyncadd.s32 $0xFFFFFB00  }
0x3d: {  	s31 =	simm.s32 $0x0;
	[bflag:$0x0] =	sbarrier.arrive $0xFFFF  }
0x3e: {  	[spmem:s2] =	stream.indirect.scatter.add.f32 [tilespmem:s13], [sflag:$0x1], $0x10, s31, s16, $0xb8;
	[tilespmem:$0x7F00] =	vst v63  }
0x3f: {  	_ =	swait.ge [sflag:s12], $0x800  }
0x40: {  	s17 =	simm.s32 $0x200;
	[sflag:s12] =	ssyncset.done $0x0  }
.LBB2_3:
0x41: {  	s18 =	sshra.s32 s17, $0x2;
	[sflag:s12] =	ssyncadd.s32 $0xFFFFF800;
	p1 =	seq.s32 s17, $0x13A00  }
0x42: {  	[spmem:s2] =	stream.indirect.scatter.add.f32 [tilespmem:s13], [sflag:$0x1], $0x10, s18, s16, $0xb8;
	[tilespmem:$0x7F00] =	vst v63  }
.Ltmp5:
0x43: {  	_ = 	snop;
	(pc) =	sbr.rel @!p1 .LBB2_3-.Ltmp5, $4  }
0x44: {  	_ = 	snop  }
0x45: {  	s17 =	sadd.s32 $0x200, s17  }
0x46: {  	_ =	swait.ge [sflag:s12], $0x800  }
0x47: {  	[sflag:s12] =	ssyncset.done $0x0  }
.Ltmp6:
0x48: {  	(pc) =	sbr.rel .LBB2_8-.Ltmp6, $2  }
0x49: {  	_ =	sdelay $0x2  }
0x4a: {  	[sflag:s12] =	ssyncadd.s32 $0xFFFFF800;
	s17 =	smov.u32 s6  }
.LBB2_9:
0x4b: {  	_ =	sfence.sel $0x180000  }
0x4c: {  	[bflag:$0x0] =	sbarrier.arrive $0xFFFF  }
0x4d: {  	p0 =	sne.s32 s1, $0x0;
	_ =	strace $0x90000047  }
0x4e: {  	s0 =	sadd.s32 @!p0 $0x100000, s0;
	[bflag:$0x2] =	sbarrier.arrive $0xFFFF  }
0x4f: {  	[sflag:s0] =	ssyncadd.tile.s32 @!p0 $0x1;
	_ =	shalt  }
.Lfunc_end2:
_tile_overlayer_lowered:
.L_overlay_start_2:
0x50: {  	(tag) =	ssettag $0x2  }
0x51: {  	s0 =	rddreg [dreg:$0x0];
	s2 =	stileid.u32  }
0x52: {  	s1 =	rddreg [dreg:$0x1];
	p0 =	sne.s32 s2, $0x0  }
0x53: {  	s3 =	rddreg [dreg:$0x2];
	[bflag:$0x3] =	sbarrier.arrive $0xFFFF;
	s2 =	simm.s32 @!p0 $0x1C01  }
0x54: {  	[timem:s3], [sflag:s2] =	dma.local @!p0 [hbm:s0], s1  }
0x55: {  	s0 =	simm.s32 @!p0 $0x1  }
0x56: {  	_ =	swait.ge @!p0 [sflag:s0], s1  }
0x57: {  	s1 =	ssub.s32 @!p0 $0x0, s1;
	[sflag:s0] =	ssyncset.done @!p0 $0x0  }
0x58: {  	[sflag:s0] =	ssyncadd.s32 @!p0 s1  }
0x59: {  	[bflag:$0x3] =	sbarrier.arrive $0xFFFF  }
0x5a: {  	_ =	shalt  }

// kernel: kernel.14.cloned.1.call-start
scs
__scs_entry_jumppad:
0x0: {  	(pc) =	sbr.rel $0x88, $3  }
0x1: {  	(tag) =	ssettag $0x0;
	lr =	simm.s32 $0x1  }
0x2: {  	[smem:$0x3F8E] =	sst lr;
	_ =	strace $0xD0000000  }
0x3: {  	_ = 	snop  }
0x4: {  	_ = 	snop  }
0x5: {  	_ = 	snop  }
0x6: {  	_ = 	snop  }
0x7: {  	_ = 	snop  }
__scs_overlays_trampoline_lowered:
0x8: {  	[smem:$0x3F9D] =	sst s0  }
0x9: {  	[smem:$0x3F9E] =	sst s1  }
0xa: {  	[smem:$0x3F9F] =	sst s2  }
0xb: {  	[smem:$0x3FA0] =	sst s3  }
0xc: {  	[smem:$0x3FA1] =	sst s4  }
0xd: {  	[smem:$0x3FA2] =	sst s5  }
0xe: {  	[smem:$0x3FA3] =	sst s6  }
0xf: {  	[smem:$0x3FA4] =	sst s7  }
0x10: {  	[smem:$0x3FA5] =	sst s8  }
0x11: {  	[smem:$0x3FA6] =	sst s9;
	s0 =	simm.s32 @!p0 $0x0  }
0x12: {  	s1 =	sld [smem:$0x3F8C];
	s0 =	simm.s32 @p0 $0x1  }
0x13: {  	[smem:$0x3FA7] =	sst s0;
	s0 =	simm.s32 @!p1 $0x0  }
0x14: {  	s2 =	sld [smem:$0x3F8B];
	s0 =	simm.s32 @p1 $0x1  }
0x15: {  	[smem:$0x3FA8] =	sst s0;
	s0 =	simm.s32 @!p2 $0x0  }
0x16: {  	s3 =	sld [smem:$0x3FDB];
	s0 =	simm.s32 @p2 $0x1  }
0x17: {  	s4 =	simm.s32 $0x1BF5;
	[smem:$0x3FAA] =	sst s0  }
0x18: {  	s0 =	sld [smem:$0x3F8D];
	_ =	swait.ge [sflag:s4], $0x0  }
0x19: {  	s7 =	sld [smem:$0x3F8E]  }
0x1a: {  	s8 =	sadd.s32 $0xFFFFE003, lr  }
0x1b: {  	s9 =	sadd.s32 $0xFFFFFEF7, lr;
	s5 =	simm.s32 $0xFFFFFFFF;
	p2 =	slt.u32 s8, $0xFFFFF086  }
0x1c: {  	p1 =	slt.u32 s9, $0xF7A;
	s5 =	simm.s32 @!p2 $0x0  }
0x1d: {  	s5 =	simm.s32 @p1 $0x1;
	p0 =	seq.s32 s7, s2  }
0x1e: {  	s7 =	smul.u32 @!p0 $0xF7A, s2;
	p2 =	seq.s32 @!p0 s5, $0x0  }
0x1f: {  	s9 =	smul.u32 $0xF7A, s1;
	s8 =	simm.s32 @!p0 $0x1BF5;
	p2 =	por !p2, p0  }
0x20: {  	[sflag:s8] =	ssyncset.s32 @!p0 $0xFFFFF086;
	s6 =	sadd.s32 @!p0 s3, s7;
	s7 =	simm.s32 @!p0 $0x108  }
0x21: {  	s3 =	sadd.s32 s3, s9;
	s6 =	sadd.s32 @!p0 $0x88, s6;
	s7 =	simm.s32 @p2 $0x1082  }
0x22: {  	[simem:s7], [sflag:s8] =	dma.local @!p0 [hbm:s6], $0xF7A  }
0x23: {  	s9 =	sor.u32 $0xD0000000, s2;
	s6 =	simm.s32 $0x108;
	_ =	swait.ge @!p0 [sflag:s8], $0x0  }
0x24: {  	s3 =	sadd.s32 $0x88, s3;
	s6 =	simm.s32 @!p1 $0x1082;
	[sflag:s4] =	ssyncset.s32 $0xFFFFF086  }
0x25: {  	[simem:s6], [sflag:s4] =	dma.local [hbm:s3], $0xF7A  }
0x26: {  	[smem:$0x3F8E] =	sst s1;
	(tag) =	ssettag s2;
	_ =	strace s9  }
0x27: {  	s1 =	sld [smem:$0x3F9E]  }
0x28: {  	s2 =	sld [smem:$0x3F9F]  }
0x29: {  	s4 =	sld [smem:$0x3FA1]  }
0x2a: {  	p0 =	seq.s32 s5, $0x0;
	s5 =	sld [smem:$0x3FA2]  }
0x2b: {  	s6 =	sld [smem:$0x3FA3]  }
0x2c: {  	s7 =	sld [smem:$0x3FA4]  }
0x2d: {  	s3 =	simm.s32 $0x108;
	s8 =	sld [smem:$0x3FA5]  }
0x2e: {  	s3 =	simm.s32 @!p0 $0x1082;
	s9 =	sld [smem:$0x3FA6]  }
0x2f: {  	lr =	sadd.s32 s0, s3;
	s0 =	sld [smem:$0x3F9D]  }
0x30: {  	s3 =	sld [smem:$0x3FA0]  }
0x31: {  	[smem:$0x3FA9] =	sst s10  }
0x32: {  	s10 =	sld [smem:$0x3FA7];
	_ =	sdelay $0x3  }
0x33: {  	p0 =	seq.s32 s10, $0x1;
	s10 =	sld [smem:$0x3FA9];
	_ =	sdelay $0x3  }
0x34: {  	[smem:$0x3FA9] =	sst s10  }
0x35: {  	s10 =	sld [smem:$0x3FA8];
	_ =	sdelay $0x3  }
0x36: {  	p1 =	seq.s32 s10, $0x1;
	s10 =	sld [smem:$0x3FA9];
	_ =	sdelay $0x3  }
0x37: {  	[smem:$0x3FA9] =	sst s10  }
0x38: {  	s10 =	sld [smem:$0x3FAA]  }
0x39: {  	_ = 	snop;
	(pc) =	sbr.ind lr, $3  }
0x3a: {  	_ = 	snop  }
0x3b: {  	_ = 	snop  }
0x3c: {  	p2 =	seq.s32 s10, $0x1;
	s10 =	sld [smem:$0x3FA9]  }
0x3d: {  	_ =	shalt  }
0x3e: {  	_ =	shalt  }
0x3f: {  	_ =	shalt  }
0x40: {  	_ =	shalt  }
0x41: {  	_ =	shalt  }
0x42: {  	_ =	shalt  }
0x43: {  	_ =	shalt  }
0x44: {  	_ =	shalt  }
0x45: {  	_ =	shalt  }
0x46: {  	_ =	shalt  }
0x47: {  	_ =	shalt  }
0x48: {  	_ =	shalt  }
0x49: {  	_ =	shalt  }
0x4a: {  	_ =	shalt  }
0x4b: {  	_ =	shalt  }
0x4c: {  	_ =	shalt  }
0x4d: {  	_ =	shalt  }
0x4e: {  	_ =	shalt  }
0x4f: {  	_ =	shalt  }
0x50: {  	_ =	shalt  }
0x51: {  	_ =	shalt  }
0x52: {  	_ =	shalt  }
0x53: {  	_ =	shalt  }
0x54: {  	_ =	shalt  }
0x55: {  	_ =	shalt  }
0x56: {  	_ =	shalt  }
0x57: {  	_ =	shalt  }
0x58: {  	_ =	shalt  }
0x59: {  	_ =	shalt  }
0x5a: {  	_ =	shalt  }
0x5b: {  	_ =	shalt  }
0x5c: {  	_ =	shalt  }
0x5d: {  	_ =	shalt  }
0x5e: {  	_ =	shalt  }
0x5f: {  	_ =	shalt  }
0x60: {  	_ =	shalt  }
0x61: {  	_ =	shalt  }
0x62: {  	_ =	shalt  }
0x63: {  	_ =	shalt  }
0x64: {  	_ =	shalt  }
0x65: {  	_ =	shalt  }
0x66: {  	_ =	shalt  }
0x67: {  	_ =	shalt  }
0x68: {  	_ =	shalt  }
0x69: {  	_ =	shalt  }
0x6a: {  	_ =	shalt  }
0x6b: {  	_ =	shalt  }
0x6c: {  	_ =	shalt  }
0x6d: {  	_ =	shalt  }
0x6e: {  	_ =	shalt  }
0x6f: {  	_ =	shalt  }
0x70: {  	_ =	shalt  }
0x71: {  	_ =	shalt  }
0x72: {  	_ =	shalt  }
0x73: {  	_ =	shalt  }
0x74: {  	_ =	shalt  }
0x75: {  	_ =	shalt  }
0x76: {  	_ =	shalt  }
0x77: {  	_ =	shalt  }
0x78: {  	_ =	shalt  }
0x79: {  	_ =	shalt  }
0x7a: {  	_ =	shalt  }
0x7b: {  	_ =	shalt  }
0x7c: {  	_ =	shalt  }
0x7d: {  	_ =	shalt  }
0x7e: {  	_ =	shalt  }
0x7f: {  	_ =	shalt  }
0x80: {  	_ =	shalt  }
0x81: {  	_ =	shalt  }
0x82: {  	_ =	shalt  }
0x83: {  	_ =	shalt  }
0x84: {  	_ =	shalt  }
0x85: {  	_ =	shalt  }
0x86: {  	_ =	shalt  }
0x87: {  	_ =	shalt  }
.Lfunc_end0:
.L_simem_size_0:
called_computation.1_lowered:
.L_overlay_start_0:
0x88: {  	s2 =	sld [smem:$0x3FD9]  }
0x89: {  	s3 =	sld [smem:$0x3FFE];
	_ =	sdelay $0x1  }
0x8a: {  	s1 =	srdreg.scid  }
0x8b: {  	s0 =	sand.u32 $0x1, s1  }
0x8c: {  	s16 =	sshll.u32 s0, $0xA;
	s2 =	sadd.s32 s3, s2  }
0x8d: {  	s2 =	sadd.s32 s2, s16  }
0x8e: {  	[smem:$0x3FB5] =	sst s2  }
0x8f: {  	_ = 	snop  }
0x90: {  	(tm) =	ssettm $0x1  }
0x91: {  	s17 =	sld [smem:$0x3FFB];
	_ =	sdelay $0x3  }
0x92: {  	_ =	strace s17  }
0x93: {  	s2 =	sld [smem:$0x3FFC];
	_ =	sdelay $0x3  }
0x94: {  	_ =	strace s2  }
0x95: {  	s2 =	sld [smem:$0x3FFD];
	_ =	sdelay $0x3  }
0x96: {  	_ =	strace s2  }
0x97: {  	_ =	strace $0x8FFFFFFF  }
0x98: {  	s18 =	sld [smem:$0x3FDB];
	_ =	sdelay $0x1  }
0x99: {  	s19 =	simm.s32 $_scs_section_size  }
0x9a: {  	s4 =	simm.s32 $_size__tile_overlayer_lowered;
	s5 =	simm.s32 $_tile_overlayer_lowered  }
0x9b: {  	s22 =	simm.s32 $0x1BFF;
	s21 =	sshll.u32 s5, $0x1;
	s2 =	sadd.s32 s19, s18  }
0x9c: {  	s6 =	simm.s32 $0x0;
	s20 =	sshll.u32 s4, $0x1;
	s4 =	sadd.s32 s21, s2  }
0x9d: {  	[timem:s6], [sflag:s22] =	dma.local [hbm:s4], s20  }
0x9e: {  	_ =	swait.ge [sflag:s22], s20  }
0x9f: {  	s3 =	ssub.s32 $0x0, s20;
	[sflag:s22] =	ssyncset.done $0x0  }
0xa0: {  	[sflag:s22] =	ssyncadd.s32 s3;
	_ =	sdelay $0x1  }
0xa1: {  	s23 =	simm.s32 $0x1B8B  }
0xa2: {  	_ =	swait.ge [sflag:s23], $0x1  }
0xa3: {  	[sflag:s23] =	ssyncset.done $0x0  }
0xa4: {  	s25 =	simm.s32 $0x1B8E;
	s24 =	sld [smem:$0x3FFE];
	[sflag:s23] =	ssyncadd.s32 $0xFFFFFFFF  }
0xa5: {  	s26 =	simm.s32 $execute0_lowered;
	[smem:$0x3FD2] =	sst s25  }
0xa6: {  	s4 =	sshll.u32 s26, $0x1;
	_ =	strace $0x80000049;
	[dreg:$0x1] =	wrdreg $0xFFFFFFFF  }
0xa7: {  	s28 =	simm.s32 $_size_execute0_lowered;
	s2 =	sadd.s32 s2, s4;
	[dreg:$0x0] =	wrdreg $0x0  }
0xa8: {  	s4 =	sshll.u32 s28, $0x1;
	[dreg:$0x2] =	wrdreg s2  }
0xa9: {  	[dreg:$0x3] =	wrdreg s4  }
0xaa: {  	[dreg:$0x4] =	wrdreg $0xC0  }
0xab: {  	_ =	task [dreg:s6], $0x5FFFF  }
0xac: {  	[dreg:$0x1] =	wrdreg $0xFFFFFFFF  }
0xad: {  	[dreg:$0x0] =	wrdreg $0x60  }
0xae: {  	[dreg:$0x2] =	wrdreg s24  }
0xaf: {  	[dreg:$0x3] =	wrdreg $0xDE000  }
0xb0: {  	[dreg:$0x4] =	wrdreg $0x9  }
0xb1: {  	_ =	task.clear_ibuf [dreg:s6], $0x5FFFF;
	_ =	strace $0x90000049  }
0xb2: {  	s29 =	simm.s32 $0x9;
	_ =	strace $0x8000004B  }
0xb3: {  	_ =	swait.ge [sflag:s29], $0x1  }
0xb4: {  	[sflag:s29] =	ssyncadd.s32 $0xFFFFFFFF  }
0xb5: {  	_ =	strace $0x9000004B  }
0xb6: {  	_ =	sfence  }
0xb7: {  	s30 =	sld [smem:$0x0];
	_ =	sdelay $0x2  }
0xb8: {  	s31 =	sshll.u32 s1, $0xD;
	s1 =	sshrl.u32 s1, $0x2  }
0xb9: {  	s3 =	sand.u32 $0x4000, s31;
	s1 =	sadd.s32 s1, s30  }
0xba: {  	s0 =	sor.u32 s3, s0;
	s1 =	sshll.u32 s1, $0x11  }
0xbb: {  	s0 =	sor.u32 s1, s0  }
0xbc: {  	s0 =	sadd.s32 $0x8F2B, s0  }
0xbd: {  	[sflag:s0] =	ssyncadd.remote.s32 $0x1  }
0xbe: {  	_ =	sfence.sel $0xFFFF  }
0xbf: {  	[dreg:$0x0] =	wrdreg $0xFFFFFFFF;
	(pc) =	sbr.abs _section_cstart, $3  }
0xc0: {  	[dreg:$0x1] =	wrdreg $0xFFFFFFFF  }
0xc1: {  	_ =	task.clear_ibuf [dreg:s6], $0x2FFFF;
	_ =	strace $0x9FFFFFFF  }
0xc2: {  	(tm) =	ssettm $0x7FFFFFFF  }
0xc3: {  	_ =	shalt  }
tec
execute0_lowered:
.L_overlay_start_1:
0x0: {  	(tag) =	ssettag $0x1  }
0x1: {  	s0 =	rddreg [dreg:$0x0]  }
0x2: {  	s1 =	rddreg [dreg:$0x1];
	s3 =	simm.s32 $0x0;
	s11 =	stileid.u32  }
0x3: {  	s8 =	srdreg.scid;
	s20 =	simm.s32 $0x3;
	s28 =	simm.s32 $0x1  }
0x4: {  	s29 =	simm.s32 $0x2;
	s30 =	simm.s32 $0x4E80;
	s31 =	simm.s32 $0x9D00  }
0x5: {  	[smem:$0x7FF] =	sst s3;
	s4 =	sadd.s32 $0xA3400, s0;
	s2 =	smul.u32 $0x9E0, s11  }
0x6: {  	s5 =	sadd.s32 $0x8FA00, s0;
	s6 =	sadd.s32 $0x7C000, s0;
	s10 =	smul.u32 $0xA000, s11  }
0x7: {  	s7 =	sadd.s32 $0xD4C00, s0;
	s12 =	sand.u32 $0x1, s8;
	s8 =	sadd.s32 $0xB6E00, s0  }
0x8: {  	s14 =	sadd.s32 $0xFC600, s0;
	s19 =	sshll.u32 s11, $0x6;
	_ =	strace $0x8000004A  }
0x9: {  	s13 =	ssub.s32 $0x2, s12;
	[dreg:$0x3] =	wrdreg s14;
	p0 =	seq.s32 s12, $0x1  }
0xa: {  	s2 =	sadd.s32 s2, s0;
	s9 =	sshrl.u32 s10, $0x3;
	s23 =	sshrl.u32 s13, $0x1  }
0xb: {  	s10 =	sadd.s32 s10, s1;
	s17 =	sadd.s32 s9, s0;
	s0 =	sadd.s32 $0xB8200, s0  }
0xc: {  	s24 =	ssub.s32 s13, s23;
	s25 =	sadd.s32 $0x23E00, s2;
	s26 =	sadd.s32 $0x10200, s2  }
.Ltmp0:
0xd: {  	s15 =	sadd.s32 $0x6400, s2;
	[dreg:$0x4] =	wrdreg s0;
	(pc) =	sbr.rel .LBB2_1-.Ltmp0, $4  }
0xe: {  	s16 =	sadd.s32 $0x1A000, s2;
	s2 =	sor.u32 $0x1C03, s19;
	[dreg:$0x5] =	wrdreg s25  }
0xf: {  	s23 =	sshrl.u32 s10, $0x3;
	[dreg:$0x6] =	wrdreg s26;
	s14 =	sadd.s32 $0x110600, s17  }
0x10: {  	s17 =	sadd.s32 $0xE8600, s17;
	s18 =	smax.u32 s24, $0x1;
	s24 =	simm.s32 $0x80  }
0x11: {  	s25 =	simm.s32 $0x9E00;
	s26 =	simm.s32 $0xBE00;
	s0 =	simm.s32 $0x9D80  }
.LBB2_11:
0x12: {  	s10 =	sadd.s32 $0x80, s21;
	[sflag:s20] =	ssyncadd.s32 $0xFFFFE000  }
0x13: {  	[tilespmem:s26], [sflag:$0x2] =	stream.indirect.gather [hbm4b:s7+s24], $0x40, s10, s24, $0xb8;
	[tilespmem:$0x17E00] =	vst v63  }
0x14: {  	_ =	swait.ge [sflag:s28], $0x2000  }
0x15: {  	[sflag:s28] =	ssyncset.done $0x0  }
0x16: {  	s12 =	sadd.s32 $0x4F00, s21;
	[sflag:s28] =	ssyncadd.s32 $0xFFFFE000  }
0x17: {  	[spmem:s1] =	stream.indirect.scatter.add.f32 [tilespmem:s25], [sflag:$0x3], $0x40, s12, s24, $0xb8;
	[tilespmem:$0x17E00] =	vst v63  }
0x18: {  	_ =	swait.ge [sflag:s20], $0x2000  }
0x19: {  	[sflag:s20] =	ssyncset.done $0x0  }
0x1a: {  	s13 =	sadd.s32 $0x100, s21;
	[sflag:s20] =	ssyncadd.s32 $0xFFFFE000  }
0x1b: {  	[tilespmem:s25], [sflag:$0x1] =	stream.indirect.gather [hbm4b:s7+s24], $0x40, s13, s24, $0xb8;
	[tilespmem:$0x17E00] =	vst v63  }
0x1c: {  	_ =	swait.ge [sflag:s29], $0x2000  }
0x1d: {  	[sflag:s29] =	ssyncset.done $0x0  }
0x1e: {  	s22 =	sadd.s32 $0x4F80, s21;
	[sflag:s29] =	ssyncadd.s32 $0xFFFFE000  }
0x1f: {  	[spmem:s1] =	stream.indirect.scatter.add.f32 [tilespmem:s26], [sflag:$0x3], $0x40, s22, s24, $0xb8;
	[tilespmem:$0x17E00] =	vst v63  }
0x20: {  	_ =	swait.ge [sflag:s20], $0x2000  }
0x21: {  	[sflag:s20] =	ssyncset.done $0x0  }
0x22: {  	s22 =	smov.u32 s2;
	s21 =	rddreg [dreg:$0x4];
	[sflag:s20] =	ssyncadd.s32 $0xFFFFE000  }
0x23: {  	[tilespmem:s26], [sflag:$0x2] =	stream.indirect.gather [hbm4b:s7+s24], $0x40, s30, s24, $0xb8;
	[tilespmem:$0x17E00] =	vst v63  }
.LBB2_12:
0x24: {  	_ =	swait.ge [sflag:s28], $0x2000  }
0x25: {  	[sflag:s28] =	ssyncset.done $0x0  }
0x26: {  	[sflag:s28] =	ssyncadd.s32 $0xFFFFE000  }
0x27: {  	[spmem:s1] =	stream.indirect.scatter.add.f32 [tilespmem:s25], [sflag:$0x3], $0x40, s31, s24, $0xb8;
	[tilespmem:$0x17E00] =	vst v63  }
0x28: {  	_ =	swait.ge [sflag:s20], $0x2000  }
0x29: {  	[sflag:s20] =	ssyncset.done $0x0  }
0x2a: {  	[sflag:s20] =	ssyncadd.s32 $0xFFFFE000  }
0x2b: {  	_ =	swait.ge [sflag:s29], $0x2000  }
0x2c: {  	[sflag:s29] =	ssyncset.done $0x0  }
0x2d: {  	[sflag:s29] =	ssyncadd.s32 $0xFFFFE000  }
0x2e: {  	[spmem:s1] =	stream.indirect.scatter.add.f32 [tilespmem:s26], [sflag:$0x3], $0x40, s0, s24, $0xb8;
	[tilespmem:$0x17E00] =	vst v63  }
0x2f: {  	_ =	swait.ge [sflag:s20], $0x2000  }
0x30: {  	[sflag:s20] =	ssyncset.done $0x0  }
0x31: {  	s3 =	sadd.s32 $0x1, s3;
	[sflag:s20] =	ssyncadd.s32 $0xFFFFE000  }
0x32: {  	s10 =	sadd.s32 s21, s9;
	p1 =	sne.s32 s3, s18;
	[bflag:$0x0] =	sbarrier.arrive $0xFFFF  }
0x33: {  	[hbm:s10], [sflag:s22] =	dma.local [spmem:s23], $0x1400  }
.Ltmp1:
0x34: {  	_ =	swait.ge [sflag:s20], $0x1400;
	(pc) =	sbr.rel @!p1 .LBB2_13-.Ltmp1, $3  }
0x35: {  	[sflag:s20] =	ssyncset.done $0x0  }
0x36: {  	[sflag:s20] =	ssyncadd.s32 $0xFFFFEC00  }
0x37: {  	[bflag:$0x0] =	sbarrier.arrive $0xFFFF;
	_ =	sdelay $0x1  }
.LBB2_1:
.Ltmp2:
0x38: {  	(pc) =	sbr.rel @!p0 .LBB2_2-.Ltmp2, $2  }
0x39: {  	_ =	sdelay $0x2  }
0x3a: {  	s10 =	simm.s32 $0x0  }
0x3b: {  	[tilespmem:s10], [sflag:$0x3] =	stream.linear.gather [hbm4b:s15+s10], $0x4F00, $0x38;
	[tilespmem:$0x17E00] =	vst v63  }
0x3c: {  	_ =	swait.ge [sflag:s20], $0x4F00  }
0x3d: {  	[sflag:s20] =	ssyncset.done $0x0  }
0x3e: {  	s11 =	simm.s32 $0x4F00;
	[sflag:s20] =	ssyncadd.s32 $0xFFFFB100  }
0x3f: {  	[tilespmem:s11], [sflag:$0x3] =	stream.linear.gather [hbm4b:s16+s10], $0x4F00, $0x38;
	[tilespmem:$0x17E00] =	vst v63  }
0x40: {  	_ =	swait.ge [sflag:s20], $0x4F00  }
0x41: {  	[sflag:s20] =	ssyncset.done $0x0  }
0x42: {  	[sflag:s20] =	ssyncadd.s32 $0xFFFFB100  }
0x43: {  	[spmem:s23], [sflag:s2] =	dma.local [hbm:s8], $0x1400  }
0x44: {  	_ =	swait.ge [sflag:s20], $0x1400  }
0x45: {  	[sflag:s20] =	ssyncset.done $0x0  }
0x46: {  	[sflag:s20] =	ssyncadd.s32 $0xFFFFEC00  }
0x47: {  	[bflag:$0x0] =	sbarrier.arrive $0xFFFF  }
0x48: {  	[tilespmem:s25], [sflag:$0x1] =	stream.indirect.gather [hbm4b:s6+s24], $0x40, s10, s24, $0xb8;
	[tilespmem:$0x17E00] =	vst v63  }
0x49: {  	s12 =	simm.s32 $0x80  }
0x4a: {  	[tilespmem:s26], [sflag:$0x2] =	stream.indirect.gather [hbm4b:s6+s24], $0x40, s12, s24, $0xb8;
	[tilespmem:$0x17E00] =	vst v63  }
0x4b: {  	_ =	swait.ge [sflag:s28], $0x2000  }
0x4c: {  	[sflag:s28] =	ssyncset.done $0x0  }
0x4d: {  	s13 =	simm.s32 $0x4F00;
	[sflag:s28] =	ssyncadd.s32 $0xFFFFE000  }
0x4e: {  	[spmem:s1] =	stream.indirect.scatter.add.f32 [tilespmem:s25], [sflag:$0x3], $0x40, s13, s24, $0xb8;
	[tilespmem:$0x17E00] =	vst v63  }
0x4f: {  	_ =	swait.ge [sflag:s20], $0x2000  }
0x50: {  	[sflag:s20] =	ssyncset.done $0x0  }
0x51: {  	s21 =	simm.s32 $0x100;
	[sflag:s20] =	ssyncadd.s32 $0xFFFFE000  }
0x52: {  	[tilespmem:s25], [sflag:$0x1] =	stream.indirect.gather [hbm4b:s6+s24], $0x40, s21, s24, $0xb8;
	[tilespmem:$0x17E00] =	vst v63  }
0x53: {  	_ =	swait.ge [sflag:s29], $0x2000  }
0x54: {  	[sflag:s29] =	ssyncset.done $0x0  }
0x55: {  	s22 =	simm.s32 $0x4F80;
	[sflag:s29] =	ssyncadd.s32 $0xFFFFE000  }
0x56: {  	[spmem:s1] =	stream.indirect.scatter.add.f32 [tilespmem:s26], [sflag:$0x3], $0x40, s22, s24, $0xb8;
	[tilespmem:$0x17E00] =	vst v63  }
0x57: {  	_ =	swait.ge [sflag:s20], $0x2000  }
0x58: {  	s10 =	simm.s32 $0x800;
	s21 =	simm.s32 $0x100;
	[sflag:s20] =	ssyncset.done $0x0  }
.LBB2_8:
0x59: {  	s11 =	sadd.s32 $0x80, s21  }
0x5a: {  	[sflag:s20] =	ssyncadd.s32 $0xFFFFE000;
	s12 =	smov.u32 s10;
	s13 =	sadd.s32 $0x400, s10  }
0x5b: {  	[tilespmem:s26], [sflag:$0x2] =	stream.indirect.gather [hbm4b:s6+s24], $0x40, s11, s24, $0xb8;
	[tilespmem:$0x17E00] =	vst v63  }
0x5c: {  	p1 =	sne.s32 s10, $0x13400;
	_ =	swait.ge [sflag:s28], $0x2000  }
0x5d: {  	[sflag:s28] =	ssyncset.done $0x0  }
0x5e: {  	s10 =	sadd.s32 $0x4F00, s21;
	[sflag:s28] =	ssyncadd.s32 $0xFFFFE000  }
0x5f: {  	[spmem:s1] =	stream.indirect.scatter.add.f32 [tilespmem:s25], [sflag:$0x3], $0x40, s10, s24, $0xb8;
	[tilespmem:$0x17E00] =	vst v63  }
0x60: {  	_ =	swait.ge [sflag:s20], $0x2000  }
0x61: {  	[sflag:s20] =	ssyncset.done $0x0  }
0x62: {  	s10 =	sadd.s32 $0x100, s21;
	[sflag:s20] =	ssyncadd.s32 $0xFFFFE000  }
0x63: {  	[tilespmem:s25], [sflag:$0x1] =	stream.indirect.gather [hbm4b:s6+s24], $0x40, s10, s24, $0xb8;
	[tilespmem:$0x17E00] =	vst v63  }
0x64: {  	_ =	swait.ge [sflag:s29], $0x2000  }
.Ltmp3:
0x65: {  	[sflag:s29] =	ssyncset.done $0x0;
	(pc) =	sbr.rel @p1 .LBB2_8-.Ltmp3, $4  }
0x66: {  	s10 =	sadd.s32 $0x4F80, s21;
	[sflag:s29] =	ssyncadd.s32 $0xFFFFE000  }
0x67: {  	[spmem:s1] =	stream.indirect.scatter.add.f32 [tilespmem:s26], [sflag:$0x3], $0x40, s10, s24, $0xb8;
	[tilespmem:$0x17E00] =	vst v63  }
0x68: {  	_ =	swait.ge [sflag:s20], $0x2000  }
0x69: {  	s21 =	sshra.s32 s12, $0x2;
	s10 =	smov.u32 s13;
	[sflag:s20] =	ssyncset.done $0x0  }
0x6a: {  	s10 =	sadd.s32 $0x80, s21;
	[sflag:s20] =	ssyncadd.s32 $0xFFFFE000  }
0x6b: {  	[tilespmem:s26], [sflag:$0x2] =	stream.indirect.gather [hbm4b:s6+s24], $0x40, s10, s24, $0xb8;
	[tilespmem:$0x17E00] =	vst v63  }
0x6c: {  	_ =	swait.ge [sflag:s28], $0x2000  }
0x6d: {  	[sflag:s28] =	ssyncset.done $0x0  }
0x6e: {  	s12 =	sadd.s32 $0x4F00, s21;
	[sflag:s28] =	ssyncadd.s32 $0xFFFFE000  }
0x6f: {  	[spmem:s1] =	stream.indirect.scatter.add.f32 [tilespmem:s25], [sflag:$0x3], $0x40, s12, s24, $0xb8;
	[tilespmem:$0x17E00] =	vst v63  }
0x70: {  	_ =	swait.ge [sflag:s20], $0x2000  }
0x71: {  	[sflag:s20] =	ssyncset.done $0x0  }
0x72: {  	s13 =	sadd.s32 $0x100, s21;
	[sflag:s20] =	ssyncadd.s32 $0xFFFFE000  }
0x73: {  	[tilespmem:s25], [sflag:$0x1] =	stream.indirect.gather [hbm4b:s6+s24], $0x40, s13, s24, $0xb8;
	[tilespmem:$0x17E00] =	vst v63  }
0x74: {  	_ =	swait.ge [sflag:s29], $0x2000  }
0x75: {  	[sflag:s29] =	ssyncset.done $0x0  }
0x76: {  	s22 =	sadd.s32 $0x4F80, s21;
	[sflag:s29] =	ssyncadd.s32 $0xFFFFE000  }
0x77: {  	[spmem:s1] =	stream.indirect.scatter.add.f32 [tilespmem:s26], [sflag:$0x3], $0x40, s22, s24, $0xb8;
	[tilespmem:$0x17E00] =	vst v63  }
0x78: {  	_ =	swait.ge [sflag:s20], $0x2000  }
0x79: {  	[sflag:s20] =	ssyncset.done $0x0  }
0x7a: {  	[sflag:s20] =	ssyncadd.s32 $0xFFFFE000  }
0x7b: {  	[tilespmem:s26], [sflag:$0x2] =	stream.indirect.gather [hbm4b:s6+s24], $0x40, s30, s24, $0xb8;
	[tilespmem:$0x17E00] =	vst v63  }
0x7c: {  	_ =	swait.ge [sflag:s28], $0x2000  }
0x7d: {  	[sflag:s28] =	ssyncset.done $0x0  }
0x7e: {  	[sflag:s28] =	ssyncadd.s32 $0xFFFFE000  }
0x7f: {  	[spmem:s1] =	stream.indirect.scatter.add.f32 [tilespmem:s25], [sflag:$0x3], $0x40, s31, s24, $0xb8;
	[tilespmem:$0x17E00] =	vst v63  }
0x80: {  	_ =	swait.ge [sflag:s20], $0x2000  }
0x81: {  	[sflag:s20] =	ssyncset.done $0x0  }
0x82: {  	[sflag:s20] =	ssyncadd.s32 $0xFFFFE000  }
0x83: {  	_ =	swait.ge [sflag:s29], $0x2000  }
0x84: {  	[sflag:s29] =	ssyncset.done $0x0  }
0x85: {  	[sflag:s29] =	ssyncadd.s32 $0xFFFFE000  }
0x86: {  	[spmem:s1] =	stream.indirect.scatter.add.f32 [tilespmem:s26], [sflag:$0x3], $0x40, s0, s24, $0xb8;
	[tilespmem:$0x17E00] =	vst v63  }
0x87: {  	_ =	swait.ge [sflag:s20], $0x2000  }
0x88: {  	[sflag:s20] =	ssyncset.done $0x0  }
0x89: {  	[sflag:s20] =	ssyncadd.s32 $0xFFFFE000  }
0x8a: {  	[bflag:$0x0] =	sbarrier.arrive $0xFFFF  }
0x8b: {  	[hbm:s17], [sflag:s2] =	dma.local [spmem:s23], $0x1400  }
0x8c: {  	_ =	swait.ge [sflag:s20], $0x1400  }
0x8d: {  	[sflag:s20] =	ssyncset.done $0x0  }
0x8e: {  	[sflag:s20] =	ssyncadd.s32 $0xFFFFEC00  }
0x8f: {  	[bflag:$0x0] =	sbarrier.arrive $0xFFFF  }
0x90: {  	[spmem:s23], [sflag:s2] =	dma.local [hbm:s8], $0x1400  }
0x91: {  	_ =	swait.ge [sflag:s20], $0x1400  }
0x92: {  	[sflag:s20] =	ssyncset.done $0x0  }
0x93: {  	[sflag:s20] =	ssyncadd.s32 $0xFFFFEC00  }
0x94: {  	s11 =	simm.s32 $0x0;
	[bflag:$0x0] =	sbarrier.arrive $0xFFFF  }
0x95: {  	[tilespmem:s25], [sflag:$0x1] =	stream.indirect.gather [hbm4b:s7+s24], $0x40, s11, s24, $0xb8;
	[tilespmem:$0x17E00] =	vst v63  }
0x96: {  	s12 =	simm.s32 $0x80  }
0x97: {  	[tilespmem:s26], [sflag:$0x2] =	stream.indirect.gather [hbm4b:s7+s24], $0x40, s12, s24, $0xb8;
	[tilespmem:$0x17E00] =	vst v63  }
0x98: {  	_ =	swait.ge [sflag:s28], $0x2000  }
0x99: {  	[sflag:s28] =	ssyncset.done $0x0  }
0x9a: {  	s13 =	simm.s32 $0x4F00;
	[sflag:s28] =	ssyncadd.s32 $0xFFFFE000  }
0x9b: {  	[spmem:s1] =	stream.indirect.scatter.add.f32 [tilespmem:s25], [sflag:$0x3], $0x40, s13, s24, $0xb8;
	[tilespmem:$0x17E00] =	vst v63  }
0x9c: {  	_ =	swait.ge [sflag:s20], $0x2000  }
0x9d: {  	[sflag:s20] =	ssyncset.done $0x0  }
0x9e: {  	s21 =	simm.s32 $0x100;
	[sflag:s20] =	ssyncadd.s32 $0xFFFFE000  }
0x9f: {  	[tilespmem:s25], [sflag:$0x1] =	stream.indirect.gather [hbm4b:s7+s24], $0x40, s21, s24, $0xb8;
	[tilespmem:$0x17E00] =	vst v63  }
0xa0: {  	_ =	swait.ge [sflag:s29], $0x2000  }
0xa1: {  	[sflag:s29] =	ssyncset.done $0x0  }
0xa2: {  	s22 =	simm.s32 $0x4F80;
	[sflag:s29] =	ssyncadd.s32 $0xFFFFE000  }
0xa3: {  	[spmem:s1] =	stream.indirect.scatter.add.f32 [tilespmem:s26], [sflag:$0x3], $0x40, s22, s24, $0xb8;
	[tilespmem:$0x17E00] =	vst v63  }
0xa4: {  	_ =	swait.ge [sflag:s20], $0x2000  }
0xa5: {  	s10 =	simm.s32 $0x800;
	s21 =	simm.s32 $0x100;
	[sflag:s20] =	ssyncset.done $0x0  }
.LBB2_10:
0xa6: {  	s11 =	sadd.s32 $0x80, s21  }
0xa7: {  	[sflag:s20] =	ssyncadd.s32 $0xFFFFE000;
	s12 =	smov.u32 s10;
	s13 =	sadd.s32 $0x400, s10  }
0xa8: {  	[tilespmem:s26], [sflag:$0x2] =	stream.indirect.gather [hbm4b:s7+s24], $0x40, s11, s24, $0xb8;
	[tilespmem:$0x17E00] =	vst v63  }
0xa9: {  	p1 =	sne.s32 s10, $0x13400;
	_ =	swait.ge [sflag:s28], $0x2000  }
0xaa: {  	[sflag:s28] =	ssyncset.done $0x0  }
0xab: {  	s10 =	sadd.s32 $0x4F00, s21;
	[sflag:s28] =	ssyncadd.s32 $0xFFFFE000  }
0xac: {  	[spmem:s1] =	stream.indirect.scatter.add.f32 [tilespmem:s25], [sflag:$0x3], $0x40, s10, s24, $0xb8;
	[tilespmem:$0x17E00] =	vst v63  }
0xad: {  	_ =	swait.ge [sflag:s20], $0x2000  }
0xae: {  	[sflag:s20] =	ssyncset.done $0x0  }
0xaf: {  	s10 =	sadd.s32 $0x100, s21;
	[sflag:s20] =	ssyncadd.s32 $0xFFFFE000  }
0xb0: {  	[tilespmem:s25], [sflag:$0x1] =	stream.indirect.gather [hbm4b:s7+s24], $0x40, s10, s24, $0xb8;
	[tilespmem:$0x17E00] =	vst v63  }
0xb1: {  	_ =	swait.ge [sflag:s29], $0x2000  }
.Ltmp4:
0xb2: {  	[sflag:s29] =	ssyncset.done $0x0;
	(pc) =	sbr.rel @p1 .LBB2_10-.Ltmp4, $4  }
0xb3: {  	s10 =	sadd.s32 $0x4F80, s21;
	[sflag:s29] =	ssyncadd.s32 $0xFFFFE000  }
0xb4: {  	[spmem:s1] =	stream.indirect.scatter.add.f32 [tilespmem:s26], [sflag:$0x3], $0x40, s10, s24, $0xb8;
	[tilespmem:$0x17E00] =	vst v63  }
0xb5: {  	_ =	swait.ge [sflag:s20], $0x2000  }
0xb6: {  	s21 =	sshra.s32 s12, $0x2;
	s10 =	smov.u32 s13;
	[sflag:s20] =	ssyncset.done $0x0  }
.Ltmp5:
0xb7: {  	_ = 	snop;
	(pc) =	sbr.rel .LBB2_11-.Ltmp5, $1  }
0xb8: {  	_ =	sdelay $0x3  }
.LBB2_2:
0xb9: {  	s11 =	rddreg [dreg:$0x5]  }
0xba: {  	[tilespmem:s10], [sflag:$0x3] =	stream.linear.gather [hbm4b:s11+s10], $0x4F00, $0x38;
	[tilespmem:$0x17E00] =	vst v63  }
0xbb: {  	_ =	swait.ge [sflag:s20], $0x4F00  }
0xbc: {  	[sflag:s20] =	ssyncset.done $0x0  }
0xbd: {  	s12 =	simm.s32 $0x4F00;
	s22 =	rddreg [dreg:$0x6];
	[sflag:s20] =	ssyncadd.s32 $0xFFFFB100  }
0xbe: {  	[tilespmem:s12], [sflag:$0x3] =	stream.linear.gather [hbm4b:s22+s10], $0x4F00, $0x38;
	[tilespmem:$0x17E00] =	vst v63  }
0xbf: {  	_ =	swait.ge [sflag:s20], $0x4F00  }
0xc0: {  	[sflag:s20] =	ssyncset.done $0x0  }
0xc1: {  	s22 =	sor.u32 $0x1C03, s19;
	[sflag:s20] =	ssyncadd.s32 $0xFFFFB100  }
0xc2: {  	[spmem:s23], [sflag:s22] =	dma.local [hbm:s8], $0x1400  }
0xc3: {  	_ =	swait.ge [sflag:s20], $0x1400  }
0xc4: {  	[sflag:s20] =	ssyncset.done $0x0  }
0xc5: {  	[sflag:s20] =	ssyncadd.s32 $0xFFFFEC00  }
0xc6: {  	[bflag:$0x0] =	sbarrier.arrive $0xFFFF  }
0xc7: {  	[tilespmem:s25], [sflag:$0x1] =	stream.indirect.gather [hbm4b:s4+s24], $0x40, s10, s24, $0xb8;
	[tilespmem:$0x17E00] =	vst v63  }
0xc8: {  	s11 =	simm.s32 $0x80  }
0xc9: {  	[tilespmem:s26], [sflag:$0x2] =	stream.indirect.gather [hbm4b:s4+s24], $0x40, s11, s24, $0xb8;
	[tilespmem:$0x17E00] =	vst v63  }
0xca: {  	_ =	swait.ge [sflag:s28], $0x2000  }
0xcb: {  	[sflag:s28] =	ssyncset.done $0x0  }
0xcc: {  	s12 =	simm.s32 $0x4F00;
	[sflag:s28] =	ssyncadd.s32 $0xFFFFE000  }
0xcd: {  	[spmem:s1] =	stream.indirect.scatter.add.f32 [tilespmem:s25], [sflag:$0x3], $0x40, s12, s24, $0xb8;
	[tilespmem:$0x17E00] =	vst v63  }
0xce: {  	_ =	swait.ge [sflag:s20], $0x2000  }
0xcf: {  	[sflag:s20] =	ssyncset.done $0x0  }
0xd0: {  	s13 =	simm.s32 $0x100;
	[sflag:s20] =	ssyncadd.s32 $0xFFFFE000  }
0xd1: {  	[tilespmem:s25], [sflag:$0x1] =	stream.indirect.gather [hbm4b:s4+s24], $0x40, s13, s24, $0xb8;
	[tilespmem:$0x17E00] =	vst v63  }
0xd2: {  	_ =	swait.ge [sflag:s29], $0x2000  }
0xd3: {  	[sflag:s29] =	ssyncset.done $0x0  }
0xd4: {  	s21 =	simm.s32 $0x4F80;
	[sflag:s29] =	ssyncadd.s32 $0xFFFFE000  }
0xd5: {  	[spmem:s1] =	stream.indirect.scatter.add.f32 [tilespmem:s26], [sflag:$0x3], $0x40, s21, s24, $0xb8;
	[tilespmem:$0x17E00] =	vst v63  }
0xd6: {  	_ =	swait.ge [sflag:s20], $0x2000  }
0xd7: {  	s10 =	simm.s32 $0x800;
	s21 =	simm.s32 $0x100;
	[sflag:s20] =	ssyncset.done $0x0  }
.LBB2_3:
0xd8: {  	s12 =	sadd.s32 $0x80, s21  }
0xd9: {  	[sflag:s20] =	ssyncadd.s32 $0xFFFFE000;
	s13 =	smov.u32 s10;
	s11 =	sadd.s32 $0x400, s10  }
0xda: {  	[tilespmem:s26], [sflag:$0x2] =	stream.indirect.gather [hbm4b:s4+s24], $0x40, s12, s24, $0xb8;
	[tilespmem:$0x17E00] =	vst v63  }
0xdb: {  	p1 =	sne.s32 s10, $0x13400;
	_ =	swait.ge [sflag:s28], $0x2000  }
0xdc: {  	[sflag:s28] =	ssyncset.done $0x0  }
0xdd: {  	s10 =	sadd.s32 $0x4F00, s21;
	[sflag:s28] =	ssyncadd.s32 $0xFFFFE000  }
0xde: {  	[spmem:s1] =	stream.indirect.scatter.add.f32 [tilespmem:s25], [sflag:$0x3], $0x40, s10, s24, $0xb8;
	[tilespmem:$0x17E00] =	vst v63  }
0xdf: {  	_ =	swait.ge [sflag:s20], $0x2000  }
0xe0: {  	[sflag:s20] =	ssyncset.done $0x0  }
0xe1: {  	s10 =	sadd.s32 $0x100, s21;
	[sflag:s20] =	ssyncadd.s32 $0xFFFFE000  }
0xe2: {  	[tilespmem:s25], [sflag:$0x1] =	stream.indirect.gather [hbm4b:s4+s24], $0x40, s10, s24, $0xb8;
	[tilespmem:$0x17E00] =	vst v63  }
0xe3: {  	_ =	swait.ge [sflag:s29], $0x2000  }
.Ltmp6:
0xe4: {  	[sflag:s29] =	ssyncset.done $0x0;
	(pc) =	sbr.rel @p1 .LBB2_3-.Ltmp6, $4  }
0xe5: {  	s10 =	sadd.s32 $0x4F80, s21;
	[sflag:s29] =	ssyncadd.s32 $0xFFFFE000  }
0xe6: {  	[spmem:s1] =	stream.indirect.scatter.add.f32 [tilespmem:s26], [sflag:$0x3], $0x40, s10, s24, $0xb8;
	[tilespmem:$0x17E00] =	vst v63  }
0xe7: {  	_ =	swait.ge [sflag:s20], $0x2000  }
0xe8: {  	s21 =	sshra.s32 s13, $0x2;
	s10 =	smov.u32 s11;
	[sflag:s20] =	ssyncset.done $0x0  }
0xe9: {  	s10 =	sadd.s32 $0x80, s21;
	[sflag:s20] =	ssyncadd.s32 $0xFFFFE000  }
0xea: {  	[tilespmem:s26], [sflag:$0x2] =	stream.indirect.gather [hbm4b:s4+s24], $0x40, s10, s24, $0xb8;
	[tilespmem:$0x17E00] =	vst v63  }
0xeb: {  	_ =	swait.ge [sflag:s28], $0x2000  }
0xec: {  	[sflag:s28] =	ssyncset.done $0x0  }
0xed: {  	s11 =	sadd.s32 $0x4F00, s21;
	[sflag:s28] =	ssyncadd.s32 $0xFFFFE000  }
0xee: {  	[spmem:s1] =	stream.indirect.scatter.add.f32 [tilespmem:s25], [sflag:$0x3], $0x40, s11, s24, $0xb8;
	[tilespmem:$0x17E00] =	vst v63  }
0xef: {  	_ =	swait.ge [sflag:s20], $0x2000  }
0xf0: {  	[sflag:s20] =	ssyncset.done $0x0  }
0xf1: {  	s12 =	sadd.s32 $0x100, s21;
	[sflag:s20] =	ssyncadd.s32 $0xFFFFE000  }
0xf2: {  	[tilespmem:s25], [sflag:$0x1] =	stream.indirect.gather [hbm4b:s4+s24], $0x40, s12, s24, $0xb8;
	[tilespmem:$0x17E00] =	vst v63  }
0xf3: {  	_ =	swait.ge [sflag:s29], $0x2000  }
0xf4: {  	[sflag:s29] =	ssyncset.done $0x0  }
0xf5: {  	s13 =	sadd.s32 $0x4F80, s21;
	[sflag:s29] =	ssyncadd.s32 $0xFFFFE000  }
0xf6: {  	[spmem:s1] =	stream.indirect.scatter.add.f32 [tilespmem:s26], [sflag:$0x3], $0x40, s13, s24, $0xb8;
	[tilespmem:$0x17E00] =	vst v63  }
0xf7: {  	_ =	swait.ge [sflag:s20], $0x2000  }
0xf8: {  	[sflag:s20] =	ssyncset.done $0x0  }
0xf9: {  	[sflag:s20] =	ssyncadd.s32 $0xFFFFE000  }
0xfa: {  	[tilespmem:s26], [sflag:$0x2] =	stream.indirect.gather [hbm4b:s4+s24], $0x40, s30, s24, $0xb8;
	[tilespmem:$0x17E00] =	vst v63  }
0xfb: {  	_ =	swait.ge [sflag:s28], $0x2000  }
0xfc: {  	[sflag:s28] =	ssyncset.done $0x0  }
0xfd: {  	[sflag:s28] =	ssyncadd.s32 $0xFFFFE000  }
0xfe: {  	[spmem:s1] =	stream.indirect.scatter.add.f32 [tilespmem:s25], [sflag:$0x3], $0x40, s31, s24, $0xb8;
	[tilespmem:$0x17E00] =	vst v63  }
0xff: {  	_ =	swait.ge [sflag:s20], $0x2000  }
0x100: {  	[sflag:s20] =	ssyncset.done $0x0  }
0x101: {  	[sflag:s20] =	ssyncadd.s32 $0xFFFFE000  }
0x102: {  	_ =	swait.ge [sflag:s29], $0x2000  }
0x103: {  	[sflag:s29] =	ssyncset.done $0x0  }
0x104: {  	[sflag:s29] =	ssyncadd.s32 $0xFFFFE000  }
0x105: {  	[spmem:s1] =	stream.indirect.scatter.add.f32 [tilespmem:s26], [sflag:$0x3], $0x40, s0, s24, $0xb8;
	[tilespmem:$0x17E00] =	vst v63  }
0x106: {  	_ =	swait.ge [sflag:s20], $0x2000  }
0x107: {  	[sflag:s20] =	ssyncset.done $0x0  }
0x108: {  	[sflag:s20] =	ssyncadd.s32 $0xFFFFE000  }
0x109: {  	[bflag:$0x0] =	sbarrier.arrive $0xFFFF  }
0x10a: {  	[hbm:s14], [sflag:s22] =	dma.local [spmem:s23], $0x1400  }
0x10b: {  	_ =	swait.ge [sflag:s20], $0x1400  }
0x10c: {  	[sflag:s20] =	ssyncset.done $0x0  }
0x10d: {  	[sflag:s20] =	ssyncadd.s32 $0xFFFFEC00  }
0x10e: {  	[bflag:$0x0] =	sbarrier.arrive $0xFFFF  }
0x10f: {  	[spmem:s23], [sflag:s22] =	dma.local [hbm:s8], $0x1400  }
0x110: {  	_ =	swait.ge [sflag:s20], $0x1400  }
0x111: {  	[sflag:s20] =	ssyncset.done $0x0  }
0x112: {  	[sflag:s20] =	ssyncadd.s32 $0xFFFFEC00  }
0x113: {  	s21 =	simm.s32 $0x0;
	[bflag:$0x0] =	sbarrier.arrive $0xFFFF  }
0x114: {  	[tilespmem:s25], [sflag:$0x1] =	stream.indirect.gather [hbm4b:s5+s24], $0x40, s21, s24, $0xb8;
	[tilespmem:$0x17E00] =	vst v63  }
0x115: {  	s11 =	simm.s32 $0x80  }
0x116: {  	[tilespmem:s26], [sflag:$0x2] =	stream.indirect.gather [hbm4b:s5+s24], $0x40, s11, s24, $0xb8;
	[tilespmem:$0x17E00] =	vst v63  }
0x117: {  	_ =	swait.ge [sflag:s28], $0x2000  }
0x118: {  	[sflag:s28] =	ssyncset.done $0x0  }
0x119: {  	s12 =	simm.s32 $0x4F00;
	[sflag:s28] =	ssyncadd.s32 $0xFFFFE000  }
0x11a: {  	[spmem:s1] =	stream.indirect.scatter.add.f32 [tilespmem:s25], [sflag:$0x3], $0x40, s12, s24, $0xb8;
	[tilespmem:$0x17E00] =	vst v63  }
0x11b: {  	_ =	swait.ge [sflag:s20], $0x2000  }
0x11c: {  	[sflag:s20] =	ssyncset.done $0x0  }
0x11d: {  	s13 =	simm.s32 $0x100;
	[sflag:s20] =	ssyncadd.s32 $0xFFFFE000  }
0x11e: {  	[tilespmem:s25], [sflag:$0x1] =	stream.indirect.gather [hbm4b:s5+s24], $0x40, s13, s24, $0xb8;
	[tilespmem:$0x17E00] =	vst v63  }
0x11f: {  	_ =	swait.ge [sflag:s29], $0x2000  }
0x120: {  	[sflag:s29] =	ssyncset.done $0x0  }
0x121: {  	s21 =	simm.s32 $0x4F80;
	[sflag:s29] =	ssyncadd.s32 $0xFFFFE000  }
0x122: {  	[spmem:s1] =	stream.indirect.scatter.add.f32 [tilespmem:s26], [sflag:$0x3], $0x40, s21, s24, $0xb8;
	[tilespmem:$0x17E00] =	vst v63  }
0x123: {  	_ =	swait.ge [sflag:s20], $0x2000  }
0x124: {  	s10 =	simm.s32 $0x800;
	s21 =	simm.s32 $0x100;
	[sflag:s20] =	ssyncset.done $0x0  }
.LBB2_5:
0x125: {  	s11 =	sadd.s32 $0x80, s21  }
0x126: {  	[sflag:s20] =	ssyncadd.s32 $0xFFFFE000;
	s12 =	smov.u32 s10;
	s13 =	sadd.s32 $0x400, s10  }
0x127: {  	[tilespmem:s26], [sflag:$0x2] =	stream.indirect.gather [hbm4b:s5+s24], $0x40, s11, s24, $0xb8;
	[tilespmem:$0x17E00] =	vst v63  }
0x128: {  	p1 =	sne.s32 s10, $0x13400;
	_ =	swait.ge [sflag:s28], $0x2000  }
0x129: {  	[sflag:s28] =	ssyncset.done $0x0  }
0x12a: {  	s10 =	sadd.s32 $0x4F00, s21;
	[sflag:s28] =	ssyncadd.s32 $0xFFFFE000  }
0x12b: {  	[spmem:s1] =	stream.indirect.scatter.add.f32 [tilespmem:s25], [sflag:$0x3], $0x40, s10, s24, $0xb8;
	[tilespmem:$0x17E00] =	vst v63  }
0x12c: {  	_ =	swait.ge [sflag:s20], $0x2000  }
0x12d: {  	[sflag:s20] =	ssyncset.done $0x0  }
0x12e: {  	s10 =	sadd.s32 $0x100, s21;
	[sflag:s20] =	ssyncadd.s32 $0xFFFFE000  }
0x12f: {  	[tilespmem:s25], [sflag:$0x1] =	stream.indirect.gather [hbm4b:s5+s24], $0x40, s10, s24, $0xb8;
	[tilespmem:$0x17E00] =	vst v63  }
0x130: {  	_ =	swait.ge [sflag:s29], $0x2000  }
.Ltmp7:
0x131: {  	[sflag:s29] =	ssyncset.done $0x0;
	(pc) =	sbr.rel @p1 .LBB2_5-.Ltmp7, $4  }
0x132: {  	s10 =	sadd.s32 $0x4F80, s21;
	[sflag:s29] =	ssyncadd.s32 $0xFFFFE000  }
0x133: {  	[spmem:s1] =	stream.indirect.scatter.add.f32 [tilespmem:s26], [sflag:$0x3], $0x40, s10, s24, $0xb8;
	[tilespmem:$0x17E00] =	vst v63  }
0x134: {  	_ =	swait.ge [sflag:s20], $0x2000  }
0x135: {  	s21 =	sshra.s32 s12, $0x2;
	s10 =	smov.u32 s13;
	[sflag:s20] =	ssyncset.done $0x0  }
0x136: {  	s10 =	sadd.s32 $0x80, s21;
	[sflag:s20] =	ssyncadd.s32 $0xFFFFE000  }
0x137: {  	[tilespmem:s26], [sflag:$0x2] =	stream.indirect.gather [hbm4b:s5+s24], $0x40, s10, s24, $0xb8;
	[tilespmem:$0x17E00] =	vst v63  }
0x138: {  	_ =	swait.ge [sflag:s28], $0x2000  }
0x139: {  	[sflag:s28] =	ssyncset.done $0x0  }
0x13a: {  	s12 =	sadd.s32 $0x4F00, s21;
	[sflag:s28] =	ssyncadd.s32 $0xFFFFE000  }
0x13b: {  	[spmem:s1] =	stream.indirect.scatter.add.f32 [tilespmem:s25], [sflag:$0x3], $0x40, s12, s24, $0xb8;
	[tilespmem:$0x17E00] =	vst v63  }
0x13c: {  	_ =	swait.ge [sflag:s20], $0x2000  }
0x13d: {  	[sflag:s20] =	ssyncset.done $0x0  }
0x13e: {  	s13 =	sadd.s32 $0x100, s21;
	[sflag:s20] =	ssyncadd.s32 $0xFFFFE000  }
0x13f: {  	[tilespmem:s25], [sflag:$0x1] =	stream.indirect.gather [hbm4b:s5+s24], $0x40, s13, s24, $0xb8;
	[tilespmem:$0x17E00] =	vst v63  }
0x140: {  	_ =	swait.ge [sflag:s29], $0x2000  }
0x141: {  	[sflag:s29] =	ssyncset.done $0x0  }
0x142: {  	s21 =	sadd.s32 $0x4F80, s21;
	[sflag:s29] =	ssyncadd.s32 $0xFFFFE000  }
0x143: {  	[spmem:s1] =	stream.indirect.scatter.add.f32 [tilespmem:s26], [sflag:$0x3], $0x40, s21, s24, $0xb8;
	[tilespmem:$0x17E00] =	vst v63  }
.Ltmp8:
0x144: {  	_ = 	snop;
	(pc) =	sbr.rel .LBB2_12-.Ltmp8, $4  }
0x145: {  	_ =	swait.ge [sflag:s20], $0x2000  }
0x146: {  	[sflag:s20] =	ssyncset.done $0x0  }
0x147: {  	s21 =	rddreg [dreg:$0x3];
	[sflag:s20] =	ssyncadd.s32 $0xFFFFE000  }
0x148: {  	[tilespmem:s26], [sflag:$0x2] =	stream.indirect.gather [hbm4b:s5+s24], $0x40, s30, s24, $0xb8;
	[tilespmem:$0x17E00] =	vst v63  }
.LBB2_13:
0x149: {  	_ =	sfence.sel $0x180000  }
0x14a: {  	[bflag:$0x0] =	sbarrier.arrive $0xFFFF  }
0x14b: {  	_ =	strace $0x9000004A  }
0x14c: {  	s0 =	stileid.u32;
	[bflag:$0x2] =	sbarrier.arrive $0xFFFF  }
0x14d: {  	p0 =	sne.s32 s0, $0x0;
	s0 =	rddreg [dreg:$0x2]  }
0x14e: {  	s0 =	sadd.s32 @!p0 $0x100000, s0  }
0x14f: {  	[sflag:s0] =	ssyncadd.tile.s32 @!p0 $0x1;
	_ =	shalt  }
.Lfunc_end2:
_tile_overlayer_lowered:
.L_overlay_start_2:
0x150: {  	(tag) =	ssettag $0x2  }
0x151: {  	s0 =	rddreg [dreg:$0x0];
	s2 =	stileid.u32  }
0x152: {  	s1 =	rddreg [dreg:$0x1];
	p0 =	sne.s32 s2, $0x0  }
0x153: {  	s3 =	rddreg [dreg:$0x2];
	[bflag:$0x3] =	sbarrier.arrive $0xFFFF;
	s2 =	simm.s32 @!p0 $0x1C03  }
0x154: {  	[timem:s3], [sflag:s2] =	dma.local @!p0 [hbm:s0], s1  }
0x155: {  	s0 =	simm.s32 @!p0 $0x3  }
0x156: {  	_ =	swait.ge @!p0 [sflag:s0], s1  }
0x157: {  	s1 =	ssub.s32 @!p0 $0x0, s1;
	[sflag:s0] =	ssyncset.done @!p0 $0x0  }
0x158: {  	[sflag:s0] =	ssyncadd.s32 @!p0 s1  }
0x159: {  	[bflag:$0x3] =	sbarrier.arrive $0xFFFF  }
0x15a: {  	_ =	shalt  }

// kernel: kernel.17.cloned.1.call-start
scs
__scs_entry_jumppad:
0x0: {  	(pc) =	sbr.rel $0x88, $3  }
0x1: {  	(tag) =	ssettag $0x0;
	lr =	simm.s32 $0x1  }
0x2: {  	[smem:$0x3F8E] =	sst lr;
	_ =	strace $0xD0000000  }
0x3: {  	_ = 	snop  }
0x4: {  	_ = 	snop  }
0x5: {  	_ = 	snop  }
0x6: {  	_ = 	snop  }
0x7: {  	_ = 	snop  }
__scs_overlays_trampoline_lowered:
0x8: {  	[smem:$0x3F9D] =	sst s0  }
0x9: {  	[smem:$0x3F9E] =	sst s1  }
0xa: {  	[smem:$0x3F9F] =	sst s2  }
0xb: {  	[smem:$0x3FA0] =	sst s3  }
0xc: {  	[smem:$0x3FA1] =	sst s4  }
0xd: {  	[smem:$0x3FA2] =	sst s5  }
0xe: {  	[smem:$0x3FA3] =	sst s6  }
0xf: {  	[smem:$0x3FA4] =	sst s7  }
0x10: {  	[smem:$0x3FA5] =	sst s8  }
0x11: {  	[smem:$0x3FA6] =	sst s9;
	s0 =	simm.s32 @!p0 $0x0  }
0x12: {  	s1 =	sld [smem:$0x3F8C];
	s0 =	simm.s32 @p0 $0x1  }
0x13: {  	[smem:$0x3FA7] =	sst s0;
	s0 =	simm.s32 @!p1 $0x0  }
0x14: {  	s2 =	sld [smem:$0x3F8B];
	s0 =	simm.s32 @p1 $0x1  }
0x15: {  	[smem:$0x3FA8] =	sst s0;
	s0 =	simm.s32 @!p2 $0x0  }
0x16: {  	s3 =	sld [smem:$0x3FDB];
	s0 =	simm.s32 @p2 $0x1  }
0x17: {  	s4 =	simm.s32 $0x1BF5;
	[smem:$0x3FAA] =	sst s0  }
0x18: {  	s0 =	sld [smem:$0x3F8D];
	_ =	swait.ge [sflag:s4], $0x0  }
0x19: {  	s7 =	sld [smem:$0x3F8E]  }
0x1a: {  	s8 =	sadd.s32 $0xFFFFE003, lr  }
0x1b: {  	s9 =	sadd.s32 $0xFFFFFEF7, lr;
	s5 =	simm.s32 $0xFFFFFFFF;
	p2 =	slt.u32 s8, $0xFFFFF086  }
0x1c: {  	p1 =	slt.u32 s9, $0xF7A;
	s5 =	simm.s32 @!p2 $0x0  }
0x1d: {  	s5 =	simm.s32 @p1 $0x1;
	p0 =	seq.s32 s7, s2  }
0x1e: {  	s7 =	smul.u32 @!p0 $0xF7A, s2;
	p2 =	seq.s32 @!p0 s5, $0x0  }
0x1f: {  	s9 =	smul.u32 $0xF7A, s1;
	s8 =	simm.s32 @!p0 $0x1BF5;
	p2 =	por !p2, p0  }
0x20: {  	[sflag:s8] =	ssyncset.s32 @!p0 $0xFFFFF086;
	s6 =	sadd.s32 @!p0 s3, s7;
	s7 =	simm.s32 @!p0 $0x108  }
0x21: {  	s3 =	sadd.s32 s3, s9;
	s6 =	sadd.s32 @!p0 $0x88, s6;
	s7 =	simm.s32 @p2 $0x1082  }
0x22: {  	[simem:s7], [sflag:s8] =	dma.local @!p0 [hbm:s6], $0xF7A  }
0x23: {  	s9 =	sor.u32 $0xD0000000, s2;
	s6 =	simm.s32 $0x108;
	_ =	swait.ge @!p0 [sflag:s8], $0x0  }
0x24: {  	s3 =	sadd.s32 $0x88, s3;
	s6 =	simm.s32 @!p1 $0x1082;
	[sflag:s4] =	ssyncset.s32 $0xFFFFF086  }
0x25: {  	[simem:s6], [sflag:s4] =	dma.local [hbm:s3], $0xF7A  }
0x26: {  	[smem:$0x3F8E] =	sst s1;
	(tag) =	ssettag s2;
	_ =	strace s9  }
0x27: {  	s1 =	sld [smem:$0x3F9E]  }
0x28: {  	s2 =	sld [smem:$0x3F9F]  }
0x29: {  	s4 =	sld [smem:$0x3FA1]  }
0x2a: {  	p0 =	seq.s32 s5, $0x0;
	s5 =	sld [smem:$0x3FA2]  }
0x2b: {  	s6 =	sld [smem:$0x3FA3]  }
0x2c: {  	s7 =	sld [smem:$0x3FA4]  }
0x2d: {  	s3 =	simm.s32 $0x108;
	s8 =	sld [smem:$0x3FA5]  }
0x2e: {  	s3 =	simm.s32 @!p0 $0x1082;
	s9 =	sld [smem:$0x3FA6]  }
0x2f: {  	lr =	sadd.s32 s0, s3;
	s0 =	sld [smem:$0x3F9D]  }
0x30: {  	s3 =	sld [smem:$0x3FA0]  }
0x31: {  	[smem:$0x3FA9] =	sst s10  }
0x32: {  	s10 =	sld [smem:$0x3FA7];
	_ =	sdelay $0x3  }
0x33: {  	p0 =	seq.s32 s10, $0x1;
	s10 =	sld [smem:$0x3FA9];
	_ =	sdelay $0x3  }
0x34: {  	[smem:$0x3FA9] =	sst s10  }
0x35: {  	s10 =	sld [smem:$0x3FA8];
	_ =	sdelay $0x3  }
0x36: {  	p1 =	seq.s32 s10, $0x1;
	s10 =	sld [smem:$0x3FA9];
	_ =	sdelay $0x3  }
0x37: {  	[smem:$0x3FA9] =	sst s10  }
0x38: {  	s10 =	sld [smem:$0x3FAA]  }
0x39: {  	_ = 	snop;
	(pc) =	sbr.ind lr, $3  }
0x3a: {  	_ = 	snop  }
0x3b: {  	_ = 	snop  }
0x3c: {  	p2 =	seq.s32 s10, $0x1;
	s10 =	sld [smem:$0x3FA9]  }
0x3d: {  	_ =	shalt  }
0x3e: {  	_ =	shalt  }
0x3f: {  	_ =	shalt  }
0x40: {  	_ =	shalt  }
0x41: {  	_ =	shalt  }
0x42: {  	_ =	shalt  }
0x43: {  	_ =	shalt  }
0x44: {  	_ =	shalt  }
0x45: {  	_ =	shalt  }
0x46: {  	_ =	shalt  }
0x47: {  	_ =	shalt  }
0x48: {  	_ =	shalt  }
0x49: {  	_ =	shalt  }
0x4a: {  	_ =	shalt  }
0x4b: {  	_ =	shalt  }
0x4c: {  	_ =	shalt  }
0x4d: {  	_ =	shalt  }
0x4e: {  	_ =	shalt  }
0x4f: {  	_ =	shalt  }
0x50: {  	_ =	shalt  }
0x51: {  	_ =	shalt  }
0x52: {  	_ =	shalt  }
0x53: {  	_ =	shalt  }
0x54: {  	_ =	shalt  }
0x55: {  	_ =	shalt  }
0x56: {  	_ =	shalt  }
0x57: {  	_ =	shalt  }
0x58: {  	_ =	shalt  }
0x59: {  	_ =	shalt  }
0x5a: {  	_ =	shalt  }
0x5b: {  	_ =	shalt  }
0x5c: {  	_ =	shalt  }
0x5d: {  	_ =	shalt  }
0x5e: {  	_ =	shalt  }
0x5f: {  	_ =	shalt  }
0x60: {  	_ =	shalt  }
0x61: {  	_ =	shalt  }
0x62: {  	_ =	shalt  }
0x63: {  	_ =	shalt  }
0x64: {  	_ =	shalt  }
0x65: {  	_ =	shalt  }
0x66: {  	_ =	shalt  }
0x67: {  	_ =	shalt  }
0x68: {  	_ =	shalt  }
0x69: {  	_ =	shalt  }
0x6a: {  	_ =	shalt  }
0x6b: {  	_ =	shalt  }
0x6c: {  	_ =	shalt  }
0x6d: {  	_ =	shalt  }
0x6e: {  	_ =	shalt  }
0x6f: {  	_ =	shalt  }
0x70: {  	_ =	shalt  }
0x71: {  	_ =	shalt  }
0x72: {  	_ =	shalt  }
0x73: {  	_ =	shalt  }
0x74: {  	_ =	shalt  }
0x75: {  	_ =	shalt  }
0x76: {  	_ =	shalt  }
0x77: {  	_ =	shalt  }
0x78: {  	_ =	shalt  }
0x79: {  	_ =	shalt  }
0x7a: {  	_ =	shalt  }
0x7b: {  	_ =	shalt  }
0x7c: {  	_ =	shalt  }
0x7d: {  	_ =	shalt  }
0x7e: {  	_ =	shalt  }
0x7f: {  	_ =	shalt  }
0x80: {  	_ =	shalt  }
0x81: {  	_ =	shalt  }
0x82: {  	_ =	shalt  }
0x83: {  	_ =	shalt  }
0x84: {  	_ =	shalt  }
0x85: {  	_ =	shalt  }
0x86: {  	_ =	shalt  }
0x87: {  	_ =	shalt  }
.Lfunc_end0:
.L_simem_size_0:
called_computation.2_lowered:
.L_overlay_start_0:
0x88: {  	s2 =	sld [smem:$0x3FD9]  }
0x89: {  	s3 =	sld [smem:$0x3FFE];
	_ =	sdelay $0x1  }
0x8a: {  	s1 =	srdreg.scid  }
0x8b: {  	s0 =	sand.u32 $0x1, s1  }
0x8c: {  	s16 =	sshll.u32 s0, $0xA;
	s2 =	sadd.s32 s3, s2  }
0x8d: {  	s2 =	sadd.s32 s2, s16  }
0x8e: {  	[smem:$0x3FB5] =	sst s2  }
0x8f: {  	_ = 	snop  }
0x90: {  	(tm) =	ssettm $0x1  }
0x91: {  	s17 =	sld [smem:$0x3FFB];
	_ =	sdelay $0x3  }
0x92: {  	_ =	strace s17  }
0x93: {  	s2 =	sld [smem:$0x3FFC];
	_ =	sdelay $0x3  }
0x94: {  	_ =	strace s2  }
0x95: {  	s2 =	sld [smem:$0x3FFD];
	_ =	sdelay $0x3  }
0x96: {  	_ =	strace s2  }
0x97: {  	_ =	strace $0x8FFFFFFF  }
0x98: {  	s18 =	sld [smem:$0x3FDB];
	_ =	sdelay $0x1  }
0x99: {  	s19 =	simm.s32 $_scs_section_size  }
0x9a: {  	s4 =	simm.s32 $_size__tile_overlayer_lowered;
	s5 =	simm.s32 $_tile_overlayer_lowered  }
0x9b: {  	s22 =	simm.s32 $0x1BFF;
	s21 =	sshll.u32 s5, $0x1;
	s2 =	sadd.s32 s19, s18  }
0x9c: {  	s6 =	simm.s32 $0x0;
	s20 =	sshll.u32 s4, $0x1;
	s4 =	sadd.s32 s21, s2  }
0x9d: {  	[timem:s6], [sflag:s22] =	dma.local [hbm:s4], s20  }
0x9e: {  	_ =	swait.ge [sflag:s22], s20  }
0x9f: {  	s3 =	ssub.s32 $0x0, s20;
	[sflag:s22] =	ssyncset.done $0x0  }
0xa0: {  	[sflag:s22] =	ssyncadd.s32 s3;
	_ =	sdelay $0x1  }
0xa1: {  	s23 =	simm.s32 $0x1B8B  }
0xa2: {  	_ =	swait.ge [sflag:s23], $0x1  }
0xa3: {  	[sflag:s23] =	ssyncset.done $0x0  }
0xa4: {  	s25 =	simm.s32 $0x1B8E;
	s24 =	sld [smem:$0x3FFE];
	[sflag:s23] =	ssyncadd.s32 $0xFFFFFFFF  }
0xa5: {  	s26 =	simm.s32 $execute0_lowered;
	[smem:$0x3FD2] =	sst s25  }
0xa6: {  	s4 =	sshll.u32 s26, $0x1;
	_ =	strace $0x8000004C;
	[dreg:$0x1] =	wrdreg $0xFFFFFFFF  }
0xa7: {  	s28 =	simm.s32 $_size_execute0_lowered;
	s2 =	sadd.s32 s2, s4;
	[dreg:$0x0] =	wrdreg $0x0  }
0xa8: {  	s4 =	sshll.u32 s28, $0x1;
	[dreg:$0x2] =	wrdreg s2  }
0xa9: {  	[dreg:$0x3] =	wrdreg s4  }
0xaa: {  	[dreg:$0x4] =	wrdreg $0xC0  }
0xab: {  	_ =	task [dreg:s6], $0x5FFFF  }
0xac: {  	[dreg:$0x1] =	wrdreg $0xFFFFFFFF  }
0xad: {  	[dreg:$0x0] =	wrdreg $0x60  }
0xae: {  	[dreg:$0x2] =	wrdreg s24  }
0xaf: {  	[dreg:$0x3] =	wrdreg $0xDE000  }
0xb0: {  	[dreg:$0x4] =	wrdreg $0x9  }
0xb1: {  	_ =	task.clear_ibuf [dreg:s6], $0x5FFFF;
	_ =	strace $0x9000004C  }
0xb2: {  	s29 =	simm.s32 $0x9;
	_ =	strace $0x8000004E  }
0xb3: {  	_ =	swait.ge [sflag:s29], $0x1  }
0xb4: {  	[sflag:s29] =	ssyncadd.s32 $0xFFFFFFFF  }
0xb5: {  	_ =	strace $0x9000004E  }
0xb6: {  	_ =	sfence  }
0xb7: {  	s30 =	sld [smem:$0x0];
	_ =	sdelay $0x2  }
0xb8: {  	s31 =	sshll.u32 s1, $0xD;
	s1 =	sshrl.u32 s1, $0x2  }
0xb9: {  	s3 =	sand.u32 $0x4000, s31;
	s1 =	sadd.s32 s1, s30  }
0xba: {  	s0 =	sor.u32 s3, s0;
	s1 =	sshll.u32 s1, $0x11  }
0xbb: {  	s0 =	sor.u32 s1, s0  }
0xbc: {  	s0 =	sadd.s32 $0x8F2B, s0  }
0xbd: {  	[sflag:s0] =	ssyncadd.remote.s32 $0x1  }
0xbe: {  	_ =	sfence.sel $0xFFFF  }
0xbf: {  	[dreg:$0x0] =	wrdreg $0xFFFFFFFF;
	(pc) =	sbr.abs _section_cstart, $3  }
0xc0: {  	[dreg:$0x1] =	wrdreg $0xFFFFFFFF  }
0xc1: {  	_ =	task.clear_ibuf [dreg:s6], $0x2FFFF;
	_ =	strace $0x9FFFFFFF  }
0xc2: {  	(tm) =	ssettm $0x7FFFFFFF  }
0xc3: {  	_ =	shalt  }
tec
execute0_lowered:
.L_overlay_start_1:
0x0: {  	(tag) =	ssettag $0x1  }
0x1: {  	s0 =	rddreg [dreg:$0x0]  }
0x2: {  	s1 =	rddreg [dreg:$0x1];
	s3 =	simm.s32 $0x0;
	s11 =	stileid.u32  }
0x3: {  	s8 =	srdreg.scid;
	s20 =	simm.s32 $0x3;
	s28 =	simm.s32 $0x1  }
0x4: {  	s29 =	simm.s32 $0x2;
	s30 =	simm.s32 $0x4E80;
	s31 =	simm.s32 $0x9D00  }
0x5: {  	[smem:$0x7FF] =	sst s3;
	s4 =	sadd.s32 $0xB8200, s0;
	s2 =	smul.u32 $0x9E0, s11  }
0x6: {  	s5 =	sadd.s32 $0xA3400, s0;
	s6 =	sadd.s32 $0x8FA00, s0;
	s10 =	smul.u32 $0xA000, s11  }
0x7: {  	s7 =	sadd.s32 $0x7C000, s0;
	s12 =	sand.u32 $0x1, s8;
	s8 =	sadd.s32 $0xB6E00, s0  }
0x8: {  	s14 =	sadd.s32 $0xF3C00, s0;
	s19 =	sshll.u32 s11, $0x6;
	_ =	strace $0x8000004D  }
0x9: {  	s13 =	ssub.s32 $0x2, s12;
	[dreg:$0x3] =	wrdreg s14;
	p0 =	seq.s32 s12, $0x1  }
0xa: {  	s2 =	sadd.s32 s2, s0;
	s9 =	sshrl.u32 s10, $0x3;
	s23 =	sshrl.u32 s13, $0x1  }
0xb: {  	s10 =	sadd.s32 s10, s1;
	s17 =	sadd.s32 s9, s0;
	s0 =	sadd.s32 $0xCBC00, s0  }
0xc: {  	s24 =	ssub.s32 s13, s23;
	s25 =	sadd.s32 $0x23E00, s2;
	s26 =	sadd.s32 $0x10200, s2  }
.Ltmp0:
0xd: {  	s15 =	sadd.s32 $0x6400, s2;
	[dreg:$0x4] =	wrdreg s0;
	(pc) =	sbr.rel .LBB2_1-.Ltmp0, $4  }
0xe: {  	s16 =	sadd.s32 $0x1A000, s2;
	s2 =	sor.u32 $0x1C03, s19;
	[dreg:$0x5] =	wrdreg s25  }
0xf: {  	s23 =	sshrl.u32 s10, $0x3;
	[dreg:$0x6] =	wrdreg s26;
	s14 =	sadd.s32 $0x107C00, s17  }
0x10: {  	s17 =	sadd.s32 $0xDFC00, s17;
	s18 =	smax.u32 s24, $0x1;
	s24 =	simm.s32 $0x80  }
0x11: {  	s25 =	simm.s32 $0x9E00;
	s26 =	simm.s32 $0xBE00;
	s0 =	simm.s32 $0x9D80  }
.LBB2_11:
0x12: {  	s10 =	sadd.s32 $0x80, s21;
	[sflag:s20] =	ssyncadd.s32 $0xFFFFE000  }
0x13: {  	[tilespmem:s26], [sflag:$0x2] =	stream.indirect.gather [hbm4b:s7+s24], $0x40, s10, s24, $0xb8;
	[tilespmem:$0x17E00] =	vst v63  }
0x14: {  	_ =	swait.ge [sflag:s28], $0x2000  }
0x15: {  	[sflag:s28] =	ssyncset.done $0x0  }
0x16: {  	s12 =	sadd.s32 $0x4F00, s21;
	[sflag:s28] =	ssyncadd.s32 $0xFFFFE000  }
0x17: {  	[spmem:s1] =	stream.indirect.scatter.add.f32 [tilespmem:s25], [sflag:$0x3], $0x40, s12, s24, $0xb8;
	[tilespmem:$0x17E00] =	vst v63  }
0x18: {  	_ =	swait.ge [sflag:s20], $0x2000  }
0x19: {  	[sflag:s20] =	ssyncset.done $0x0  }
0x1a: {  	s13 =	sadd.s32 $0x100, s21;
	[sflag:s20] =	ssyncadd.s32 $0xFFFFE000  }
0x1b: {  	[tilespmem:s25], [sflag:$0x1] =	stream.indirect.gather [hbm4b:s7+s24], $0x40, s13, s24, $0xb8;
	[tilespmem:$0x17E00] =	vst v63  }
0x1c: {  	_ =	swait.ge [sflag:s29], $0x2000  }
0x1d: {  	[sflag:s29] =	ssyncset.done $0x0  }
0x1e: {  	s22 =	sadd.s32 $0x4F80, s21;
	[sflag:s29] =	ssyncadd.s32 $0xFFFFE000  }
0x1f: {  	[spmem:s1] =	stream.indirect.scatter.add.f32 [tilespmem:s26], [sflag:$0x3], $0x40, s22, s24, $0xb8;
	[tilespmem:$0x17E00] =	vst v63  }
0x20: {  	_ =	swait.ge [sflag:s20], $0x2000  }
0x21: {  	[sflag:s20] =	ssyncset.done $0x0  }
0x22: {  	s22 =	smov.u32 s2;
	s21 =	rddreg [dreg:$0x4];
	[sflag:s20] =	ssyncadd.s32 $0xFFFFE000  }
0x23: {  	[tilespmem:s26], [sflag:$0x2] =	stream.indirect.gather [hbm4b:s7+s24], $0x40, s30, s24, $0xb8;
	[tilespmem:$0x17E00] =	vst v63  }
.LBB2_12:
0x24: {  	_ =	swait.ge [sflag:s28], $0x2000  }
0x25: {  	[sflag:s28] =	ssyncset.done $0x0  }
0x26: {  	[sflag:s28] =	ssyncadd.s32 $0xFFFFE000  }
0x27: {  	[spmem:s1] =	stream.indirect.scatter.add.f32 [tilespmem:s25], [sflag:$0x3], $0x40, s31, s24, $0xb8;
	[tilespmem:$0x17E00] =	vst v63  }
0x28: {  	_ =	swait.ge [sflag:s20], $0x2000  }
0x29: {  	[sflag:s20] =	ssyncset.done $0x0  }
0x2a: {  	[sflag:s20] =	ssyncadd.s32 $0xFFFFE000  }
0x2b: {  	_ =	swait.ge [sflag:s29], $0x2000  }
0x2c: {  	[sflag:s29] =	ssyncset.done $0x0  }
0x2d: {  	[sflag:s29] =	ssyncadd.s32 $0xFFFFE000  }
0x2e: {  	[spmem:s1] =	stream.indirect.scatter.add.f32 [tilespmem:s26], [sflag:$0x3], $0x40, s0, s24, $0xb8;
	[tilespmem:$0x17E00] =	vst v63  }
0x2f: {  	_ =	swait.ge [sflag:s20], $0x2000  }
0x30: {  	[sflag:s20] =	ssyncset.done $0x0  }
0x31: {  	s3 =	sadd.s32 $0x1, s3;
	[sflag:s20] =	ssyncadd.s32 $0xFFFFE000  }
0x32: {  	s10 =	sadd.s32 s21, s9;
	p1 =	sne.s32 s3, s18;
	[bflag:$0x0] =	sbarrier.arrive $0xFFFF  }
0x33: {  	[hbm:s10], [sflag:s22] =	dma.local [spmem:s23], $0x1400  }
.Ltmp1:
0x34: {  	_ =	swait.ge [sflag:s20], $0x1400;
	(pc) =	sbr.rel @!p1 .LBB2_13-.Ltmp1, $3  }
0x35: {  	[sflag:s20] =	ssyncset.done $0x0  }
0x36: {  	[sflag:s20] =	ssyncadd.s32 $0xFFFFEC00  }
0x37: {  	[bflag:$0x0] =	sbarrier.arrive $0xFFFF;
	_ =	sdelay $0x1  }
.LBB2_1:
.Ltmp2:
0x38: {  	(pc) =	sbr.rel @!p0 .LBB2_2-.Ltmp2, $2  }
0x39: {  	_ =	sdelay $0x2  }
0x3a: {  	s10 =	simm.s32 $0x0  }
0x3b: {  	[tilespmem:s10], [sflag:$0x3] =	stream.linear.gather [hbm4b:s15+s10], $0x4F00, $0x38;
	[tilespmem:$0x17E00] =	vst v63  }
0x3c: {  	_ =	swait.ge [sflag:s20], $0x4F00  }
0x3d: {  	[sflag:s20] =	ssyncset.done $0x0  }
0x3e: {  	s11 =	simm.s32 $0x4F00;
	[sflag:s20] =	ssyncadd.s32 $0xFFFFB100  }
0x3f: {  	[tilespmem:s11], [sflag:$0x3] =	stream.linear.gather [hbm4b:s16+s10], $0x4F00, $0x38;
	[tilespmem:$0x17E00] =	vst v63  }
0x40: {  	_ =	swait.ge [sflag:s20], $0x4F00  }
0x41: {  	[sflag:s20] =	ssyncset.done $0x0  }
0x42: {  	[sflag:s20] =	ssyncadd.s32 $0xFFFFB100  }
0x43: {  	[spmem:s23], [sflag:s2] =	dma.local [hbm:s8], $0x1400  }
0x44: {  	_ =	swait.ge [sflag:s20], $0x1400  }
0x45: {  	[sflag:s20] =	ssyncset.done $0x0  }
0x46: {  	[sflag:s20] =	ssyncadd.s32 $0xFFFFEC00  }
0x47: {  	[bflag:$0x0] =	sbarrier.arrive $0xFFFF  }
0x48: {  	[tilespmem:s25], [sflag:$0x1] =	stream.indirect.gather [hbm4b:s6+s24], $0x40, s10, s24, $0xb8;
	[tilespmem:$0x17E00] =	vst v63  }
0x49: {  	s12 =	simm.s32 $0x80  }
0x4a: {  	[tilespmem:s26], [sflag:$0x2] =	stream.indirect.gather [hbm4b:s6+s24], $0x40, s12, s24, $0xb8;
	[tilespmem:$0x17E00] =	vst v63  }
0x4b: {  	_ =	swait.ge [sflag:s28], $0x2000  }
0x4c: {  	[sflag:s28] =	ssyncset.done $0x0  }
0x4d: {  	s13 =	simm.s32 $0x4F00;
	[sflag:s28] =	ssyncadd.s32 $0xFFFFE000  }
0x4e: {  	[spmem:s1] =	stream.indirect.scatter.add.f32 [tilespmem:s25], [sflag:$0x3], $0x40, s13, s24, $0xb8;
	[tilespmem:$0x17E00] =	vst v63  }
0x4f: {  	_ =	swait.ge [sflag:s20], $0x2000  }
0x50: {  	[sflag:s20] =	ssyncset.done $0x0  }
0x51: {  	s21 =	simm.s32 $0x100;
	[sflag:s20] =	ssyncadd.s32 $0xFFFFE000  }
0x52: {  	[tilespmem:s25], [sflag:$0x1] =	stream.indirect.gather [hbm4b:s6+s24], $0x40, s21, s24, $0xb8;
	[tilespmem:$0x17E00] =	vst v63  }
0x53: {  	_ =	swait.ge [sflag:s29], $0x2000  }
0x54: {  	[sflag:s29] =	ssyncset.done $0x0  }
0x55: {  	s22 =	simm.s32 $0x4F80;
	[sflag:s29] =	ssyncadd.s32 $0xFFFFE000  }
0x56: {  	[spmem:s1] =	stream.indirect.scatter.add.f32 [tilespmem:s26], [sflag:$0x3], $0x40, s22, s24, $0xb8;
	[tilespmem:$0x17E00] =	vst v63  }
0x57: {  	_ =	swait.ge [sflag:s20], $0x2000  }
0x58: {  	s10 =	simm.s32 $0x800;
	s21 =	simm.s32 $0x100;
	[sflag:s20] =	ssyncset.done $0x0  }
.LBB2_8:
0x59: {  	s11 =	sadd.s32 $0x80, s21  }
0x5a: {  	[sflag:s20] =	ssyncadd.s32 $0xFFFFE000;
	s12 =	smov.u32 s10;
	s13 =	sadd.s32 $0x400, s10  }
0x5b: {  	[tilespmem:s26], [sflag:$0x2] =	stream.indirect.gather [hbm4b:s6+s24], $0x40, s11, s24, $0xb8;
	[tilespmem:$0x17E00] =	vst v63  }
0x5c: {  	p1 =	sne.s32 s10, $0x13400;
	_ =	swait.ge [sflag:s28], $0x2000  }
0x5d: {  	[sflag:s28] =	ssyncset.done $0x0  }
0x5e: {  	s10 =	sadd.s32 $0x4F00, s21;
	[sflag:s28] =	ssyncadd.s32 $0xFFFFE000  }
0x5f: {  	[spmem:s1] =	stream.indirect.scatter.add.f32 [tilespmem:s25], [sflag:$0x3], $0x40, s10, s24, $0xb8;
	[tilespmem:$0x17E00] =	vst v63  }
0x60: {  	_ =	swait.ge [sflag:s20], $0x2000  }
0x61: {  	[sflag:s20] =	ssyncset.done $0x0  }
0x62: {  	s10 =	sadd.s32 $0x100, s21;
	[sflag:s20] =	ssyncadd.s32 $0xFFFFE000  }
0x63: {  	[tilespmem:s25], [sflag:$0x1] =	stream.indirect.gather [hbm4b:s6+s24], $0x40, s10, s24, $0xb8;
	[tilespmem:$0x17E00] =	vst v63  }
0x64: {  	_ =	swait.ge [sflag:s29], $0x2000  }
.Ltmp3:
0x65: {  	[sflag:s29] =	ssyncset.done $0x0;
	(pc) =	sbr.rel @p1 .LBB2_8-.Ltmp3, $4  }
0x66: {  	s10 =	sadd.s32 $0x4F80, s21;
	[sflag:s29] =	ssyncadd.s32 $0xFFFFE000  }
0x67: {  	[spmem:s1] =	stream.indirect.scatter.add.f32 [tilespmem:s26], [sflag:$0x3], $0x40, s10, s24, $0xb8;
	[tilespmem:$0x17E00] =	vst v63  }
0x68: {  	_ =	swait.ge [sflag:s20], $0x2000  }
0x69: {  	s21 =	sshra.s32 s12, $0x2;
	s10 =	smov.u32 s13;
	[sflag:s20] =	ssyncset.done $0x0  }
0x6a: {  	s10 =	sadd.s32 $0x80, s21;
	[sflag:s20] =	ssyncadd.s32 $0xFFFFE000  }
0x6b: {  	[tilespmem:s26], [sflag:$0x2] =	stream.indirect.gather [hbm4b:s6+s24], $0x40, s10, s24, $0xb8;
	[tilespmem:$0x17E00] =	vst v63  }
0x6c: {  	_ =	swait.ge [sflag:s28], $0x2000  }
0x6d: {  	[sflag:s28] =	ssyncset.done $0x0  }
0x6e: {  	s12 =	sadd.s32 $0x4F00, s21;
	[sflag:s28] =	ssyncadd.s32 $0xFFFFE000  }
0x6f: {  	[spmem:s1] =	stream.indirect.scatter.add.f32 [tilespmem:s25], [sflag:$0x3], $0x40, s12, s24, $0xb8;
	[tilespmem:$0x17E00] =	vst v63  }
0x70: {  	_ =	swait.ge [sflag:s20], $0x2000  }
0x71: {  	[sflag:s20] =	ssyncset.done $0x0  }
0x72: {  	s13 =	sadd.s32 $0x100, s21;
	[sflag:s20] =	ssyncadd.s32 $0xFFFFE000  }
0x73: {  	[tilespmem:s25], [sflag:$0x1] =	stream.indirect.gather [hbm4b:s6+s24], $0x40, s13, s24, $0xb8;
	[tilespmem:$0x17E00] =	vst v63  }
0x74: {  	_ =	swait.ge [sflag:s29], $0x2000  }
0x75: {  	[sflag:s29] =	ssyncset.done $0x0  }
0x76: {  	s22 =	sadd.s32 $0x4F80, s21;
	[sflag:s29] =	ssyncadd.s32 $0xFFFFE000  }
0x77: {  	[spmem:s1] =	stream.indirect.scatter.add.f32 [tilespmem:s26], [sflag:$0x3], $0x40, s22, s24, $0xb8;
	[tilespmem:$0x17E00] =	vst v63  }
0x78: {  	_ =	swait.ge [sflag:s20], $0x2000  }
0x79: {  	[sflag:s20] =	ssyncset.done $0x0  }
0x7a: {  	[sflag:s20] =	ssyncadd.s32 $0xFFFFE000  }
0x7b: {  	[tilespmem:s26], [sflag:$0x2] =	stream.indirect.gather [hbm4b:s6+s24], $0x40, s30, s24, $0xb8;
	[tilespmem:$0x17E00] =	vst v63  }
0x7c: {  	_ =	swait.ge [sflag:s28], $0x2000  }
0x7d: {  	[sflag:s28] =	ssyncset.done $0x0  }
0x7e: {  	[sflag:s28] =	ssyncadd.s32 $0xFFFFE000  }
0x7f: {  	[spmem:s1] =	stream.indirect.scatter.add.f32 [tilespmem:s25], [sflag:$0x3], $0x40, s31, s24, $0xb8;
	[tilespmem:$0x17E00] =	vst v63  }
0x80: {  	_ =	swait.ge [sflag:s20], $0x2000  }
0x81: {  	[sflag:s20] =	ssyncset.done $0x0  }
0x82: {  	[sflag:s20] =	ssyncadd.s32 $0xFFFFE000  }
0x83: {  	_ =	swait.ge [sflag:s29], $0x2000  }
0x84: {  	[sflag:s29] =	ssyncset.done $0x0  }
0x85: {  	[sflag:s29] =	ssyncadd.s32 $0xFFFFE000  }
0x86: {  	[spmem:s1] =	stream.indirect.scatter.add.f32 [tilespmem:s26], [sflag:$0x3], $0x40, s0, s24, $0xb8;
	[tilespmem:$0x17E00] =	vst v63  }
0x87: {  	_ =	swait.ge [sflag:s20], $0x2000  }
0x88: {  	[sflag:s20] =	ssyncset.done $0x0  }
0x89: {  	[sflag:s20] =	ssyncadd.s32 $0xFFFFE000  }
0x8a: {  	[bflag:$0x0] =	sbarrier.arrive $0xFFFF  }
0x8b: {  	[hbm:s17], [sflag:s2] =	dma.local [spmem:s23], $0x1400  }
0x8c: {  	_ =	swait.ge [sflag:s20], $0x1400  }
0x8d: {  	[sflag:s20] =	ssyncset.done $0x0  }
0x8e: {  	[sflag:s20] =	ssyncadd.s32 $0xFFFFEC00  }
0x8f: {  	[bflag:$0x0] =	sbarrier.arrive $0xFFFF  }
0x90: {  	[spmem:s23], [sflag:s2] =	dma.local [hbm:s8], $0x1400  }
0x91: {  	_ =	swait.ge [sflag:s20], $0x1400  }
0x92: {  	[sflag:s20] =	ssyncset.done $0x0  }
0x93: {  	[sflag:s20] =	ssyncadd.s32 $0xFFFFEC00  }
0x94: {  	s11 =	simm.s32 $0x0;
	[bflag:$0x0] =	sbarrier.arrive $0xFFFF  }
0x95: {  	[tilespmem:s25], [sflag:$0x1] =	stream.indirect.gather [hbm4b:s7+s24], $0x40, s11, s24, $0xb8;
	[tilespmem:$0x17E00] =	vst v63  }
0x96: {  	s12 =	simm.s32 $0x80  }
0x97: {  	[tilespmem:s26], [sflag:$0x2] =	stream.indirect.gather [hbm4b:s7+s24], $0x40, s12, s24, $0xb8;
	[tilespmem:$0x17E00] =	vst v63  }
0x98: {  	_ =	swait.ge [sflag:s28], $0x2000  }
0x99: {  	[sflag:s28] =	ssyncset.done $0x0  }
0x9a: {  	s13 =	simm.s32 $0x4F00;
	[sflag:s28] =	ssyncadd.s32 $0xFFFFE000  }
0x9b: {  	[spmem:s1] =	stream.indirect.scatter.add.f32 [tilespmem:s25], [sflag:$0x3], $0x40, s13, s24, $0xb8;
	[tilespmem:$0x17E00] =	vst v63  }
0x9c: {  	_ =	swait.ge [sflag:s20], $0x2000  }
0x9d: {  	[sflag:s20] =	ssyncset.done $0x0  }
0x9e: {  	s21 =	simm.s32 $0x100;
	[sflag:s20] =	ssyncadd.s32 $0xFFFFE000  }
0x9f: {  	[tilespmem:s25], [sflag:$0x1] =	stream.indirect.gather [hbm4b:s7+s24], $0x40, s21, s24, $0xb8;
	[tilespmem:$0x17E00] =	vst v63  }
0xa0: {  	_ =	swait.ge [sflag:s29], $0x2000  }
0xa1: {  	[sflag:s29] =	ssyncset.done $0x0  }
0xa2: {  	s22 =	simm.s32 $0x4F80;
	[sflag:s29] =	ssyncadd.s32 $0xFFFFE000  }
0xa3: {  	[spmem:s1] =	stream.indirect.scatter.add.f32 [tilespmem:s26], [sflag:$0x3], $0x40, s22, s24, $0xb8;
	[tilespmem:$0x17E00] =	vst v63  }
0xa4: {  	_ =	swait.ge [sflag:s20], $0x2000  }
0xa5: {  	s10 =	simm.s32 $0x800;
	s21 =	simm.s32 $0x100;
	[sflag:s20] =	ssyncset.done $0x0  }
.LBB2_10:
0xa6: {  	s11 =	sadd.s32 $0x80, s21  }
0xa7: {  	[sflag:s20] =	ssyncadd.s32 $0xFFFFE000;
	s12 =	smov.u32 s10;
	s13 =	sadd.s32 $0x400, s10  }
0xa8: {  	[tilespmem:s26], [sflag:$0x2] =	stream.indirect.gather [hbm4b:s7+s24], $0x40, s11, s24, $0xb8;
	[tilespmem:$0x17E00] =	vst v63  }
0xa9: {  	p1 =	sne.s32 s10, $0x13400;
	_ =	swait.ge [sflag:s28], $0x2000  }
0xaa: {  	[sflag:s28] =	ssyncset.done $0x0  }
0xab: {  	s10 =	sadd.s32 $0x4F00, s21;
	[sflag:s28] =	ssyncadd.s32 $0xFFFFE000  }
0xac: {  	[spmem:s1] =	stream.indirect.scatter.add.f32 [tilespmem:s25], [sflag:$0x3], $0x40, s10, s24, $0xb8;
	[tilespmem:$0x17E00] =	vst v63  }
0xad: {  	_ =	swait.ge [sflag:s20], $0x2000  }
0xae: {  	[sflag:s20] =	ssyncset.done $0x0  }
0xaf: {  	s10 =	sadd.s32 $0x100, s21;
	[sflag:s20] =	ssyncadd.s32 $0xFFFFE000  }
0xb0: {  	[tilespmem:s25], [sflag:$0x1] =	stream.indirect.gather [hbm4b:s7+s24], $0x40, s10, s24, $0xb8;
	[tilespmem:$0x17E00] =	vst v63  }
0xb1: {  	_ =	swait.ge [sflag:s29], $0x2000  }
.Ltmp4:
0xb2: {  	[sflag:s29] =	ssyncset.done $0x0;
	(pc) =	sbr.rel @p1 .LBB2_10-.Ltmp4, $4  }
0xb3: {  	s10 =	sadd.s32 $0x4F80, s21;
	[sflag:s29] =	ssyncadd.s32 $0xFFFFE000  }
0xb4: {  	[spmem:s1] =	stream.indirect.scatter.add.f32 [tilespmem:s26], [sflag:$0x3], $0x40, s10, s24, $0xb8;
	[tilespmem:$0x17E00] =	vst v63  }
0xb5: {  	_ =	swait.ge [sflag:s20], $0x2000  }
0xb6: {  	s21 =	sshra.s32 s12, $0x2;
	s10 =	smov.u32 s13;
	[sflag:s20] =	ssyncset.done $0x0  }
.Ltmp5:
0xb7: {  	_ = 	snop;
	(pc) =	sbr.rel .LBB2_11-.Ltmp5, $1  }
0xb8: {  	_ =	sdelay $0x3  }
.LBB2_2:
0xb9: {  	s11 =	rddreg [dreg:$0x5]  }
0xba: {  	[tilespmem:s10], [sflag:$0x3] =	stream.linear.gather [hbm4b:s11+s10], $0x4F00, $0x38;
	[tilespmem:$0x17E00] =	vst v63  }
0xbb: {  	_ =	swait.ge [sflag:s20], $0x4F00  }
0xbc: {  	[sflag:s20] =	ssyncset.done $0x0  }
0xbd: {  	s12 =	simm.s32 $0x4F00;
	s22 =	rddreg [dreg:$0x6];
	[sflag:s20] =	ssyncadd.s32 $0xFFFFB100  }
0xbe: {  	[tilespmem:s12], [sflag:$0x3] =	stream.linear.gather [hbm4b:s22+s10], $0x4F00, $0x38;
	[tilespmem:$0x17E00] =	vst v63  }
0xbf: {  	_ =	swait.ge [sflag:s20], $0x4F00  }
0xc0: {  	[sflag:s20] =	ssyncset.done $0x0  }
0xc1: {  	s22 =	sor.u32 $0x1C03, s19;
	[sflag:s20] =	ssyncadd.s32 $0xFFFFB100  }
0xc2: {  	[spmem:s23], [sflag:s22] =	dma.local [hbm:s8], $0x1400  }
0xc3: {  	_ =	swait.ge [sflag:s20], $0x1400  }
0xc4: {  	[sflag:s20] =	ssyncset.done $0x0  }
0xc5: {  	[sflag:s20] =	ssyncadd.s32 $0xFFFFEC00  }
0xc6: {  	[bflag:$0x0] =	sbarrier.arrive $0xFFFF  }
0xc7: {  	[tilespmem:s25], [sflag:$0x1] =	stream.indirect.gather [hbm4b:s4+s24], $0x40, s10, s24, $0xb8;
	[tilespmem:$0x17E00] =	vst v63  }
0xc8: {  	s11 =	simm.s32 $0x80  }
0xc9: {  	[tilespmem:s26], [sflag:$0x2] =	stream.indirect.gather [hbm4b:s4+s24], $0x40, s11, s24, $0xb8;
	[tilespmem:$0x17E00] =	vst v63  }
0xca: {  	_ =	swait.ge [sflag:s28], $0x2000  }
0xcb: {  	[sflag:s28] =	ssyncset.done $0x0  }
0xcc: {  	s12 =	simm.s32 $0x4F00;
	[sflag:s28] =	ssyncadd.s32 $0xFFFFE000  }
0xcd: {  	[spmem:s1] =	stream.indirect.scatter.add.f32 [tilespmem:s25], [sflag:$0x3], $0x40, s12, s24, $0xb8;
	[tilespmem:$0x17E00] =	vst v63  }
0xce: {  	_ =	swait.ge [sflag:s20], $0x2000  }
0xcf: {  	[sflag:s20] =	ssyncset.done $0x0  }
0xd0: {  	s13 =	simm.s32 $0x100;
	[sflag:s20] =	ssyncadd.s32 $0xFFFFE000  }
0xd1: {  	[tilespmem:s25], [sflag:$0x1] =	stream.indirect.gather [hbm4b:s4+s24], $0x40, s13, s24, $0xb8;
	[tilespmem:$0x17E00] =	vst v63  }
0xd2: {  	_ =	swait.ge [sflag:s29], $0x2000  }
0xd3: {  	[sflag:s29] =	ssyncset.done $0x0  }
0xd4: {  	s21 =	simm.s32 $0x4F80;
	[sflag:s29] =	ssyncadd.s32 $0xFFFFE000  }
0xd5: {  	[spmem:s1] =	stream.indirect.scatter.add.f32 [tilespmem:s26], [sflag:$0x3], $0x40, s21, s24, $0xb8;
	[tilespmem:$0x17E00] =	vst v63  }
0xd6: {  	_ =	swait.ge [sflag:s20], $0x2000  }
0xd7: {  	s10 =	simm.s32 $0x800;
	s21 =	simm.s32 $0x100;
	[sflag:s20] =	ssyncset.done $0x0  }
.LBB2_3:
0xd8: {  	s12 =	sadd.s32 $0x80, s21  }
0xd9: {  	[sflag:s20] =	ssyncadd.s32 $0xFFFFE000;
	s13 =	smov.u32 s10;
	s11 =	sadd.s32 $0x400, s10  }
0xda: {  	[tilespmem:s26], [sflag:$0x2] =	stream.indirect.gather [hbm4b:s4+s24], $0x40, s12, s24, $0xb8;
	[tilespmem:$0x17E00] =	vst v63  }
0xdb: {  	p1 =	sne.s32 s10, $0x13400;
	_ =	swait.ge [sflag:s28], $0x2000  }
0xdc: {  	[sflag:s28] =	ssyncset.done $0x0  }
0xdd: {  	s10 =	sadd.s32 $0x4F00, s21;
	[sflag:s28] =	ssyncadd.s32 $0xFFFFE000  }
0xde: {  	[spmem:s1] =	stream.indirect.scatter.add.f32 [tilespmem:s25], [sflag:$0x3], $0x40, s10, s24, $0xb8;
	[tilespmem:$0x17E00] =	vst v63  }
0xdf: {  	_ =	swait.ge [sflag:s20], $0x2000  }
0xe0: {  	[sflag:s20] =	ssyncset.done $0x0  }
0xe1: {  	s10 =	sadd.s32 $0x100, s21;
	[sflag:s20] =	ssyncadd.s32 $0xFFFFE000  }
0xe2: {  	[tilespmem:s25], [sflag:$0x1] =	stream.indirect.gather [hbm4b:s4+s24], $0x40, s10, s24, $0xb8;
	[tilespmem:$0x17E00] =	vst v63  }
0xe3: {  	_ =	swait.ge [sflag:s29], $0x2000  }
.Ltmp6:
0xe4: {  	[sflag:s29] =	ssyncset.done $0x0;
	(pc) =	sbr.rel @p1 .LBB2_3-.Ltmp6, $4  }
0xe5: {  	s10 =	sadd.s32 $0x4F80, s21;
	[sflag:s29] =	ssyncadd.s32 $0xFFFFE000  }
0xe6: {  	[spmem:s1] =	stream.indirect.scatter.add.f32 [tilespmem:s26], [sflag:$0x3], $0x40, s10, s24, $0xb8;
	[tilespmem:$0x17E00] =	vst v63  }
0xe7: {  	_ =	swait.ge [sflag:s20], $0x2000  }
0xe8: {  	s21 =	sshra.s32 s13, $0x2;
	s10 =	smov.u32 s11;
	[sflag:s20] =	ssyncset.done $0x0  }
0xe9: {  	s10 =	sadd.s32 $0x80, s21;
	[sflag:s20] =	ssyncadd.s32 $0xFFFFE000  }
0xea: {  	[tilespmem:s26], [sflag:$0x2] =	stream.indirect.gather [hbm4b:s4+s24], $0x40, s10, s24, $0xb8;
	[tilespmem:$0x17E00] =	vst v63  }
0xeb: {  	_ =	swait.ge [sflag:s28], $0x2000  }
0xec: {  	[sflag:s28] =	ssyncset.done $0x0  }
0xed: {  	s11 =	sadd.s32 $0x4F00, s21;
	[sflag:s28] =	ssyncadd.s32 $0xFFFFE000  }
0xee: {  	[spmem:s1] =	stream.indirect.scatter.add.f32 [tilespmem:s25], [sflag:$0x3], $0x40, s11, s24, $0xb8;
	[tilespmem:$0x17E00] =	vst v63  }
0xef: {  	_ =	swait.ge [sflag:s20], $0x2000  }
0xf0: {  	[sflag:s20] =	ssyncset.done $0x0  }
0xf1: {  	s12 =	sadd.s32 $0x100, s21;
	[sflag:s20] =	ssyncadd.s32 $0xFFFFE000  }
0xf2: {  	[tilespmem:s25], [sflag:$0x1] =	stream.indirect.gather [hbm4b:s4+s24], $0x40, s12, s24, $0xb8;
	[tilespmem:$0x17E00] =	vst v63  }
0xf3: {  	_ =	swait.ge [sflag:s29], $0x2000  }
0xf4: {  	[sflag:s29] =	ssyncset.done $0x0  }
0xf5: {  	s13 =	sadd.s32 $0x4F80, s21;
	[sflag:s29] =	ssyncadd.s32 $0xFFFFE000  }
0xf6: {  	[spmem:s1] =	stream.indirect.scatter.add.f32 [tilespmem:s26], [sflag:$0x3], $0x40, s13, s24, $0xb8;
	[tilespmem:$0x17E00] =	vst v63  }
0xf7: {  	_ =	swait.ge [sflag:s20], $0x2000  }
0xf8: {  	[sflag:s20] =	ssyncset.done $0x0  }
0xf9: {  	[sflag:s20] =	ssyncadd.s32 $0xFFFFE000  }
0xfa: {  	[tilespmem:s26], [sflag:$0x2] =	stream.indirect.gather [hbm4b:s4+s24], $0x40, s30, s24, $0xb8;
	[tilespmem:$0x17E00] =	vst v63  }
0xfb: {  	_ =	swait.ge [sflag:s28], $0x2000  }
0xfc: {  	[sflag:s28] =	ssyncset.done $0x0  }
0xfd: {  	[sflag:s28] =	ssyncadd.s32 $0xFFFFE000  }
0xfe: {  	[spmem:s1] =	stream.indirect.scatter.add.f32 [tilespmem:s25], [sflag:$0x3], $0x40, s31, s24, $0xb8;
	[tilespmem:$0x17E00] =	vst v63  }
0xff: {  	_ =	swait.ge [sflag:s20], $0x2000  }
0x100: {  	[sflag:s20] =	ssyncset.done $0x0  }
0x101: {  	[sflag:s20] =	ssyncadd.s32 $0xFFFFE000  }
0x102: {  	_ =	swait.ge [sflag:s29], $0x2000  }
0x103: {  	[sflag:s29] =	ssyncset.done $0x0  }
0x104: {  	[sflag:s29] =	ssyncadd.s32 $0xFFFFE000  }
0x105: {  	[spmem:s1] =	stream.indirect.scatter.add.f32 [tilespmem:s26], [sflag:$0x3], $0x40, s0, s24, $0xb8;
	[tilespmem:$0x17E00] =	vst v63  }
0x106: {  	_ =	swait.ge [sflag:s20], $0x2000  }
0x107: {  	[sflag:s20] =	ssyncset.done $0x0  }
0x108: {  	[sflag:s20] =	ssyncadd.s32 $0xFFFFE000  }
0x109: {  	[bflag:$0x0] =	sbarrier.arrive $0xFFFF  }
0x10a: {  	[hbm:s14], [sflag:s22] =	dma.local [spmem:s23], $0x1400  }
0x10b: {  	_ =	swait.ge [sflag:s20], $0x1400  }
0x10c: {  	[sflag:s20] =	ssyncset.done $0x0  }
0x10d: {  	[sflag:s20] =	ssyncadd.s32 $0xFFFFEC00  }
0x10e: {  	[bflag:$0x0] =	sbarrier.arrive $0xFFFF  }
0x10f: {  	[spmem:s23], [sflag:s22] =	dma.local [hbm:s8], $0x1400  }
0x110: {  	_ =	swait.ge [sflag:s20], $0x1400  }
0x111: {  	[sflag:s20] =	ssyncset.done $0x0  }
0x112: {  	[sflag:s20] =	ssyncadd.s32 $0xFFFFEC00  }
0x113: {  	s21 =	simm.s32 $0x0;
	[bflag:$0x0] =	sbarrier.arrive $0xFFFF  }
0x114: {  	[tilespmem:s25], [sflag:$0x1] =	stream.indirect.gather [hbm4b:s5+s24], $0x40, s21, s24, $0xb8;
	[tilespmem:$0x17E00] =	vst v63  }
0x115: {  	s11 =	simm.s32 $0x80  }
0x116: {  	[tilespmem:s26], [sflag:$0x2] =	stream.indirect.gather [hbm4b:s5+s24], $0x40, s11, s24, $0xb8;
	[tilespmem:$0x17E00] =	vst v63  }
0x117: {  	_ =	swait.ge [sflag:s28], $0x2000  }
0x118: {  	[sflag:s28] =	ssyncset.done $0x0  }
0x119: {  	s12 =	simm.s32 $0x4F00;
	[sflag:s28] =	ssyncadd.s32 $0xFFFFE000  }
0x11a: {  	[spmem:s1] =	stream.indirect.scatter.add.f32 [tilespmem:s25], [sflag:$0x3], $0x40, s12, s24, $0xb8;
	[tilespmem:$0x17E00] =	vst v63  }
0x11b: {  	_ =	swait.ge [sflag:s20], $0x2000  }
0x11c: {  	[sflag:s20] =	ssyncset.done $0x0  }
0x11d: {  	s13 =	simm.s32 $0x100;
	[sflag:s20] =	ssyncadd.s32 $0xFFFFE000  }
0x11e: {  	[tilespmem:s25], [sflag:$0x1] =	stream.indirect.gather [hbm4b:s5+s24], $0x40, s13, s24, $0xb8;
	[tilespmem:$0x17E00] =	vst v63  }
0x11f: {  	_ =	swait.ge [sflag:s29], $0x2000  }
0x120: {  	[sflag:s29] =	ssyncset.done $0x0  }
0x121: {  	s21 =	simm.s32 $0x4F80;
	[sflag:s29] =	ssyncadd.s32 $0xFFFFE000  }
0x122: {  	[spmem:s1] =	stream.indirect.scatter.add.f32 [tilespmem:s26], [sflag:$0x3], $0x40, s21, s24, $0xb8;
	[tilespmem:$0x17E00] =	vst v63  }
0x123: {  	_ =	swait.ge [sflag:s20], $0x2000  }
0x124: {  	s10 =	simm.s32 $0x800;
	s21 =	simm.s32 $0x100;
	[sflag:s20] =	ssyncset.done $0x0  }
.LBB2_5:
0x125: {  	s11 =	sadd.s32 $0x80, s21  }
0x126: {  	[sflag:s20] =	ssyncadd.s32 $0xFFFFE000;
	s12 =	smov.u32 s10;
	s13 =	sadd.s32 $0x400, s10  }
0x127: {  	[tilespmem:s26], [sflag:$0x2] =	stream.indirect.gather [hbm4b:s5+s24], $0x40, s11, s24, $0xb8;
	[tilespmem:$0x17E00] =	vst v63  }
0x128: {  	p1 =	sne.s32 s10, $0x13400;
	_ =	swait.ge [sflag:s28], $0x2000  }
0x129: {  	[sflag:s28] =	ssyncset.done $0x0  }
0x12a: {  	s10 =	sadd.s32 $0x4F00, s21;
	[sflag:s28] =	ssyncadd.s32 $0xFFFFE000  }
0x12b: {  	[spmem:s1] =	stream.indirect.scatter.add.f32 [tilespmem:s25], [sflag:$0x3], $0x40, s10, s24, $0xb8;
	[tilespmem:$0x17E00] =	vst v63  }
0x12c: {  	_ =	swait.ge [sflag:s20], $0x2000  }
0x12d: {  	[sflag:s20] =	ssyncset.done $0x0  }
0x12e: {  	s10 =	sadd.s32 $0x100, s21;
	[sflag:s20] =	ssyncadd.s32 $0xFFFFE000  }
0x12f: {  	[tilespmem:s25], [sflag:$0x1] =	stream.indirect.gather [hbm4b:s5+s24], $0x40, s10, s24, $0xb8;
	[tilespmem:$0x17E00] =	vst v63  }
0x130: {  	_ =	swait.ge [sflag:s29], $0x2000  }
.Ltmp7:
0x131: {  	[sflag:s29] =	ssyncset.done $0x0;
	(pc) =	sbr.rel @p1 .LBB2_5-.Ltmp7, $4  }
0x132: {  	s10 =	sadd.s32 $0x4F80, s21;
	[sflag:s29] =	ssyncadd.s32 $0xFFFFE000  }
0x133: {  	[spmem:s1] =	stream.indirect.scatter.add.f32 [tilespmem:s26], [sflag:$0x3], $0x40, s10, s24, $0xb8;
	[tilespmem:$0x17E00] =	vst v63  }
0x134: {  	_ =	swait.ge [sflag:s20], $0x2000  }
0x135: {  	s21 =	sshra.s32 s12, $0x2;
	s10 =	smov.u32 s13;
	[sflag:s20] =	ssyncset.done $0x0  }
0x136: {  	s10 =	sadd.s32 $0x80, s21;
	[sflag:s20] =	ssyncadd.s32 $0xFFFFE000  }
0x137: {  	[tilespmem:s26], [sflag:$0x2] =	stream.indirect.gather [hbm4b:s5+s24], $0x40, s10, s24, $0xb8;
	[tilespmem:$0x17E00] =	vst v63  }
0x138: {  	_ =	swait.ge [sflag:s28], $0x2000  }
0x139: {  	[sflag:s28] =	ssyncset.done $0x0  }
0x13a: {  	s12 =	sadd.s32 $0x4F00, s21;
	[sflag:s28] =	ssyncadd.s32 $0xFFFFE000  }
0x13b: {  	[spmem:s1] =	stream.indirect.scatter.add.f32 [tilespmem:s25], [sflag:$0x3], $0x40, s12, s24, $0xb8;
	[tilespmem:$0x17E00] =	vst v63  }
0x13c: {  	_ =	swait.ge [sflag:s20], $0x2000  }
0x13d: {  	[sflag:s20] =	ssyncset.done $0x0  }
0x13e: {  	s13 =	sadd.s32 $0x100, s21;
	[sflag:s20] =	ssyncadd.s32 $0xFFFFE000  }
0x13f: {  	[tilespmem:s25], [sflag:$0x1] =	stream.indirect.gather [hbm4b:s5+s24], $0x40, s13, s24, $0xb8;
	[tilespmem:$0x17E00] =	vst v63  }
0x140: {  	_ =	swait.ge [sflag:s29], $0x2000  }
0x141: {  	[sflag:s29] =	ssyncset.done $0x0  }
0x142: {  	s21 =	sadd.s32 $0x4F80, s21;
	[sflag:s29] =	ssyncadd.s32 $0xFFFFE000  }
0x143: {  	[spmem:s1] =	stream.indirect.scatter.add.f32 [tilespmem:s26], [sflag:$0x3], $0x40, s21, s24, $0xb8;
	[tilespmem:$0x17E00] =	vst v63  }
.Ltmp8:
0x144: {  	_ = 	snop;
	(pc) =	sbr.rel .LBB2_12-.Ltmp8, $4  }
0x145: {  	_ =	swait.ge [sflag:s20], $0x2000  }
0x146: {  	[sflag:s20] =	ssyncset.done $0x0  }
0x147: {  	s21 =	rddreg [dreg:$0x3];
	[sflag:s20] =	ssyncadd.s32 $0xFFFFE000  }
0x148: {  	[tilespmem:s26], [sflag:$0x2] =	stream.indirect.gather [hbm4b:s5+s24], $0x40, s30, s24, $0xb8;
	[tilespmem:$0x17E00] =	vst v63  }
.LBB2_13:
0x149: {  	_ =	sfence.sel $0x180000  }
0x14a: {  	[bflag:$0x0] =	sbarrier.arrive $0xFFFF  }
0x14b: {  	_ =	strace $0x9000004D  }
0x14c: {  	s0 =	stileid.u32;
	[bflag:$0x2] =	sbarrier.arrive $0xFFFF  }
0x14d: {  	p0 =	sne.s32 s0, $0x0;
	s0 =	rddreg [dreg:$0x2]  }
0x14e: {  	s0 =	sadd.s32 @!p0 $0x100000, s0  }
0x14f: {  	[sflag:s0] =	ssyncadd.tile.s32 @!p0 $0x1;
	_ =	shalt  }
.Lfunc_end2:
_tile_overlayer_lowered:
.L_overlay_start_2:
0x150: {  	(tag) =	ssettag $0x2  }
0x151: {  	s0 =	rddreg [dreg:$0x0];
	s2 =	stileid.u32  }
0x152: {  	s1 =	rddreg [dreg:$0x1];
	p0 =	sne.s32 s2, $0x0  }
0x153: {  	s3 =	rddreg [dreg:$0x2];
	[bflag:$0x3] =	sbarrier.arrive $0xFFFF;
	s2 =	simm.s32 @!p0 $0x1C03  }
0x154: {  	[timem:s3], [sflag:s2] =	dma.local @!p0 [hbm:s0], s1  }
0x155: {  	s0 =	simm.s32 @!p0 $0x3  }
0x156: {  	_ =	swait.ge @!p0 [sflag:s0], s1  }
0x157: {  	s1 =	ssub.s32 @!p0 $0x0, s1;
	[sflag:s0] =	ssyncset.done @!p0 $0x0  }
0x158: {  	[sflag:s0] =	ssyncadd.s32 @!p0 s1  }
0x159: {  	[bflag:$0x3] =	sbarrier.arrive $0xFFFF  }
0x15a: {  	_ =	shalt  }

// kernel: kernel.20.cloned.1.call-start
scs
__scs_entry_jumppad:
0x0: {  	(pc) =	sbr.rel $0x88, $3  }
0x1: {  	(tag) =	ssettag $0x0;
	lr =	simm.s32 $0x1  }
0x2: {  	[smem:$0x3F8E] =	sst lr;
	_ =	strace $0xD0000000  }
0x3: {  	_ = 	snop  }
0x4: {  	_ = 	snop  }
0x5: {  	_ = 	snop  }
0x6: {  	_ = 	snop  }
0x7: {  	_ = 	snop  }
__scs_overlays_trampoline_lowered:
0x8: {  	[smem:$0x3F9D] =	sst s0  }
0x9: {  	[smem:$0x3F9E] =	sst s1  }
0xa: {  	[smem:$0x3F9F] =	sst s2  }
0xb: {  	[smem:$0x3FA0] =	sst s3  }
0xc: {  	[smem:$0x3FA1] =	sst s4  }
0xd: {  	[smem:$0x3FA2] =	sst s5  }
0xe: {  	[smem:$0x3FA3] =	sst s6  }
0xf: {  	[smem:$0x3FA4] =	sst s7  }
0x10: {  	[smem:$0x3FA5] =	sst s8  }
0x11: {  	[smem:$0x3FA6] =	sst s9;
	s0 =	simm.s32 @!p0 $0x0  }
0x12: {  	s1 =	sld [smem:$0x3F8C];
	s0 =	simm.s32 @p0 $0x1  }
0x13: {  	[smem:$0x3FA7] =	sst s0;
	s0 =	simm.s32 @!p1 $0x0  }
0x14: {  	s2 =	sld [smem:$0x3F8B];
	s0 =	simm.s32 @p1 $0x1  }
0x15: {  	[smem:$0x3FA8] =	sst s0;
	s0 =	simm.s32 @!p2 $0x0  }
0x16: {  	s3 =	sld [smem:$0x3FDB];
	s0 =	simm.s32 @p2 $0x1  }
0x17: {  	s4 =	simm.s32 $0x1BF5;
	[smem:$0x3FAA] =	sst s0  }
0x18: {  	s0 =	sld [smem:$0x3F8D];
	_ =	swait.ge [sflag:s4], $0x0  }
0x19: {  	s7 =	sld [smem:$0x3F8E]  }
0x1a: {  	s8 =	sadd.s32 $0xFFFFE003, lr  }
0x1b: {  	s9 =	sadd.s32 $0xFFFFFEF7, lr;
	s5 =	simm.s32 $0xFFFFFFFF;
	p2 =	slt.u32 s8, $0xFFFFF086  }
0x1c: {  	p1 =	slt.u32 s9, $0xF7A;
	s5 =	simm.s32 @!p2 $0x0  }
0x1d: {  	s5 =	simm.s32 @p1 $0x1;
	p0 =	seq.s32 s7, s2  }
0x1e: {  	s7 =	smul.u32 @!p0 $0xF7A, s2;
	p2 =	seq.s32 @!p0 s5, $0x0  }
0x1f: {  	s9 =	smul.u32 $0xF7A, s1;
	s8 =	simm.s32 @!p0 $0x1BF5;
	p2 =	por !p2, p0  }
0x20: {  	[sflag:s8] =	ssyncset.s32 @!p0 $0xFFFFF086;
	s6 =	sadd.s32 @!p0 s3, s7;
	s7 =	simm.s32 @!p0 $0x108  }
0x21: {  	s3 =	sadd.s32 s3, s9;
	s6 =	sadd.s32 @!p0 $0x88, s6;
	s7 =	simm.s32 @p2 $0x1082  }
0x22: {  	[simem:s7], [sflag:s8] =	dma.local @!p0 [hbm:s6], $0xF7A  }
0x23: {  	s9 =	sor.u32 $0xD0000000, s2;
	s6 =	simm.s32 $0x108;
	_ =	swait.ge @!p0 [sflag:s8], $0x0  }
0x24: {  	s3 =	sadd.s32 $0x88, s3;
	s6 =	simm.s32 @!p1 $0x1082;
	[sflag:s4] =	ssyncset.s32 $0xFFFFF086  }
0x25: {  	[simem:s6], [sflag:s4] =	dma.local [hbm:s3], $0xF7A  }
0x26: {  	[smem:$0x3F8E] =	sst s1;
	(tag) =	ssettag s2;
	_ =	strace s9  }
0x27: {  	s1 =	sld [smem:$0x3F9E]  }
0x28: {  	s2 =	sld [smem:$0x3F9F]  }
0x29: {  	s4 =	sld [smem:$0x3FA1]  }
0x2a: {  	p0 =	seq.s32 s5, $0x0;
	s5 =	sld [smem:$0x3FA2]  }
0x2b: {  	s6 =	sld [smem:$0x3FA3]  }
0x2c: {  	s7 =	sld [smem:$0x3FA4]  }
0x2d: {  	s3 =	simm.s32 $0x108;
	s8 =	sld [smem:$0x3FA5]  }
0x2e: {  	s3 =	simm.s32 @!p0 $0x1082;
	s9 =	sld [smem:$0x3FA6]  }
0x2f: {  	lr =	sadd.s32 s0, s3;
	s0 =	sld [smem:$0x3F9D]  }
0x30: {  	s3 =	sld [smem:$0x3FA0]  }
0x31: {  	[smem:$0x3FA9] =	sst s10  }
0x32: {  	s10 =	sld [smem:$0x3FA7];
	_ =	sdelay $0x3  }
0x33: {  	p0 =	seq.s32 s10, $0x1;
	s10 =	sld [smem:$0x3FA9];
	_ =	sdelay $0x3  }
0x34: {  	[smem:$0x3FA9] =	sst s10  }
0x35: {  	s10 =	sld [smem:$0x3FA8];
	_ =	sdelay $0x3  }
0x36: {  	p1 =	seq.s32 s10, $0x1;
	s10 =	sld [smem:$0x3FA9];
	_ =	sdelay $0x3  }
0x37: {  	[smem:$0x3FA9] =	sst s10  }
0x38: {  	s10 =	sld [smem:$0x3FAA]  }
0x39: {  	_ = 	snop;
	(pc) =	sbr.ind lr, $3  }
0x3a: {  	_ = 	snop  }
0x3b: {  	_ = 	snop  }
0x3c: {  	p2 =	seq.s32 s10, $0x1;
	s10 =	sld [smem:$0x3FA9]  }
0x3d: {  	_ =	shalt  }
0x3e: {  	_ =	shalt  }
0x3f: {  	_ =	shalt  }
0x40: {  	_ =	shalt  }
0x41: {  	_ =	shalt  }
0x42: {  	_ =	shalt  }
0x43: {  	_ =	shalt  }
0x44: {  	_ =	shalt  }
0x45: {  	_ =	shalt  }
0x46: {  	_ =	shalt  }
0x47: {  	_ =	shalt  }
0x48: {  	_ =	shalt  }
0x49: {  	_ =	shalt  }
0x4a: {  	_ =	shalt  }
0x4b: {  	_ =	shalt  }
0x4c: {  	_ =	shalt  }
0x4d: {  	_ =	shalt  }
0x4e: {  	_ =	shalt  }
0x4f: {  	_ =	shalt  }
0x50: {  	_ =	shalt  }
0x51: {  	_ =	shalt  }
0x52: {  	_ =	shalt  }
0x53: {  	_ =	shalt  }
0x54: {  	_ =	shalt  }
0x55: {  	_ =	shalt  }
0x56: {  	_ =	shalt  }
0x57: {  	_ =	shalt  }
0x58: {  	_ =	shalt  }
0x59: {  	_ =	shalt  }
0x5a: {  	_ =	shalt  }
0x5b: {  	_ =	shalt  }
0x5c: {  	_ =	shalt  }
0x5d: {  	_ =	shalt  }
0x5e: {  	_ =	shalt  }
0x5f: {  	_ =	shalt  }
0x60: {  	_ =	shalt  }
0x61: {  	_ =	shalt  }
0x62: {  	_ =	shalt  }
0x63: {  	_ =	shalt  }
0x64: {  	_ =	shalt  }
0x65: {  	_ =	shalt  }
0x66: {  	_ =	shalt  }
0x67: {  	_ =	shalt  }
0x68: {  	_ =	shalt  }
0x69: {  	_ =	shalt  }
0x6a: {  	_ =	shalt  }
0x6b: {  	_ =	shalt  }
0x6c: {  	_ =	shalt  }
0x6d: {  	_ =	shalt  }
0x6e: {  	_ =	shalt  }
0x6f: {  	_ =	shalt  }
0x70: {  	_ =	shalt  }
0x71: {  	_ =	shalt  }
0x72: {  	_ =	shalt  }
0x73: {  	_ =	shalt  }
0x74: {  	_ =	shalt  }
0x75: {  	_ =	shalt  }
0x76: {  	_ =	shalt  }
0x77: {  	_ =	shalt  }
0x78: {  	_ =	shalt  }
0x79: {  	_ =	shalt  }
0x7a: {  	_ =	shalt  }
0x7b: {  	_ =	shalt  }
0x7c: {  	_ =	shalt  }
0x7d: {  	_ =	shalt  }
0x7e: {  	_ =	shalt  }
0x7f: {  	_ =	shalt  }
0x80: {  	_ =	shalt  }
0x81: {  	_ =	shalt  }
0x82: {  	_ =	shalt  }
0x83: {  	_ =	shalt  }
0x84: {  	_ =	shalt  }
0x85: {  	_ =	shalt  }
0x86: {  	_ =	shalt  }
0x87: {  	_ =	shalt  }
.Lfunc_end0:
.L_simem_size_0:
called_computation.3_lowered:
.L_overlay_start_0:
0x88: {  	s2 =	sld [smem:$0x3FD9]  }
0x89: {  	s3 =	sld [smem:$0x3FFE];
	_ =	sdelay $0x1  }
0x8a: {  	s1 =	srdreg.scid  }
0x8b: {  	s0 =	sand.u32 $0x1, s1  }
0x8c: {  	s16 =	sshll.u32 s0, $0xA;
	s2 =	sadd.s32 s3, s2  }
0x8d: {  	s2 =	sadd.s32 s2, s16  }
0x8e: {  	[smem:$0x3FB5] =	sst s2  }
0x8f: {  	_ = 	snop  }
0x90: {  	(tm) =	ssettm $0x1  }
0x91: {  	s17 =	sld [smem:$0x3FFB];
	_ =	sdelay $0x3  }
0x92: {  	_ =	strace s17  }
0x93: {  	s2 =	sld [smem:$0x3FFC];
	_ =	sdelay $0x3  }
0x94: {  	_ =	strace s2  }
0x95: {  	s2 =	sld [smem:$0x3FFD];
	_ =	sdelay $0x3  }
0x96: {  	_ =	strace s2  }
0x97: {  	_ =	strace $0x8FFFFFFF  }
0x98: {  	s18 =	sld [smem:$0x3FDB];
	_ =	sdelay $0x1  }
0x99: {  	s19 =	simm.s32 $_scs_section_size  }
0x9a: {  	s4 =	simm.s32 $_size__tile_overlayer_lowered;
	s5 =	simm.s32 $_tile_overlayer_lowered  }
0x9b: {  	s22 =	simm.s32 $0x1BFF;
	s21 =	sshll.u32 s5, $0x1;
	s2 =	sadd.s32 s19, s18  }
0x9c: {  	s6 =	simm.s32 $0x0;
	s20 =	sshll.u32 s4, $0x1;
	s4 =	sadd.s32 s21, s2  }
0x9d: {  	[timem:s6], [sflag:s22] =	dma.local [hbm:s4], s20  }
0x9e: {  	_ =	swait.ge [sflag:s22], s20  }
0x9f: {  	s3 =	ssub.s32 $0x0, s20;
	[sflag:s22] =	ssyncset.done $0x0  }
0xa0: {  	[sflag:s22] =	ssyncadd.s32 s3;
	_ =	sdelay $0x1  }
0xa1: {  	s23 =	simm.s32 $0x1B8B  }
0xa2: {  	_ =	swait.ge [sflag:s23], $0x1  }
0xa3: {  	[sflag:s23] =	ssyncset.done $0x0  }
0xa4: {  	s25 =	simm.s32 $0x1B8E;
	s24 =	sld [smem:$0x3FFE];
	[sflag:s23] =	ssyncadd.s32 $0xFFFFFFFF  }
0xa5: {  	s26 =	simm.s32 $execute0_lowered;
	[smem:$0x3FD2] =	sst s25  }
0xa6: {  	s4 =	sshll.u32 s26, $0x1;
	_ =	strace $0x8000004F;
	[dreg:$0x1] =	wrdreg $0xFFFFFFFF  }
0xa7: {  	s28 =	simm.s32 $_size_execute0_lowered;
	s2 =	sadd.s32 s2, s4;
	[dreg:$0x0] =	wrdreg $0x0  }
0xa8: {  	s4 =	sshll.u32 s28, $0x1;
	[dreg:$0x2] =	wrdreg s2  }
0xa9: {  	[dreg:$0x3] =	wrdreg s4  }
0xaa: {  	[dreg:$0x4] =	wrdreg $0xC0  }
0xab: {  	_ =	task [dreg:s6], $0x5FFFF  }
0xac: {  	[dreg:$0x1] =	wrdreg $0xFFFFFFFF  }
0xad: {  	[dreg:$0x0] =	wrdreg $0x60  }
0xae: {  	[dreg:$0x2] =	wrdreg s24  }
0xaf: {  	[dreg:$0x3] =	wrdreg $0xDE000  }
0xb0: {  	[dreg:$0x4] =	wrdreg $0x9  }
0xb1: {  	_ =	task.clear_ibuf [dreg:s6], $0x5FFFF;
	_ =	strace $0x9000004F  }
0xb2: {  	s29 =	simm.s32 $0x9;
	_ =	strace $0x80000051  }
0xb3: {  	_ =	swait.ge [sflag:s29], $0x1  }
0xb4: {  	[sflag:s29] =	ssyncadd.s32 $0xFFFFFFFF  }
0xb5: {  	_ =	strace $0x90000051  }
0xb6: {  	_ =	sfence  }
0xb7: {  	s30 =	sld [smem:$0x0];
	_ =	sdelay $0x2  }
0xb8: {  	s31 =	sshll.u32 s1, $0xD;
	s1 =	sshrl.u32 s1, $0x2  }
0xb9: {  	s3 =	sand.u32 $0x4000, s31;
	s1 =	sadd.s32 s1, s30  }
0xba: {  	s0 =	sor.u32 s3, s0;
	s1 =	sshll.u32 s1, $0x11  }
0xbb: {  	s0 =	sor.u32 s1, s0  }
0xbc: {  	s0 =	sadd.s32 $0x8F2B, s0  }
0xbd: {  	[sflag:s0] =	ssyncadd.remote.s32 $0x1  }
0xbe: {  	_ =	sfence.sel $0xFFFF  }
0xbf: {  	[dreg:$0x0] =	wrdreg $0xFFFFFFFF;
	(pc) =	sbr.abs _section_cstart, $3  }
0xc0: {  	[dreg:$0x1] =	wrdreg $0xFFFFFFFF  }
0xc1: {  	_ =	task.clear_ibuf [dreg:s6], $0x2FFFF;
	_ =	strace $0x9FFFFFFF  }
0xc2: {  	(tm) =	ssettm $0x7FFFFFFF  }
0xc3: {  	_ =	shalt  }
tec
execute0_lowered:
.L_overlay_start_1:
0x0: {  	(tag) =	ssettag $0x1  }
0x1: {  	s0 =	rddreg [dreg:$0x0]  }
0x2: {  	s1 =	rddreg [dreg:$0x1];
	s3 =	simm.s32 $0x0;
	s11 =	stileid.u32  }
0x3: {  	s8 =	srdreg.scid;
	s20 =	simm.s32 $0x3;
	s28 =	simm.s32 $0x1  }
0x4: {  	s29 =	simm.s32 $0x2;
	s30 =	simm.s32 $0x4E80;
	s31 =	simm.s32 $0x9D00  }
0x5: {  	[smem:$0x7FF] =	sst s3;
	s4 =	sadd.s32 $0xA3400, s0;
	s2 =	smul.u32 $0x9E0, s11  }
0x6: {  	s5 =	sadd.s32 $0x8FA00, s0;
	s6 =	sadd.s32 $0x7C000, s0;
	s10 =	smul.u32 $0xA000, s11  }
0x7: {  	s7 =	sadd.s32 $0xB8200, s0;
	s12 =	sand.u32 $0x1, s8;
	s8 =	sadd.s32 $0xB6E00, s0  }
0x8: {  	s14 =	sadd.s32 $0xF3C00, s0;
	s19 =	sshll.u32 s11, $0x6;
	_ =	strace $0x80000050  }
0x9: {  	s13 =	ssub.s32 $0x2, s12;
	[dreg:$0x3] =	wrdreg s14;
	p0 =	seq.s32 s12, $0x1  }
0xa: {  	s2 =	sadd.s32 s2, s0;
	s9 =	sshrl.u32 s10, $0x3;
	s23 =	sshrl.u32 s13, $0x1  }
0xb: {  	s10 =	sadd.s32 s10, s1;
	s17 =	sadd.s32 s9, s0;
	s0 =	sadd.s32 $0xCBC00, s0  }
0xc: {  	s24 =	ssub.s32 s13, s23;
	s25 =	sadd.s32 $0x23E00, s2;
	s26 =	sadd.s32 $0x10200, s2  }
.Ltmp0:
0xd: {  	s15 =	sadd.s32 $0x6400, s2;
	[dreg:$0x4] =	wrdreg s0;
	(pc) =	sbr.rel .LBB2_1-.Ltmp0, $4  }
0xe: {  	s16 =	sadd.s32 $0x1A000, s2;
	s2 =	sor.u32 $0x1C03, s19;
	[dreg:$0x5] =	wrdreg s25  }
0xf: {  	s23 =	sshrl.u32 s10, $0x3;
	[dreg:$0x6] =	wrdreg s26;
	s14 =	sadd.s32 $0x107C00, s17  }
0x10: {  	s17 =	sadd.s32 $0xDFC00, s17;
	s18 =	smax.u32 s24, $0x1;
	s24 =	simm.s32 $0x80  }
0x11: {  	s25 =	simm.s32 $0x9E00;
	s26 =	simm.s32 $0xBE00;
	s0 =	simm.s32 $0x9D80  }
.LBB2_11:
0x12: {  	s10 =	sadd.s32 $0x80, s21;
	[sflag:s20] =	ssyncadd.s32 $0xFFFFE000  }
0x13: {  	[tilespmem:s26], [sflag:$0x2] =	stream.indirect.gather [hbm4b:s7+s24], $0x40, s10, s24, $0xb8;
	[tilespmem:$0x17E00] =	vst v63  }
0x14: {  	_ =	swait.ge [sflag:s28], $0x2000  }
0x15: {  	[sflag:s28] =	ssyncset.done $0x0  }
0x16: {  	s12 =	sadd.s32 $0x4F00, s21;
	[sflag:s28] =	ssyncadd.s32 $0xFFFFE000  }
0x17: {  	[spmem:s1] =	stream.indirect.scatter.add.f32 [tilespmem:s25], [sflag:$0x3], $0x40, s12, s24, $0xb8;
	[tilespmem:$0x17E00] =	vst v63  }
0x18: {  	_ =	swait.ge [sflag:s20], $0x2000  }
0x19: {  	[sflag:s20] =	ssyncset.done $0x0  }
0x1a: {  	s13 =	sadd.s32 $0x100, s21;
	[sflag:s20] =	ssyncadd.s32 $0xFFFFE000  }
0x1b: {  	[tilespmem:s25], [sflag:$0x1] =	stream.indirect.gather [hbm4b:s7+s24], $0x40, s13, s24, $0xb8;
	[tilespmem:$0x17E00] =	vst v63  }
0x1c: {  	_ =	swait.ge [sflag:s29], $0x2000  }
0x1d: {  	[sflag:s29] =	ssyncset.done $0x0  }
0x1e: {  	s22 =	sadd.s32 $0x4F80, s21;
	[sflag:s29] =	ssyncadd.s32 $0xFFFFE000  }
0x1f: {  	[spmem:s1] =	stream.indirect.scatter.add.f32 [tilespmem:s26], [sflag:$0x3], $0x40, s22, s24, $0xb8;
	[tilespmem:$0x17E00] =	vst v63  }
0x20: {  	_ =	swait.ge [sflag:s20], $0x2000  }
0x21: {  	[sflag:s20] =	ssyncset.done $0x0  }
0x22: {  	s22 =	smov.u32 s2;
	s21 =	rddreg [dreg:$0x4];
	[sflag:s20] =	ssyncadd.s32 $0xFFFFE000  }
0x23: {  	[tilespmem:s26], [sflag:$0x2] =	stream.indirect.gather [hbm4b:s7+s24], $0x40, s30, s24, $0xb8;
	[tilespmem:$0x17E00] =	vst v63  }
.LBB2_12:
0x24: {  	_ =	swait.ge [sflag:s28], $0x2000  }
0x25: {  	[sflag:s28] =	ssyncset.done $0x0  }
0x26: {  	[sflag:s28] =	ssyncadd.s32 $0xFFFFE000  }
0x27: {  	[spmem:s1] =	stream.indirect.scatter.add.f32 [tilespmem:s25], [sflag:$0x3], $0x40, s31, s24, $0xb8;
	[tilespmem:$0x17E00] =	vst v63  }
0x28: {  	_ =	swait.ge [sflag:s20], $0x2000  }
0x29: {  	[sflag:s20] =	ssyncset.done $0x0  }
0x2a: {  	[sflag:s20] =	ssyncadd.s32 $0xFFFFE000  }
0x2b: {  	_ =	swait.ge [sflag:s29], $0x2000  }
0x2c: {  	[sflag:s29] =	ssyncset.done $0x0  }
0x2d: {  	[sflag:s29] =	ssyncadd.s32 $0xFFFFE000  }
0x2e: {  	[spmem:s1] =	stream.indirect.scatter.add.f32 [tilespmem:s26], [sflag:$0x3], $0x40, s0, s24, $0xb8;
	[tilespmem:$0x17E00] =	vst v63  }
0x2f: {  	_ =	swait.ge [sflag:s20], $0x2000  }
0x30: {  	[sflag:s20] =	ssyncset.done $0x0  }
0x31: {  	s3 =	sadd.s32 $0x1, s3;
	[sflag:s20] =	ssyncadd.s32 $0xFFFFE000  }
0x32: {  	s10 =	sadd.s32 s21, s9;
	p1 =	sne.s32 s3, s18;
	[bflag:$0x0] =	sbarrier.arrive $0xFFFF  }
0x33: {  	[hbm:s10], [sflag:s22] =	dma.local [spmem:s23], $0x1400  }
.Ltmp1:
0x34: {  	_ =	swait.ge [sflag:s20], $0x1400;
	(pc) =	sbr.rel @!p1 .LBB2_13-.Ltmp1, $3  }
0x35: {  	[sflag:s20] =	ssyncset.done $0x0  }
0x36: {  	[sflag:s20] =	ssyncadd.s32 $0xFFFFEC00  }
0x37: {  	[bflag:$0x0] =	sbarrier.arrive $0xFFFF;
	_ =	sdelay $0x1  }
.LBB2_1:
.Ltmp2:
0x38: {  	(pc) =	sbr.rel @!p0 .LBB2_2-.Ltmp2, $2  }
0x39: {  	_ =	sdelay $0x2  }
0x3a: {  	s10 =	simm.s32 $0x0  }
0x3b: {  	[tilespmem:s10], [sflag:$0x3] =	stream.linear.gather [hbm4b:s15+s10], $0x4F00, $0x38;
	[tilespmem:$0x17E00] =	vst v63  }
0x3c: {  	_ =	swait.ge [sflag:s20], $0x4F00  }
0x3d: {  	[sflag:s20] =	ssyncset.done $0x0  }
0x3e: {  	s11 =	simm.s32 $0x4F00;
	[sflag:s20] =	ssyncadd.s32 $0xFFFFB100  }
0x3f: {  	[tilespmem:s11], [sflag:$0x3] =	stream.linear.gather [hbm4b:s16+s10], $0x4F00, $0x38;
	[tilespmem:$0x17E00] =	vst v63  }
0x40: {  	_ =	swait.ge [sflag:s20], $0x4F00  }
0x41: {  	[sflag:s20] =	ssyncset.done $0x0  }
0x42: {  	[sflag:s20] =	ssyncadd.s32 $0xFFFFB100  }
0x43: {  	[spmem:s23], [sflag:s2] =	dma.local [hbm:s8], $0x1400  }
0x44: {  	_ =	swait.ge [sflag:s20], $0x1400  }
0x45: {  	[sflag:s20] =	ssyncset.done $0x0  }
0x46: {  	[sflag:s20] =	ssyncadd.s32 $0xFFFFEC00  }
0x47: {  	[bflag:$0x0] =	sbarrier.arrive $0xFFFF  }
0x48: {  	[tilespmem:s25], [sflag:$0x1] =	stream.indirect.gather [hbm4b:s6+s24], $0x40, s10, s24, $0xb8;
	[tilespmem:$0x17E00] =	vst v63  }
0x49: {  	s12 =	simm.s32 $0x80  }
0x4a: {  	[tilespmem:s26], [sflag:$0x2] =	stream.indirect.gather [hbm4b:s6+s24], $0x40, s12, s24, $0xb8;
	[tilespmem:$0x17E00] =	vst v63  }
0x4b: {  	_ =	swait.ge [sflag:s28], $0x2000  }
0x4c: {  	[sflag:s28] =	ssyncset.done $0x0  }
0x4d: {  	s13 =	simm.s32 $0x4F00;
	[sflag:s28] =	ssyncadd.s32 $0xFFFFE000  }
0x4e: {  	[spmem:s1] =	stream.indirect.scatter.add.f32 [tilespmem:s25], [sflag:$0x3], $0x40, s13, s24, $0xb8;
	[tilespmem:$0x17E00] =	vst v63  }
0x4f: {  	_ =	swait.ge [sflag:s20], $0x2000  }
0x50: {  	[sflag:s20] =	ssyncset.done $0x0  }
0x51: {  	s21 =	simm.s32 $0x100;
	[sflag:s20] =	ssyncadd.s32 $0xFFFFE000  }
0x52: {  	[tilespmem:s25], [sflag:$0x1] =	stream.indirect.gather [hbm4b:s6+s24], $0x40, s21, s24, $0xb8;
	[tilespmem:$0x17E00] =	vst v63  }
0x53: {  	_ =	swait.ge [sflag:s29], $0x2000  }
0x54: {  	[sflag:s29] =	ssyncset.done $0x0  }
0x55: {  	s22 =	simm.s32 $0x4F80;
	[sflag:s29] =	ssyncadd.s32 $0xFFFFE000  }
0x56: {  	[spmem:s1] =	stream.indirect.scatter.add.f32 [tilespmem:s26], [sflag:$0x3], $0x40, s22, s24, $0xb8;
	[tilespmem:$0x17E00] =	vst v63  }
0x57: {  	_ =	swait.ge [sflag:s20], $0x2000  }
0x58: {  	s10 =	simm.s32 $0x800;
	s21 =	simm.s32 $0x100;
	[sflag:s20] =	ssyncset.done $0x0  }
.LBB2_8:
0x59: {  	s11 =	sadd.s32 $0x80, s21  }
0x5a: {  	[sflag:s20] =	ssyncadd.s32 $0xFFFFE000;
	s12 =	smov.u32 s10;
	s13 =	sadd.s32 $0x400, s10  }
0x5b: {  	[tilespmem:s26], [sflag:$0x2] =	stream.indirect.gather [hbm4b:s6+s24], $0x40, s11, s24, $0xb8;
	[tilespmem:$0x17E00] =	vst v63  }
0x5c: {  	p1 =	sne.s32 s10, $0x13400;
	_ =	swait.ge [sflag:s28], $0x2000  }
0x5d: {  	[sflag:s28] =	ssyncset.done $0x0  }
0x5e: {  	s10 =	sadd.s32 $0x4F00, s21;
	[sflag:s28] =	ssyncadd.s32 $0xFFFFE000  }
0x5f: {  	[spmem:s1] =	stream.indirect.scatter.add.f32 [tilespmem:s25], [sflag:$0x3], $0x40, s10, s24, $0xb8;
	[tilespmem:$0x17E00] =	vst v63  }
0x60: {  	_ =	swait.ge [sflag:s20], $0x2000  }
0x61: {  	[sflag:s20] =	ssyncset.done $0x0  }
0x62: {  	s10 =	sadd.s32 $0x100, s21;
	[sflag:s20] =	ssyncadd.s32 $0xFFFFE000  }
0x63: {  	[tilespmem:s25], [sflag:$0x1] =	stream.indirect.gather [hbm4b:s6+s24], $0x40, s10, s24, $0xb8;
	[tilespmem:$0x17E00] =	vst v63  }
0x64: {  	_ =	swait.ge [sflag:s29], $0x2000  }
.Ltmp3:
0x65: {  	[sflag:s29] =	ssyncset.done $0x0;
	(pc) =	sbr.rel @p1 .LBB2_8-.Ltmp3, $4  }
0x66: {  	s10 =	sadd.s32 $0x4F80, s21;
	[sflag:s29] =	ssyncadd.s32 $0xFFFFE000  }
0x67: {  	[spmem:s1] =	stream.indirect.scatter.add.f32 [tilespmem:s26], [sflag:$0x3], $0x40, s10, s24, $0xb8;
	[tilespmem:$0x17E00] =	vst v63  }
0x68: {  	_ =	swait.ge [sflag:s20], $0x2000  }
0x69: {  	s21 =	sshra.s32 s12, $0x2;
	s10 =	smov.u32 s13;
	[sflag:s20] =	ssyncset.done $0x0  }
0x6a: {  	s10 =	sadd.s32 $0x80, s21;
	[sflag:s20] =	ssyncadd.s32 $0xFFFFE000  }
0x6b: {  	[tilespmem:s26], [sflag:$0x2] =	stream.indirect.gather [hbm4b:s6+s24], $0x40, s10, s24, $0xb8;
	[tilespmem:$0x17E00] =	vst v63  }
0x6c: {  	_ =	swait.ge [sflag:s28], $0x2000  }
0x6d: {  	[sflag:s28] =	ssyncset.done $0x0  }
0x6e: {  	s12 =	sadd.s32 $0x4F00, s21;
	[sflag:s28] =	ssyncadd.s32 $0xFFFFE000  }
0x6f: {  	[spmem:s1] =	stream.indirect.scatter.add.f32 [tilespmem:s25], [sflag:$0x3], $0x40, s12, s24, $0xb8;
	[tilespmem:$0x17E00] =	vst v63  }
0x70: {  	_ =	swait.ge [sflag:s20], $0x2000  }
0x71: {  	[sflag:s20] =	ssyncset.done $0x0  }
0x72: {  	s13 =	sadd.s32 $0x100, s21;
	[sflag:s20] =	ssyncadd.s32 $0xFFFFE000  }
0x73: {  	[tilespmem:s25], [sflag:$0x1] =	stream.indirect.gather [hbm4b:s6+s24], $0x40, s13, s24, $0xb8;
	[tilespmem:$0x17E00] =	vst v63  }
0x74: {  	_ =	swait.ge [sflag:s29], $0x2000  }
0x75: {  	[sflag:s29] =	ssyncset.done $0x0  }
0x76: {  	s22 =	sadd.s32 $0x4F80, s21;
	[sflag:s29] =	ssyncadd.s32 $0xFFFFE000  }
0x77: {  	[spmem:s1] =	stream.indirect.scatter.add.f32 [tilespmem:s26], [sflag:$0x3], $0x40, s22, s24, $0xb8;
	[tilespmem:$0x17E00] =	vst v63  }
0x78: {  	_ =	swait.ge [sflag:s20], $0x2000  }
0x79: {  	[sflag:s20] =	ssyncset.done $0x0  }
0x7a: {  	[sflag:s20] =	ssyncadd.s32 $0xFFFFE000  }
0x7b: {  	[tilespmem:s26], [sflag:$0x2] =	stream.indirect.gather [hbm4b:s6+s24], $0x40, s30, s24, $0xb8;
	[tilespmem:$0x17E00] =	vst v63  }
0x7c: {  	_ =	swait.ge [sflag:s28], $0x2000  }
0x7d: {  	[sflag:s28] =	ssyncset.done $0x0  }
0x7e: {  	[sflag:s28] =	ssyncadd.s32 $0xFFFFE000  }
0x7f: {  	[spmem:s1] =	stream.indirect.scatter.add.f32 [tilespmem:s25], [sflag:$0x3], $0x40, s31, s24, $0xb8;
	[tilespmem:$0x17E00] =	vst v63  }
0x80: {  	_ =	swait.ge [sflag:s20], $0x2000  }
0x81: {  	[sflag:s20] =	ssyncset.done $0x0  }
0x82: {  	[sflag:s20] =	ssyncadd.s32 $0xFFFFE000  }
0x83: {  	_ =	swait.ge [sflag:s29], $0x2000  }
0x84: {  	[sflag:s29] =	ssyncset.done $0x0  }
0x85: {  	[sflag:s29] =	ssyncadd.s32 $0xFFFFE000  }
0x86: {  	[spmem:s1] =	stream.indirect.scatter.add.f32 [tilespmem:s26], [sflag:$0x3], $0x40, s0, s24, $0xb8;
	[tilespmem:$0x17E00] =	vst v63  }
0x87: {  	_ =	swait.ge [sflag:s20], $0x2000  }
0x88: {  	[sflag:s20] =	ssyncset.done $0x0  }
0x89: {  	[sflag:s20] =	ssyncadd.s32 $0xFFFFE000  }
0x8a: {  	[bflag:$0x0] =	sbarrier.arrive $0xFFFF  }
0x8b: {  	[hbm:s17], [sflag:s2] =	dma.local [spmem:s23], $0x1400  }
0x8c: {  	_ =	swait.ge [sflag:s20], $0x1400  }
0x8d: {  	[sflag:s20] =	ssyncset.done $0x0  }
0x8e: {  	[sflag:s20] =	ssyncadd.s32 $0xFFFFEC00  }
0x8f: {  	[bflag:$0x0] =	sbarrier.arrive $0xFFFF  }
0x90: {  	[spmem:s23], [sflag:s2] =	dma.local [hbm:s8], $0x1400  }
0x91: {  	_ =	swait.ge [sflag:s20], $0x1400  }
0x92: {  	[sflag:s20] =	ssyncset.done $0x0  }
0x93: {  	[sflag:s20] =	ssyncadd.s32 $0xFFFFEC00  }
0x94: {  	s11 =	simm.s32 $0x0;
	[bflag:$0x0] =	sbarrier.arrive $0xFFFF  }
0x95: {  	[tilespmem:s25], [sflag:$0x1] =	stream.indirect.gather [hbm4b:s7+s24], $0x40, s11, s24, $0xb8;
	[tilespmem:$0x17E00] =	vst v63  }
0x96: {  	s12 =	simm.s32 $0x80  }
0x97: {  	[tilespmem:s26], [sflag:$0x2] =	stream.indirect.gather [hbm4b:s7+s24], $0x40, s12, s24, $0xb8;
	[tilespmem:$0x17E00] =	vst v63  }
0x98: {  	_ =	swait.ge [sflag:s28], $0x2000  }
0x99: {  	[sflag:s28] =	ssyncset.done $0x0  }
0x9a: {  	s13 =	simm.s32 $0x4F00;
	[sflag:s28] =	ssyncadd.s32 $0xFFFFE000  }
0x9b: {  	[spmem:s1] =	stream.indirect.scatter.add.f32 [tilespmem:s25], [sflag:$0x3], $0x40, s13, s24, $0xb8;
	[tilespmem:$0x17E00] =	vst v63  }
0x9c: {  	_ =	swait.ge [sflag:s20], $0x2000  }
0x9d: {  	[sflag:s20] =	ssyncset.done $0x0  }
0x9e: {  	s21 =	simm.s32 $0x100;
	[sflag:s20] =	ssyncadd.s32 $0xFFFFE000  }
0x9f: {  	[tilespmem:s25], [sflag:$0x1] =	stream.indirect.gather [hbm4b:s7+s24], $0x40, s21, s24, $0xb8;
	[tilespmem:$0x17E00] =	vst v63  }
0xa0: {  	_ =	swait.ge [sflag:s29], $0x2000  }
0xa1: {  	[sflag:s29] =	ssyncset.done $0x0  }
0xa2: {  	s22 =	simm.s32 $0x4F80;
	[sflag:s29] =	ssyncadd.s32 $0xFFFFE000  }
0xa3: {  	[spmem:s1] =	stream.indirect.scatter.add.f32 [tilespmem:s26], [sflag:$0x3], $0x40, s22, s24, $0xb8;
	[tilespmem:$0x17E00] =	vst v63  }
0xa4: {  	_ =	swait.ge [sflag:s20], $0x2000  }
0xa5: {  	s10 =	simm.s32 $0x800;
	s21 =	simm.s32 $0x100;
	[sflag:s20] =	ssyncset.done $0x0  }
.LBB2_10:
0xa6: {  	s11 =	sadd.s32 $0x80, s21  }
0xa7: {  	[sflag:s20] =	ssyncadd.s32 $0xFFFFE000;
	s12 =	smov.u32 s10;
	s13 =	sadd.s32 $0x400, s10  }
0xa8: {  	[tilespmem:s26], [sflag:$0x2] =	stream.indirect.gather [hbm4b:s7+s24], $0x40, s11, s24, $0xb8;
	[tilespmem:$0x17E00] =	vst v63  }
0xa9: {  	p1 =	sne.s32 s10, $0x13400;
	_ =	swait.ge [sflag:s28], $0x2000  }
0xaa: {  	[sflag:s28] =	ssyncset.done $0x0  }
0xab: {  	s10 =	sadd.s32 $0x4F00, s21;
	[sflag:s28] =	ssyncadd.s32 $0xFFFFE000  }
0xac: {  	[spmem:s1] =	stream.indirect.scatter.add.f32 [tilespmem:s25], [sflag:$0x3], $0x40, s10, s24, $0xb8;
	[tilespmem:$0x17E00] =	vst v63  }
0xad: {  	_ =	swait.ge [sflag:s20], $0x2000  }
0xae: {  	[sflag:s20] =	ssyncset.done $0x0  }
0xaf: {  	s10 =	sadd.s32 $0x100, s21;
	[sflag:s20] =	ssyncadd.s32 $0xFFFFE000  }
0xb0: {  	[tilespmem:s25], [sflag:$0x1] =	stream.indirect.gather [hbm4b:s7+s24], $0x40, s10, s24, $0xb8;
	[tilespmem:$0x17E00] =	vst v63  }
0xb1: {  	_ =	swait.ge [sflag:s29], $0x2000  }
.Ltmp4:
0xb2: {  	[sflag:s29] =	ssyncset.done $0x0;
	(pc) =	sbr.rel @p1 .LBB2_10-.Ltmp4, $4  }
0xb3: {  	s10 =	sadd.s32 $0x4F80, s21;
	[sflag:s29] =	ssyncadd.s32 $0xFFFFE000  }
0xb4: {  	[spmem:s1] =	stream.indirect.scatter.add.f32 [tilespmem:s26], [sflag:$0x3], $0x40, s10, s24, $0xb8;
	[tilespmem:$0x17E00] =	vst v63  }
0xb5: {  	_ =	swait.ge [sflag:s20], $0x2000  }
0xb6: {  	s21 =	sshra.s32 s12, $0x2;
	s10 =	smov.u32 s13;
	[sflag:s20] =	ssyncset.done $0x0  }
.Ltmp5:
0xb7: {  	_ = 	snop;
	(pc) =	sbr.rel .LBB2_11-.Ltmp5, $1  }
0xb8: {  	_ =	sdelay $0x3  }
.LBB2_2:
0xb9: {  	s11 =	rddreg [dreg:$0x5]  }
0xba: {  	[tilespmem:s10], [sflag:$0x3] =	stream.linear.gather [hbm4b:s11+s10], $0x4F00, $0x38;
	[tilespmem:$0x17E00] =	vst v63  }
0xbb: {  	_ =	swait.ge [sflag:s20], $0x4F00  }
0xbc: {  	[sflag:s20] =	ssyncset.done $0x0  }
0xbd: {  	s12 =	simm.s32 $0x4F00;
	s22 =	rddreg [dreg:$0x6];
	[sflag:s20] =	ssyncadd.s32 $0xFFFFB100  }
0xbe: {  	[tilespmem:s12], [sflag:$0x3] =	stream.linear.gather [hbm4b:s22+s10], $0x4F00, $0x38;
	[tilespmem:$0x17E00] =	vst v63  }
0xbf: {  	_ =	swait.ge [sflag:s20], $0x4F00  }
0xc0: {  	[sflag:s20] =	ssyncset.done $0x0  }
0xc1: {  	s22 =	sor.u32 $0x1C03, s19;
	[sflag:s20] =	ssyncadd.s32 $0xFFFFB100  }
0xc2: {  	[spmem:s23], [sflag:s22] =	dma.local [hbm:s8], $0x1400  }
0xc3: {  	_ =	swait.ge [sflag:s20], $0x1400  }
0xc4: {  	[sflag:s20] =	ssyncset.done $0x0  }
0xc5: {  	[sflag:s20] =	ssyncadd.s32 $0xFFFFEC00  }
0xc6: {  	[bflag:$0x0] =	sbarrier.arrive $0xFFFF  }
0xc7: {  	[tilespmem:s25], [sflag:$0x1] =	stream.indirect.gather [hbm4b:s4+s24], $0x40, s10, s24, $0xb8;
	[tilespmem:$0x17E00] =	vst v63  }
0xc8: {  	s11 =	simm.s32 $0x80  }
0xc9: {  	[tilespmem:s26], [sflag:$0x2] =	stream.indirect.gather [hbm4b:s4+s24], $0x40, s11, s24, $0xb8;
	[tilespmem:$0x17E00] =	vst v63  }
0xca: {  	_ =	swait.ge [sflag:s28], $0x2000  }
0xcb: {  	[sflag:s28] =	ssyncset.done $0x0  }
0xcc: {  	s12 =	simm.s32 $0x4F00;
	[sflag:s28] =	ssyncadd.s32 $0xFFFFE000  }
0xcd: {  	[spmem:s1] =	stream.indirect.scatter.add.f32 [tilespmem:s25], [sflag:$0x3], $0x40, s12, s24, $0xb8;
	[tilespmem:$0x17E00] =	vst v63  }
0xce: {  	_ =	swait.ge [sflag:s20], $0x2000  }
0xcf: {  	[sflag:s20] =	ssyncset.done $0x0  }
0xd0: {  	s13 =	simm.s32 $0x100;
	[sflag:s20] =	ssyncadd.s32 $0xFFFFE000  }
0xd1: {  	[tilespmem:s25], [sflag:$0x1] =	stream.indirect.gather [hbm4b:s4+s24], $0x40, s13, s24, $0xb8;
	[tilespmem:$0x17E00] =	vst v63  }
0xd2: {  	_ =	swait.ge [sflag:s29], $0x2000  }
0xd3: {  	[sflag:s29] =	ssyncset.done $0x0  }
0xd4: {  	s21 =	simm.s32 $0x4F80;
	[sflag:s29] =	ssyncadd.s32 $0xFFFFE000  }
0xd5: {  	[spmem:s1] =	stream.indirect.scatter.add.f32 [tilespmem:s26], [sflag:$0x3], $0x40, s21, s24, $0xb8;
	[tilespmem:$0x17E00] =	vst v63  }
0xd6: {  	_ =	swait.ge [sflag:s20], $0x2000  }
0xd7: {  	s10 =	simm.s32 $0x800;
	s21 =	simm.s32 $0x100;
	[sflag:s20] =	ssyncset.done $0x0  }
.LBB2_3:
0xd8: {  	s12 =	sadd.s32 $0x80, s21  }
0xd9: {  	[sflag:s20] =	ssyncadd.s32 $0xFFFFE000;
	s13 =	smov.u32 s10;
	s11 =	sadd.s32 $0x400, s10  }
0xda: {  	[tilespmem:s26], [sflag:$0x2] =	stream.indirect.gather [hbm4b:s4+s24], $0x40, s12, s24, $0xb8;
	[tilespmem:$0x17E00] =	vst v63  }
0xdb: {  	p1 =	sne.s32 s10, $0x13400;
	_ =	swait.ge [sflag:s28], $0x2000  }
0xdc: {  	[sflag:s28] =	ssyncset.done $0x0  }
0xdd: {  	s10 =	sadd.s32 $0x4F00, s21;
	[sflag:s28] =	ssyncadd.s32 $0xFFFFE000  }
0xde: {  	[spmem:s1] =	stream.indirect.scatter.add.f32 [tilespmem:s25], [sflag:$0x3], $0x40, s10, s24, $0xb8;
	[tilespmem:$0x17E00] =	vst v63  }
0xdf: {  	_ =	swait.ge [sflag:s20], $0x2000  }
0xe0: {  	[sflag:s20] =	ssyncset.done $0x0  }
0xe1: {  	s10 =	sadd.s32 $0x100, s21;
	[sflag:s20] =	ssyncadd.s32 $0xFFFFE000  }
0xe2: {  	[tilespmem:s25], [sflag:$0x1] =	stream.indirect.gather [hbm4b:s4+s24], $0x40, s10, s24, $0xb8;
	[tilespmem:$0x17E00] =	vst v63  }
0xe3: {  	_ =	swait.ge [sflag:s29], $0x2000  }
.Ltmp6:
0xe4: {  	[sflag:s29] =	ssyncset.done $0x0;
	(pc) =	sbr.rel @p1 .LBB2_3-.Ltmp6, $4  }
0xe5: {  	s10 =	sadd.s32 $0x4F80, s21;
	[sflag:s29] =	ssyncadd.s32 $0xFFFFE000  }
0xe6: {  	[spmem:s1] =	stream.indirect.scatter.add.f32 [tilespmem:s26], [sflag:$0x3], $0x40, s10, s24, $0xb8;
	[tilespmem:$0x17E00] =	vst v63  }
0xe7: {  	_ =	swait.ge [sflag:s20], $0x2000  }
0xe8: {  	s21 =	sshra.s32 s13, $0x2;
	s10 =	smov.u32 s11;
	[sflag:s20] =	ssyncset.done $0x0  }
0xe9: {  	s10 =	sadd.s32 $0x80, s21;
	[sflag:s20] =	ssyncadd.s32 $0xFFFFE000  }
0xea: {  	[tilespmem:s26], [sflag:$0x2] =	stream.indirect.gather [hbm4b:s4+s24], $0x40, s10, s24, $0xb8;
	[tilespmem:$0x17E00] =	vst v63  }
0xeb: {  	_ =	swait.ge [sflag:s28], $0x2000  }
0xec: {  	[sflag:s28] =	ssyncset.done $0x0  }
0xed: {  	s11 =	sadd.s32 $0x4F00, s21;
	[sflag:s28] =	ssyncadd.s32 $0xFFFFE000  }
0xee: {  	[spmem:s1] =	stream.indirect.scatter.add.f32 [tilespmem:s25], [sflag:$0x3], $0x40, s11, s24, $0xb8;
	[tilespmem:$0x17E00] =	vst v63  }
0xef: {  	_ =	swait.ge [sflag:s20], $0x2000  }
0xf0: {  	[sflag:s20] =	ssyncset.done $0x0  }
0xf1: {  	s12 =	sadd.s32 $0x100, s21;
	[sflag:s20] =	ssyncadd.s32 $0xFFFFE000  }
0xf2: {  	[tilespmem:s25], [sflag:$0x1] =	stream.indirect.gather [hbm4b:s4+s24], $0x40, s12, s24, $0xb8;
	[tilespmem:$0x17E00] =	vst v63  }
0xf3: {  	_ =	swait.ge [sflag:s29], $0x2000  }
0xf4: {  	[sflag:s29] =	ssyncset.done $0x0  }
0xf5: {  	s13 =	sadd.s32 $0x4F80, s21;
	[sflag:s29] =	ssyncadd.s32 $0xFFFFE000  }
0xf6: {  	[spmem:s1] =	stream.indirect.scatter.add.f32 [tilespmem:s26], [sflag:$0x3], $0x40, s13, s24, $0xb8;
	[tilespmem:$0x17E00] =	vst v63  }
0xf7: {  	_ =	swait.ge [sflag:s20], $0x2000  }
0xf8: {  	[sflag:s20] =	ssyncset.done $0x0  }
0xf9: {  	[sflag:s20] =	ssyncadd.s32 $0xFFFFE000  }
0xfa: {  	[tilespmem:s26], [sflag:$0x2] =	stream.indirect.gather [hbm4b:s4+s24], $0x40, s30, s24, $0xb8;
	[tilespmem:$0x17E00] =	vst v63  }
0xfb: {  	_ =	swait.ge [sflag:s28], $0x2000  }
0xfc: {  	[sflag:s28] =	ssyncset.done $0x0  }
0xfd: {  	[sflag:s28] =	ssyncadd.s32 $0xFFFFE000  }
0xfe: {  	[spmem:s1] =	stream.indirect.scatter.add.f32 [tilespmem:s25], [sflag:$0x3], $0x40, s31, s24, $0xb8;
	[tilespmem:$0x17E00] =	vst v63  }
0xff: {  	_ =	swait.ge [sflag:s20], $0x2000  }
0x100: {  	[sflag:s20] =	ssyncset.done $0x0  }
0x101: {  	[sflag:s20] =	ssyncadd.s32 $0xFFFFE000  }
0x102: {  	_ =	swait.ge [sflag:s29], $0x2000  }
0x103: {  	[sflag:s29] =	ssyncset.done $0x0  }
0x104: {  	[sflag:s29] =	ssyncadd.s32 $0xFFFFE000  }
0x105: {  	[spmem:s1] =	stream.indirect.scatter.add.f32 [tilespmem:s26], [sflag:$0x3], $0x40, s0, s24, $0xb8;
	[tilespmem:$0x17E00] =	vst v63  }
0x106: {  	_ =	swait.ge [sflag:s20], $0x2000  }
0x107: {  	[sflag:s20] =	ssyncset.done $0x0  }
0x108: {  	[sflag:s20] =	ssyncadd.s32 $0xFFFFE000  }
0x109: {  	[bflag:$0x0] =	sbarrier.arrive $0xFFFF  }
0x10a: {  	[hbm:s14], [sflag:s22] =	dma.local [spmem:s23], $0x1400  }
0x10b: {  	_ =	swait.ge [sflag:s20], $0x1400  }
0x10c: {  	[sflag:s20] =	ssyncset.done $0x0  }
0x10d: {  	[sflag:s20] =	ssyncadd.s32 $0xFFFFEC00  }
0x10e: {  	[bflag:$0x0] =	sbarrier.arrive $0xFFFF  }
0x10f: {  	[spmem:s23], [sflag:s22] =	dma.local [hbm:s8], $0x1400  }
0x110: {  	_ =	swait.ge [sflag:s20], $0x1400  }
0x111: {  	[sflag:s20] =	ssyncset.done $0x0  }
0x112: {  	[sflag:s20] =	ssyncadd.s32 $0xFFFFEC00  }
0x113: {  	s21 =	simm.s32 $0x0;
	[bflag:$0x0] =	sbarrier.arrive $0xFFFF  }
0x114: {  	[tilespmem:s25], [sflag:$0x1] =	stream.indirect.gather [hbm4b:s5+s24], $0x40, s21, s24, $0xb8;
	[tilespmem:$0x17E00] =	vst v63  }
0x115: {  	s11 =	simm.s32 $0x80  }
0x116: {  	[tilespmem:s26], [sflag:$0x2] =	stream.indirect.gather [hbm4b:s5+s24], $0x40, s11, s24, $0xb8;
	[tilespmem:$0x17E00] =	vst v63  }
0x117: {  	_ =	swait.ge [sflag:s28], $0x2000  }
0x118: {  	[sflag:s28] =	ssyncset.done $0x0  }
0x119: {  	s12 =	simm.s32 $0x4F00;
	[sflag:s28] =	ssyncadd.s32 $0xFFFFE000  }
0x11a: {  	[spmem:s1] =	stream.indirect.scatter.add.f32 [tilespmem:s25], [sflag:$0x3], $0x40, s12, s24, $0xb8;
	[tilespmem:$0x17E00] =	vst v63  }
0x11b: {  	_ =	swait.ge [sflag:s20], $0x2000  }
0x11c: {  	[sflag:s20] =	ssyncset.done $0x0  }
0x11d: {  	s13 =	simm.s32 $0x100;
	[sflag:s20] =	ssyncadd.s32 $0xFFFFE000  }
0x11e: {  	[tilespmem:s25], [sflag:$0x1] =	stream.indirect.gather [hbm4b:s5+s24], $0x40, s13, s24, $0xb8;
	[tilespmem:$0x17E00] =	vst v63  }
0x11f: {  	_ =	swait.ge [sflag:s29], $0x2000  }
0x120: {  	[sflag:s29] =	ssyncset.done $0x0  }
0x121: {  	s21 =	simm.s32 $0x4F80;
	[sflag:s29] =	ssyncadd.s32 $0xFFFFE000  }
0x122: {  	[spmem:s1] =	stream.indirect.scatter.add.f32 [tilespmem:s26], [sflag:$0x3], $0x40, s21, s24, $0xb8;
	[tilespmem:$0x17E00] =	vst v63  }
0x123: {  	_ =	swait.ge [sflag:s20], $0x2000  }
0x124: {  	s10 =	simm.s32 $0x800;
	s21 =	simm.s32 $0x100;
	[sflag:s20] =	ssyncset.done $0x0  }
.LBB2_5:
0x125: {  	s11 =	sadd.s32 $0x80, s21  }
0x126: {  	[sflag:s20] =	ssyncadd.s32 $0xFFFFE000;
	s12 =	smov.u32 s10;
	s13 =	sadd.s32 $0x400, s10  }
0x127: {  	[tilespmem:s26], [sflag:$0x2] =	stream.indirect.gather [hbm4b:s5+s24], $0x40, s11, s24, $0xb8;
	[tilespmem:$0x17E00] =	vst v63  }
0x128: {  	p1 =	sne.s32 s10, $0x13400;
	_ =	swait.ge [sflag:s28], $0x2000  }
0x129: {  	[sflag:s28] =	ssyncset.done $0x0  }
0x12a: {  	s10 =	sadd.s32 $0x4F00, s21;
	[sflag:s28] =	ssyncadd.s32 $0xFFFFE000  }
0x12b: {  	[spmem:s1] =	stream.indirect.scatter.add.f32 [tilespmem:s25], [sflag:$0x3], $0x40, s10, s24, $0xb8;
	[tilespmem:$0x17E00] =	vst v63  }
0x12c: {  	_ =	swait.ge [sflag:s20], $0x2000  }
0x12d: {  	[sflag:s20] =	ssyncset.done $0x0  }
0x12e: {  	s10 =	sadd.s32 $0x100, s21;
	[sflag:s20] =	ssyncadd.s32 $0xFFFFE000  }
0x12f: {  	[tilespmem:s25], [sflag:$0x1] =	stream.indirect.gather [hbm4b:s5+s24], $0x40, s10, s24, $0xb8;
	[tilespmem:$0x17E00] =	vst v63  }
0x130: {  	_ =	swait.ge [sflag:s29], $0x2000  }
.Ltmp7:
0x131: {  	[sflag:s29] =	ssyncset.done $0x0;
	(pc) =	sbr.rel @p1 .LBB2_5-.Ltmp7, $4  }
0x132: {  	s10 =	sadd.s32 $0x4F80, s21;
	[sflag:s29] =	ssyncadd.s32 $0xFFFFE000  }
0x133: {  	[spmem:s1] =	stream.indirect.scatter.add.f32 [tilespmem:s26], [sflag:$0x3], $0x40, s10, s24, $0xb8;
	[tilespmem:$0x17E00] =	vst v63  }
0x134: {  	_ =	swait.ge [sflag:s20], $0x2000  }
0x135: {  	s21 =	sshra.s32 s12, $0x2;
	s10 =	smov.u32 s13;
	[sflag:s20] =	ssyncset.done $0x0  }
0x136: {  	s10 =	sadd.s32 $0x80, s21;
	[sflag:s20] =	ssyncadd.s32 $0xFFFFE000  }
0x137: {  	[tilespmem:s26], [sflag:$0x2] =	stream.indirect.gather [hbm4b:s5+s24], $0x40, s10, s24, $0xb8;
	[tilespmem:$0x17E00] =	vst v63  }
0x138: {  	_ =	swait.ge [sflag:s28], $0x2000  }
0x139: {  	[sflag:s28] =	ssyncset.done $0x0  }
0x13a: {  	s12 =	sadd.s32 $0x4F00, s21;
	[sflag:s28] =	ssyncadd.s32 $0xFFFFE000  }
0x13b: {  	[spmem:s1] =	stream.indirect.scatter.add.f32 [tilespmem:s25], [sflag:$0x3], $0x40, s12, s24, $0xb8;
	[tilespmem:$0x17E00] =	vst v63  }
0x13c: {  	_ =	swait.ge [sflag:s20], $0x2000  }
0x13d: {  	[sflag:s20] =	ssyncset.done $0x0  }
0x13e: {  	s13 =	sadd.s32 $0x100, s21;
	[sflag:s20] =	ssyncadd.s32 $0xFFFFE000  }
0x13f: {  	[tilespmem:s25], [sflag:$0x1] =	stream.indirect.gather [hbm4b:s5+s24], $0x40, s13, s24, $0xb8;
	[tilespmem:$0x17E00] =	vst v63  }
0x140: {  	_ =	swait.ge [sflag:s29], $0x2000  }
0x141: {  	[sflag:s29] =	ssyncset.done $0x0  }
0x142: {  	s21 =	sadd.s32 $0x4F80, s21;
	[sflag:s29] =	ssyncadd.s32 $0xFFFFE000  }
0x143: {  	[spmem:s1] =	stream.indirect.scatter.add.f32 [tilespmem:s26], [sflag:$0x3], $0x40, s21, s24, $0xb8;
	[tilespmem:$0x17E00] =	vst v63  }
.Ltmp8:
0x144: {  	_ = 	snop;
	(pc) =	sbr.rel .LBB2_12-.Ltmp8, $4  }
0x145: {  	_ =	swait.ge [sflag:s20], $0x2000  }
0x146: {  	[sflag:s20] =	ssyncset.done $0x0  }
0x147: {  	s21 =	rddreg [dreg:$0x3];
	[sflag:s20] =	ssyncadd.s32 $0xFFFFE000  }
0x148: {  	[tilespmem:s26], [sflag:$0x2] =	stream.indirect.gather [hbm4b:s5+s24], $0x40, s30, s24, $0xb8;
	[tilespmem:$0x17E00] =	vst v63  }
.LBB2_13:
0x149: {  	_ =	sfence.sel $0x180000  }
0x14a: {  	[bflag:$0x0] =	sbarrier.arrive $0xFFFF  }
0x14b: {  	_ =	strace $0x90000050  }
0x14c: {  	s0 =	stileid.u32;
	[bflag:$0x2] =	sbarrier.arrive $0xFFFF  }
0x14d: {  	p0 =	sne.s32 s0, $0x0;
	s0 =	rddreg [dreg:$0x2]  }
0x14e: {  	s0 =	sadd.s32 @!p0 $0x100000, s0  }
0x14f: {  	[sflag:s0] =	ssyncadd.tile.s32 @!p0 $0x1;
	_ =	shalt  }
.Lfunc_end2:
_tile_overlayer_lowered:
.L_overlay_start_2:
0x150: {  	(tag) =	ssettag $0x2  }
0x151: {  	s0 =	rddreg [dreg:$0x0];
	s2 =	stileid.u32  }
0x152: {  	s1 =	rddreg [dreg:$0x1];
	p0 =	sne.s32 s2, $0x0  }
0x153: {  	s3 =	rddreg [dreg:$0x2];
	[bflag:$0x3] =	sbarrier.arrive $0xFFFF;
	s2 =	simm.s32 @!p0 $0x1C03  }
0x154: {  	[timem:s3], [sflag:s2] =	dma.local @!p0 [hbm:s0], s1  }
0x155: {  	s0 =	simm.s32 @!p0 $0x3  }
0x156: {  	_ =	swait.ge @!p0 [sflag:s0], s1  }
0x157: {  	s1 =	ssub.s32 @!p0 $0x0, s1;
	[sflag:s0] =	ssyncset.done @!p0 $0x0  }
0x158: {  	[sflag:s0] =	ssyncadd.s32 @!p0 s1  }
0x159: {  	[bflag:$0x3] =	sbarrier.arrive $0xFFFF  }
0x15a: {  	_ =	shalt  }

</sc_bundles>
